<compile_context>
chip_gen: v7x
topology: tpu7x:2x2x1
jax: 0.10.2.dev20260603
libtpu: 0.0.44.dev20260713+nightly
codegen_flags: <defaults>
</compile_context>

<pallas_src>
import functools

import jax
import jax.numpy as jnp
from jax import lax
from jax.experimental import pallas as pl
from jax.experimental.pallas import tpu as pltpu
from jax.experimental.pallas import tpu_sc as plsc

N = 10000
E = 320000
D = 128
NC = 2
NS = 16
NW = NC * NS
CH = 128
CPT = 80
EPT = CPT * CH
EP = NW * EPT
PAD = EP - E
RPT = 632
RS = NS * RPT
MB = 2000
GRID = N // MB


def _sc_mesh():
    return plsc.VectorSubcoreMesh(core_axis_name="c", subcore_axis_name="s",
                                  num_cores=NC, num_subcores=NS)


_PACK = 16384


@functools.cache
def _make_sc_deg():
    return pl.kernel(
        _sc_deg_body,
        out_type=jax.ShapeDtypeStruct((NC, RS, D), jnp.float32),
        mesh=_sc_mesh(),
        scratch_types=[
            pltpu.VMEM((CPT, CH), jnp.int32),
            pltpu.VMEM((1, CH), jnp.int32),
            pltpu.VMEM((CH, D), jnp.float32),
            pltpu.VMEM_SHARED((RS, D), jnp.float32),
        ],
    )


def _sc_deg_body(pidxI, out, pidx, didx, fill, shared):
    c = lax.axis_index("c")
    s = lax.axis_index("s")
    wid = c * NS + s

    pltpu.sync_copy(pidxI.at[wid], pidx)

    def _fill_rows(r, val):
        for k in range(D // 16):
            fill[r, pl.ds(k * 16, 16)] = jnp.full((16,), val, jnp.float32)

    lax.fori_loop(0, CH, lambda r, _: (_fill_rows(r, 0.0), 0)[1], 0)
    base = s * RPT
    for i in range(4):
        pltpu.sync_copy(fill, shared.at[pl.ds(base + i * CH, CH)])
    pltpu.sync_copy(fill.at[pl.ds(0, 120)], shared.at[pl.ds(base + 512, 120)])

    lax.fori_loop(0, CH, lambda r, _: (_fill_rows(r, 1.0), 0)[1], 0)
    plsc.subcore_barrier()

    def body(j, _):
        for k in range(CH // 16):
            v = pidx[j, pl.ds(k * 16, 16)]
            didx[0, pl.ds(k * 16, 16)] = lax.shift_right_logical(v, 14)
        pltpu.sync_copy(fill, shared.at[didx.at[0]], add=True)
        return 0

    lax.fori_loop(0, CPT, body, 0)
    plsc.subcore_barrier()

    pltpu.sync_copy(shared.at[pl.ds(base, RPT)], out.at[c, pl.ds(base, RPT)])


@functools.cache
def _make_sc_agg():
    return pl.kernel(
        _sc_agg_body,
        out_type=jax.ShapeDtypeStruct((NC, RS, D), jnp.float32),
        mesh=_sc_mesh(),
        scratch_types=[
            pltpu.VMEM((CPT, CH), jnp.int32),
            pltpu.VMEM((2, CH), jnp.int32),
            pltpu.VMEM((1, CH), jnp.int32),
            pltpu.VMEM((CH, D), jnp.float32),
            pltpu.VMEM((CH, D), jnp.float32),
            pltpu.VMEM_SHARED((RS, D), jnp.float32),
            pltpu.SemaphoreType.DMA,
            pltpu.SemaphoreType.DMA,
        ],
    )


def _sc_agg_body(h, pidxI, out, pidx, sidx, didx, rowsA, rowsB, shared,
                 gA, gB):
    c = lax.axis_index("c")
    s = lax.axis_index("s")
    wid = c * NS + s

    pltpu.sync_copy(pidxI.at[wid], pidx)

    def _zero_row(r, _):
        for k in range(D // 16):
            rowsA[r, pl.ds(k * 16, 16)] = jnp.zeros((16,), jnp.float32)
        return 0

    lax.fori_loop(0, CH, _zero_row, 0)
    base = s * RPT
    for i in range(4):
        pltpu.sync_copy(rowsA, shared.at[pl.ds(base + i * CH, CH)])
    pltpu.sync_copy(rowsA.at[pl.ds(0, 120)], shared.at[pl.ds(base + 512, 120)])
    plsc.subcore_barrier()

    def unpack_src(j, buf):
        for k in range(CH // 16):
            v = pidx[j, pl.ds(k * 16, 16)]
            sidx[buf, pl.ds(k * 16, 16)] = jnp.bitwise_and(v, _PACK - 1)

    def unpack_dst(j):
        for k in range(CH // 16):
            v = pidx[j, pl.ds(k * 16, 16)]
            didx[0, pl.ds(k * 16, 16)] = lax.shift_right_logical(v, 14)

    unpack_src(0, 0)
    pltpu.async_copy(h.at[sidx.at[0]], rowsA, gA)

    def body(j, _):
        def step(cur, g_cur, nxt, g_nxt, cbuf, nbuf):
            pltpu.make_async_copy(h.at[sidx.at[cbuf]], cur, g_cur).wait()

            @pl.when(j + 1 < CPT)
            def _():
                unpack_src(j + 1, nbuf)
                pltpu.async_copy(h.at[sidx.at[nbuf]], nxt, g_nxt)

            unpack_dst(j)
            pltpu.sync_copy(cur, shared.at[didx.at[0]], add=True)

        @pl.when(j % 2 == 0)
        def _():
            step(rowsA, gA, rowsB, gB, 0, 1)

        @pl.when(j % 2 == 1)
        def _():
            step(rowsB, gB, rowsA, gA, 1, 0)

        return 0

    lax.fori_loop(0, CPT, body, 0)
    plsc.subcore_barrier()

    pltpu.sync_copy(shared.at[pl.ds(base, RPT)], out.at[c, pl.ds(base, RPT)])



def _t0_body(x, W, o):
    o[:] = jnp.dot(x[:], W[:], preferred_element_type=jnp.float32)


def _t1_body(d0, d1, y, o, dv):
    dinv = lax.rsqrt(1.0 + d0[0][:, 0:1] + d1[0][:, 0:1])
    dv[:] = jnp.broadcast_to(dinv, (MB, D))
    o[:] = y[:] * dinv


def _t2_body(dv, p0, p1, h, b, W, o):
    dinv = dv[:]
    agg = p0[0] + p1[0] + h[:]
    xn = jnp.maximum(agg * dinv + b[:], 0.0)
    o[:] = jnp.dot(xn * dinv, W[:], preferred_element_type=jnp.float32)


def _t3_body(dv, p0, p1, h, b, o):
    o[:] = (p0[0] + p1[0] + h[:]) * dv[:] + b[:]


_PK_R = 320
_PK_E = _PK_R * CH
_PKGRID = EP // _PK_E


_PK_W = 4


def _pack_body(src, dst, o):
    i = pl.program_id(0)
    w = jax.lax.broadcasted_iota(jnp.int32, (_PK_W, CPT, CH), 0)
    r = jax.lax.broadcasted_iota(jnp.int32, (_PK_W, CPT, CH), 1)
    cix = jax.lax.broadcasted_iota(jnp.int32, (_PK_W, CPT, CH), 2)
    e = (i * _PK_W + w) * (CPT * CH) + r * CH + cix
    pad = e >= E
    j = e - E
    s = jnp.where(pad, (j * 37) % N, src[0].reshape(_PK_W, CPT, CH))
    d = jnp.where(pad, N + j % (RS - N), dst[0].reshape(_PK_W, CPT, CH))
    o[:] = s + d * _PACK


_pack = pl.pallas_call(
    _pack_body, grid=(_PKGRID,),
    in_specs=[pl.BlockSpec((1, _PK_R, CH), lambda i: (0, i, 0)),
              pl.BlockSpec((1, _PK_R, CH), lambda i: (1, i, 0))],
    out_specs=pl.BlockSpec((_PK_W, CPT, CH), lambda i: (i, 0, 0)),
    out_shape=jax.ShapeDtypeStruct((NW, CPT, CH), jnp.int32))


_p0_spec = pl.BlockSpec((1, MB, D), lambda i: (0, i, 0))
_p1_spec = pl.BlockSpec((1, MB, D), lambda i: (1, i, 0))
_row_spec = pl.BlockSpec((MB, D), lambda i: (i, 0))
_w_spec = pl.BlockSpec((D, D), lambda i: (0, 0))
_b_spec = pl.BlockSpec((1, D), lambda i: (0, 0))
_out_f32 = jax.ShapeDtypeStruct((N, D), jnp.float32)

_t0 = pl.pallas_call(
    _t0_body, grid=(GRID,),
    in_specs=[_row_spec, _w_spec],
    out_specs=_row_spec, out_shape=_out_f32)

_t1 = pl.pallas_call(
    _t1_body, grid=(GRID,),
    in_specs=[_p0_spec, _p1_spec, _row_spec],
    out_specs=[_row_spec, _row_spec], out_shape=[_out_f32, _out_f32])

_t2 = pl.pallas_call(
    _t2_body, grid=(GRID,),
    in_specs=[_row_spec, _p0_spec, _p1_spec, _row_spec,
              _b_spec, _w_spec],
    out_specs=_row_spec, out_shape=_out_f32)

_t3 = pl.pallas_call(
    _t3_body, grid=(GRID,),
    in_specs=[_row_spec, _p0_spec, _p1_spec, _row_spec, _b_spec],
    out_specs=_row_spec, out_shape=_out_f32)



@jax.jit
def kernel(x, edge_index, W1, b1, W2, b2, W3, b3):
    ei3 = edge_index.astype(jnp.int32).reshape(2, E // CH, CH)
    pidxP = _pack(ei3, ei3)

    _sc_deg, _sc_agg = _make_sc_deg(), _make_sc_agg()
    degp = _sc_deg(pidxP)

    y1 = _t0(x, W1)
    h1, dv = _t1(degp, degp, y1)
    p = _sc_agg(h1, pidxP)
    h2 = _t2(dv, p, p, h1, b1.reshape(1, D), W2)
    p = _sc_agg(h2, pidxP)
    h3 = _t2(dv, p, p, h2, b2.reshape(1, D), W3)
    p = _sc_agg(h3, pidxP)
    return _t3(dv, p, p, h3, b3.reshape(1, D))

# --- scband reference (transcript-rebuilt; emitter-appended) ---
"""Pipeline reference for scband-gcn-15350213116645 (READ-ONLY COPY).

The authoritative reference and input builder live on the scoring server;
editing this copy changes nothing except your own understanding.
"""

import jax, jax.numpy as jnp
import numpy as np

N_NODES = 10000
N_EDGES = 320000
D_IN = 128
D_HID = 128
D_OUT = 128


def setup_inputs(seed: int = 0) -> dict:
    key = jax.random.key(seed)
    ks = jax.random.split(key, 8)
    x = jax.random.normal(ks[0], (N_NODES, D_IN), dtype=jnp.float32)
    edge_index = jax.random.randint(ks[1], (2, N_EDGES), 0, N_NODES, dtype=jnp.int64)
    W1 = jax.random.normal(ks[2], (D_IN, D_HID), dtype=jnp.float32) * 0.05
    b1 = jnp.zeros((D_HID,), dtype=jnp.float32)
    W2 = jax.random.normal(ks[3], (D_HID, D_HID), dtype=jnp.float32) * 0.05
    b2 = jnp.zeros((D_HID,), dtype=jnp.float32)
    W3 = jax.random.normal(ks[4], (D_HID, D_OUT), dtype=jnp.float32) * 0.05
    b3 = jnp.zeros((D_OUT,), dtype=jnp.float32)
    return {"x": x, "edge_index": edge_index, "W1": W1, "b1": b1, "W2": W2, "b2": b2, "W3": W3, "b3": b3}


def _gcn_conv(x, W, b, src, dst, n):
    # x' = x @ W; symmetric normalization with self-loops (PyG GCNConv default)
    h = x @ W
    deg = jnp.zeros((n,), dtype=x.dtype).at[dst].add(1.0)
    dinv = jnp.where(deg > 0, deg ** -0.5, 0.0)
    norm = dinv[src] * dinv[dst]
    msg = h[src] * norm[:, None]
    out = jnp.zeros((n, W.shape[1]), dtype=x.dtype).at[dst].add(msg)
    return out + b


def reference(x, edge_index, W1, b1, W2, b2, W3, b3):
    n = x.shape[0]
    loop = jnp.arange(n, dtype=edge_index.dtype)
    src = jnp.concatenate([edge_index[0], loop])
    dst = jnp.concatenate([edge_index[1], loop])
    x1 = jax.nn.relu(_gcn_conv(x, W1, b1, src, dst, n))
    x2 = jax.nn.relu(_gcn_conv(x1, W2, b2, src, dst, n))
    x3 = _gcn_conv(x2, W3, b3, src, dst, n)
    return x3

if __name__ == "__main__":
    import jax
    _d = setup_inputs()
    print(jax.jit(kernel)(*tuple(_d.values())))

</pallas_src>

<mosaic_0001>
#map = affine_map<(d0, d1) -> (0, 0, 0)>
module attributes {stable_mosaic.version = 14 : i64} {
  func.func @_sc_deg_body(%arg0: i32, %arg1: i32, %arg2: memref<32x80x128xi32, #tpu.memory_space<hbm>>, %arg3: memref<2x10112x128xf32, #tpu.memory_space<hbm>>, %arg4: memref<80x128xi32, #tpu.memory_space<vmem>>, %arg5: memref<1x128xi32, #tpu.memory_space<vmem>>, %arg6: memref<128x128xf32, #tpu.memory_space<vmem>>, %arg7: memref<10112x128xf32, #tpu.memory_space<vmem_shared>>) attributes {dimension_semantics = [#tpu.dimension_semantics<core_parallel>, #tpu.dimension_semantics<subcore_parallel>], iteration_bounds = array<i64: 2, 16>, scalar_prefetch = 0 : i64, scratch_operands = 4 : i64, tpu.core_type = #tpu.core_type<sc_vector_subcore>, window_params = [{transform_indices = #map}, {transform_indices = #map}]} {
    %mul3A = arith.constant 16 : i32
    %mul3A_0 = arith.muli %arg0, %mul3A : i32
    %add3A = arith.addi %mul3A_0, %arg1 : i32
    "tpu.region"() ({
      %run_scoped3A = tpu.sem_alloc : memref<!tpu.dma_semaphore, #tpu.memory_space<semaphore_mem>>
      %dma_start3A = arith.constant 0 : i32
      %dma_start3A_34 = arith.constant 0 : i32
      %dma_start3A_35 = tpu.memref_slice %arg2[%add3A, %dma_start3A, %dma_start3A_34] : memref<32x80x128xi32, #tpu.memory_space<hbm>> -> memref<1x80x128xi32, #tpu.memory_space<hbm>>
      %dma_start3A_36 = tpu.memref_squeeze %dma_start3A_35 : memref<1x80x128xi32, #tpu.memory_space<hbm>> -> memref<80x128xi32, #tpu.memory_space<hbm>>
      %dma_start3A_37 = arith.constant 0 : i32
      %dma_start3A_38 = arith.constant 0 : i32
      %dma_start3A_39 = tpu.memref_slice %arg2[%add3A, %dma_start3A_37, %dma_start3A_38] : memref<32x80x128xi32, #tpu.memory_space<hbm>> -> memref<1x80x128xi32, #tpu.memory_space<hbm>>
      %dma_start3A_40 = tpu.memref_squeeze %dma_start3A_39 : memref<1x80x128xi32, #tpu.memory_space<hbm>> -> memref<80x128xi32, #tpu.memory_space<hbm>>
      tpu.enqueue_dma source(%dma_start3A_40 : memref<80x128xi32, #tpu.memory_space<hbm>>) target(%arg4 : memref<80x128xi32, #tpu.memory_space<vmem>>) target_semaphore(%run_scoped3A : memref<!tpu.dma_semaphore, #tpu.memory_space<semaphore_mem>>)
      %dma_wait3A = arith.constant 0 : i32
      %dma_wait3A_41 = arith.constant 0 : i32
      %dma_wait3A_42 = tpu.memref_slice %arg2[%add3A, %dma_wait3A, %dma_wait3A_41] : memref<32x80x128xi32, #tpu.memory_space<hbm>> -> memref<1x80x128xi32, #tpu.memory_space<hbm>>
      %dma_wait3A_43 = tpu.memref_squeeze %dma_wait3A_42 : memref<1x80x128xi32, #tpu.memory_space<hbm>> -> memref<80x128xi32, #tpu.memory_space<hbm>>
      %dma_wait3A_44 = arith.constant 0 : i32
      %dma_wait3A_45 = arith.constant 0 : i32
      %dma_wait3A_46 = tpu.memref_slice %arg2[%add3A, %dma_wait3A_44, %dma_wait3A_45] : memref<32x80x128xi32, #tpu.memory_space<hbm>> -> memref<1x80x128xi32, #tpu.memory_space<hbm>>
      %dma_wait3A_47 = tpu.memref_squeeze %dma_wait3A_46 : memref<1x80x128xi32, #tpu.memory_space<hbm>> -> memref<80x128xi32, #tpu.memory_space<hbm>>
      tpu.wait_dma2 semaphore(%run_scoped3A : memref<!tpu.dma_semaphore, #tpu.memory_space<semaphore_mem>>) src(%dma_wait3A_47 : memref<80x128xi32, #tpu.memory_space<hbm>>) dst(%arg4 : memref<80x128xi32, #tpu.memory_space<vmem>>)
      tpu.yield
    }) : () -> ()
    %scan3A = arith.constant 0 : i32
    %scan3A_1 = arith.constant 0 : i32
    %scan3A_2 = arith.constant 128 : i32
    %scan3A_3 = arith.addi %scan3A_1, %scan3A_2 : i32
    %scan3A_4 = arith.constant 1 : i32
    %scan3A_5 = scf.for %scan3A_34 = %scan3A_1 to %scan3A_3 step %scan3A_4 iter_args(%scan3A_35 = %scan3A) -> (i32)  : i32 {
      %broadcast_in_dim3A = arith.constant 0.000000e+00 : f32
      %broadcast_in_dim3A_36 = vector.broadcast %broadcast_in_dim3A : f32 to vector<16xf32>
      %swap3A = arith.index_cast %scan3A_34 : i32 to index
      %swap3A_37 = arith.constant 0 : index
      %swap3A_38 = tpu.vector_load %arg6[%swap3A, %swap3A_37] {strides = array<i32>} : memref<128x128xf32, #tpu.memory_space<vmem>>, vector<1x16xf32>,
      %swap3A_39 = vector.shape_cast %swap3A_38 : vector<1x16xf32> to vector<16xf32>
      %swap3A_40 = vector.shape_cast %broadcast_in_dim3A_36 : vector<16xf32> to vector<1x16xf32>
      tpu.vector_store %arg6[%swap3A, %swap3A_37], %swap3A_40 {strides = array<i32>} : memref<128x128xf32, #tpu.memory_space<vmem>>, vector<1x16xf32>,
      %broadcast_in_dim3A_41 = arith.constant 0.000000e+00 : f32
      %broadcast_in_dim3A_42 = vector.broadcast %broadcast_in_dim3A_41 : f32 to vector<16xf32>
      %swap3A_43 = arith.index_cast %scan3A_34 : i32 to index
      %swap3A_44 = arith.constant 16 : index
      %swap3A_45 = tpu.vector_load %arg6[%swap3A_43, %swap3A_44] {strides = array<i32>} : memref<128x128xf32, #tpu.memory_space<vmem>>, vector<1x16xf32>,
      %swap3A_46 = vector.shape_cast %swap3A_45 : vector<1x16xf32> to vector<16xf32>
      %swap3A_47 = vector.shape_cast %broadcast_in_dim3A_42 : vector<16xf32> to vector<1x16xf32>
      tpu.vector_store %arg6[%swap3A_43, %swap3A_44], %swap3A_47 {strides = array<i32>} : memref<128x128xf32, #tpu.memory_space<vmem>>, vector<1x16xf32>,
      %broadcast_in_dim3A_48 = arith.constant 0.000000e+00 : f32
      %broadcast_in_dim3A_49 = vector.broadcast %broadcast_in_dim3A_48 : f32 to vector<16xf32>
      %swap3A_50 = arith.index_cast %scan3A_34 : i32 to index
      %swap3A_51 = arith.constant 32 : index
      %swap3A_52 = tpu.vector_load %arg6[%swap3A_50, %swap3A_51] {strides = array<i32>} : memref<128x128xf32, #tpu.memory_space<vmem>>, vector<1x16xf32>,
      %swap3A_53 = vector.shape_cast %swap3A_52 : vector<1x16xf32> to vector<16xf32>
      %swap3A_54 = vector.shape_cast %broadcast_in_dim3A_49 : vector<16xf32> to vector<1x16xf32>
      tpu.vector_store %arg6[%swap3A_50, %swap3A_51], %swap3A_54 {strides = array<i32>} : memref<128x128xf32, #tpu.memory_space<vmem>>, vector<1x16xf32>,
      %broadcast_in_dim3A_55 = arith.constant 0.000000e+00 : f32
      %broadcast_in_dim3A_56 = vector.broadcast %broadcast_in_dim3A_55 : f32 to vector<16xf32>
      %swap3A_57 = arith.index_cast %scan3A_34 : i32 to index
      %swap3A_58 = arith.constant 48 : index
      %swap3A_59 = tpu.vector_load %arg6[%swap3A_57, %swap3A_58] {strides = array<i32>} : memref<128x128xf32, #tpu.memory_space<vmem>>, vector<1x16xf32>,
      %swap3A_60 = vector.shape_cast %swap3A_59 : vector<1x16xf32> to vector<16xf32>
      %swap3A_61 = vector.shape_cast %broadcast_in_dim3A_56 : vector<16xf32> to vector<1x16xf32>
      tpu.vector_store %arg6[%swap3A_57, %swap3A_58], %swap3A_61 {strides = array<i32>} : memref<128x128xf32, #tpu.memory_space<vmem>>, vector<1x16xf32>,
      %broadcast_in_dim3A_62 = arith.constant 0.000000e+00 : f32
      %broadcast_in_dim3A_63 = vector.broadcast %broadcast_in_dim3A_62 : f32 to vector<16xf32>
      %swap3A_64 = arith.index_cast %scan3A_34 : i32 to index
      %swap3A_65 = arith.constant 64 : index
      %swap3A_66 = tpu.vector_load %arg6[%swap3A_64, %swap3A_65] {strides = array<i32>} : memref<128x128xf32, #tpu.memory_space<vmem>>, vector<1x16xf32>,
      %swap3A_67 = vector.shape_cast %swap3A_66 : vector<1x16xf32> to vector<16xf32>
      %swap3A_68 = vector.shape_cast %broadcast_in_dim3A_63 : vector<16xf32> to vector<1x16xf32>
      tpu.vector_store %arg6[%swap3A_64, %swap3A_65], %swap3A_68 {strides = array<i32>} : memref<128x128xf32, #tpu.memory_space<vmem>>, vector<1x16xf32>,
      %broadcast_in_dim3A_69 = arith.constant 0.000000e+00 : f32
      %broadcast_in_dim3A_70 = vector.broadcast %broadcast_in_dim3A_69 : f32 to vector<16xf32>
      %swap3A_71 = arith.index_cast %scan3A_34 : i32 to index
      %swap3A_72 = arith.constant 80 : index
      %swap3A_73 = tpu.vector_load %arg6[%swap3A_71, %swap3A_72] {strides = array<i32>} : memref<128x128xf32, #tpu.memory_space<vmem>>, vector<1x16xf32>,
      %swap3A_74 = vector.shape_cast %swap3A_73 : vector<1x16xf32> to vector<16xf32>
      %swap3A_75 = vector.shape_cast %broadcast_in_dim3A_70 : vector<16xf32> to vector<1x16xf32>
      tpu.vector_store %arg6[%swap3A_71, %swap3A_72], %swap3A_75 {strides = array<i32>} : memref<128x128xf32, #tpu.memory_space<vmem>>, vector<1x16xf32>,
      %broadcast_in_dim3A_76 = arith.constant 0.000000e+00 : f32
      %broadcast_in_dim3A_77 = vector.broadcast %broadcast_in_dim3A_76 : f32 to vector<16xf32>
      %swap3A_78 = arith.index_cast %scan3A_34 : i32 to index
      %swap3A_79 = arith.constant 96 : index
      %swap3A_80 = tpu.vector_load %arg6[%swap3A_78, %swap3A_79] {strides = array<i32>} : memref<128x128xf32, #tpu.memory_space<vmem>>, vector<1x16xf32>,
      %swap3A_81 = vector.shape_cast %swap3A_80 : vector<1x16xf32> to vector<16xf32>
      %swap3A_82 = vector.shape_cast %broadcast_in_dim3A_77 : vector<16xf32> to vector<1x16xf32>
      tpu.vector_store %arg6[%swap3A_78, %swap3A_79], %swap3A_82 {strides = array<i32>} : memref<128x128xf32, #tpu.memory_space<vmem>>, vector<1x16xf32>,
      %broadcast_in_dim3A_83 = arith.constant 0.000000e+00 : f32
      %broadcast_in_dim3A_84 = vector.broadcast %broadcast_in_dim3A_83 : f32 to vector<16xf32>
      %swap3A_85 = arith.index_cast %scan3A_34 : i32 to index
      %swap3A_86 = arith.constant 112 : index
      %swap3A_87 = tpu.vector_load %arg6[%swap3A_85, %swap3A_86] {strides = array<i32>} : memref<128x128xf32, #tpu.memory_space<vmem>>, vector<1x16xf32>,
      %swap3A_88 = vector.shape_cast %swap3A_87 : vector<1x16xf32> to vector<16xf32>
      %swap3A_89 = vector.shape_cast %broadcast_in_dim3A_84 : vector<16xf32> to vector<1x16xf32>
      tpu.vector_store %arg6[%swap3A_85, %swap3A_86], %swap3A_89 {strides = array<i32>} : memref<128x128xf32, #tpu.memory_space<vmem>>, vector<1x16xf32>,
      %scan3A_90 = arith.constant 0 : i32
      scf.yield %scan3A_90 : i32
    }
    %scan3A_6 = arith.constant 128 : i32
    %mul3A_7 = arith.constant 632 : i32
    %mul3A_8 = arith.muli %arg1, %mul3A_7 : i32
    %add3A_9 = arith.constant 0 : i32
    %add3A_10 = arith.addi %mul3A_8, %add3A_9 : i32
    "tpu.region"() ({
      %run_scoped3A = tpu.sem_alloc : memref<!tpu.dma_semaphore, #tpu.memory_space<semaphore_mem>>
      %dma_start3A = arith.constant 0 : i32
      %dma_start3A_34 = tpu.memref_slice %arg7[%add3A_10, %dma_start3A] : memref<10112x128xf32, #tpu.memory_space<vmem_shared>> -> memref<128x128xf32, #tpu.memory_space<vmem_shared>>
      %dma_start3A_35 = arith.constant 0 : i32
      %dma_start3A_36 = tpu.memref_slice %arg7[%add3A_10, %dma_start3A_35] : memref<10112x128xf32, #tpu.memory_space<vmem_shared>> -> memref<128x128xf32, #tpu.memory_space<vmem_shared>>
      tpu.enqueue_dma source(%arg6 : memref<128x128xf32, #tpu.memory_space<vmem>>) target(%dma_start3A_36 : memref<128x128xf32, #tpu.memory_space<vmem_shared>>) target_semaphore(%run_scoped3A : memref<!tpu.dma_semaphore, #tpu.memory_space<semaphore_mem>>)
      %dma_wait3A = arith.constant 0 : i32
      %dma_wait3A_37 = tpu.memref_slice %arg7[%add3A_10, %dma_wait3A] : memref<10112x128xf32, #tpu.memory_space<vmem_shared>> -> memref<128x128xf32, #tpu.memory_space<vmem_shared>>
      %dma_wait3A_38 = arith.constant 0 : i32
      %dma_wait3A_39 = tpu.memref_slice %arg7[%add3A_10, %dma_wait3A_38] : memref<10112x128xf32, #tpu.memory_space<vmem_shared>> -> memref<128x128xf32, #tpu.memory_space<vmem_shared>>
      tpu.wait_dma2 semaphore(%run_scoped3A : memref<!tpu.dma_semaphore, #tpu.memory_space<semaphore_mem>>) src(%arg6 : memref<128x128xf32, #tpu.memory_space<vmem>>) dst(%dma_wait3A_39 : memref<128x128xf32, #tpu.memory_space<vmem_shared>>)
      tpu.yield
    }) : () -> ()
    %add3A_11 = arith.constant 128 : i32
    %add3A_12 = arith.addi %mul3A_8, %add3A_11 : i32
    "tpu.region"() ({
      %run_scoped3A = tpu.sem_alloc : memref<!tpu.dma_semaphore, #tpu.memory_space<semaphore_mem>>
      %dma_start3A = arith.constant 0 : i32
      %dma_start3A_34 = tpu.memref_slice %arg7[%add3A_12, %dma_start3A] : memref<10112x128xf32, #tpu.memory_space<vmem_shared>> -> memref<128x128xf32, #tpu.memory_space<vmem_shared>>
      %dma_start3A_35 = arith.constant 0 : i32
      %dma_start3A_36 = tpu.memref_slice %arg7[%add3A_12, %dma_start3A_35] : memref<10112x128xf32, #tpu.memory_space<vmem_shared>> -> memref<128x128xf32, #tpu.memory_space<vmem_shared>>
      tpu.enqueue_dma source(%arg6 : memref<128x128xf32, #tpu.memory_space<vmem>>) target(%dma_start3A_36 : memref<128x128xf32, #tpu.memory_space<vmem_shared>>) target_semaphore(%run_scoped3A : memref<!tpu.dma_semaphore, #tpu.memory_space<semaphore_mem>>)
      %dma_wait3A = arith.constant 0 : i32
      %dma_wait3A_37 = tpu.memref_slice %arg7[%add3A_12, %dma_wait3A] : memref<10112x128xf32, #tpu.memory_space<vmem_shared>> -> memref<128x128xf32, #tpu.memory_space<vmem_shared>>
      %dma_wait3A_38 = arith.constant 0 : i32
      %dma_wait3A_39 = tpu.memref_slice %arg7[%add3A_12, %dma_wait3A_38] : memref<10112x128xf32, #tpu.memory_space<vmem_shared>> -> memref<128x128xf32, #tpu.memory_space<vmem_shared>>
      tpu.wait_dma2 semaphore(%run_scoped3A : memref<!tpu.dma_semaphore, #tpu.memory_space<semaphore_mem>>) src(%arg6 : memref<128x128xf32, #tpu.memory_space<vmem>>) dst(%dma_wait3A_39 : memref<128x128xf32, #tpu.memory_space<vmem_shared>>)
      tpu.yield
    }) : () -> ()
    %add3A_13 = arith.constant 256 : i32
    %add3A_14 = arith.addi %mul3A_8, %add3A_13 : i32
    "tpu.region"() ({
      %run_scoped3A = tpu.sem_alloc : memref<!tpu.dma_semaphore, #tpu.memory_space<semaphore_mem>>
      %dma_start3A = arith.constant 0 : i32
      %dma_start3A_34 = tpu.memref_slice %arg7[%add3A_14, %dma_start3A] : memref<10112x128xf32, #tpu.memory_space<vmem_shared>> -> memref<128x128xf32, #tpu.memory_space<vmem_shared>>
      %dma_start3A_35 = arith.constant 0 : i32
      %dma_start3A_36 = tpu.memref_slice %arg7[%add3A_14, %dma_start3A_35] : memref<10112x128xf32, #tpu.memory_space<vmem_shared>> -> memref<128x128xf32, #tpu.memory_space<vmem_shared>>
      tpu.enqueue_dma source(%arg6 : memref<128x128xf32, #tpu.memory_space<vmem>>) target(%dma_start3A_36 : memref<128x128xf32, #tpu.memory_space<vmem_shared>>) target_semaphore(%run_scoped3A : memref<!tpu.dma_semaphore, #tpu.memory_space<semaphore_mem>>)
      %dma_wait3A = arith.constant 0 : i32
      %dma_wait3A_37 = tpu.memref_slice %arg7[%add3A_14, %dma_wait3A] : memref<10112x128xf32, #tpu.memory_space<vmem_shared>> -> memref<128x128xf32, #tpu.memory_space<vmem_shared>>
      %dma_wait3A_38 = arith.constant 0 : i32
      %dma_wait3A_39 = tpu.memref_slice %arg7[%add3A_14, %dma_wait3A_38] : memref<10112x128xf32, #tpu.memory_space<vmem_shared>> -> memref<128x128xf32, #tpu.memory_space<vmem_shared>>
      tpu.wait_dma2 semaphore(%run_scoped3A : memref<!tpu.dma_semaphore, #tpu.memory_space<semaphore_mem>>) src(%arg6 : memref<128x128xf32, #tpu.memory_space<vmem>>) dst(%dma_wait3A_39 : memref<128x128xf32, #tpu.memory_space<vmem_shared>>)
      tpu.yield
    }) : () -> ()
    %add3A_15 = arith.constant 384 : i32
    %add3A_16 = arith.addi %mul3A_8, %add3A_15 : i32
    "tpu.region"() ({
      %run_scoped3A = tpu.sem_alloc : memref<!tpu.dma_semaphore, #tpu.memory_space<semaphore_mem>>
      %dma_start3A = arith.constant 0 : i32
      %dma_start3A_34 = tpu.memref_slice %arg7[%add3A_16, %dma_start3A] : memref<10112x128xf32, #tpu.memory_space<vmem_shared>> -> memref<128x128xf32, #tpu.memory_space<vmem_shared>>
      %dma_start3A_35 = arith.constant 0 : i32
      %dma_start3A_36 = tpu.memref_slice %arg7[%add3A_16, %dma_start3A_35] : memref<10112x128xf32, #tpu.memory_space<vmem_shared>> -> memref<128x128xf32, #tpu.memory_space<vmem_shared>>
      tpu.enqueue_dma source(%arg6 : memref<128x128xf32, #tpu.memory_space<vmem>>) target(%dma_start3A_36 : memref<128x128xf32, #tpu.memory_space<vmem_shared>>) target_semaphore(%run_scoped3A : memref<!tpu.dma_semaphore, #tpu.memory_space<semaphore_mem>>)
      %dma_wait3A = arith.constant 0 : i32
      %dma_wait3A_37 = tpu.memref_slice %arg7[%add3A_16, %dma_wait3A] : memref<10112x128xf32, #tpu.memory_space<vmem_shared>> -> memref<128x128xf32, #tpu.memory_space<vmem_shared>>
      %dma_wait3A_38 = arith.constant 0 : i32
      %dma_wait3A_39 = tpu.memref_slice %arg7[%add3A_16, %dma_wait3A_38] : memref<10112x128xf32, #tpu.memory_space<vmem_shared>> -> memref<128x128xf32, #tpu.memory_space<vmem_shared>>
      tpu.wait_dma2 semaphore(%run_scoped3A : memref<!tpu.dma_semaphore, #tpu.memory_space<semaphore_mem>>) src(%arg6 : memref<128x128xf32, #tpu.memory_space<vmem>>) dst(%dma_wait3A_39 : memref<128x128xf32, #tpu.memory_space<vmem_shared>>)
      tpu.yield
    }) : () -> ()
    %add3A_17 = arith.constant 512 : i32
    %add3A_18 = arith.addi %mul3A_8, %add3A_17 : i32
    "tpu.region"() ({
      %run_scoped3A = tpu.sem_alloc : memref<!tpu.dma_semaphore, #tpu.memory_space<semaphore_mem>>
      %dma_start3A = arith.constant 0 : i32
      %dma_start3A_34 = arith.constant 0 : i32
      %dma_start3A_35 = tpu.memref_slice %arg6[%dma_start3A, %dma_start3A_34] : memref<128x128xf32, #tpu.memory_space<vmem>> -> memref<120x128xf32, #tpu.memory_space<vmem>>
      %dma_start3A_36 = arith.constant 0 : i32
      %dma_start3A_37 = tpu.memref_slice %arg7[%add3A_18, %dma_start3A_36] : memref<10112x128xf32, #tpu.memory_space<vmem_shared>> -> memref<120x128xf32, #tpu.memory_space<vmem_shared>>
      %dma_start3A_38 = arith.constant 0 : i32
      %dma_start3A_39 = tpu.memref_slice %arg7[%add3A_18, %dma_start3A_38] : memref<10112x128xf32, #tpu.memory_space<vmem_shared>> -> memref<120x128xf32, #tpu.memory_space<vmem_shared>>
      %dma_start3A_40 = arith.constant 0 : i32
      %dma_start3A_41 = arith.constant 0 : i32
      %dma_start3A_42 = tpu.memref_slice %arg6[%dma_start3A_40, %dma_start3A_41] : memref<128x128xf32, #tpu.memory_space<vmem>> -> memref<120x128xf32, #tpu.memory_space<vmem>>
      tpu.enqueue_dma source(%dma_start3A_42 : memref<120x128xf32, #tpu.memory_space<vmem>>) target(%dma_start3A_39 : memref<120x128xf32, #tpu.memory_space<vmem_shared>>) target_semaphore(%run_scoped3A : memref<!tpu.dma_semaphore, #tpu.memory_space<semaphore_mem>>)
      %dma_wait3A = arith.constant 0 : i32
      %dma_wait3A_43 = arith.constant 0 : i32
      %dma_wait3A_44 = tpu.memref_slice %arg6[%dma_wait3A, %dma_wait3A_43] : memref<128x128xf32, #tpu.memory_space<vmem>> -> memref<120x128xf32, #tpu.memory_space<vmem>>
      %dma_wait3A_45 = arith.constant 0 : i32
      %dma_wait3A_46 = tpu.memref_slice %arg7[%add3A_18, %dma_wait3A_45] : memref<10112x128xf32, #tpu.memory_space<vmem_shared>> -> memref<120x128xf32, #tpu.memory_space<vmem_shared>>
      %dma_wait3A_47 = arith.constant 0 : i32
      %dma_wait3A_48 = tpu.memref_slice %arg7[%add3A_18, %dma_wait3A_47] : memref<10112x128xf32, #tpu.memory_space<vmem_shared>> -> memref<120x128xf32, #tpu.memory_space<vmem_shared>>
      %dma_wait3A_49 = arith.constant 0 : i32
      %dma_wait3A_50 = arith.constant 0 : i32
      %dma_wait3A_51 = tpu.memref_slice %arg6[%dma_wait3A_49, %dma_wait3A_50] : memref<128x128xf32, #tpu.memory_space<vmem>> -> memref<120x128xf32, #tpu.memory_space<vmem>>
      tpu.wait_dma2 semaphore(%run_scoped3A : memref<!tpu.dma_semaphore, #tpu.memory_space<semaphore_mem>>) src(%dma_wait3A_51 : memref<120x128xf32, #tpu.memory_space<vmem>>) dst(%dma_wait3A_48 : memref<120x128xf32, #tpu.memory_space<vmem_shared>>)
      tpu.yield
    }) : () -> ()
    %scan3A_19 = arith.constant 0 : i32
    %scan3A_20 = arith.constant 0 : i32
    %scan3A_21 = arith.constant 128 : i32
    %scan3A_22 = arith.addi %scan3A_20, %scan3A_21 : i32
    %scan3A_23 = arith.constant 1 : i32
    %scan3A_24 = scf.for %scan3A_34 = %scan3A_20 to %scan3A_22 step %scan3A_23 iter_args(%scan3A_35 = %scan3A_19) -> (i32)  : i32 {
      %broadcast_in_dim3A = arith.constant 1.000000e+00 : f32
      %broadcast_in_dim3A_36 = vector.broadcast %broadcast_in_dim3A : f32 to vector<16xf32>
      %swap3A = arith.index_cast %scan3A_34 : i32 to index
      %swap3A_37 = arith.constant 0 : index
      %swap3A_38 = tpu.vector_load %arg6[%swap3A, %swap3A_37] {strides = array<i32>} : memref<128x128xf32, #tpu.memory_space<vmem>>, vector<1x16xf32>,
      %swap3A_39 = vector.shape_cast %swap3A_38 : vector<1x16xf32> to vector<16xf32>
      %swap3A_40 = vector.shape_cast %broadcast_in_dim3A_36 : vector<16xf32> to vector<1x16xf32>
      tpu.vector_store %arg6[%swap3A, %swap3A_37], %swap3A_40 {strides = array<i32>} : memref<128x128xf32, #tpu.memory_space<vmem>>, vector<1x16xf32>,
      %broadcast_in_dim3A_41 = arith.constant 1.000000e+00 : f32
      %broadcast_in_dim3A_42 = vector.broadcast %broadcast_in_dim3A_41 : f32 to vector<16xf32>
      %swap3A_43 = arith.index_cast %scan3A_34 : i32 to index
      %swap3A_44 = arith.constant 16 : index
      %swap3A_45 = tpu.vector_load %arg6[%swap3A_43, %swap3A_44] {strides = array<i32>} : memref<128x128xf32, #tpu.memory_space<vmem>>, vector<1x16xf32>,
      %swap3A_46 = vector.shape_cast %swap3A_45 : vector<1x16xf32> to vector<16xf32>
      %swap3A_47 = vector.shape_cast %broadcast_in_dim3A_42 : vector<16xf32> to vector<1x16xf32>
      tpu.vector_store %arg6[%swap3A_43, %swap3A_44], %swap3A_47 {strides = array<i32>} : memref<128x128xf32, #tpu.memory_space<vmem>>, vector<1x16xf32>,
      %broadcast_in_dim3A_48 = arith.constant 1.000000e+00 : f32
      %broadcast_in_dim3A_49 = vector.broadcast %broadcast_in_dim3A_48 : f32 to vector<16xf32>
      %swap3A_50 = arith.index_cast %scan3A_34 : i32 to index
      %swap3A_51 = arith.constant 32 : index
      %swap3A_52 = tpu.vector_load %arg6[%swap3A_50, %swap3A_51] {strides = array<i32>} : memref<128x128xf32, #tpu.memory_space<vmem>>, vector<1x16xf32>,
      %swap3A_53 = vector.shape_cast %swap3A_52 : vector<1x16xf32> to vector<16xf32>
      %swap3A_54 = vector.shape_cast %broadcast_in_dim3A_49 : vector<16xf32> to vector<1x16xf32>
      tpu.vector_store %arg6[%swap3A_50, %swap3A_51], %swap3A_54 {strides = array<i32>} : memref<128x128xf32, #tpu.memory_space<vmem>>, vector<1x16xf32>,
      %broadcast_in_dim3A_55 = arith.constant 1.000000e+00 : f32
      %broadcast_in_dim3A_56 = vector.broadcast %broadcast_in_dim3A_55 : f32 to vector<16xf32>
      %swap3A_57 = arith.index_cast %scan3A_34 : i32 to index
      %swap3A_58 = arith.constant 48 : index
      %swap3A_59 = tpu.vector_load %arg6[%swap3A_57, %swap3A_58] {strides = array<i32>} : memref<128x128xf32, #tpu.memory_space<vmem>>, vector<1x16xf32>,
      %swap3A_60 = vector.shape_cast %swap3A_59 : vector<1x16xf32> to vector<16xf32>
      %swap3A_61 = vector.shape_cast %broadcast_in_dim3A_56 : vector<16xf32> to vector<1x16xf32>
      tpu.vector_store %arg6[%swap3A_57, %swap3A_58], %swap3A_61 {strides = array<i32>} : memref<128x128xf32, #tpu.memory_space<vmem>>, vector<1x16xf32>,
      %broadcast_in_dim3A_62 = arith.constant 1.000000e+00 : f32
      %broadcast_in_dim3A_63 = vector.broadcast %broadcast_in_dim3A_62 : f32 to vector<16xf32>
      %swap3A_64 = arith.index_cast %scan3A_34 : i32 to index
      %swap3A_65 = arith.constant 64 : index
      %swap3A_66 = tpu.vector_load %arg6[%swap3A_64, %swap3A_65] {strides = array<i32>} : memref<128x128xf32, #tpu.memory_space<vmem>>, vector<1x16xf32>,
      %swap3A_67 = vector.shape_cast %swap3A_66 : vector<1x16xf32> to vector<16xf32>
      %swap3A_68 = vector.shape_cast %broadcast_in_dim3A_63 : vector<16xf32> to vector<1x16xf32>
      tpu.vector_store %arg6[%swap3A_64, %swap3A_65], %swap3A_68 {strides = array<i32>} : memref<128x128xf32, #tpu.memory_space<vmem>>, vector<1x16xf32>,
      %broadcast_in_dim3A_69 = arith.constant 1.000000e+00 : f32
      %broadcast_in_dim3A_70 = vector.broadcast %broadcast_in_dim3A_69 : f32 to vector<16xf32>
      %swap3A_71 = arith.index_cast %scan3A_34 : i32 to index
      %swap3A_72 = arith.constant 80 : index
      %swap3A_73 = tpu.vector_load %arg6[%swap3A_71, %swap3A_72] {strides = array<i32>} : memref<128x128xf32, #tpu.memory_space<vmem>>, vector<1x16xf32>,
      %swap3A_74 = vector.shape_cast %swap3A_73 : vector<1x16xf32> to vector<16xf32>
      %swap3A_75 = vector.shape_cast %broadcast_in_dim3A_70 : vector<16xf32> to vector<1x16xf32>
      tpu.vector_store %arg6[%swap3A_71, %swap3A_72], %swap3A_75 {strides = array<i32>} : memref<128x128xf32, #tpu.memory_space<vmem>>, vector<1x16xf32>,
      %broadcast_in_dim3A_76 = arith.constant 1.000000e+00 : f32
      %broadcast_in_dim3A_77 = vector.broadcast %broadcast_in_dim3A_76 : f32 to vector<16xf32>
      %swap3A_78 = arith.index_cast %scan3A_34 : i32 to index
      %swap3A_79 = arith.constant 96 : index
      %swap3A_80 = tpu.vector_load %arg6[%swap3A_78, %swap3A_79] {strides = array<i32>} : memref<128x128xf32, #tpu.memory_space<vmem>>, vector<1x16xf32>,
      %swap3A_81 = vector.shape_cast %swap3A_80 : vector<1x16xf32> to vector<16xf32>
      %swap3A_82 = vector.shape_cast %broadcast_in_dim3A_77 : vector<16xf32> to vector<1x16xf32>
      tpu.vector_store %arg6[%swap3A_78, %swap3A_79], %swap3A_82 {strides = array<i32>} : memref<128x128xf32, #tpu.memory_space<vmem>>, vector<1x16xf32>,
      %broadcast_in_dim3A_83 = arith.constant 1.000000e+00 : f32
      %broadcast_in_dim3A_84 = vector.broadcast %broadcast_in_dim3A_83 : f32 to vector<16xf32>
      %swap3A_85 = arith.index_cast %scan3A_34 : i32 to index
      %swap3A_86 = arith.constant 112 : index
      %swap3A_87 = tpu.vector_load %arg6[%swap3A_85, %swap3A_86] {strides = array<i32>} : memref<128x128xf32, #tpu.memory_space<vmem>>, vector<1x16xf32>,
      %swap3A_88 = vector.shape_cast %swap3A_87 : vector<1x16xf32> to vector<16xf32>
      %swap3A_89 = vector.shape_cast %broadcast_in_dim3A_84 : vector<16xf32> to vector<1x16xf32>
      tpu.vector_store %arg6[%swap3A_85, %swap3A_86], %swap3A_89 {strides = array<i32>} : memref<128x128xf32, #tpu.memory_space<vmem>>, vector<1x16xf32>,
      %scan3A_90 = arith.constant 0 : i32
      scf.yield %scan3A_90 : i32
    }
    %scan3A_25 = arith.constant 128 : i32
    %barrier3A = arith.constant 0 : index
    tpu.barrier barrier_id(%barrier3A)
    %scan3A_26 = arith.constant 0 : i32
    %scan3A_27 = arith.constant 0 : i32
    %scan3A_28 = arith.constant 80 : i32
    %scan3A_29 = arith.addi %scan3A_27, %scan3A_28 : i32
    %scan3A_30 = arith.constant 1 : i32
    %scan3A_31 = scf.for %scan3A_34 = %scan3A_27 to %scan3A_29 step %scan3A_30 iter_args(%scan3A_35 = %scan3A_26) -> (i32)  : i32 {
      %get3A = arith.index_cast %scan3A_34 : i32 to index
      %get3A_36 = arith.constant 0 : index
      %get3A_37 = tpu.vector_load %arg4[%get3A, %get3A_36] {strides = array<i32>} : memref<80x128xi32, #tpu.memory_space<vmem>>, vector<1x16xi32>,
      %get3A_38 = vector.shape_cast %get3A_37 : vector<1x16xi32> to vector<16xi32>
      %shift_right_logical3A = arith.constant 14 : i32
      %shift_right_logical3A_39 = vector.broadcast %shift_right_logical3A : i32 to vector<16xi32>
      %shift_right_logical3A_40 = arith.shrui %get3A_38, %shift_right_logical3A_39 : vector<16xi32>
      %swap3A = arith.constant 0 : i32
      %swap3A_41 = arith.index_cast %swap3A : i32 to index
      %swap3A_42 = arith.constant 0 : index
      %swap3A_43 = tpu.vector_load %arg5[%swap3A_41, %swap3A_42] {strides = array<i32>} : memref<1x128xi32, #tpu.memory_space<vmem>>, vector<1x16xi32>,
      %swap3A_44 = vector.shape_cast %swap3A_43 : vector<1x16xi32> to vector<16xi32>
      %swap3A_45 = vector.shape_cast %shift_right_logical3A_40 : vector<16xi32> to vector<1x16xi32>
      tpu.vector_store %arg5[%swap3A_41, %swap3A_42], %swap3A_45 {strides = array<i32>} : memref<1x128xi32, #tpu.memory_space<vmem>>, vector<1x16xi32>,
      %get3A_46 = arith.index_cast %scan3A_34 : i32 to index
      %get3A_47 = arith.constant 16 : index
      %get3A_48 = tpu.vector_load %arg4[%get3A_46, %get3A_47] {strides = array<i32>} : memref<80x128xi32, #tpu.memory_space<vmem>>, vector<1x16xi32>,
      %get3A_49 = vector.shape_cast %get3A_48 : vector<1x16xi32> to vector<16xi32>
      %shift_right_logical3A_50 = arith.constant 14 : i32
      %shift_right_logical3A_51 = vector.broadcast %shift_right_logical3A_50 : i32 to vector<16xi32>
      %shift_right_logical3A_52 = arith.shrui %get3A_49, %shift_right_logical3A_51 : vector<16xi32>
      %swap3A_53 = arith.constant 0 : i32
      %swap3A_54 = arith.index_cast %swap3A_53 : i32 to index
      %swap3A_55 = arith.constant 16 : index
      %swap3A_56 = tpu.vector_load %arg5[%swap3A_54, %swap3A_55] {strides = array<i32>} : memref<1x128xi32, #tpu.memory_space<vmem>>, vector<1x16xi32>,
      %swap3A_57 = vector.shape_cast %swap3A_56 : vector<1x16xi32> to vector<16xi32>
      %swap3A_58 = vector.shape_cast %shift_right_logical3A_52 : vector<16xi32> to vector<1x16xi32>
      tpu.vector_store %arg5[%swap3A_54, %swap3A_55], %swap3A_58 {strides = array<i32>} : memref<1x128xi32, #tpu.memory_space<vmem>>, vector<1x16xi32>,
      %get3A_59 = arith.index_cast %scan3A_34 : i32 to index
      %get3A_60 = arith.constant 32 : index
      %get3A_61 = tpu.vector_load %arg4[%get3A_59, %get3A_60] {strides = array<i32>} : memref<80x128xi32, #tpu.memory_space<vmem>>, vector<1x16xi32>,
      %get3A_62 = vector.shape_cast %get3A_61 : vector<1x16xi32> to vector<16xi32>
      %shift_right_logical3A_63 = arith.constant 14 : i32
      %shift_right_logical3A_64 = vector.broadcast %shift_right_logical3A_63 : i32 to vector<16xi32>
      %shift_right_logical3A_65 = arith.shrui %get3A_62, %shift_right_logical3A_64 : vector<16xi32>
      %swap3A_66 = arith.constant 0 : i32
      %swap3A_67 = arith.index_cast %swap3A_66 : i32 to index
      %swap3A_68 = arith.constant 32 : index
      %swap3A_69 = tpu.vector_load %arg5[%swap3A_67, %swap3A_68] {strides = array<i32>} : memref<1x128xi32, #tpu.memory_space<vmem>>, vector<1x16xi32>,
      %swap3A_70 = vector.shape_cast %swap3A_69 : vector<1x16xi32> to vector<16xi32>
      %swap3A_71 = vector.shape_cast %shift_right_logical3A_65 : vector<16xi32> to vector<1x16xi32>
      tpu.vector_store %arg5[%swap3A_67, %swap3A_68], %swap3A_71 {strides = array<i32>} : memref<1x128xi32, #tpu.memory_space<vmem>>, vector<1x16xi32>,
      %get3A_72 = arith.index_cast %scan3A_34 : i32 to index
      %get3A_73 = arith.constant 48 : index
      %get3A_74 = tpu.vector_load %arg4[%get3A_72, %get3A_73] {strides = array<i32>} : memref<80x128xi32, #tpu.memory_space<vmem>>, vector<1x16xi32>,
      %get3A_75 = vector.shape_cast %get3A_74 : vector<1x16xi32> to vector<16xi32>
      %shift_right_logical3A_76 = arith.constant 14 : i32
      %shift_right_logical3A_77 = vector.broadcast %shift_right_logical3A_76 : i32 to vector<16xi32>
      %shift_right_logical3A_78 = arith.shrui %get3A_75, %shift_right_logical3A_77 : vector<16xi32>
      %swap3A_79 = arith.constant 0 : i32
      %swap3A_80 = arith.index_cast %swap3A_79 : i32 to index
      %swap3A_81 = arith.constant 48 : index
      %swap3A_82 = tpu.vector_load %arg5[%swap3A_80, %swap3A_81] {strides = array<i32>} : memref<1x128xi32, #tpu.memory_space<vmem>>, vector<1x16xi32>,
      %swap3A_83 = vector.shape_cast %swap3A_82 : vector<1x16xi32> to vector<16xi32>
      %swap3A_84 = vector.shape_cast %shift_right_logical3A_78 : vector<16xi32> to vector<1x16xi32>
      tpu.vector_store %arg5[%swap3A_80, %swap3A_81], %swap3A_84 {strides = array<i32>} : memref<1x128xi32, #tpu.memory_space<vmem>>, vector<1x16xi32>,
      %get3A_85 = arith.index_cast %scan3A_34 : i32 to index
      %get3A_86 = arith.constant 64 : index
      %get3A_87 = tpu.vector_load %arg4[%get3A_85, %get3A_86] {strides = array<i32>} : memref<80x128xi32, #tpu.memory_space<vmem>>, vector<1x16xi32>,
      %get3A_88 = vector.shape_cast %get3A_87 : vector<1x16xi32> to vector<16xi32>
      %shift_right_logical3A_89 = arith.constant 14 : i32
      %shift_right_logical3A_90 = vector.broadcast %shift_right_logical3A_89 : i32 to vector<16xi32>
      %shift_right_logical3A_91 = arith.shrui %get3A_88, %shift_right_logical3A_90 : vector<16xi32>
      %swap3A_92 = arith.constant 0 : i32
      %swap3A_93 = arith.index_cast %swap3A_92 : i32 to index
      %swap3A_94 = arith.constant 64 : index
      %swap3A_95 = tpu.vector_load %arg5[%swap3A_93, %swap3A_94] {strides = array<i32>} : memref<1x128xi32, #tpu.memory_space<vmem>>, vector<1x16xi32>,
      %swap3A_96 = vector.shape_cast %swap3A_95 : vector<1x16xi32> to vector<16xi32>
      %swap3A_97 = vector.shape_cast %shift_right_logical3A_91 : vector<16xi32> to vector<1x16xi32>
      tpu.vector_store %arg5[%swap3A_93, %swap3A_94], %swap3A_97 {strides = array<i32>} : memref<1x128xi32, #tpu.memory_space<vmem>>, vector<1x16xi32>,
      %get3A_98 = arith.index_cast %scan3A_34 : i32 to index
      %get3A_99 = arith.constant 80 : index
      %get3A_100 = tpu.vector_load %arg4[%get3A_98, %get3A_99] {strides = array<i32>} : memref<80x128xi32, #tpu.memory_space<vmem>>, vector<1x16xi32>,
      %get3A_101 = vector.shape_cast %get3A_100 : vector<1x16xi32> to vector<16xi32>
      %shift_right_logical3A_102 = arith.constant 14 : i32
      %shift_right_logical3A_103 = vector.broadcast %shift_right_logical3A_102 : i32 to vector<16xi32>
      %shift_right_logical3A_104 = arith.shrui %get3A_101, %shift_right_logical3A_103 : vector<16xi32>
      %swap3A_105 = arith.constant 0 : i32
      %swap3A_106 = arith.index_cast %swap3A_105 : i32 to index
      %swap3A_107 = arith.constant 80 : index
      %swap3A_108 = tpu.vector_load %arg5[%swap3A_106, %swap3A_107] {strides = array<i32>} : memref<1x128xi32, #tpu.memory_space<vmem>>, vector<1x16xi32>,
      %swap3A_109 = vector.shape_cast %swap3A_108 : vector<1x16xi32> to vector<16xi32>
      %swap3A_110 = vector.shape_cast %shift_right_logical3A_104 : vector<16xi32> to vector<1x16xi32>
      tpu.vector_store %arg5[%swap3A_106, %swap3A_107], %swap3A_110 {strides = array<i32>} : memref<1x128xi32, #tpu.memory_space<vmem>>, vector<1x16xi32>,
      %get3A_111 = arith.index_cast %scan3A_34 : i32 to index
      %get3A_112 = arith.constant 96 : index
      %get3A_113 = tpu.vector_load %arg4[%get3A_111, %get3A_112] {strides = array<i32>} : memref<80x128xi32, #tpu.memory_space<vmem>>, vector<1x16xi32>,
      %get3A_114 = vector.shape_cast %get3A_113 : vector<1x16xi32> to vector<16xi32>
      %shift_right_logical3A_115 = arith.constant 14 : i32
      %shift_right_logical3A_116 = vector.broadcast %shift_right_logical3A_115 : i32 to vector<16xi32>
      %shift_right_logical3A_117 = arith.shrui %get3A_114, %shift_right_logical3A_116 : vector<16xi32>
      %swap3A_118 = arith.constant 0 : i32
      %swap3A_119 = arith.index_cast %swap3A_118 : i32 to index
      %swap3A_120 = arith.constant 96 : index
      %swap3A_121 = tpu.vector_load %arg5[%swap3A_119, %swap3A_120] {strides = array<i32>} : memref<1x128xi32, #tpu.memory_space<vmem>>, vector<1x16xi32>,
      %swap3A_122 = vector.shape_cast %swap3A_121 : vector<1x16xi32> to vector<16xi32>
      %swap3A_123 = vector.shape_cast %shift_right_logical3A_117 : vector<16xi32> to vector<1x16xi32>
      tpu.vector_store %arg5[%swap3A_119, %swap3A_120], %swap3A_123 {strides = array<i32>} : memref<1x128xi32, #tpu.memory_space<vmem>>, vector<1x16xi32>,
      %get3A_124 = arith.index_cast %scan3A_34 : i32 to index
      %get3A_125 = arith.constant 112 : index
      %get3A_126 = tpu.vector_load %arg4[%get3A_124, %get3A_125] {strides = array<i32>} : memref<80x128xi32, #tpu.memory_space<vmem>>, vector<1x16xi32>,
      %get3A_127 = vector.shape_cast %get3A_126 : vector<1x16xi32> to vector<16xi32>
      %shift_right_logical3A_128 = arith.constant 14 : i32
      %shift_right_logical3A_129 = vector.broadcast %shift_right_logical3A_128 : i32 to vector<16xi32>
      %shift_right_logical3A_130 = arith.shrui %get3A_127, %shift_right_logical3A_129 : vector<16xi32>
      %swap3A_131 = arith.constant 0 : i32
      %swap3A_132 = arith.index_cast %swap3A_131 : i32 to index
      %swap3A_133 = arith.constant 112 : index
      %swap3A_134 = tpu.vector_load %arg5[%swap3A_132, %swap3A_133] {strides = array<i32>} : memref<1x128xi32, #tpu.memory_space<vmem>>, vector<1x16xi32>,
      %swap3A_135 = vector.shape_cast %swap3A_134 : vector<1x16xi32> to vector<16xi32>
      %swap3A_136 = vector.shape_cast %shift_right_logical3A_130 : vector<16xi32> to vector<1x16xi32>
      tpu.vector_store %arg5[%swap3A_132, %swap3A_133], %swap3A_136 {strides = array<i32>} : memref<1x128xi32, #tpu.memory_space<vmem>>, vector<1x16xi32>,
      %run_scoped3A = arith.constant 0 : i32
      "tpu.region"() ({
        %run_scoped3A_138 = tpu.sem_alloc : memref<!tpu.dma_semaphore, #tpu.memory_space<semaphore_mem>>
        %dma_start3A = arith.constant 0 : i32
        %dma_start3A_139 = tpu.memref_slice %arg5[%run_scoped3A, %dma_start3A] : memref<1x128xi32, #tpu.memory_space<vmem>> -> memref<1x128xi32, #tpu.memory_space<vmem>>
        %dma_start3A_140 = tpu.memref_squeeze %dma_start3A_139 : memref<1x128xi32, #tpu.memory_space<vmem>> -> memref<128xi32, #tpu.memory_space<vmem>>
        %dma_start3A_141 = arith.constant 0 : i32
        %dma_start3A_142 = arith.constant 0 : i32
        %dma_start3A_143 = tpu.memref_slice %arg7[%dma_start3A_141, %dma_start3A_142] : memref<10112x128xf32, #tpu.memory_space<vmem_shared>> -> memref<10112x128xf32, #tpu.memory_space<vmem_shared>>
        tpu.enqueue_indirect_dma source(%arg6 : memref<128x128xf32, #tpu.memory_space<vmem>>) target(%dma_start3A_143 : memref<10112x128xf32, #tpu.memory_space<vmem_shared>>) offsets(%dma_start3A_140 : memref<128xi32, #tpu.memory_space<vmem>>) semaphore(%run_scoped3A_138 : memref<!tpu.dma_semaphore, #tpu.memory_space<semaphore_mem>>) {add = true}
        %dma_wait3A = arith.constant 0 : i32
        %dma_wait3A_144 = tpu.memref_slice %arg5[%run_scoped3A, %dma_wait3A] : memref<1x128xi32, #tpu.memory_space<vmem>> -> memref<1x128xi32, #tpu.memory_space<vmem>>
        %dma_wait3A_145 = tpu.memref_squeeze %dma_wait3A_144 : memref<1x128xi32, #tpu.memory_space<vmem>> -> memref<128xi32, #tpu.memory_space<vmem>>
        %dma_wait3A_146 = arith.constant 0 : i32
        %dma_wait3A_147 = arith.constant 0 : i32
        %dma_wait3A_148 = tpu.memref_slice %arg7[%dma_wait3A_146, %dma_wait3A_147] : memref<10112x128xf32, #tpu.memory_space<vmem_shared>> -> memref<10112x128xf32, #tpu.memory_space<vmem_shared>>
        tpu.wait_indirect_dma semaphore(%run_scoped3A_138 : memref<!tpu.dma_semaphore, #tpu.memory_space<semaphore_mem>>) src(%arg6 : memref<128x128xf32, #tpu.memory_space<vmem>>) dst(%dma_wait3A_148 : memref<10112x128xf32, #tpu.memory_space<vmem_shared>>)
        tpu.yield
      }) : () -> ()
      %scan3A_137 = arith.constant 0 : i32
      scf.yield %scan3A_137 : i32
    }
    %scan3A_32 = arith.constant 80 : i32
    %barrier3A_33 = arith.constant 0 : index
    tpu.barrier barrier_id(%barrier3A_33)
    "tpu.region"() ({
      %run_scoped3A = tpu.sem_alloc : memref<!tpu.dma_semaphore, #tpu.memory_space<semaphore_mem>>
      %dma_start3A = arith.constant 0 : i32
      %dma_start3A_34 = tpu.memref_slice %arg3[%arg0, %mul3A_8, %dma_start3A] : memref<2x10112x128xf32, #tpu.memory_space<hbm>> -> memref<1x632x128xf32, #tpu.memory_space<hbm>>
      %dma_start3A_35 = tpu.memref_squeeze %dma_start3A_34 : memref<1x632x128xf32, #tpu.memory_space<hbm>> -> memref<632x128xf32, #tpu.memory_space<hbm>>
      %dma_start3A_36 = arith.constant 0 : i32
      %dma_start3A_37 = tpu.memref_slice %arg7[%mul3A_8, %dma_start3A_36] : memref<10112x128xf32, #tpu.memory_space<vmem_shared>> -> memref<632x128xf32, #tpu.memory_space<vmem_shared>>
      tpu.enqueue_dma source(%dma_start3A_37 : memref<632x128xf32, #tpu.memory_space<vmem_shared>>) target(%dma_start3A_35 : memref<632x128xf32, #tpu.memory_space<hbm>>) target_semaphore(%run_scoped3A : memref<!tpu.dma_semaphore, #tpu.memory_space<semaphore_mem>>)
      %dma_wait3A = arith.constant 0 : i32
      %dma_wait3A_38 = tpu.memref_slice %arg3[%arg0, %mul3A_8, %dma_wait3A] : memref<2x10112x128xf32, #tpu.memory_space<hbm>> -> memref<1x632x128xf32, #tpu.memory_space<hbm>>
      %dma_wait3A_39 = tpu.memref_squeeze %dma_wait3A_38 : memref<1x632x128xf32, #tpu.memory_space<hbm>> -> memref<632x128xf32, #tpu.memory_space<hbm>>
      %dma_wait3A_40 = arith.constant 0 : i32
      %dma_wait3A_41 = tpu.memref_slice %arg7[%mul3A_8, %dma_wait3A_40] : memref<10112x128xf32, #tpu.memory_space<vmem_shared>> -> memref<632x128xf32, #tpu.memory_space<vmem_shared>>
      tpu.wait_dma2 semaphore(%run_scoped3A : memref<!tpu.dma_semaphore, #tpu.memory_space<semaphore_mem>>) src(%dma_wait3A_41 : memref<632x128xf32, #tpu.memory_space<vmem_shared>>) dst(%dma_wait3A_39 : memref<632x128xf32, #tpu.memory_space<hbm>>)
      tpu.yield
    }) : () -> ()
    return
  }
}

#map = affine_map<(d0, d1) -> (0, 0)>
#map1 = affine_map<(d0, d1) -> (0, 0, 0)>
module attributes {stable_mosaic.version = 14 : i64} {
  func.func @_sc_agg_body(%arg0: i32, %arg1: i32, %arg2: memref<10000x128xf32, #tpu.memory_space<hbm>>, %arg3: memref<32x80x128xi32, #tpu.memory_space<hbm>>, %arg4: memref<2x10112x128xf32, #tpu.memory_space<hbm>>, %arg5: memref<80x128xi32, #tpu.memory_space<vmem>>, %arg6: memref<2x128xi32, #tpu.memory_space<vmem>>, %arg7: memref<1x128xi32, #tpu.memory_space<vmem>>, %arg8: memref<128x128xf32, #tpu.memory_space<vmem>>, %arg9: memref<128x128xf32, #tpu.memory_space<vmem>>, %arg10: memref<10112x128xf32, #tpu.memory_space<vmem_shared>>, %arg11: memref<!tpu.dma_semaphore, #tpu.memory_space<semaphore_mem>>, %arg12: memref<!tpu.dma_semaphore, #tpu.memory_space<semaphore_mem>>) attributes {dimension_semantics = [#tpu.dimension_semantics<core_parallel>, #tpu.dimension_semantics<subcore_parallel>], iteration_bounds = array<i64: 2, 16>, scalar_prefetch = 0 : i64, scratch_operands = 8 : i64, tpu.core_type = #tpu.core_type<sc_vector_subcore>, window_params = [{transform_indices = #map}, {transform_indices = #map1}, {transform_indices = #map1}]} {
    %mul3A = arith.constant 16 : i32
    %mul3A_0 = arith.muli %arg0, %mul3A : i32
    %add3A = arith.addi %mul3A_0, %arg1 : i32
    "tpu.region"() ({
      %run_scoped3A = tpu.sem_alloc : memref<!tpu.dma_semaphore, #tpu.memory_space<semaphore_mem>>
      %dma_start3A_142 = arith.constant 0 : i32
      %dma_start3A_143 = arith.constant 0 : i32
      %dma_start3A_144 = tpu.memref_slice %arg3[%add3A, %dma_start3A_142, %dma_start3A_143] : memref<32x80x128xi32, #tpu.memory_space<hbm>> -> memref<1x80x128xi32, #tpu.memory_space<hbm>>
      %dma_start3A_145 = tpu.memref_squeeze %dma_start3A_144 : memref<1x80x128xi32, #tpu.memory_space<hbm>> -> memref<80x128xi32, #tpu.memory_space<hbm>>
      %dma_start3A_146 = arith.constant 0 : i32
      %dma_start3A_147 = arith.constant 0 : i32
      %dma_start3A_148 = tpu.memref_slice %arg3[%add3A, %dma_start3A_146, %dma_start3A_147] : memref<32x80x128xi32, #tpu.memory_space<hbm>> -> memref<1x80x128xi32, #tpu.memory_space<hbm>>
      %dma_start3A_149 = tpu.memref_squeeze %dma_start3A_148 : memref<1x80x128xi32, #tpu.memory_space<hbm>> -> memref<80x128xi32, #tpu.memory_space<hbm>>
      tpu.enqueue_dma source(%dma_start3A_149 : memref<80x128xi32, #tpu.memory_space<hbm>>) target(%arg5 : memref<80x128xi32, #tpu.memory_space<vmem>>) target_semaphore(%run_scoped3A : memref<!tpu.dma_semaphore, #tpu.memory_space<semaphore_mem>>)
      %dma_wait3A = arith.constant 0 : i32
      %dma_wait3A_150 = arith.constant 0 : i32
      %dma_wait3A_151 = tpu.memref_slice %arg3[%add3A, %dma_wait3A, %dma_wait3A_150] : memref<32x80x128xi32, #tpu.memory_space<hbm>> -> memref<1x80x128xi32, #tpu.memory_space<hbm>>
      %dma_wait3A_152 = tpu.memref_squeeze %dma_wait3A_151 : memref<1x80x128xi32, #tpu.memory_space<hbm>> -> memref<80x128xi32, #tpu.memory_space<hbm>>
      %dma_wait3A_153 = arith.constant 0 : i32
      %dma_wait3A_154 = arith.constant 0 : i32
      %dma_wait3A_155 = tpu.memref_slice %arg3[%add3A, %dma_wait3A_153, %dma_wait3A_154] : memref<32x80x128xi32, #tpu.memory_space<hbm>> -> memref<1x80x128xi32, #tpu.memory_space<hbm>>
      %dma_wait3A_156 = tpu.memref_squeeze %dma_wait3A_155 : memref<1x80x128xi32, #tpu.memory_space<hbm>> -> memref<80x128xi32, #tpu.memory_space<hbm>>
      tpu.wait_dma2 semaphore(%run_scoped3A : memref<!tpu.dma_semaphore, #tpu.memory_space<semaphore_mem>>) src(%dma_wait3A_156 : memref<80x128xi32, #tpu.memory_space<hbm>>) dst(%arg5 : memref<80x128xi32, #tpu.memory_space<vmem>>)
      tpu.yield
    }) : () -> ()
    %scan3A = arith.constant 0 : i32
    %scan3A_1 = arith.constant 0 : i32
    %scan3A_2 = arith.constant 128 : i32
    %scan3A_3 = arith.addi %scan3A_1, %scan3A_2 : i32
    %scan3A_4 = arith.constant 1 : i32
    %scan3A_5 = scf.for %scan3A_142 = %scan3A_1 to %scan3A_3 step %scan3A_4 iter_args(%scan3A_143 = %scan3A) -> (i32)  : i32 {
      %broadcast_in_dim3A = arith.constant 0.000000e+00 : f32
      %broadcast_in_dim3A_144 = vector.broadcast %broadcast_in_dim3A : f32 to vector<16xf32>
      %swap3A_145 = arith.index_cast %scan3A_142 : i32 to index
      %swap3A_146 = arith.constant 0 : index
      %swap3A_147 = tpu.vector_load %arg8[%swap3A_145, %swap3A_146] {strides = array<i32>} : memref<128x128xf32, #tpu.memory_space<vmem>>, vector<1x16xf32>,
      %swap3A_148 = vector.shape_cast %swap3A_147 : vector<1x16xf32> to vector<16xf32>
      %swap3A_149 = vector.shape_cast %broadcast_in_dim3A_144 : vector<16xf32> to vector<1x16xf32>
      tpu.vector_store %arg8[%swap3A_145, %swap3A_146], %swap3A_149 {strides = array<i32>} : memref<128x128xf32, #tpu.memory_space<vmem>>, vector<1x16xf32>,
      %broadcast_in_dim3A_150 = arith.constant 0.000000e+00 : f32
      %broadcast_in_dim3A_151 = vector.broadcast %broadcast_in_dim3A_150 : f32 to vector<16xf32>
      %swap3A_152 = arith.index_cast %scan3A_142 : i32 to index
      %swap3A_153 = arith.constant 16 : index
      %swap3A_154 = tpu.vector_load %arg8[%swap3A_152, %swap3A_153] {strides = array<i32>} : memref<128x128xf32, #tpu.memory_space<vmem>>, vector<1x16xf32>,
      %swap3A_155 = vector.shape_cast %swap3A_154 : vector<1x16xf32> to vector<16xf32>
      %swap3A_156 = vector.shape_cast %broadcast_in_dim3A_151 : vector<16xf32> to vector<1x16xf32>
      tpu.vector_store %arg8[%swap3A_152, %swap3A_153], %swap3A_156 {strides = array<i32>} : memref<128x128xf32, #tpu.memory_space<vmem>>, vector<1x16xf32>,
      %broadcast_in_dim3A_157 = arith.constant 0.000000e+00 : f32
      %broadcast_in_dim3A_158 = vector.broadcast %broadcast_in_dim3A_157 : f32 to vector<16xf32>
      %swap3A_159 = arith.index_cast %scan3A_142 : i32 to index
      %swap3A_160 = arith.constant 32 : index
      %swap3A_161 = tpu.vector_load %arg8[%swap3A_159, %swap3A_160] {strides = array<i32>} : memref<128x128xf32, #tpu.memory_space<vmem>>, vector<1x16xf32>,
      %swap3A_162 = vector.shape_cast %swap3A_161 : vector<1x16xf32> to vector<16xf32>
      %swap3A_163 = vector.shape_cast %broadcast_in_dim3A_158 : vector<16xf32> to vector<1x16xf32>
      tpu.vector_store %arg8[%swap3A_159, %swap3A_160], %swap3A_163 {strides = array<i32>} : memref<128x128xf32, #tpu.memory_space<vmem>>, vector<1x16xf32>,
      %broadcast_in_dim3A_164 = arith.constant 0.000000e+00 : f32
      %broadcast_in_dim3A_165 = vector.broadcast %broadcast_in_dim3A_164 : f32 to vector<16xf32>
      %swap3A_166 = arith.index_cast %scan3A_142 : i32 to index
      %swap3A_167 = arith.constant 48 : index
      %swap3A_168 = tpu.vector_load %arg8[%swap3A_166, %swap3A_167] {strides = array<i32>} : memref<128x128xf32, #tpu.memory_space<vmem>>, vector<1x16xf32>,
      %swap3A_169 = vector.shape_cast %swap3A_168 : vector<1x16xf32> to vector<16xf32>
      %swap3A_170 = vector.shape_cast %broadcast_in_dim3A_165 : vector<16xf32> to vector<1x16xf32>
      tpu.vector_store %arg8[%swap3A_166, %swap3A_167], %swap3A_170 {strides = array<i32>} : memref<128x128xf32, #tpu.memory_space<vmem>>, vector<1x16xf32>,
      %broadcast_in_dim3A_171 = arith.constant 0.000000e+00 : f32
      %broadcast_in_dim3A_172 = vector.broadcast %broadcast_in_dim3A_171 : f32 to vector<16xf32>
      %swap3A_173 = arith.index_cast %scan3A_142 : i32 to index
      %swap3A_174 = arith.constant 64 : index
      %swap3A_175 = tpu.vector_load %arg8[%swap3A_173, %swap3A_174] {strides = array<i32>} : memref<128x128xf32, #tpu.memory_space<vmem>>, vector<1x16xf32>,
      %swap3A_176 = vector.shape_cast %swap3A_175 : vector<1x16xf32> to vector<16xf32>
      %swap3A_177 = vector.shape_cast %broadcast_in_dim3A_172 : vector<16xf32> to vector<1x16xf32>
      tpu.vector_store %arg8[%swap3A_173, %swap3A_174], %swap3A_177 {strides = array<i32>} : memref<128x128xf32, #tpu.memory_space<vmem>>, vector<1x16xf32>,
      %broadcast_in_dim3A_178 = arith.constant 0.000000e+00 : f32
      %broadcast_in_dim3A_179 = vector.broadcast %broadcast_in_dim3A_178 : f32 to vector<16xf32>
      %swap3A_180 = arith.index_cast %scan3A_142 : i32 to index
      %swap3A_181 = arith.constant 80 : index
      %swap3A_182 = tpu.vector_load %arg8[%swap3A_180, %swap3A_181] {strides = array<i32>} : memref<128x128xf32, #tpu.memory_space<vmem>>, vector<1x16xf32>,
      %swap3A_183 = vector.shape_cast %swap3A_182 : vector<1x16xf32> to vector<16xf32>
      %swap3A_184 = vector.shape_cast %broadcast_in_dim3A_179 : vector<16xf32> to vector<1x16xf32>
      tpu.vector_store %arg8[%swap3A_180, %swap3A_181], %swap3A_184 {strides = array<i32>} : memref<128x128xf32, #tpu.memory_space<vmem>>, vector<1x16xf32>,
      %broadcast_in_dim3A_185 = arith.constant 0.000000e+00 : f32
      %broadcast_in_dim3A_186 = vector.broadcast %broadcast_in_dim3A_185 : f32 to vector<16xf32>
      %swap3A_187 = arith.index_cast %scan3A_142 : i32 to index
      %swap3A_188 = arith.constant 96 : index
      %swap3A_189 = tpu.vector_load %arg8[%swap3A_187, %swap3A_188] {strides = array<i32>} : memref<128x128xf32, #tpu.memory_space<vmem>>, vector<1x16xf32>,
      %swap3A_190 = vector.shape_cast %swap3A_189 : vector<1x16xf32> to vector<16xf32>
      %swap3A_191 = vector.shape_cast %broadcast_in_dim3A_186 : vector<16xf32> to vector<1x16xf32>
      tpu.vector_store %arg8[%swap3A_187, %swap3A_188], %swap3A_191 {strides = array<i32>} : memref<128x128xf32, #tpu.memory_space<vmem>>, vector<1x16xf32>,
      %broadcast_in_dim3A_192 = arith.constant 0.000000e+00 : f32
      %broadcast_in_dim3A_193 = vector.broadcast %broadcast_in_dim3A_192 : f32 to vector<16xf32>
      %swap3A_194 = arith.index_cast %scan3A_142 : i32 to index
      %swap3A_195 = arith.constant 112 : index
      %swap3A_196 = tpu.vector_load %arg8[%swap3A_194, %swap3A_195] {strides = array<i32>} : memref<128x128xf32, #tpu.memory_space<vmem>>, vector<1x16xf32>,
      %swap3A_197 = vector.shape_cast %swap3A_196 : vector<1x16xf32> to vector<16xf32>
      %swap3A_198 = vector.shape_cast %broadcast_in_dim3A_193 : vector<16xf32> to vector<1x16xf32>
      tpu.vector_store %arg8[%swap3A_194, %swap3A_195], %swap3A_198 {strides = array<i32>} : memref<128x128xf32, #tpu.memory_space<vmem>>, vector<1x16xf32>,
      %scan3A_199 = arith.constant 0 : i32
      scf.yield %scan3A_199 : i32
    }
    %scan3A_6 = arith.constant 128 : i32
    %mul3A_7 = arith.constant 632 : i32
    %mul3A_8 = arith.muli %arg1, %mul3A_7 : i32
    %add3A_9 = arith.constant 0 : i32
    %add3A_10 = arith.addi %mul3A_8, %add3A_9 : i32
    "tpu.region"() ({
      %run_scoped3A = tpu.sem_alloc : memref<!tpu.dma_semaphore, #tpu.memory_space<semaphore_mem>>
      %dma_start3A_142 = arith.constant 0 : i32
      %dma_start3A_143 = tpu.memref_slice %arg10[%add3A_10, %dma_start3A_142] : memref<10112x128xf32, #tpu.memory_space<vmem_shared>> -> memref<128x128xf32, #tpu.memory_space<vmem_shared>>
      %dma_start3A_144 = arith.constant 0 : i32
      %dma_start3A_145 = tpu.memref_slice %arg10[%add3A_10, %dma_start3A_144] : memref<10112x128xf32, #tpu.memory_space<vmem_shared>> -> memref<128x128xf32, #tpu.memory_space<vmem_shared>>
      tpu.enqueue_dma source(%arg8 : memref<128x128xf32, #tpu.memory_space<vmem>>) target(%dma_start3A_145 : memref<128x128xf32, #tpu.memory_space<vmem_shared>>) target_semaphore(%run_scoped3A : memref<!tpu.dma_semaphore, #tpu.memory_space<semaphore_mem>>)
      %dma_wait3A = arith.constant 0 : i32
      %dma_wait3A_146 = tpu.memref_slice %arg10[%add3A_10, %dma_wait3A] : memref<10112x128xf32, #tpu.memory_space<vmem_shared>> -> memref<128x128xf32, #tpu.memory_space<vmem_shared>>
      %dma_wait3A_147 = arith.constant 0 : i32
      %dma_wait3A_148 = tpu.memref_slice %arg10[%add3A_10, %dma_wait3A_147] : memref<10112x128xf32, #tpu.memory_space<vmem_shared>> -> memref<128x128xf32, #tpu.memory_space<vmem_shared>>
      tpu.wait_dma2 semaphore(%run_scoped3A : memref<!tpu.dma_semaphore, #tpu.memory_space<semaphore_mem>>) src(%arg8 : memref<128x128xf32, #tpu.memory_space<vmem>>) dst(%dma_wait3A_148 : memref<128x128xf32, #tpu.memory_space<vmem_shared>>)
      tpu.yield
    }) : () -> ()
    %add3A_11 = arith.constant 128 : i32
    %add3A_12 = arith.addi %mul3A_8, %add3A_11 : i32
    "tpu.region"() ({
      %run_scoped3A = tpu.sem_alloc : memref<!tpu.dma_semaphore, #tpu.memory_space<semaphore_mem>>
      %dma_start3A_142 = arith.constant 0 : i32
      %dma_start3A_143 = tpu.memref_slice %arg10[%add3A_12, %dma_start3A_142] : memref<10112x128xf32, #tpu.memory_space<vmem_shared>> -> memref<128x128xf32, #tpu.memory_space<vmem_shared>>
      %dma_start3A_144 = arith.constant 0 : i32
      %dma_start3A_145 = tpu.memref_slice %arg10[%add3A_12, %dma_start3A_144] : memref<10112x128xf32, #tpu.memory_space<vmem_shared>> -> memref<128x128xf32, #tpu.memory_space<vmem_shared>>
      tpu.enqueue_dma source(%arg8 : memref<128x128xf32, #tpu.memory_space<vmem>>) target(%dma_start3A_145 : memref<128x128xf32, #tpu.memory_space<vmem_shared>>) target_semaphore(%run_scoped3A : memref<!tpu.dma_semaphore, #tpu.memory_space<semaphore_mem>>)
      %dma_wait3A = arith.constant 0 : i32
      %dma_wait3A_146 = tpu.memref_slice %arg10[%add3A_12, %dma_wait3A] : memref<10112x128xf32, #tpu.memory_space<vmem_shared>> -> memref<128x128xf32, #tpu.memory_space<vmem_shared>>
      %dma_wait3A_147 = arith.constant 0 : i32
      %dma_wait3A_148 = tpu.memref_slice %arg10[%add3A_12, %dma_wait3A_147] : memref<10112x128xf32, #tpu.memory_space<vmem_shared>> -> memref<128x128xf32, #tpu.memory_space<vmem_shared>>
      tpu.wait_dma2 semaphore(%run_scoped3A : memref<!tpu.dma_semaphore, #tpu.memory_space<semaphore_mem>>) src(%arg8 : memref<128x128xf32, #tpu.memory_space<vmem>>) dst(%dma_wait3A_148 : memref<128x128xf32, #tpu.memory_space<vmem_shared>>)
      tpu.yield
    }) : () -> ()
    %add3A_13 = arith.constant 256 : i32
    %add3A_14 = arith.addi %mul3A_8, %add3A_13 : i32
    "tpu.region"() ({
      %run_scoped3A = tpu.sem_alloc : memref<!tpu.dma_semaphore, #tpu.memory_space<semaphore_mem>>
      %dma_start3A_142 = arith.constant 0 : i32
      %dma_start3A_143 = tpu.memref_slice %arg10[%add3A_14, %dma_start3A_142] : memref<10112x128xf32, #tpu.memory_space<vmem_shared>> -> memref<128x128xf32, #tpu.memory_space<vmem_shared>>
      %dma_start3A_144 = arith.constant 0 : i32
      %dma_start3A_145 = tpu.memref_slice %arg10[%add3A_14, %dma_start3A_144] : memref<10112x128xf32, #tpu.memory_space<vmem_shared>> -> memref<128x128xf32, #tpu.memory_space<vmem_shared>>
      tpu.enqueue_dma source(%arg8 : memref<128x128xf32, #tpu.memory_space<vmem>>) target(%dma_start3A_145 : memref<128x128xf32, #tpu.memory_space<vmem_shared>>) target_semaphore(%run_scoped3A : memref<!tpu.dma_semaphore, #tpu.memory_space<semaphore_mem>>)
      %dma_wait3A = arith.constant 0 : i32
      %dma_wait3A_146 = tpu.memref_slice %arg10[%add3A_14, %dma_wait3A] : memref<10112x128xf32, #tpu.memory_space<vmem_shared>> -> memref<128x128xf32, #tpu.memory_space<vmem_shared>>
      %dma_wait3A_147 = arith.constant 0 : i32
      %dma_wait3A_148 = tpu.memref_slice %arg10[%add3A_14, %dma_wait3A_147] : memref<10112x128xf32, #tpu.memory_space<vmem_shared>> -> memref<128x128xf32, #tpu.memory_space<vmem_shared>>
      tpu.wait_dma2 semaphore(%run_scoped3A : memref<!tpu.dma_semaphore, #tpu.memory_space<semaphore_mem>>) src(%arg8 : memref<128x128xf32, #tpu.memory_space<vmem>>) dst(%dma_wait3A_148 : memref<128x128xf32, #tpu.memory_space<vmem_shared>>)
      tpu.yield
    }) : () -> ()
    %add3A_15 = arith.constant 384 : i32
    %add3A_16 = arith.addi %mul3A_8, %add3A_15 : i32
    "tpu.region"() ({
      %run_scoped3A = tpu.sem_alloc : memref<!tpu.dma_semaphore, #tpu.memory_space<semaphore_mem>>
      %dma_start3A_142 = arith.constant 0 : i32
      %dma_start3A_143 = tpu.memref_slice %arg10[%add3A_16, %dma_start3A_142] : memref<10112x128xf32, #tpu.memory_space<vmem_shared>> -> memref<128x128xf32, #tpu.memory_space<vmem_shared>>
      %dma_start3A_144 = arith.constant 0 : i32
      %dma_start3A_145 = tpu.memref_slice %arg10[%add3A_16, %dma_start3A_144] : memref<10112x128xf32, #tpu.memory_space<vmem_shared>> -> memref<128x128xf32, #tpu.memory_space<vmem_shared>>
      tpu.enqueue_dma source(%arg8 : memref<128x128xf32, #tpu.memory_space<vmem>>) target(%dma_start3A_145 : memref<128x128xf32, #tpu.memory_space<vmem_shared>>) target_semaphore(%run_scoped3A : memref<!tpu.dma_semaphore, #tpu.memory_space<semaphore_mem>>)
      %dma_wait3A = arith.constant 0 : i32
      %dma_wait3A_146 = tpu.memref_slice %arg10[%add3A_16, %dma_wait3A] : memref<10112x128xf32, #tpu.memory_space<vmem_shared>> -> memref<128x128xf32, #tpu.memory_space<vmem_shared>>
      %dma_wait3A_147 = arith.constant 0 : i32
      %dma_wait3A_148 = tpu.memref_slice %arg10[%add3A_16, %dma_wait3A_147] : memref<10112x128xf32, #tpu.memory_space<vmem_shared>> -> memref<128x128xf32, #tpu.memory_space<vmem_shared>>
      tpu.wait_dma2 semaphore(%run_scoped3A : memref<!tpu.dma_semaphore, #tpu.memory_space<semaphore_mem>>) src(%arg8 : memref<128x128xf32, #tpu.memory_space<vmem>>) dst(%dma_wait3A_148 : memref<128x128xf32, #tpu.memory_space<vmem_shared>>)
      tpu.yield
    }) : () -> ()
    %add3A_17 = arith.constant 512 : i32
    %add3A_18 = arith.addi %mul3A_8, %add3A_17 : i32
    "tpu.region"() ({
      %run_scoped3A = tpu.sem_alloc : memref<!tpu.dma_semaphore, #tpu.memory_space<semaphore_mem>>
      %dma_start3A_142 = arith.constant 0 : i32
      %dma_start3A_143 = arith.constant 0 : i32
      %dma_start3A_144 = tpu.memref_slice %arg8[%dma_start3A_142, %dma_start3A_143] : memref<128x128xf32, #tpu.memory_space<vmem>> -> memref<120x128xf32, #tpu.memory_space<vmem>>
      %dma_start3A_145 = arith.constant 0 : i32
      %dma_start3A_146 = tpu.memref_slice %arg10[%add3A_18, %dma_start3A_145] : memref<10112x128xf32, #tpu.memory_space<vmem_shared>> -> memref<120x128xf32, #tpu.memory_space<vmem_shared>>
      %dma_start3A_147 = arith.constant 0 : i32
      %dma_start3A_148 = tpu.memref_slice %arg10[%add3A_18, %dma_start3A_147] : memref<10112x128xf32, #tpu.memory_space<vmem_shared>> -> memref<120x128xf32, #tpu.memory_space<vmem_shared>>
      %dma_start3A_149 = arith.constant 0 : i32
      %dma_start3A_150 = arith.constant 0 : i32
      %dma_start3A_151 = tpu.memref_slice %arg8[%dma_start3A_149, %dma_start3A_150] : memref<128x128xf32, #tpu.memory_space<vmem>> -> memref<120x128xf32, #tpu.memory_space<vmem>>
      tpu.enqueue_dma source(%dma_start3A_151 : memref<120x128xf32, #tpu.memory_space<vmem>>) target(%dma_start3A_148 : memref<120x128xf32, #tpu.memory_space<vmem_shared>>) target_semaphore(%run_scoped3A : memref<!tpu.dma_semaphore, #tpu.memory_space<semaphore_mem>>)
      %dma_wait3A = arith.constant 0 : i32
      %dma_wait3A_152 = arith.constant 0 : i32
      %dma_wait3A_153 = tpu.memref_slice %arg8[%dma_wait3A, %dma_wait3A_152] : memref<128x128xf32, #tpu.memory_space<vmem>> -> memref<120x128xf32, #tpu.memory_space<vmem>>
      %dma_wait3A_154 = arith.constant 0 : i32
      %dma_wait3A_155 = tpu.memref_slice %arg10[%add3A_18, %dma_wait3A_154] : memref<10112x128xf32, #tpu.memory_space<vmem_shared>> -> memref<120x128xf32, #tpu.memory_space<vmem_shared>>
      %dma_wait3A_156 = arith.constant 0 : i32
      %dma_wait3A_157 = tpu.memref_slice %arg10[%add3A_18, %dma_wait3A_156] : memref<10112x128xf32, #tpu.memory_space<vmem_shared>> -> memref<120x128xf32, #tpu.memory_space<vmem_shared>>
      %dma_wait3A_158 = arith.constant 0 : i32
      %dma_wait3A_159 = arith.constant 0 : i32
      %dma_wait3A_160 = tpu.memref_slice %arg8[%dma_wait3A_158, %dma_wait3A_159] : memref<128x128xf32, #tpu.memory_space<vmem>> -> memref<120x128xf32, #tpu.memory_space<vmem>>
      tpu.wait_dma2 semaphore(%run_scoped3A : memref<!tpu.dma_semaphore, #tpu.memory_space<semaphore_mem>>) src(%dma_wait3A_160 : memref<120x128xf32, #tpu.memory_space<vmem>>) dst(%dma_wait3A_157 : memref<120x128xf32, #tpu.memory_space<vmem_shared>>)
      tpu.yield
    }) : () -> ()
    %barrier3A = arith.constant 0 : index
    tpu.barrier barrier_id(%barrier3A)
    %get3A = arith.constant 0 : i32
    %get3A_19 = arith.index_cast %get3A : i32 to index
    %get3A_20 = arith.constant 0 : index
    %get3A_21 = tpu.vector_load %arg5[%get3A_19, %get3A_20] {strides = array<i32>} : memref<80x128xi32, #tpu.memory_space<vmem>>, vector<1x16xi32>,
    %get3A_22 = vector.shape_cast %get3A_21 : vector<1x16xi32> to vector<16xi32>
    %and3A = arith.constant 16383 : i32
    %and3A_23 = vector.broadcast %and3A : i32 to vector<16xi32>
    %and3A_24 = arith.andi %get3A_22, %and3A_23 : vector<16xi32>
    %swap3A = arith.constant 0 : i32
    %swap3A_25 = arith.index_cast %swap3A : i32 to index
    %swap3A_26 = arith.constant 0 : index
    %swap3A_27 = tpu.vector_load %arg6[%swap3A_25, %swap3A_26] {strides = array<i32>} : memref<2x128xi32, #tpu.memory_space<vmem>>, vector<1x16xi32>,
    %swap3A_28 = vector.shape_cast %swap3A_27 : vector<1x16xi32> to vector<16xi32>
    %swap3A_29 = vector.shape_cast %and3A_24 : vector<16xi32> to vector<1x16xi32>
    tpu.vector_store %arg6[%swap3A_25, %swap3A_26], %swap3A_29 {strides = array<i32>} : memref<2x128xi32, #tpu.memory_space<vmem>>, vector<1x16xi32>,
    %get3A_30 = arith.constant 0 : i32
    %get3A_31 = arith.index_cast %get3A_30 : i32 to index
    %get3A_32 = arith.constant 16 : index
    %get3A_33 = tpu.vector_load %arg5[%get3A_31, %get3A_32] {strides = array<i32>} : memref<80x128xi32, #tpu.memory_space<vmem>>, vector<1x16xi32>,
    %get3A_34 = vector.shape_cast %get3A_33 : vector<1x16xi32> to vector<16xi32>
    %and3A_35 = arith.constant 16383 : i32
    %and3A_36 = vector.broadcast %and3A_35 : i32 to vector<16xi32>
    %and3A_37 = arith.andi %get3A_34, %and3A_36 : vector<16xi32>
    %swap3A_38 = arith.constant 0 : i32
    %swap3A_39 = arith.index_cast %swap3A_38 : i32 to index
    %swap3A_40 = arith.constant 16 : index
    %swap3A_41 = tpu.vector_load %arg6[%swap3A_39, %swap3A_40] {strides = array<i32>} : memref<2x128xi32, #tpu.memory_space<vmem>>, vector<1x16xi32>,
    %swap3A_42 = vector.shape_cast %swap3A_41 : vector<1x16xi32> to vector<16xi32>
    %swap3A_43 = vector.shape_cast %and3A_37 : vector<16xi32> to vector<1x16xi32>
    tpu.vector_store %arg6[%swap3A_39, %swap3A_40], %swap3A_43 {strides = array<i32>} : memref<2x128xi32, #tpu.memory_space<vmem>>, vector<1x16xi32>,
    %get3A_44 = arith.constant 0 : i32
    %get3A_45 = arith.index_cast %get3A_44 : i32 to index
    %get3A_46 = arith.constant 32 : index
    %get3A_47 = tpu.vector_load %arg5[%get3A_45, %get3A_46] {strides = array<i32>} : memref<80x128xi32, #tpu.memory_space<vmem>>, vector<1x16xi32>,
    %get3A_48 = vector.shape_cast %get3A_47 : vector<1x16xi32> to vector<16xi32>
    %and3A_49 = arith.constant 16383 : i32
    %and3A_50 = vector.broadcast %and3A_49 : i32 to vector<16xi32>
    %and3A_51 = arith.andi %get3A_48, %and3A_50 : vector<16xi32>
    %swap3A_52 = arith.constant 0 : i32
    %swap3A_53 = arith.index_cast %swap3A_52 : i32 to index
    %swap3A_54 = arith.constant 32 : index
    %swap3A_55 = tpu.vector_load %arg6[%swap3A_53, %swap3A_54] {strides = array<i32>} : memref<2x128xi32, #tpu.memory_space<vmem>>, vector<1x16xi32>,
    %swap3A_56 = vector.shape_cast %swap3A_55 : vector<1x16xi32> to vector<16xi32>
    %swap3A_57 = vector.shape_cast %and3A_51 : vector<16xi32> to vector<1x16xi32>
    tpu.vector_store %arg6[%swap3A_53, %swap3A_54], %swap3A_57 {strides = array<i32>} : memref<2x128xi32, #tpu.memory_space<vmem>>, vector<1x16xi32>,
    %get3A_58 = arith.constant 0 : i32
    %get3A_59 = arith.index_cast %get3A_58 : i32 to index
    %get3A_60 = arith.constant 48 : index
    %get3A_61 = tpu.vector_load %arg5[%get3A_59, %get3A_60] {strides = array<i32>} : memref<80x128xi32, #tpu.memory_space<vmem>>, vector<1x16xi32>,
    %get3A_62 = vector.shape_cast %get3A_61 : vector<1x16xi32> to vector<16xi32>
    %and3A_63 = arith.constant 16383 : i32
    %and3A_64 = vector.broadcast %and3A_63 : i32 to vector<16xi32>
    %and3A_65 = arith.andi %get3A_62, %and3A_64 : vector<16xi32>
    %swap3A_66 = arith.constant 0 : i32
    %swap3A_67 = arith.index_cast %swap3A_66 : i32 to index
    %swap3A_68 = arith.constant 48 : index
    %swap3A_69 = tpu.vector_load %arg6[%swap3A_67, %swap3A_68] {strides = array<i32>} : memref<2x128xi32, #tpu.memory_space<vmem>>, vector<1x16xi32>,
    %swap3A_70 = vector.shape_cast %swap3A_69 : vector<1x16xi32> to vector<16xi32>
    %swap3A_71 = vector.shape_cast %and3A_65 : vector<16xi32> to vector<1x16xi32>
    tpu.vector_store %arg6[%swap3A_67, %swap3A_68], %swap3A_71 {strides = array<i32>} : memref<2x128xi32, #tpu.memory_space<vmem>>, vector<1x16xi32>,
    %get3A_72 = arith.constant 0 : i32
    %get3A_73 = arith.index_cast %get3A_72 : i32 to index
    %get3A_74 = arith.constant 64 : index
    %get3A_75 = tpu.vector_load %arg5[%get3A_73, %get3A_74] {strides = array<i32>} : memref<80x128xi32, #tpu.memory_space<vmem>>, vector<1x16xi32>,
    %get3A_76 = vector.shape_cast %get3A_75 : vector<1x16xi32> to vector<16xi32>
    %and3A_77 = arith.constant 16383 : i32
    %and3A_78 = vector.broadcast %and3A_77 : i32 to vector<16xi32>
    %and3A_79 = arith.andi %get3A_76, %and3A_78 : vector<16xi32>
    %swap3A_80 = arith.constant 0 : i32
    %swap3A_81 = arith.index_cast %swap3A_80 : i32 to index
    %swap3A_82 = arith.constant 64 : index
    %swap3A_83 = tpu.vector_load %arg6[%swap3A_81, %swap3A_82] {strides = array<i32>} : memref<2x128xi32, #tpu.memory_space<vmem>>, vector<1x16xi32>,
    %swap3A_84 = vector.shape_cast %swap3A_83 : vector<1x16xi32> to vector<16xi32>
    %swap3A_85 = vector.shape_cast %and3A_79 : vector<16xi32> to vector<1x16xi32>
    tpu.vector_store %arg6[%swap3A_81, %swap3A_82], %swap3A_85 {strides = array<i32>} : memref<2x128xi32, #tpu.memory_space<vmem>>, vector<1x16xi32>,
    %get3A_86 = arith.constant 0 : i32
    %get3A_87 = arith.index_cast %get3A_86 : i32 to index
    %get3A_88 = arith.constant 80 : index
    %get3A_89 = tpu.vector_load %arg5[%get3A_87, %get3A_88] {strides = array<i32>} : memref<80x128xi32, #tpu.memory_space<vmem>>, vector<1x16xi32>,
    %get3A_90 = vector.shape_cast %get3A_89 : vector<1x16xi32> to vector<16xi32>
    %and3A_91 = arith.constant 16383 : i32
    %and3A_92 = vector.broadcast %and3A_91 : i32 to vector<16xi32>
    %and3A_93 = arith.andi %get3A_90, %and3A_92 : vector<16xi32>
    %swap3A_94 = arith.constant 0 : i32
    %swap3A_95 = arith.index_cast %swap3A_94 : i32 to index
    %swap3A_96 = arith.constant 80 : index
    %swap3A_97 = tpu.vector_load %arg6[%swap3A_95, %swap3A_96] {strides = array<i32>} : memref<2x128xi32, #tpu.memory_space<vmem>>, vector<1x16xi32>,
    %swap3A_98 = vector.shape_cast %swap3A_97 : vector<1x16xi32> to vector<16xi32>
    %swap3A_99 = vector.shape_cast %and3A_93 : vector<16xi32> to vector<1x16xi32>
    tpu.vector_store %arg6[%swap3A_95, %swap3A_96], %swap3A_99 {strides = array<i32>} : memref<2x128xi32, #tpu.memory_space<vmem>>, vector<1x16xi32>,
    %get3A_100 = arith.constant 0 : i32
    %get3A_101 = arith.index_cast %get3A_100 : i32 to index
    %get3A_102 = arith.constant 96 : index
    %get3A_103 = tpu.vector_load %arg5[%get3A_101, %get3A_102] {strides = array<i32>} : memref<80x128xi32, #tpu.memory_space<vmem>>, vector<1x16xi32>,
    %get3A_104 = vector.shape_cast %get3A_103 : vector<1x16xi32> to vector<16xi32>
    %and3A_105 = arith.constant 16383 : i32
    %and3A_106 = vector.broadcast %and3A_105 : i32 to vector<16xi32>
    %and3A_107 = arith.andi %get3A_104, %and3A_106 : vector<16xi32>
    %swap3A_108 = arith.constant 0 : i32
    %swap3A_109 = arith.index_cast %swap3A_108 : i32 to index
    %swap3A_110 = arith.constant 96 : index
    %swap3A_111 = tpu.vector_load %arg6[%swap3A_109, %swap3A_110] {strides = array<i32>} : memref<2x128xi32, #tpu.memory_space<vmem>>, vector<1x16xi32>,
    %swap3A_112 = vector.shape_cast %swap3A_111 : vector<1x16xi32> to vector<16xi32>
    %swap3A_113 = vector.shape_cast %and3A_107 : vector<16xi32> to vector<1x16xi32>
    tpu.vector_store %arg6[%swap3A_109, %swap3A_110], %swap3A_113 {strides = array<i32>} : memref<2x128xi32, #tpu.memory_space<vmem>>, vector<1x16xi32>,
    %get3A_114 = arith.constant 0 : i32
    %get3A_115 = arith.index_cast %get3A_114 : i32 to index
    %get3A_116 = arith.constant 112 : index
    %get3A_117 = tpu.vector_load %arg5[%get3A_115, %get3A_116] {strides = array<i32>} : memref<80x128xi32, #tpu.memory_space<vmem>>, vector<1x16xi32>,
    %get3A_118 = vector.shape_cast %get3A_117 : vector<1x16xi32> to vector<16xi32>
    %and3A_119 = arith.constant 16383 : i32
    %and3A_120 = vector.broadcast %and3A_119 : i32 to vector<16xi32>
    %and3A_121 = arith.andi %get3A_118, %and3A_120 : vector<16xi32>
    %swap3A_122 = arith.constant 0 : i32
    %swap3A_123 = arith.index_cast %swap3A_122 : i32 to index
    %swap3A_124 = arith.constant 112 : index
    %swap3A_125 = tpu.vector_load %arg6[%swap3A_123, %swap3A_124] {strides = array<i32>} : memref<2x128xi32, #tpu.memory_space<vmem>>, vector<1x16xi32>,
    %swap3A_126 = vector.shape_cast %swap3A_125 : vector<1x16xi32> to vector<16xi32>
    %swap3A_127 = vector.shape_cast %and3A_121 : vector<16xi32> to vector<1x16xi32>
    tpu.vector_store %arg6[%swap3A_123, %swap3A_124], %swap3A_127 {strides = array<i32>} : memref<2x128xi32, #tpu.memory_space<vmem>>, vector<1x16xi32>,
    %dma_start3A = arith.constant 0 : i32
    %dma_start3A_128 = arith.constant 0 : i32
    %dma_start3A_129 = tpu.memref_slice %arg6[%dma_start3A, %dma_start3A_128] : memref<2x128xi32, #tpu.memory_space<vmem>> -> memref<1x128xi32, #tpu.memory_space<vmem>>
    %dma_start3A_130 = tpu.memref_squeeze %dma_start3A_129 : memref<1x128xi32, #tpu.memory_space<vmem>> -> memref<128xi32, #tpu.memory_space<vmem>>
    %dma_start3A_131 = arith.constant 0 : i32
    %dma_start3A_132 = arith.constant 0 : i32
    %dma_start3A_133 = tpu.memref_slice %arg2[%dma_start3A_131, %dma_start3A_132] : memref<10000x128xf32, #tpu.memory_space<hbm>> -> memref<10000x128xf32, #tpu.memory_space<hbm>>
    tpu.enqueue_indirect_dma source(%dma_start3A_133 : memref<10000x128xf32, #tpu.memory_space<hbm>>) target(%arg8 : memref<128x128xf32, #tpu.memory_space<vmem>>) offsets(%dma_start3A_130 : memref<128xi32, #tpu.memory_space<vmem>>) semaphore(%arg11 : memref<!tpu.dma_semaphore, #tpu.memory_space<semaphore_mem>>)
    %scan3A_134 = arith.constant 0 : i32
    %scan3A_135 = arith.constant 0 : i32
    %scan3A_136 = arith.constant 80 : i32
    %scan3A_137 = arith.addi %scan3A_135, %scan3A_136 : i32
    %scan3A_138 = arith.constant 1 : i32
    %scan3A_139 = scf.for %scan3A_142 = %scan3A_135 to %scan3A_137 step %scan3A_138 iter_args(%scan3A_143 = %scan3A_134) -> (i32)  : i32 {
      %jit3A = arith.constant 2 : i32
      %eq3A = arith.constant 0 : i32
      %eq3A_144 = arith.cmpi eq, %jit3A, %eq3A : i32
      %jit3A_145 = arith.constant 1 : i32
      %select_n3A = arith.select %eq3A_144, %jit3A_145, %jit3A : i32
      %rem3A = arith.remsi %scan3A_142, %select_n3A : i32
      %ne3A = arith.constant 0 : i32
      %ne3A_146 = arith.cmpi ne, %rem3A, %ne3A : i32
      %lt3A = arith.constant 0 : i32
      %lt3A_147 = arith.cmpi slt, %rem3A, %lt3A : i32
      %lt3A_148 = arith.constant 0 : i32
      %lt3A_149 = arith.cmpi slt, %select_n3A, %lt3A_148 : i32
      %ne3A_150 = arith.xori %lt3A_147, %lt3A_149 : i1
      %and3A_151 = arith.andi %ne3A_150, %ne3A_146 : i1
      %add3A_152 = arith.addi %rem3A, %select_n3A : i32
      %select_n3A_153 = arith.select %and3A_151, %add3A_152, %rem3A : i32
      %eq3A_154 = arith.constant 0 : i32
      %eq3A_155 = arith.cmpi eq, %select_n3A_153, %eq3A_154 : i32
      %convert_element_type3A = arith.extui %eq3A_155 : i1 to i32
      %cond3A = arith.constant 0 : i32
      %cond3A_156 = arith.cmpi ne, %convert_element_type3A, %cond3A : i32
      scf.if %cond3A_156 {
        %dma_wait3A = arith.constant 0 : i32
        %dma_wait3A_179 = arith.constant 0 : i32
        %dma_wait3A_180 = tpu.memref_slice %arg6[%dma_wait3A, %dma_wait3A_179] : memref<2x128xi32, #tpu.memory_space<vmem>> -> memref<1x128xi32, #tpu.memory_space<vmem>>
        %dma_wait3A_181 = tpu.memref_squeeze %dma_wait3A_180 : memref<1x128xi32, #tpu.memory_space<vmem>> -> memref<128xi32, #tpu.memory_space<vmem>>
        %dma_wait3A_182 = arith.constant 0 : i32
        %dma_wait3A_183 = arith.constant 0 : i32
        %dma_wait3A_184 = tpu.memref_slice %arg2[%dma_wait3A_182, %dma_wait3A_183] : memref<10000x128xf32, #tpu.memory_space<hbm>> -> memref<10000x128xf32, #tpu.memory_space<hbm>>
        tpu.wait_indirect_dma semaphore(%arg11 : memref<!tpu.dma_semaphore, #tpu.memory_space<semaphore_mem>>) src(%dma_wait3A_184 : memref<10000x128xf32, #tpu.memory_space<hbm>>) dst(%arg8 : memref<128x128xf32, #tpu.memory_space<vmem>>)
        %add3A_185 = arith.constant 1 : i32
        %add3A_186 = arith.addi %scan3A_142, %add3A_185 : i32
        %lt3A_187 = arith.constant 80 : i32
        %lt3A_188 = arith.cmpi slt, %add3A_186, %lt3A_187 : i32
        %convert_element_type3A_189 = arith.extui %lt3A_188 : i1 to i32
        %cond3A_190 = arith.constant 0 : i32
        %cond3A_191 = arith.cmpi ne, %convert_element_type3A_189, %cond3A_190 : i32
        scf.if %cond3A_191 {
          %add3A_295 = arith.constant 1 : i32
          %add3A_296 = arith.addi %scan3A_142, %add3A_295 : i32
          %get3A_297 = arith.index_cast %add3A_296 : i32 to index
          %get3A_298 = arith.constant 0 : index
          %get3A_299 = tpu.vector_load %arg5[%get3A_297, %get3A_298] {strides = array<i32>} : memref<80x128xi32, #tpu.memory_space<vmem>>, vector<1x16xi32>,
          %get3A_300 = vector.shape_cast %get3A_299 : vector<1x16xi32> to vector<16xi32>
          %and3A_301 = arith.constant 16383 : i32
          %and3A_302 = vector.broadcast %and3A_301 : i32 to vector<16xi32>
          %and3A_303 = arith.andi %get3A_300, %and3A_302 : vector<16xi32>
          %swap3A_304 = arith.constant 1 : i32
          %swap3A_305 = arith.index_cast %swap3A_304 : i32 to index
          %swap3A_306 = arith.constant 0 : index
          %swap3A_307 = tpu.vector_load %arg6[%swap3A_305, %swap3A_306] {strides = array<i32>} : memref<2x128xi32, #tpu.memory_space<vmem>>, vector<1x16xi32>,
          %swap3A_308 = vector.shape_cast %swap3A_307 : vector<1x16xi32> to vector<16xi32>
          %swap3A_309 = vector.shape_cast %and3A_303 : vector<16xi32> to vector<1x16xi32>
          tpu.vector_store %arg6[%swap3A_305, %swap3A_306], %swap3A_309 {strides = array<i32>} : memref<2x128xi32, #tpu.memory_space<vmem>>, vector<1x16xi32>,
          %get3A_310 = arith.index_cast %add3A_296 : i32 to index
          %get3A_311 = arith.constant 16 : index
          %get3A_312 = tpu.vector_load %arg5[%get3A_310, %get3A_311] {strides = array<i32>} : memref<80x128xi32, #tpu.memory_space<vmem>>, vector<1x16xi32>,
          %get3A_313 = vector.shape_cast %get3A_312 : vector<1x16xi32> to vector<16xi32>
          %and3A_314 = arith.constant 16383 : i32
          %and3A_315 = vector.broadcast %and3A_314 : i32 to vector<16xi32>
          %and3A_316 = arith.andi %get3A_313, %and3A_315 : vector<16xi32>
          %swap3A_317 = arith.constant 1 : i32
          %swap3A_318 = arith.index_cast %swap3A_317 : i32 to index
          %swap3A_319 = arith.constant 16 : index
          %swap3A_320 = tpu.vector_load %arg6[%swap3A_318, %swap3A_319] {strides = array<i32>} : memref<2x128xi32, #tpu.memory_space<vmem>>, vector<1x16xi32>,
          %swap3A_321 = vector.shape_cast %swap3A_320 : vector<1x16xi32> to vector<16xi32>
          %swap3A_322 = vector.shape_cast %and3A_316 : vector<16xi32> to vector<1x16xi32>
          tpu.vector_store %arg6[%swap3A_318, %swap3A_319], %swap3A_322 {strides = array<i32>} : memref<2x128xi32, #tpu.memory_space<vmem>>, vector<1x16xi32>,
          %get3A_323 = arith.index_cast %add3A_296 : i32 to index
          %get3A_324 = arith.constant 32 : index
          %get3A_325 = tpu.vector_load %arg5[%get3A_323, %get3A_324] {strides = array<i32>} : memref<80x128xi32, #tpu.memory_space<vmem>>, vector<1x16xi32>,
          %get3A_326 = vector.shape_cast %get3A_325 : vector<1x16xi32> to vector<16xi32>
          %and3A_327 = arith.constant 16383 : i32
          %and3A_328 = vector.broadcast %and3A_327 : i32 to vector<16xi32>
          %and3A_329 = arith.andi %get3A_326, %and3A_328 : vector<16xi32>
          %swap3A_330 = arith.constant 1 : i32
          %swap3A_331 = arith.index_cast %swap3A_330 : i32 to index
          %swap3A_332 = arith.constant 32 : index
          %swap3A_333 = tpu.vector_load %arg6[%swap3A_331, %swap3A_332] {strides = array<i32>} : memref<2x128xi32, #tpu.memory_space<vmem>>, vector<1x16xi32>,
          %swap3A_334 = vector.shape_cast %swap3A_333 : vector<1x16xi32> to vector<16xi32>
          %swap3A_335 = vector.shape_cast %and3A_329 : vector<16xi32> to vector<1x16xi32>
          tpu.vector_store %arg6[%swap3A_331, %swap3A_332], %swap3A_335 {strides = array<i32>} : memref<2x128xi32, #tpu.memory_space<vmem>>, vector<1x16xi32>,
          %get3A_336 = arith.index_cast %add3A_296 : i32 to index
          %get3A_337 = arith.constant 48 : index
          %get3A_338 = tpu.vector_load %arg5[%get3A_336, %get3A_337] {strides = array<i32>} : memref<80x128xi32, #tpu.memory_space<vmem>>, vector<1x16xi32>,
          %get3A_339 = vector.shape_cast %get3A_338 : vector<1x16xi32> to vector<16xi32>
          %and3A_340 = arith.constant 16383 : i32
          %and3A_341 = vector.broadcast %and3A_340 : i32 to vector<16xi32>
          %and3A_342 = arith.andi %get3A_339, %and3A_341 : vector<16xi32>
          %swap3A_343 = arith.constant 1 : i32
          %swap3A_344 = arith.index_cast %swap3A_343 : i32 to index
          %swap3A_345 = arith.constant 48 : index
          %swap3A_346 = tpu.vector_load %arg6[%swap3A_344, %swap3A_345] {strides = array<i32>} : memref<2x128xi32, #tpu.memory_space<vmem>>, vector<1x16xi32>,
          %swap3A_347 = vector.shape_cast %swap3A_346 : vector<1x16xi32> to vector<16xi32>
          %swap3A_348 = vector.shape_cast %and3A_342 : vector<16xi32> to vector<1x16xi32>
          tpu.vector_store %arg6[%swap3A_344, %swap3A_345], %swap3A_348 {strides = array<i32>} : memref<2x128xi32, #tpu.memory_space<vmem>>, vector<1x16xi32>,
          %get3A_349 = arith.index_cast %add3A_296 : i32 to index
          %get3A_350 = arith.constant 64 : index
          %get3A_351 = tpu.vector_load %arg5[%get3A_349, %get3A_350] {strides = array<i32>} : memref<80x128xi32, #tpu.memory_space<vmem>>, vector<1x16xi32>,
          %get3A_352 = vector.shape_cast %get3A_351 : vector<1x16xi32> to vector<16xi32>
          %and3A_353 = arith.constant 16383 : i32
          %and3A_354 = vector.broadcast %and3A_353 : i32 to vector<16xi32>
          %and3A_355 = arith.andi %get3A_352, %and3A_354 : vector<16xi32>
          %swap3A_356 = arith.constant 1 : i32
          %swap3A_357 = arith.index_cast %swap3A_356 : i32 to index
          %swap3A_358 = arith.constant 64 : index
          %swap3A_359 = tpu.vector_load %arg6[%swap3A_357, %swap3A_358] {strides = array<i32>} : memref<2x128xi32, #tpu.memory_space<vmem>>, vector<1x16xi32>,
          %swap3A_360 = vector.shape_cast %swap3A_359 : vector<1x16xi32> to vector<16xi32>
          %swap3A_361 = vector.shape_cast %and3A_355 : vector<16xi32> to vector<1x16xi32>
          tpu.vector_store %arg6[%swap3A_357, %swap3A_358], %swap3A_361 {strides = array<i32>} : memref<2x128xi32, #tpu.memory_space<vmem>>, vector<1x16xi32>,
          %get3A_362 = arith.index_cast %add3A_296 : i32 to index
          %get3A_363 = arith.constant 80 : index
          %get3A_364 = tpu.vector_load %arg5[%get3A_362, %get3A_363] {strides = array<i32>} : memref<80x128xi32, #tpu.memory_space<vmem>>, vector<1x16xi32>,
          %get3A_365 = vector.shape_cast %get3A_364 : vector<1x16xi32> to vector<16xi32>
          %and3A_366 = arith.constant 16383 : i32
          %and3A_367 = vector.broadcast %and3A_366 : i32 to vector<16xi32>
          %and3A_368 = arith.andi %get3A_365, %and3A_367 : vector<16xi32>
          %swap3A_369 = arith.constant 1 : i32
          %swap3A_370 = arith.index_cast %swap3A_369 : i32 to index
          %swap3A_371 = arith.constant 80 : index
          %swap3A_372 = tpu.vector_load %arg6[%swap3A_370, %swap3A_371] {strides = array<i32>} : memref<2x128xi32, #tpu.memory_space<vmem>>, vector<1x16xi32>,
          %swap3A_373 = vector.shape_cast %swap3A_372 : vector<1x16xi32> to vector<16xi32>
          %swap3A_374 = vector.shape_cast %and3A_368 : vector<16xi32> to vector<1x16xi32>
          tpu.vector_store %arg6[%swap3A_370, %swap3A_371], %swap3A_374 {strides = array<i32>} : memref<2x128xi32, #tpu.memory_space<vmem>>, vector<1x16xi32>,
          %get3A_375 = arith.index_cast %add3A_296 : i32 to index
          %get3A_376 = arith.constant 96 : index
          %get3A_377 = tpu.vector_load %arg5[%get3A_375, %get3A_376] {strides = array<i32>} : memref<80x128xi32, #tpu.memory_space<vmem>>, vector<1x16xi32>,
          %get3A_378 = vector.shape_cast %get3A_377 : vector<1x16xi32> to vector<16xi32>
          %and3A_379 = arith.constant 16383 : i32
          %and3A_380 = vector.broadcast %and3A_379 : i32 to vector<16xi32>
          %and3A_381 = arith.andi %get3A_378, %and3A_380 : vector<16xi32>
          %swap3A_382 = arith.constant 1 : i32
          %swap3A_383 = arith.index_cast %swap3A_382 : i32 to index
          %swap3A_384 = arith.constant 96 : index
          %swap3A_385 = tpu.vector_load %arg6[%swap3A_383, %swap3A_384] {strides = array<i32>} : memref<2x128xi32, #tpu.memory_space<vmem>>, vector<1x16xi32>,
          %swap3A_386 = vector.shape_cast %swap3A_385 : vector<1x16xi32> to vector<16xi32>
          %swap3A_387 = vector.shape_cast %and3A_381 : vector<16xi32> to vector<1x16xi32>
          tpu.vector_store %arg6[%swap3A_383, %swap3A_384], %swap3A_387 {strides = array<i32>} : memref<2x128xi32, #tpu.memory_space<vmem>>, vector<1x16xi32>,
          %get3A_388 = arith.index_cast %add3A_296 : i32 to index
          %get3A_389 = arith.constant 112 : index
          %get3A_390 = tpu.vector_load %arg5[%get3A_388, %get3A_389] {strides = array<i32>} : memref<80x128xi32, #tpu.memory_space<vmem>>, vector<1x16xi32>,
          %get3A_391 = vector.shape_cast %get3A_390 : vector<1x16xi32> to vector<16xi32>
          %and3A_392 = arith.constant 16383 : i32
          %and3A_393 = vector.broadcast %and3A_392 : i32 to vector<16xi32>
          %and3A_394 = arith.andi %get3A_391, %and3A_393 : vector<16xi32>
          %swap3A_395 = arith.constant 1 : i32
          %swap3A_396 = arith.index_cast %swap3A_395 : i32 to index
          %swap3A_397 = arith.constant 112 : index
          %swap3A_398 = tpu.vector_load %arg6[%swap3A_396, %swap3A_397] {strides = array<i32>} : memref<2x128xi32, #tpu.memory_space<vmem>>, vector<1x16xi32>,
          %swap3A_399 = vector.shape_cast %swap3A_398 : vector<1x16xi32> to vector<16xi32>
          %swap3A_400 = vector.shape_cast %and3A_394 : vector<16xi32> to vector<1x16xi32>
          tpu.vector_store %arg6[%swap3A_396, %swap3A_397], %swap3A_400 {strides = array<i32>} : memref<2x128xi32, #tpu.memory_space<vmem>>, vector<1x16xi32>,
          %dma_start3A_401 = arith.constant 1 : i32
          %dma_start3A_402 = arith.constant 0 : i32
          %dma_start3A_403 = tpu.memref_slice %arg6[%dma_start3A_401, %dma_start3A_402] : memref<2x128xi32, #tpu.memory_space<vmem>> -> memref<1x128xi32, #tpu.memory_space<vmem>>
          %dma_start3A_404 = tpu.memref_squeeze %dma_start3A_403 : memref<1x128xi32, #tpu.memory_space<vmem>> -> memref<128xi32, #tpu.memory_space<vmem>>
          %dma_start3A_405 = arith.constant 0 : i32
          %dma_start3A_406 = arith.constant 0 : i32
          %dma_start3A_407 = tpu.memref_slice %arg2[%dma_start3A_405, %dma_start3A_406] : memref<10000x128xf32, #tpu.memory_space<hbm>> -> memref<10000x128xf32, #tpu.memory_space<hbm>>
          tpu.enqueue_indirect_dma source(%dma_start3A_407 : memref<10000x128xf32, #tpu.memory_space<hbm>>) target(%arg9 : memref<128x128xf32, #tpu.memory_space<vmem>>) offsets(%dma_start3A_404 : memref<128xi32, #tpu.memory_space<vmem>>) semaphore(%arg12 : memref<!tpu.dma_semaphore, #tpu.memory_space<semaphore_mem>>)
        } else {
        }
        %get3A_192 = arith.index_cast %scan3A_142 : i32 to index
        %get3A_193 = arith.constant 0 : index
        %get3A_194 = tpu.vector_load %arg5[%get3A_192, %get3A_193] {strides = array<i32>} : memref<80x128xi32, #tpu.memory_space<vmem>>, vector<1x16xi32>,
        %get3A_195 = vector.shape_cast %get3A_194 : vector<1x16xi32> to vector<16xi32>
        %shift_right_logical3A = arith.constant 14 : i32
        %shift_right_logical3A_196 = vector.broadcast %shift_right_logical3A : i32 to vector<16xi32>
        %shift_right_logical3A_197 = arith.shrui %get3A_195, %shift_right_logical3A_196 : vector<16xi32>
        %swap3A_198 = arith.constant 0 : i32
        %swap3A_199 = arith.index_cast %swap3A_198 : i32 to index
        %swap3A_200 = arith.constant 0 : index
        %swap3A_201 = tpu.vector_load %arg7[%swap3A_199, %swap3A_200] {strides = array<i32>} : memref<1x128xi32, #tpu.memory_space<vmem>>, vector<1x16xi32>,
        %swap3A_202 = vector.shape_cast %swap3A_201 : vector<1x16xi32> to vector<16xi32>
        %swap3A_203 = vector.shape_cast %shift_right_logical3A_197 : vector<16xi32> to vector<1x16xi32>
        tpu.vector_store %arg7[%swap3A_199, %swap3A_200], %swap3A_203 {strides = array<i32>} : memref<1x128xi32, #tpu.memory_space<vmem>>, vector<1x16xi32>,
        %get3A_204 = arith.index_cast %scan3A_142 : i32 to index
        %get3A_205 = arith.constant 16 : index
        %get3A_206 = tpu.vector_load %arg5[%get3A_204, %get3A_205] {strides = array<i32>} : memref<80x128xi32, #tpu.memory_space<vmem>>, vector<1x16xi32>,
        %get3A_207 = vector.shape_cast %get3A_206 : vector<1x16xi32> to vector<16xi32>
        %shift_right_logical3A_208 = arith.constant 14 : i32
        %shift_right_logical3A_209 = vector.broadcast %shift_right_logical3A_208 : i32 to vector<16xi32>
        %shift_right_logical3A_210 = arith.shrui %get3A_207, %shift_right_logical3A_209 : vector<16xi32>
        %swap3A_211 = arith.constant 0 : i32
        %swap3A_212 = arith.index_cast %swap3A_211 : i32 to index
        %swap3A_213 = arith.constant 16 : index
        %swap3A_214 = tpu.vector_load %arg7[%swap3A_212, %swap3A_213] {strides = array<i32>} : memref<1x128xi32, #tpu.memory_space<vmem>>, vector<1x16xi32>,
        %swap3A_215 = vector.shape_cast %swap3A_214 : vector<1x16xi32> to vector<16xi32>
        %swap3A_216 = vector.shape_cast %shift_right_logical3A_210 : vector<16xi32> to vector<1x16xi32>
        tpu.vector_store %arg7[%swap3A_212, %swap3A_213], %swap3A_216 {strides = array<i32>} : memref<1x128xi32, #tpu.memory_space<vmem>>, vector<1x16xi32>,
        %get3A_217 = arith.index_cast %scan3A_142 : i32 to index
        %get3A_218 = arith.constant 32 : index
        %get3A_219 = tpu.vector_load %arg5[%get3A_217, %get3A_218] {strides = array<i32>} : memref<80x128xi32, #tpu.memory_space<vmem>>, vector<1x16xi32>,
        %get3A_220 = vector.shape_cast %get3A_219 : vector<1x16xi32> to vector<16xi32>
        %shift_right_logical3A_221 = arith.constant 14 : i32
        %shift_right_logical3A_222 = vector.broadcast %shift_right_logical3A_221 : i32 to vector<16xi32>
        %shift_right_logical3A_223 = arith.shrui %get3A_220, %shift_right_logical3A_222 : vector<16xi32>
        %swap3A_224 = arith.constant 0 : i32
        %swap3A_225 = arith.index_cast %swap3A_224 : i32 to index
        %swap3A_226 = arith.constant 32 : index
        %swap3A_227 = tpu.vector_load %arg7[%swap3A_225, %swap3A_226] {strides = array<i32>} : memref<1x128xi32, #tpu.memory_space<vmem>>, vector<1x16xi32>,
        %swap3A_228 = vector.shape_cast %swap3A_227 : vector<1x16xi32> to vector<16xi32>
        %swap3A_229 = vector.shape_cast %shift_right_logical3A_223 : vector<16xi32> to vector<1x16xi32>
        tpu.vector_store %arg7[%swap3A_225, %swap3A_226], %swap3A_229 {strides = array<i32>} : memref<1x128xi32, #tpu.memory_space<vmem>>, vector<1x16xi32>,
        %get3A_230 = arith.index_cast %scan3A_142 : i32 to index
        %get3A_231 = arith.constant 48 : index
        %get3A_232 = tpu.vector_load %arg5[%get3A_230, %get3A_231] {strides = array<i32>} : memref<80x128xi32, #tpu.memory_space<vmem>>, vector<1x16xi32>,
        %get3A_233 = vector.shape_cast %get3A_232 : vector<1x16xi32> to vector<16xi32>
        %shift_right_logical3A_234 = arith.constant 14 : i32
        %shift_right_logical3A_235 = vector.broadcast %shift_right_logical3A_234 : i32 to vector<16xi32>
        %shift_right_logical3A_236 = arith.shrui %get3A_233, %shift_right_logical3A_235 : vector<16xi32>
        %swap3A_237 = arith.constant 0 : i32
        %swap3A_238 = arith.index_cast %swap3A_237 : i32 to index
        %swap3A_239 = arith.constant 48 : index
        %swap3A_240 = tpu.vector_load %arg7[%swap3A_238, %swap3A_239] {strides = array<i32>} : memref<1x128xi32, #tpu.memory_space<vmem>>, vector<1x16xi32>,
        %swap3A_241 = vector.shape_cast %swap3A_240 : vector<1x16xi32> to vector<16xi32>
        %swap3A_242 = vector.shape_cast %shift_right_logical3A_236 : vector<16xi32> to vector<1x16xi32>
        tpu.vector_store %arg7[%swap3A_238, %swap3A_239], %swap3A_242 {strides = array<i32>} : memref<1x128xi32, #tpu.memory_space<vmem>>, vector<1x16xi32>,
        %get3A_243 = arith.index_cast %scan3A_142 : i32 to index
        %get3A_244 = arith.constant 64 : index
        %get3A_245 = tpu.vector_load %arg5[%get3A_243, %get3A_244] {strides = array<i32>} : memref<80x128xi32, #tpu.memory_space<vmem>>, vector<1x16xi32>,
        %get3A_246 = vector.shape_cast %get3A_245 : vector<1x16xi32> to vector<16xi32>
        %shift_right_logical3A_247 = arith.constant 14 : i32
        %shift_right_logical3A_248 = vector.broadcast %shift_right_logical3A_247 : i32 to vector<16xi32>
        %shift_right_logical3A_249 = arith.shrui %get3A_246, %shift_right_logical3A_248 : vector<16xi32>
        %swap3A_250 = arith.constant 0 : i32
        %swap3A_251 = arith.index_cast %swap3A_250 : i32 to index
        %swap3A_252 = arith.constant 64 : index
        %swap3A_253 = tpu.vector_load %arg7[%swap3A_251, %swap3A_252] {strides = array<i32>} : memref<1x128xi32, #tpu.memory_space<vmem>>, vector<1x16xi32>,
        %swap3A_254 = vector.shape_cast %swap3A_253 : vector<1x16xi32> to vector<16xi32>
        %swap3A_255 = vector.shape_cast %shift_right_logical3A_249 : vector<16xi32> to vector<1x16xi32>
        tpu.vector_store %arg7[%swap3A_251, %swap3A_252], %swap3A_255 {strides = array<i32>} : memref<1x128xi32, #tpu.memory_space<vmem>>, vector<1x16xi32>,
        %get3A_256 = arith.index_cast %scan3A_142 : i32 to index
        %get3A_257 = arith.constant 80 : index
        %get3A_258 = tpu.vector_load %arg5[%get3A_256, %get3A_257] {strides = array<i32>} : memref<80x128xi32, #tpu.memory_space<vmem>>, vector<1x16xi32>,
        %get3A_259 = vector.shape_cast %get3A_258 : vector<1x16xi32> to vector<16xi32>
        %shift_right_logical3A_260 = arith.constant 14 : i32
        %shift_right_logical3A_261 = vector.broadcast %shift_right_logical3A_260 : i32 to vector<16xi32>
        %shift_right_logical3A_262 = arith.shrui %get3A_259, %shift_right_logical3A_261 : vector<16xi32>
        %swap3A_263 = arith.constant 0 : i32
        %swap3A_264 = arith.index_cast %swap3A_263 : i32 to index
        %swap3A_265 = arith.constant 80 : index
        %swap3A_266 = tpu.vector_load %arg7[%swap3A_264, %swap3A_265] {strides = array<i32>} : memref<1x128xi32, #tpu.memory_space<vmem>>, vector<1x16xi32>,
        %swap3A_267 = vector.shape_cast %swap3A_266 : vector<1x16xi32> to vector<16xi32>
        %swap3A_268 = vector.shape_cast %shift_right_logical3A_262 : vector<16xi32> to vector<1x16xi32>
        tpu.vector_store %arg7[%swap3A_264, %swap3A_265], %swap3A_268 {strides = array<i32>} : memref<1x128xi32, #tpu.memory_space<vmem>>, vector<1x16xi32>,
        %get3A_269 = arith.index_cast %scan3A_142 : i32 to index
        %get3A_270 = arith.constant 96 : index
        %get3A_271 = tpu.vector_load %arg5[%get3A_269, %get3A_270] {strides = array<i32>} : memref<80x128xi32, #tpu.memory_space<vmem>>, vector<1x16xi32>,
        %get3A_272 = vector.shape_cast %get3A_271 : vector<1x16xi32> to vector<16xi32>
        %shift_right_logical3A_273 = arith.constant 14 : i32
        %shift_right_logical3A_274 = vector.broadcast %shift_right_logical3A_273 : i32 to vector<16xi32>
        %shift_right_logical3A_275 = arith.shrui %get3A_272, %shift_right_logical3A_274 : vector<16xi32>
        %swap3A_276 = arith.constant 0 : i32
        %swap3A_277 = arith.index_cast %swap3A_276 : i32 to index
        %swap3A_278 = arith.constant 96 : index
        %swap3A_279 = tpu.vector_load %arg7[%swap3A_277, %swap3A_278] {strides = array<i32>} : memref<1x128xi32, #tpu.memory_space<vmem>>, vector<1x16xi32>,
        %swap3A_280 = vector.shape_cast %swap3A_279 : vector<1x16xi32> to vector<16xi32>
        %swap3A_281 = vector.shape_cast %shift_right_logical3A_275 : vector<16xi32> to vector<1x16xi32>
        tpu.vector_store %arg7[%swap3A_277, %swap3A_278], %swap3A_281 {strides = array<i32>} : memref<1x128xi32, #tpu.memory_space<vmem>>, vector<1x16xi32>,
        %get3A_282 = arith.index_cast %scan3A_142 : i32 to index
        %get3A_283 = arith.constant 112 : index
        %get3A_284 = tpu.vector_load %arg5[%get3A_282, %get3A_283] {strides = array<i32>} : memref<80x128xi32, #tpu.memory_space<vmem>>, vector<1x16xi32>,
        %get3A_285 = vector.shape_cast %get3A_284 : vector<1x16xi32> to vector<16xi32>
        %shift_right_logical3A_286 = arith.constant 14 : i32
        %shift_right_logical3A_287 = vector.broadcast %shift_right_logical3A_286 : i32 to vector<16xi32>
        %shift_right_logical3A_288 = arith.shrui %get3A_285, %shift_right_logical3A_287 : vector<16xi32>
        %swap3A_289 = arith.constant 0 : i32
        %swap3A_290 = arith.index_cast %swap3A_289 : i32 to index
        %swap3A_291 = arith.constant 112 : index
        %swap3A_292 = tpu.vector_load %arg7[%swap3A_290, %swap3A_291] {strides = array<i32>} : memref<1x128xi32, #tpu.memory_space<vmem>>, vector<1x16xi32>,
        %swap3A_293 = vector.shape_cast %swap3A_292 : vector<1x16xi32> to vector<16xi32>
        %swap3A_294 = vector.shape_cast %shift_right_logical3A_288 : vector<16xi32> to vector<1x16xi32>
        tpu.vector_store %arg7[%swap3A_290, %swap3A_291], %swap3A_294 {strides = array<i32>} : memref<1x128xi32, #tpu.memory_space<vmem>>, vector<1x16xi32>,
        %run_scoped3A = arith.constant 0 : i32
        "tpu.region"() ({
          %run_scoped3A_295 = tpu.sem_alloc : memref<!tpu.dma_semaphore, #tpu.memory_space<semaphore_mem>>
          %dma_start3A_296 = arith.constant 0 : i32
          %dma_start3A_297 = tpu.memref_slice %arg7[%run_scoped3A, %dma_start3A_296] : memref<1x128xi32, #tpu.memory_space<vmem>> -> memref<1x128xi32, #tpu.memory_space<vmem>>
          %dma_start3A_298 = tpu.memref_squeeze %dma_start3A_297 : memref<1x128xi32, #tpu.memory_space<vmem>> -> memref<128xi32, #tpu.memory_space<vmem>>
          %dma_start3A_299 = arith.constant 0 : i32
          %dma_start3A_300 = arith.constant 0 : i32
          %dma_start3A_301 = tpu.memref_slice %arg10[%dma_start3A_299, %dma_start3A_300] : memref<10112x128xf32, #tpu.memory_space<vmem_shared>> -> memref<10112x128xf32, #tpu.memory_space<vmem_shared>>
          tpu.enqueue_indirect_dma source(%arg8 : memref<128x128xf32, #tpu.memory_space<vmem>>) target(%dma_start3A_301 : memref<10112x128xf32, #tpu.memory_space<vmem_shared>>) offsets(%dma_start3A_298 : memref<128xi32, #tpu.memory_space<vmem>>) semaphore(%run_scoped3A_295 : memref<!tpu.dma_semaphore, #tpu.memory_space<semaphore_mem>>) {add = true}
          %dma_wait3A_302 = arith.constant 0 : i32
          %dma_wait3A_303 = tpu.memref_slice %arg7[%run_scoped3A, %dma_wait3A_302] : memref<1x128xi32, #tpu.memory_space<vmem>> -> memref<1x128xi32, #tpu.memory_space<vmem>>
          %dma_wait3A_304 = tpu.memref_squeeze %dma_wait3A_303 : memref<1x128xi32, #tpu.memory_space<vmem>> -> memref<128xi32, #tpu.memory_space<vmem>>
          %dma_wait3A_305 = arith.constant 0 : i32
          %dma_wait3A_306 = arith.constant 0 : i32
          %dma_wait3A_307 = tpu.memref_slice %arg10[%dma_wait3A_305, %dma_wait3A_306] : memref<10112x128xf32, #tpu.memory_space<vmem_shared>> -> memref<10112x128xf32, #tpu.memory_space<vmem_shared>>
          tpu.wait_indirect_dma semaphore(%run_scoped3A_295 : memref<!tpu.dma_semaphore, #tpu.memory_space<semaphore_mem>>) src(%arg8 : memref<128x128xf32, #tpu.memory_space<vmem>>) dst(%dma_wait3A_307 : memref<10112x128xf32, #tpu.memory_space<vmem_shared>>)
          tpu.yield
        }) : () -> ()
      } else {
      }
      %jit3A_157 = arith.constant 2 : i32
      %eq3A_158 = arith.constant 0 : i32
      %eq3A_159 = arith.cmpi eq, %jit3A_157, %eq3A_158 : i32
      %jit3A_160 = arith.constant 1 : i32
      %select_n3A_161 = arith.select %eq3A_159, %jit3A_160, %jit3A_157 : i32
      %rem3A_162 = arith.remsi %scan3A_142, %select_n3A_161 : i32
      %ne3A_163 = arith.constant 0 : i32
      %ne3A_164 = arith.cmpi ne, %rem3A_162, %ne3A_163 : i32
      %lt3A_165 = arith.constant 0 : i32
      %lt3A_166 = arith.cmpi slt, %rem3A_162, %lt3A_165 : i32
      %lt3A_167 = arith.constant 0 : i32
      %lt3A_168 = arith.cmpi slt, %select_n3A_161, %lt3A_167 : i32
      %ne3A_169 = arith.xori %lt3A_166, %lt3A_168 : i1
      %and3A_170 = arith.andi %ne3A_169, %ne3A_164 : i1
      %add3A_171 = arith.addi %rem3A_162, %select_n3A_161 : i32
      %select_n3A_172 = arith.select %and3A_170, %add3A_171, %rem3A_162 : i32
      %eq3A_173 = arith.constant 1 : i32
      %eq3A_174 = arith.cmpi eq, %select_n3A_172, %eq3A_173 : i32
      %convert_element_type3A_175 = arith.extui %eq3A_174 : i1 to i32
      %cond3A_176 = arith.constant 0 : i32
      %cond3A_177 = arith.cmpi ne, %convert_element_type3A_175, %cond3A_176 : i32
      scf.if %cond3A_177 {
        %dma_wait3A = arith.constant 1 : i32
        %dma_wait3A_179 = arith.constant 0 : i32
        %dma_wait3A_180 = tpu.memref_slice %arg6[%dma_wait3A, %dma_wait3A_179] : memref<2x128xi32, #tpu.memory_space<vmem>> -> memref<1x128xi32, #tpu.memory_space<vmem>>
        %dma_wait3A_181 = tpu.memref_squeeze %dma_wait3A_180 : memref<1x128xi32, #tpu.memory_space<vmem>> -> memref<128xi32, #tpu.memory_space<vmem>>
        %dma_wait3A_182 = arith.constant 0 : i32
        %dma_wait3A_183 = arith.constant 0 : i32
        %dma_wait3A_184 = tpu.memref_slice %arg2[%dma_wait3A_182, %dma_wait3A_183] : memref<10000x128xf32, #tpu.memory_space<hbm>> -> memref<10000x128xf32, #tpu.memory_space<hbm>>
        tpu.wait_indirect_dma semaphore(%arg12 : memref<!tpu.dma_semaphore, #tpu.memory_space<semaphore_mem>>) src(%dma_wait3A_184 : memref<10000x128xf32, #tpu.memory_space<hbm>>) dst(%arg9 : memref<128x128xf32, #tpu.memory_space<vmem>>)
        %add3A_185 = arith.constant 1 : i32
        %add3A_186 = arith.addi %scan3A_142, %add3A_185 : i32
        %lt3A_187 = arith.constant 80 : i32
        %lt3A_188 = arith.cmpi slt, %add3A_186, %lt3A_187 : i32
        %convert_element_type3A_189 = arith.extui %lt3A_188 : i1 to i32
        %cond3A_190 = arith.constant 0 : i32
        %cond3A_191 = arith.cmpi ne, %convert_element_type3A_189, %cond3A_190 : i32
        scf.if %cond3A_191 {
          %add3A_295 = arith.constant 1 : i32
          %add3A_296 = arith.addi %scan3A_142, %add3A_295 : i32
          %get3A_297 = arith.index_cast %add3A_296 : i32 to index
          %get3A_298 = arith.constant 0 : index
          %get3A_299 = tpu.vector_load %arg5[%get3A_297, %get3A_298] {strides = array<i32>} : memref<80x128xi32, #tpu.memory_space<vmem>>, vector<1x16xi32>,
          %get3A_300 = vector.shape_cast %get3A_299 : vector<1x16xi32> to vector<16xi32>
          %and3A_301 = arith.constant 16383 : i32
          %and3A_302 = vector.broadcast %and3A_301 : i32 to vector<16xi32>
          %and3A_303 = arith.andi %get3A_300, %and3A_302 : vector<16xi32>
          %swap3A_304 = arith.constant 0 : i32
          %swap3A_305 = arith.index_cast %swap3A_304 : i32 to index
          %swap3A_306 = arith.constant 0 : index
          %swap3A_307 = tpu.vector_load %arg6[%swap3A_305, %swap3A_306] {strides = array<i32>} : memref<2x128xi32, #tpu.memory_space<vmem>>, vector<1x16xi32>,
          %swap3A_308 = vector.shape_cast %swap3A_307 : vector<1x16xi32> to vector<16xi32>
          %swap3A_309 = vector.shape_cast %and3A_303 : vector<16xi32> to vector<1x16xi32>
          tpu.vector_store %arg6[%swap3A_305, %swap3A_306], %swap3A_309 {strides = array<i32>} : memref<2x128xi32, #tpu.memory_space<vmem>>, vector<1x16xi32>,
          %get3A_310 = arith.index_cast %add3A_296 : i32 to index
          %get3A_311 = arith.constant 16 : index
          %get3A_312 = tpu.vector_load %arg5[%get3A_310, %get3A_311] {strides = array<i32>} : memref<80x128xi32, #tpu.memory_space<vmem>>, vector<1x16xi32>,
          %get3A_313 = vector.shape_cast %get3A_312 : vector<1x16xi32> to vector<16xi32>
          %and3A_314 = arith.constant 16383 : i32
          %and3A_315 = vector.broadcast %and3A_314 : i32 to vector<16xi32>
          %and3A_316 = arith.andi %get3A_313, %and3A_315 : vector<16xi32>
          %swap3A_317 = arith.constant 0 : i32
          %swap3A_318 = arith.index_cast %swap3A_317 : i32 to index
          %swap3A_319 = arith.constant 16 : index
          %swap3A_320 = tpu.vector_load %arg6[%swap3A_318, %swap3A_319] {strides = array<i32>} : memref<2x128xi32, #tpu.memory_space<vmem>>, vector<1x16xi32>,
          %swap3A_321 = vector.shape_cast %swap3A_320 : vector<1x16xi32> to vector<16xi32>
          %swap3A_322 = vector.shape_cast %and3A_316 : vector<16xi32> to vector<1x16xi32>
          tpu.vector_store %arg6[%swap3A_318, %swap3A_319], %swap3A_322 {strides = array<i32>} : memref<2x128xi32, #tpu.memory_space<vmem>>, vector<1x16xi32>,
          %get3A_323 = arith.index_cast %add3A_296 : i32 to index
          %get3A_324 = arith.constant 32 : index
          %get3A_325 = tpu.vector_load %arg5[%get3A_323, %get3A_324] {strides = array<i32>} : memref<80x128xi32, #tpu.memory_space<vmem>>, vector<1x16xi32>,
          %get3A_326 = vector.shape_cast %get3A_325 : vector<1x16xi32> to vector<16xi32>
          %and3A_327 = arith.constant 16383 : i32
          %and3A_328 = vector.broadcast %and3A_327 : i32 to vector<16xi32>
          %and3A_329 = arith.andi %get3A_326, %and3A_328 : vector<16xi32>
          %swap3A_330 = arith.constant 0 : i32
          %swap3A_331 = arith.index_cast %swap3A_330 : i32 to index
          %swap3A_332 = arith.constant 32 : index
          %swap3A_333 = tpu.vector_load %arg6[%swap3A_331, %swap3A_332] {strides = array<i32>} : memref<2x128xi32, #tpu.memory_space<vmem>>, vector<1x16xi32>,
          %swap3A_334 = vector.shape_cast %swap3A_333 : vector<1x16xi32> to vector<16xi32>
          %swap3A_335 = vector.shape_cast %and3A_329 : vector<16xi32> to vector<1x16xi32>
          tpu.vector_store %arg6[%swap3A_331, %swap3A_332], %swap3A_335 {strides = array<i32>} : memref<2x128xi32, #tpu.memory_space<vmem>>, vector<1x16xi32>,
          %get3A_336 = arith.index_cast %add3A_296 : i32 to index
          %get3A_337 = arith.constant 48 : index
          %get3A_338 = tpu.vector_load %arg5[%get3A_336, %get3A_337] {strides = array<i32>} : memref<80x128xi32, #tpu.memory_space<vmem>>, vector<1x16xi32>,
          %get3A_339 = vector.shape_cast %get3A_338 : vector<1x16xi32> to vector<16xi32>
          %and3A_340 = arith.constant 16383 : i32
          %and3A_341 = vector.broadcast %and3A_340 : i32 to vector<16xi32>
          %and3A_342 = arith.andi %get3A_339, %and3A_341 : vector<16xi32>
          %swap3A_343 = arith.constant 0 : i32
          %swap3A_344 = arith.index_cast %swap3A_343 : i32 to index
          %swap3A_345 = arith.constant 48 : index
          %swap3A_346 = tpu.vector_load %arg6[%swap3A_344, %swap3A_345] {strides = array<i32>} : memref<2x128xi32, #tpu.memory_space<vmem>>, vector<1x16xi32>,
          %swap3A_347 = vector.shape_cast %swap3A_346 : vector<1x16xi32> to vector<16xi32>
          %swap3A_348 = vector.shape_cast %and3A_342 : vector<16xi32> to vector<1x16xi32>
          tpu.vector_store %arg6[%swap3A_344, %swap3A_345], %swap3A_348 {strides = array<i32>} : memref<2x128xi32, #tpu.memory_space<vmem>>, vector<1x16xi32>,
          %get3A_349 = arith.index_cast %add3A_296 : i32 to index
          %get3A_350 = arith.constant 64 : index
          %get3A_351 = tpu.vector_load %arg5[%get3A_349, %get3A_350] {strides = array<i32>} : memref<80x128xi32, #tpu.memory_space<vmem>>, vector<1x16xi32>,
          %get3A_352 = vector.shape_cast %get3A_351 : vector<1x16xi32> to vector<16xi32>
          %and3A_353 = arith.constant 16383 : i32
          %and3A_354 = vector.broadcast %and3A_353 : i32 to vector<16xi32>
          %and3A_355 = arith.andi %get3A_352, %and3A_354 : vector<16xi32>
          %swap3A_356 = arith.constant 0 : i32
          %swap3A_357 = arith.index_cast %swap3A_356 : i32 to index
          %swap3A_358 = arith.constant 64 : index
          %swap3A_359 = tpu.vector_load %arg6[%swap3A_357, %swap3A_358] {strides = array<i32>} : memref<2x128xi32, #tpu.memory_space<vmem>>, vector<1x16xi32>,
          %swap3A_360 = vector.shape_cast %swap3A_359 : vector<1x16xi32> to vector<16xi32>
          %swap3A_361 = vector.shape_cast %and3A_355 : vector<16xi32> to vector<1x16xi32>
          tpu.vector_store %arg6[%swap3A_357, %swap3A_358], %swap3A_361 {strides = array<i32>} : memref<2x128xi32, #tpu.memory_space<vmem>>, vector<1x16xi32>,
          %get3A_362 = arith.index_cast %add3A_296 : i32 to index
          %get3A_363 = arith.constant 80 : index
          %get3A_364 = tpu.vector_load %arg5[%get3A_362, %get3A_363] {strides = array<i32>} : memref<80x128xi32, #tpu.memory_space<vmem>>, vector<1x16xi32>,
          %get3A_365 = vector.shape_cast %get3A_364 : vector<1x16xi32> to vector<16xi32>
          %and3A_366 = arith.constant 16383 : i32
          %and3A_367 = vector.broadcast %and3A_366 : i32 to vector<16xi32>
          %and3A_368 = arith.andi %get3A_365, %and3A_367 : vector<16xi32>
          %swap3A_369 = arith.constant 0 : i32
          %swap3A_370 = arith.index_cast %swap3A_369 : i32 to index
          %swap3A_371 = arith.constant 80 : index
          %swap3A_372 = tpu.vector_load %arg6[%swap3A_370, %swap3A_371] {strides = array<i32>} : memref<2x128xi32, #tpu.memory_space<vmem>>, vector<1x16xi32>,
          %swap3A_373 = vector.shape_cast %swap3A_372 : vector<1x16xi32> to vector<16xi32>
          %swap3A_374 = vector.shape_cast %and3A_368 : vector<16xi32> to vector<1x16xi32>
          tpu.vector_store %arg6[%swap3A_370, %swap3A_371], %swap3A_374 {strides = array<i32>} : memref<2x128xi32, #tpu.memory_space<vmem>>, vector<1x16xi32>,
          %get3A_375 = arith.index_cast %add3A_296 : i32 to index
          %get3A_376 = arith.constant 96 : index
          %get3A_377 = tpu.vector_load %arg5[%get3A_375, %get3A_376] {strides = array<i32>} : memref<80x128xi32, #tpu.memory_space<vmem>>, vector<1x16xi32>,
          %get3A_378 = vector.shape_cast %get3A_377 : vector<1x16xi32> to vector<16xi32>
          %and3A_379 = arith.constant 16383 : i32
          %and3A_380 = vector.broadcast %and3A_379 : i32 to vector<16xi32>
          %and3A_381 = arith.andi %get3A_378, %and3A_380 : vector<16xi32>
          %swap3A_382 = arith.constant 0 : i32
          %swap3A_383 = arith.index_cast %swap3A_382 : i32 to index
          %swap3A_384 = arith.constant 96 : index
          %swap3A_385 = tpu.vector_load %arg6[%swap3A_383, %swap3A_384] {strides = array<i32>} : memref<2x128xi32, #tpu.memory_space<vmem>>, vector<1x16xi32>,
          %swap3A_386 = vector.shape_cast %swap3A_385 : vector<1x16xi32> to vector<16xi32>
          %swap3A_387 = vector.shape_cast %and3A_381 : vector<16xi32> to vector<1x16xi32>
          tpu.vector_store %arg6[%swap3A_383, %swap3A_384], %swap3A_387 {strides = array<i32>} : memref<2x128xi32, #tpu.memory_space<vmem>>, vector<1x16xi32>,
          %get3A_388 = arith.index_cast %add3A_296 : i32 to index
          %get3A_389 = arith.constant 112 : index
          %get3A_390 = tpu.vector_load %arg5[%get3A_388, %get3A_389] {strides = array<i32>} : memref<80x128xi32, #tpu.memory_space<vmem>>, vector<1x16xi32>,
          %get3A_391 = vector.shape_cast %get3A_390 : vector<1x16xi32> to vector<16xi32>
          %and3A_392 = arith.constant 16383 : i32
          %and3A_393 = vector.broadcast %and3A_392 : i32 to vector<16xi32>
          %and3A_394 = arith.andi %get3A_391, %and3A_393 : vector<16xi32>
          %swap3A_395 = arith.constant 0 : i32
          %swap3A_396 = arith.index_cast %swap3A_395 : i32 to index
          %swap3A_397 = arith.constant 112 : index
          %swap3A_398 = tpu.vector_load %arg6[%swap3A_396, %swap3A_397] {strides = array<i32>} : memref<2x128xi32, #tpu.memory_space<vmem>>, vector<1x16xi32>,
          %swap3A_399 = vector.shape_cast %swap3A_398 : vector<1x16xi32> to vector<16xi32>
          %swap3A_400 = vector.shape_cast %and3A_394 : vector<16xi32> to vector<1x16xi32>
          tpu.vector_store %arg6[%swap3A_396, %swap3A_397], %swap3A_400 {strides = array<i32>} : memref<2x128xi32, #tpu.memory_space<vmem>>, vector<1x16xi32>,
          %dma_start3A_401 = arith.constant 0 : i32
          %dma_start3A_402 = arith.constant 0 : i32
          %dma_start3A_403 = tpu.memref_slice %arg6[%dma_start3A_401, %dma_start3A_402] : memref<2x128xi32, #tpu.memory_space<vmem>> -> memref<1x128xi32, #tpu.memory_space<vmem>>
          %dma_start3A_404 = tpu.memref_squeeze %dma_start3A_403 : memref<1x128xi32, #tpu.memory_space<vmem>> -> memref<128xi32, #tpu.memory_space<vmem>>
          %dma_start3A_405 = arith.constant 0 : i32
          %dma_start3A_406 = arith.constant 0 : i32
          %dma_start3A_407 = tpu.memref_slice %arg2[%dma_start3A_405, %dma_start3A_406] : memref<10000x128xf32, #tpu.memory_space<hbm>> -> memref<10000x128xf32, #tpu.memory_space<hbm>>
          tpu.enqueue_indirect_dma source(%dma_start3A_407 : memref<10000x128xf32, #tpu.memory_space<hbm>>) target(%arg8 : memref<128x128xf32, #tpu.memory_space<vmem>>) offsets(%dma_start3A_404 : memref<128xi32, #tpu.memory_space<vmem>>) semaphore(%arg11 : memref<!tpu.dma_semaphore, #tpu.memory_space<semaphore_mem>>)
        } else {
        }
        %get3A_192 = arith.index_cast %scan3A_142 : i32 to index
        %get3A_193 = arith.constant 0 : index
        %get3A_194 = tpu.vector_load %arg5[%get3A_192, %get3A_193] {strides = array<i32>} : memref<80x128xi32, #tpu.memory_space<vmem>>, vector<1x16xi32>,
        %get3A_195 = vector.shape_cast %get3A_194 : vector<1x16xi32> to vector<16xi32>
        %shift_right_logical3A = arith.constant 14 : i32
        %shift_right_logical3A_196 = vector.broadcast %shift_right_logical3A : i32 to vector<16xi32>
        %shift_right_logical3A_197 = arith.shrui %get3A_195, %shift_right_logical3A_196 : vector<16xi32>
        %swap3A_198 = arith.constant 0 : i32
        %swap3A_199 = arith.index_cast %swap3A_198 : i32 to index
        %swap3A_200 = arith.constant 0 : index
        %swap3A_201 = tpu.vector_load %arg7[%swap3A_199, %swap3A_200] {strides = array<i32>} : memref<1x128xi32, #tpu.memory_space<vmem>>, vector<1x16xi32>,
        %swap3A_202 = vector.shape_cast %swap3A_201 : vector<1x16xi32> to vector<16xi32>
        %swap3A_203 = vector.shape_cast %shift_right_logical3A_197 : vector<16xi32> to vector<1x16xi32>
        tpu.vector_store %arg7[%swap3A_199, %swap3A_200], %swap3A_203 {strides = array<i32>} : memref<1x128xi32, #tpu.memory_space<vmem>>, vector<1x16xi32>,
        %get3A_204 = arith.index_cast %scan3A_142 : i32 to index
        %get3A_205 = arith.constant 16 : index
        %get3A_206 = tpu.vector_load %arg5[%get3A_204, %get3A_205] {strides = array<i32>} : memref<80x128xi32, #tpu.memory_space<vmem>>, vector<1x16xi32>,
        %get3A_207 = vector.shape_cast %get3A_206 : vector<1x16xi32> to vector<16xi32>
        %shift_right_logical3A_208 = arith.constant 14 : i32
        %shift_right_logical3A_209 = vector.broadcast %shift_right_logical3A_208 : i32 to vector<16xi32>
        %shift_right_logical3A_210 = arith.shrui %get3A_207, %shift_right_logical3A_209 : vector<16xi32>
        %swap3A_211 = arith.constant 0 : i32
        %swap3A_212 = arith.index_cast %swap3A_211 : i32 to index
        %swap3A_213 = arith.constant 16 : index
        %swap3A_214 = tpu.vector_load %arg7[%swap3A_212, %swap3A_213] {strides = array<i32>} : memref<1x128xi32, #tpu.memory_space<vmem>>, vector<1x16xi32>,
        %swap3A_215 = vector.shape_cast %swap3A_214 : vector<1x16xi32> to vector<16xi32>
        %swap3A_216 = vector.shape_cast %shift_right_logical3A_210 : vector<16xi32> to vector<1x16xi32>
        tpu.vector_store %arg7[%swap3A_212, %swap3A_213], %swap3A_216 {strides = array<i32>} : memref<1x128xi32, #tpu.memory_space<vmem>>, vector<1x16xi32>,
        %get3A_217 = arith.index_cast %scan3A_142 : i32 to index
        %get3A_218 = arith.constant 32 : index
        %get3A_219 = tpu.vector_load %arg5[%get3A_217, %get3A_218] {strides = array<i32>} : memref<80x128xi32, #tpu.memory_space<vmem>>, vector<1x16xi32>,
        %get3A_220 = vector.shape_cast %get3A_219 : vector<1x16xi32> to vector<16xi32>
        %shift_right_logical3A_221 = arith.constant 14 : i32
        %shift_right_logical3A_222 = vector.broadcast %shift_right_logical3A_221 : i32 to vector<16xi32>
        %shift_right_logical3A_223 = arith.shrui %get3A_220, %shift_right_logical3A_222 : vector<16xi32>
        %swap3A_224 = arith.constant 0 : i32
        %swap3A_225 = arith.index_cast %swap3A_224 : i32 to index
        %swap3A_226 = arith.constant 32 : index
        %swap3A_227 = tpu.vector_load %arg7[%swap3A_225, %swap3A_226] {strides = array<i32>} : memref<1x128xi32, #tpu.memory_space<vmem>>, vector<1x16xi32>,
        %swap3A_228 = vector.shape_cast %swap3A_227 : vector<1x16xi32> to vector<16xi32>
        %swap3A_229 = vector.shape_cast %shift_right_logical3A_223 : vector<16xi32> to vector<1x16xi32>
        tpu.vector_store %arg7[%swap3A_225, %swap3A_226], %swap3A_229 {strides = array<i32>} : memref<1x128xi32, #tpu.memory_space<vmem>>, vector<1x16xi32>,
        %get3A_230 = arith.index_cast %scan3A_142 : i32 to index
        %get3A_231 = arith.constant 48 : index
        %get3A_232 = tpu.vector_load %arg5[%get3A_230, %get3A_231] {strides = array<i32>} : memref<80x128xi32, #tpu.memory_space<vmem>>, vector<1x16xi32>,
        %get3A_233 = vector.shape_cast %get3A_232 : vector<1x16xi32> to vector<16xi32>
        %shift_right_logical3A_234 = arith.constant 14 : i32
        %shift_right_logical3A_235 = vector.broadcast %shift_right_logical3A_234 : i32 to vector<16xi32>
        %shift_right_logical3A_236 = arith.shrui %get3A_233, %shift_right_logical3A_235 : vector<16xi32>
        %swap3A_237 = arith.constant 0 : i32
        %swap3A_238 = arith.index_cast %swap3A_237 : i32 to index
        %swap3A_239 = arith.constant 48 : index
        %swap3A_240 = tpu.vector_load %arg7[%swap3A_238, %swap3A_239] {strides = array<i32>} : memref<1x128xi32, #tpu.memory_space<vmem>>, vector<1x16xi32>,
        %swap3A_241 = vector.shape_cast %swap3A_240 : vector<1x16xi32> to vector<16xi32>
        %swap3A_242 = vector.shape_cast %shift_right_logical3A_236 : vector<16xi32> to vector<1x16xi32>
        tpu.vector_store %arg7[%swap3A_238, %swap3A_239], %swap3A_242 {strides = array<i32>} : memref<1x128xi32, #tpu.memory_space<vmem>>, vector<1x16xi32>,
        %get3A_243 = arith.index_cast %scan3A_142 : i32 to index
        %get3A_244 = arith.constant 64 : index
        %get3A_245 = tpu.vector_load %arg5[%get3A_243, %get3A_244] {strides = array<i32>} : memref<80x128xi32, #tpu.memory_space<vmem>>, vector<1x16xi32>,
        %get3A_246 = vector.shape_cast %get3A_245 : vector<1x16xi32> to vector<16xi32>
        %shift_right_logical3A_247 = arith.constant 14 : i32
        %shift_right_logical3A_248 = vector.broadcast %shift_right_logical3A_247 : i32 to vector<16xi32>
        %shift_right_logical3A_249 = arith.shrui %get3A_246, %shift_right_logical3A_248 : vector<16xi32>
        %swap3A_250 = arith.constant 0 : i32
        %swap3A_251 = arith.index_cast %swap3A_250 : i32 to index
        %swap3A_252 = arith.constant 64 : index
        %swap3A_253 = tpu.vector_load %arg7[%swap3A_251, %swap3A_252] {strides = array<i32>} : memref<1x128xi32, #tpu.memory_space<vmem>>, vector<1x16xi32>,
        %swap3A_254 = vector.shape_cast %swap3A_253 : vector<1x16xi32> to vector<16xi32>
        %swap3A_255 = vector.shape_cast %shift_right_logical3A_249 : vector<16xi32> to vector<1x16xi32>
        tpu.vector_store %arg7[%swap3A_251, %swap3A_252], %swap3A_255 {strides = array<i32>} : memref<1x128xi32, #tpu.memory_space<vmem>>, vector<1x16xi32>,
        %get3A_256 = arith.index_cast %scan3A_142 : i32 to index
        %get3A_257 = arith.constant 80 : index
        %get3A_258 = tpu.vector_load %arg5[%get3A_256, %get3A_257] {strides = array<i32>} : memref<80x128xi32, #tpu.memory_space<vmem>>, vector<1x16xi32>,
        %get3A_259 = vector.shape_cast %get3A_258 : vector<1x16xi32> to vector<16xi32>
        %shift_right_logical3A_260 = arith.constant 14 : i32
        %shift_right_logical3A_261 = vector.broadcast %shift_right_logical3A_260 : i32 to vector<16xi32>
        %shift_right_logical3A_262 = arith.shrui %get3A_259, %shift_right_logical3A_261 : vector<16xi32>
        %swap3A_263 = arith.constant 0 : i32
        %swap3A_264 = arith.index_cast %swap3A_263 : i32 to index
        %swap3A_265 = arith.constant 80 : index
        %swap3A_266 = tpu.vector_load %arg7[%swap3A_264, %swap3A_265] {strides = array<i32>} : memref<1x128xi32, #tpu.memory_space<vmem>>, vector<1x16xi32>,
        %swap3A_267 = vector.shape_cast %swap3A_266 : vector<1x16xi32> to vector<16xi32>
        %swap3A_268 = vector.shape_cast %shift_right_logical3A_262 : vector<16xi32> to vector<1x16xi32>
        tpu.vector_store %arg7[%swap3A_264, %swap3A_265], %swap3A_268 {strides = array<i32>} : memref<1x128xi32, #tpu.memory_space<vmem>>, vector<1x16xi32>,
        %get3A_269 = arith.index_cast %scan3A_142 : i32 to index
        %get3A_270 = arith.constant 96 : index
        %get3A_271 = tpu.vector_load %arg5[%get3A_269, %get3A_270] {strides = array<i32>} : memref<80x128xi32, #tpu.memory_space<vmem>>, vector<1x16xi32>,
        %get3A_272 = vector.shape_cast %get3A_271 : vector<1x16xi32> to vector<16xi32>
        %shift_right_logical3A_273 = arith.constant 14 : i32
        %shift_right_logical3A_274 = vector.broadcast %shift_right_logical3A_273 : i32 to vector<16xi32>
        %shift_right_logical3A_275 = arith.shrui %get3A_272, %shift_right_logical3A_274 : vector<16xi32>
        %swap3A_276 = arith.constant 0 : i32
        %swap3A_277 = arith.index_cast %swap3A_276 : i32 to index
        %swap3A_278 = arith.constant 96 : index
        %swap3A_279 = tpu.vector_load %arg7[%swap3A_277, %swap3A_278] {strides = array<i32>} : memref<1x128xi32, #tpu.memory_space<vmem>>, vector<1x16xi32>,
        %swap3A_280 = vector.shape_cast %swap3A_279 : vector<1x16xi32> to vector<16xi32>
        %swap3A_281 = vector.shape_cast %shift_right_logical3A_275 : vector<16xi32> to vector<1x16xi32>
        tpu.vector_store %arg7[%swap3A_277, %swap3A_278], %swap3A_281 {strides = array<i32>} : memref<1x128xi32, #tpu.memory_space<vmem>>, vector<1x16xi32>,
        %get3A_282 = arith.index_cast %scan3A_142 : i32 to index
        %get3A_283 = arith.constant 112 : index
        %get3A_284 = tpu.vector_load %arg5[%get3A_282, %get3A_283] {strides = array<i32>} : memref<80x128xi32, #tpu.memory_space<vmem>>, vector<1x16xi32>,
        %get3A_285 = vector.shape_cast %get3A_284 : vector<1x16xi32> to vector<16xi32>
        %shift_right_logical3A_286 = arith.constant 14 : i32
        %shift_right_logical3A_287 = vector.broadcast %shift_right_logical3A_286 : i32 to vector<16xi32>
        %shift_right_logical3A_288 = arith.shrui %get3A_285, %shift_right_logical3A_287 : vector<16xi32>
        %swap3A_289 = arith.constant 0 : i32
        %swap3A_290 = arith.index_cast %swap3A_289 : i32 to index
        %swap3A_291 = arith.constant 112 : index
        %swap3A_292 = tpu.vector_load %arg7[%swap3A_290, %swap3A_291] {strides = array<i32>} : memref<1x128xi32, #tpu.memory_space<vmem>>, vector<1x16xi32>,
        %swap3A_293 = vector.shape_cast %swap3A_292 : vector<1x16xi32> to vector<16xi32>
        %swap3A_294 = vector.shape_cast %shift_right_logical3A_288 : vector<16xi32> to vector<1x16xi32>
        tpu.vector_store %arg7[%swap3A_290, %swap3A_291], %swap3A_294 {strides = array<i32>} : memref<1x128xi32, #tpu.memory_space<vmem>>, vector<1x16xi32>,
        %run_scoped3A = arith.constant 0 : i32
        "tpu.region"() ({
          %run_scoped3A_295 = tpu.sem_alloc : memref<!tpu.dma_semaphore, #tpu.memory_space<semaphore_mem>>
          %dma_start3A_296 = arith.constant 0 : i32
          %dma_start3A_297 = tpu.memref_slice %arg7[%run_scoped3A, %dma_start3A_296] : memref<1x128xi32, #tpu.memory_space<vmem>> -> memref<1x128xi32, #tpu.memory_space<vmem>>
          %dma_start3A_298 = tpu.memref_squeeze %dma_start3A_297 : memref<1x128xi32, #tpu.memory_space<vmem>> -> memref<128xi32, #tpu.memory_space<vmem>>
          %dma_start3A_299 = arith.constant 0 : i32
          %dma_start3A_300 = arith.constant 0 : i32
          %dma_start3A_301 = tpu.memref_slice %arg10[%dma_start3A_299, %dma_start3A_300] : memref<10112x128xf32, #tpu.memory_space<vmem_shared>> -> memref<10112x128xf32, #tpu.memory_space<vmem_shared>>
          tpu.enqueue_indirect_dma source(%arg9 : memref<128x128xf32, #tpu.memory_space<vmem>>) target(%dma_start3A_301 : memref<10112x128xf32, #tpu.memory_space<vmem_shared>>) offsets(%dma_start3A_298 : memref<128xi32, #tpu.memory_space<vmem>>) semaphore(%run_scoped3A_295 : memref<!tpu.dma_semaphore, #tpu.memory_space<semaphore_mem>>) {add = true}
          %dma_wait3A_302 = arith.constant 0 : i32
          %dma_wait3A_303 = tpu.memref_slice %arg7[%run_scoped3A, %dma_wait3A_302] : memref<1x128xi32, #tpu.memory_space<vmem>> -> memref<1x128xi32, #tpu.memory_space<vmem>>
          %dma_wait3A_304 = tpu.memref_squeeze %dma_wait3A_303 : memref<1x128xi32, #tpu.memory_space<vmem>> -> memref<128xi32, #tpu.memory_space<vmem>>
          %dma_wait3A_305 = arith.constant 0 : i32
          %dma_wait3A_306 = arith.constant 0 : i32
          %dma_wait3A_307 = tpu.memref_slice %arg10[%dma_wait3A_305, %dma_wait3A_306] : memref<10112x128xf32, #tpu.memory_space<vmem_shared>> -> memref<10112x128xf32, #tpu.memory_space<vmem_shared>>
          tpu.wait_indirect_dma semaphore(%run_scoped3A_295 : memref<!tpu.dma_semaphore, #tpu.memory_space<semaphore_mem>>) src(%arg9 : memref<128x128xf32, #tpu.memory_space<vmem>>) dst(%dma_wait3A_307 : memref<10112x128xf32, #tpu.memory_space<vmem_shared>>)
          tpu.yield
        }) : () -> ()
      } else {
      }
      %scan3A_178 = arith.constant 0 : i32
      scf.yield %scan3A_178 : i32
    }
    %scan3A_140 = arith.constant 80 : i32
    %barrier3A_141 = arith.constant 0 : index
    tpu.barrier barrier_id(%barrier3A_141)
    "tpu.region"() ({
      %run_scoped3A = tpu.sem_alloc : memref<!tpu.dma_semaphore, #tpu.memory_space<semaphore_mem>>
      %dma_start3A_142 = arith.constant 0 : i32
      %dma_start3A_143 = tpu.memref_slice %arg4[%arg0, %mul3A_8, %dma_start3A_142] : memref<2x10112x128xf32, #tpu.memory_space<hbm>> -> memref<1x632x128xf32, #tpu.memory_space<hbm>>
      %dma_start3A_144 = tpu.memref_squeeze %dma_start3A_143 : memref<1x632x128xf32, #tpu.memory_space<hbm>> -> memref<632x128xf32, #tpu.memory_space<hbm>>
      %dma_start3A_145 = arith.constant 0 : i32
      %dma_start3A_146 = tpu.memref_slice %arg10[%mul3A_8, %dma_start3A_145] : memref<10112x128xf32, #tpu.memory_space<vmem_shared>> -> memref<632x128xf32, #tpu.memory_space<vmem_shared>>
      tpu.enqueue_dma source(%dma_start3A_146 : memref<632x128xf32, #tpu.memory_space<vmem_shared>>) target(%dma_start3A_144 : memref<632x128xf32, #tpu.memory_space<hbm>>) target_semaphore(%run_scoped3A : memref<!tpu.dma_semaphore, #tpu.memory_space<semaphore_mem>>)
      %dma_wait3A = arith.constant 0 : i32
      %dma_wait3A_147 = tpu.memref_slice %arg4[%arg0, %mul3A_8, %dma_wait3A] : memref<2x10112x128xf32, #tpu.memory_space<hbm>> -> memref<1x632x128xf32, #tpu.memory_space<hbm>>
      %dma_wait3A_148 = tpu.memref_squeeze %dma_wait3A_147 : memref<1x632x128xf32, #tpu.memory_space<hbm>> -> memref<632x128xf32, #tpu.memory_space<hbm>>
      %dma_wait3A_149 = arith.constant 0 : i32
      %dma_wait3A_150 = tpu.memref_slice %arg10[%mul3A_8, %dma_wait3A_149] : memref<10112x128xf32, #tpu.memory_space<vmem_shared>> -> memref<632x128xf32, #tpu.memory_space<vmem_shared>>
      tpu.wait_dma2 semaphore(%run_scoped3A : memref<!tpu.dma_semaphore, #tpu.memory_space<semaphore_mem>>) src(%dma_wait3A_150 : memref<632x128xf32, #tpu.memory_space<vmem_shared>>) dst(%dma_wait3A_148 : memref<632x128xf32, #tpu.memory_space<hbm>>)
      tpu.yield
    }) : () -> ()
    return
  }
}

#map = affine_map<(d0, d1) -> (0, 0)>
#map1 = affine_map<(d0, d1) -> (0, 0, 0)>
module attributes {stable_mosaic.version = 14 : i64} {
  func.func @_sc_agg_body(%arg0: i32, %arg1: i32, %arg2: memref<10000x128xf32, #tpu.memory_space<hbm>>, %arg3: memref<32x80x128xi32, #tpu.memory_space<hbm>>, %arg4: memref<2x10112x128xf32, #tpu.memory_space<hbm>>, %arg5: memref<80x128xi32, #tpu.memory_space<vmem>>, %arg6: memref<2x128xi32, #tpu.memory_space<vmem>>, %arg7: memref<1x128xi32, #tpu.memory_space<vmem>>, %arg8: memref<128x128xf32, #tpu.memory_space<vmem>>, %arg9: memref<128x128xf32, #tpu.memory_space<vmem>>, %arg10: memref<10112x128xf32, #tpu.memory_space<vmem_shared>>, %arg11: memref<!tpu.dma_semaphore, #tpu.memory_space<semaphore_mem>>, %arg12: memref<!tpu.dma_semaphore, #tpu.memory_space<semaphore_mem>>) attributes {dimension_semantics = [#tpu.dimension_semantics<core_parallel>, #tpu.dimension_semantics<subcore_parallel>], iteration_bounds = array<i64: 2, 16>, scalar_prefetch = 0 : i64, scratch_operands = 8 : i64, tpu.core_type = #tpu.core_type<sc_vector_subcore>, window_params = [{transform_indices = #map}, {transform_indices = #map1}, {transform_indices = #map1}]} {
    %mul3A = arith.constant 16 : i32
    %mul3A_0 = arith.muli %arg0, %mul3A : i32
    %add3A = arith.addi %mul3A_0, %arg1 : i32
    "tpu.region"() ({
      %run_scoped3A = tpu.sem_alloc : memref<!tpu.dma_semaphore, #tpu.memory_space<semaphore_mem>>
      %dma_start3A_142 = arith.constant 0 : i32
      %dma_start3A_143 = arith.constant 0 : i32
      %dma_start3A_144 = tpu.memref_slice %arg3[%add3A, %dma_start3A_142, %dma_start3A_143] : memref<32x80x128xi32, #tpu.memory_space<hbm>> -> memref<1x80x128xi32, #tpu.memory_space<hbm>>
      %dma_start3A_145 = tpu.memref_squeeze %dma_start3A_144 : memref<1x80x128xi32, #tpu.memory_space<hbm>> -> memref<80x128xi32, #tpu.memory_space<hbm>>
      %dma_start3A_146 = arith.constant 0 : i32
      %dma_start3A_147 = arith.constant 0 : i32
      %dma_start3A_148 = tpu.memref_slice %arg3[%add3A, %dma_start3A_146, %dma_start3A_147] : memref<32x80x128xi32, #tpu.memory_space<hbm>> -> memref<1x80x128xi32, #tpu.memory_space<hbm>>
      %dma_start3A_149 = tpu.memref_squeeze %dma_start3A_148 : memref<1x80x128xi32, #tpu.memory_space<hbm>> -> memref<80x128xi32, #tpu.memory_space<hbm>>
      tpu.enqueue_dma source(%dma_start3A_149 : memref<80x128xi32, #tpu.memory_space<hbm>>) target(%arg5 : memref<80x128xi32, #tpu.memory_space<vmem>>) target_semaphore(%run_scoped3A : memref<!tpu.dma_semaphore, #tpu.memory_space<semaphore_mem>>)
      %dma_wait3A = arith.constant 0 : i32
      %dma_wait3A_150 = arith.constant 0 : i32
      %dma_wait3A_151 = tpu.memref_slice %arg3[%add3A, %dma_wait3A, %dma_wait3A_150] : memref<32x80x128xi32, #tpu.memory_space<hbm>> -> memref<1x80x128xi32, #tpu.memory_space<hbm>>
      %dma_wait3A_152 = tpu.memref_squeeze %dma_wait3A_151 : memref<1x80x128xi32, #tpu.memory_space<hbm>> -> memref<80x128xi32, #tpu.memory_space<hbm>>
      %dma_wait3A_153 = arith.constant 0 : i32
      %dma_wait3A_154 = arith.constant 0 : i32
      %dma_wait3A_155 = tpu.memref_slice %arg3[%add3A, %dma_wait3A_153, %dma_wait3A_154] : memref<32x80x128xi32, #tpu.memory_space<hbm>> -> memref<1x80x128xi32, #tpu.memory_space<hbm>>
      %dma_wait3A_156 = tpu.memref_squeeze %dma_wait3A_155 : memref<1x80x128xi32, #tpu.memory_space<hbm>> -> memref<80x128xi32, #tpu.memory_space<hbm>>
      tpu.wait_dma2 semaphore(%run_scoped3A : memref<!tpu.dma_semaphore, #tpu.memory_space<semaphore_mem>>) src(%dma_wait3A_156 : memref<80x128xi32, #tpu.memory_space<hbm>>) dst(%arg5 : memref<80x128xi32, #tpu.memory_space<vmem>>)
      tpu.yield
    }) : () -> ()
    %scan3A = arith.constant 0 : i32
    %scan3A_1 = arith.constant 0 : i32
    %scan3A_2 = arith.constant 128 : i32
    %scan3A_3 = arith.addi %scan3A_1, %scan3A_2 : i32
    %scan3A_4 = arith.constant 1 : i32
    %scan3A_5 = scf.for %scan3A_142 = %scan3A_1 to %scan3A_3 step %scan3A_4 iter_args(%scan3A_143 = %scan3A) -> (i32)  : i32 {
      %broadcast_in_dim3A = arith.constant 0.000000e+00 : f32
      %broadcast_in_dim3A_144 = vector.broadcast %broadcast_in_dim3A : f32 to vector<16xf32>
      %swap3A_145 = arith.index_cast %scan3A_142 : i32 to index
      %swap3A_146 = arith.constant 0 : index
      %swap3A_147 = tpu.vector_load %arg8[%swap3A_145, %swap3A_146] {strides = array<i32>} : memref<128x128xf32, #tpu.memory_space<vmem>>, vector<1x16xf32>,
      %swap3A_148 = vector.shape_cast %swap3A_147 : vector<1x16xf32> to vector<16xf32>
      %swap3A_149 = vector.shape_cast %broadcast_in_dim3A_144 : vector<16xf32> to vector<1x16xf32>
      tpu.vector_store %arg8[%swap3A_145, %swap3A_146], %swap3A_149 {strides = array<i32>} : memref<128x128xf32, #tpu.memory_space<vmem>>, vector<1x16xf32>,
      %broadcast_in_dim3A_150 = arith.constant 0.000000e+00 : f32
      %broadcast_in_dim3A_151 = vector.broadcast %broadcast_in_dim3A_150 : f32 to vector<16xf32>
      %swap3A_152 = arith.index_cast %scan3A_142 : i32 to index
      %swap3A_153 = arith.constant 16 : index
      %swap3A_154 = tpu.vector_load %arg8[%swap3A_152, %swap3A_153] {strides = array<i32>} : memref<128x128xf32, #tpu.memory_space<vmem>>, vector<1x16xf32>,
      %swap3A_155 = vector.shape_cast %swap3A_154 : vector<1x16xf32> to vector<16xf32>
      %swap3A_156 = vector.shape_cast %broadcast_in_dim3A_151 : vector<16xf32> to vector<1x16xf32>
      tpu.vector_store %arg8[%swap3A_152, %swap3A_153], %swap3A_156 {strides = array<i32>} : memref<128x128xf32, #tpu.memory_space<vmem>>, vector<1x16xf32>,
      %broadcast_in_dim3A_157 = arith.constant 0.000000e+00 : f32
      %broadcast_in_dim3A_158 = vector.broadcast %broadcast_in_dim3A_157 : f32 to vector<16xf32>
      %swap3A_159 = arith.index_cast %scan3A_142 : i32 to index
      %swap3A_160 = arith.constant 32 : index
      %swap3A_161 = tpu.vector_load %arg8[%swap3A_159, %swap3A_160] {strides = array<i32>} : memref<128x128xf32, #tpu.memory_space<vmem>>, vector<1x16xf32>,
      %swap3A_162 = vector.shape_cast %swap3A_161 : vector<1x16xf32> to vector<16xf32>
      %swap3A_163 = vector.shape_cast %broadcast_in_dim3A_158 : vector<16xf32> to vector<1x16xf32>
      tpu.vector_store %arg8[%swap3A_159, %swap3A_160], %swap3A_163 {strides = array<i32>} : memref<128x128xf32, #tpu.memory_space<vmem>>, vector<1x16xf32>,
      %broadcast_in_dim3A_164 = arith.constant 0.000000e+00 : f32
      %broadcast_in_dim3A_165 = vector.broadcast %broadcast_in_dim3A_164 : f32 to vector<16xf32>
      %swap3A_166 = arith.index_cast %scan3A_142 : i32 to index
      %swap3A_167 = arith.constant 48 : index
      %swap3A_168 = tpu.vector_load %arg8[%swap3A_166, %swap3A_167] {strides = array<i32>} : memref<128x128xf32, #tpu.memory_space<vmem>>, vector<1x16xf32>,
      %swap3A_169 = vector.shape_cast %swap3A_168 : vector<1x16xf32> to vector<16xf32>
      %swap3A_170 = vector.shape_cast %broadcast_in_dim3A_165 : vector<16xf32> to vector<1x16xf32>
      tpu.vector_store %arg8[%swap3A_166, %swap3A_167], %swap3A_170 {strides = array<i32>} : memref<128x128xf32, #tpu.memory_space<vmem>>, vector<1x16xf32>,
      %broadcast_in_dim3A_171 = arith.constant 0.000000e+00 : f32
      %broadcast_in_dim3A_172 = vector.broadcast %broadcast_in_dim3A_171 : f32 to vector<16xf32>
      %swap3A_173 = arith.index_cast %scan3A_142 : i32 to index
      %swap3A_174 = arith.constant 64 : index
      %swap3A_175 = tpu.vector_load %arg8[%swap3A_173, %swap3A_174] {strides = array<i32>} : memref<128x128xf32, #tpu.memory_space<vmem>>, vector<1x16xf32>,
      %swap3A_176 = vector.shape_cast %swap3A_175 : vector<1x16xf32> to vector<16xf32>
      %swap3A_177 = vector.shape_cast %broadcast_in_dim3A_172 : vector<16xf32> to vector<1x16xf32>
      tpu.vector_store %arg8[%swap3A_173, %swap3A_174], %swap3A_177 {strides = array<i32>} : memref<128x128xf32, #tpu.memory_space<vmem>>, vector<1x16xf32>,
      %broadcast_in_dim3A_178 = arith.constant 0.000000e+00 : f32
      %broadcast_in_dim3A_179 = vector.broadcast %broadcast_in_dim3A_178 : f32 to vector<16xf32>
      %swap3A_180 = arith.index_cast %scan3A_142 : i32 to index
      %swap3A_181 = arith.constant 80 : index
      %swap3A_182 = tpu.vector_load %arg8[%swap3A_180, %swap3A_181] {strides = array<i32>} : memref<128x128xf32, #tpu.memory_space<vmem>>, vector<1x16xf32>,
      %swap3A_183 = vector.shape_cast %swap3A_182 : vector<1x16xf32> to vector<16xf32>
      %swap3A_184 = vector.shape_cast %broadcast_in_dim3A_179 : vector<16xf32> to vector<1x16xf32>
      tpu.vector_store %arg8[%swap3A_180, %swap3A_181], %swap3A_184 {strides = array<i32>} : memref<128x128xf32, #tpu.memory_space<vmem>>, vector<1x16xf32>,
      %broadcast_in_dim3A_185 = arith.constant 0.000000e+00 : f32
      %broadcast_in_dim3A_186 = vector.broadcast %broadcast_in_dim3A_185 : f32 to vector<16xf32>
      %swap3A_187 = arith.index_cast %scan3A_142 : i32 to index
      %swap3A_188 = arith.constant 96 : index
      %swap3A_189 = tpu.vector_load %arg8[%swap3A_187, %swap3A_188] {strides = array<i32>} : memref<128x128xf32, #tpu.memory_space<vmem>>, vector<1x16xf32>,
      %swap3A_190 = vector.shape_cast %swap3A_189 : vector<1x16xf32> to vector<16xf32>
      %swap3A_191 = vector.shape_cast %broadcast_in_dim3A_186 : vector<16xf32> to vector<1x16xf32>
      tpu.vector_store %arg8[%swap3A_187, %swap3A_188], %swap3A_191 {strides = array<i32>} : memref<128x128xf32, #tpu.memory_space<vmem>>, vector<1x16xf32>,
      %broadcast_in_dim3A_192 = arith.constant 0.000000e+00 : f32
      %broadcast_in_dim3A_193 = vector.broadcast %broadcast_in_dim3A_192 : f32 to vector<16xf32>
      %swap3A_194 = arith.index_cast %scan3A_142 : i32 to index
      %swap3A_195 = arith.constant 112 : index
      %swap3A_196 = tpu.vector_load %arg8[%swap3A_194, %swap3A_195] {strides = array<i32>} : memref<128x128xf32, #tpu.memory_space<vmem>>, vector<1x16xf32>,
      %swap3A_197 = vector.shape_cast %swap3A_196 : vector<1x16xf32> to vector<16xf32>
      %swap3A_198 = vector.shape_cast %broadcast_in_dim3A_193 : vector<16xf32> to vector<1x16xf32>
      tpu.vector_store %arg8[%swap3A_194, %swap3A_195], %swap3A_198 {strides = array<i32>} : memref<128x128xf32, #tpu.memory_space<vmem>>, vector<1x16xf32>,
      %scan3A_199 = arith.constant 0 : i32
      scf.yield %scan3A_199 : i32
    }
    %scan3A_6 = arith.constant 128 : i32
    %mul3A_7 = arith.constant 632 : i32
    %mul3A_8 = arith.muli %arg1, %mul3A_7 : i32
    %add3A_9 = arith.constant 0 : i32
    %add3A_10 = arith.addi %mul3A_8, %add3A_9 : i32
    "tpu.region"() ({
      %run_scoped3A = tpu.sem_alloc : memref<!tpu.dma_semaphore, #tpu.memory_space<semaphore_mem>>
      %dma_start3A_142 = arith.constant 0 : i32
      %dma_start3A_143 = tpu.memref_slice %arg10[%add3A_10, %dma_start3A_142] : memref<10112x128xf32, #tpu.memory_space<vmem_shared>> -> memref<128x128xf32, #tpu.memory_space<vmem_shared>>
      %dma_start3A_144 = arith.constant 0 : i32
      %dma_start3A_145 = tpu.memref_slice %arg10[%add3A_10, %dma_start3A_144] : memref<10112x128xf32, #tpu.memory_space<vmem_shared>> -> memref<128x128xf32, #tpu.memory_space<vmem_shared>>
      tpu.enqueue_dma source(%arg8 : memref<128x128xf32, #tpu.memory_space<vmem>>) target(%dma_start3A_145 : memref<128x128xf32, #tpu.memory_space<vmem_shared>>) target_semaphore(%run_scoped3A : memref<!tpu.dma_semaphore, #tpu.memory_space<semaphore_mem>>)
      %dma_wait3A = arith.constant 0 : i32
      %dma_wait3A_146 = tpu.memref_slice %arg10[%add3A_10, %dma_wait3A] : memref<10112x128xf32, #tpu.memory_space<vmem_shared>> -> memref<128x128xf32, #tpu.memory_space<vmem_shared>>
      %dma_wait3A_147 = arith.constant 0 : i32
      %dma_wait3A_148 = tpu.memref_slice %arg10[%add3A_10, %dma_wait3A_147] : memref<10112x128xf32, #tpu.memory_space<vmem_shared>> -> memref<128x128xf32, #tpu.memory_space<vmem_shared>>
      tpu.wait_dma2 semaphore(%run_scoped3A : memref<!tpu.dma_semaphore, #tpu.memory_space<semaphore_mem>>) src(%arg8 : memref<128x128xf32, #tpu.memory_space<vmem>>) dst(%dma_wait3A_148 : memref<128x128xf32, #tpu.memory_space<vmem_shared>>)
      tpu.yield
    }) : () -> ()
    %add3A_11 = arith.constant 128 : i32
    %add3A_12 = arith.addi %mul3A_8, %add3A_11 : i32
    "tpu.region"() ({
      %run_scoped3A = tpu.sem_alloc : memref<!tpu.dma_semaphore, #tpu.memory_space<semaphore_mem>>
      %dma_start3A_142 = arith.constant 0 : i32
      %dma_start3A_143 = tpu.memref_slice %arg10[%add3A_12, %dma_start3A_142] : memref<10112x128xf32, #tpu.memory_space<vmem_shared>> -> memref<128x128xf32, #tpu.memory_space<vmem_shared>>
      %dma_start3A_144 = arith.constant 0 : i32
      %dma_start3A_145 = tpu.memref_slice %arg10[%add3A_12, %dma_start3A_144] : memref<10112x128xf32, #tpu.memory_space<vmem_shared>> -> memref<128x128xf32, #tpu.memory_space<vmem_shared>>
      tpu.enqueue_dma source(%arg8 : memref<128x128xf32, #tpu.memory_space<vmem>>) target(%dma_start3A_145 : memref<128x128xf32, #tpu.memory_space<vmem_shared>>) target_semaphore(%run_scoped3A : memref<!tpu.dma_semaphore, #tpu.memory_space<semaphore_mem>>)
      %dma_wait3A = arith.constant 0 : i32
      %dma_wait3A_146 = tpu.memref_slice %arg10[%add3A_12, %dma_wait3A] : memref<10112x128xf32, #tpu.memory_space<vmem_shared>> -> memref<128x128xf32, #tpu.memory_space<vmem_shared>>
      %dma_wait3A_147 = arith.constant 0 : i32
      %dma_wait3A_148 = tpu.memref_slice %arg10[%add3A_12, %dma_wait3A_147] : memref<10112x128xf32, #tpu.memory_space<vmem_shared>> -> memref<128x128xf32, #tpu.memory_space<vmem_shared>>
      tpu.wait_dma2 semaphore(%run_scoped3A : memref<!tpu.dma_semaphore, #tpu.memory_space<semaphore_mem>>) src(%arg8 : memref<128x128xf32, #tpu.memory_space<vmem>>) dst(%dma_wait3A_148 : memref<128x128xf32, #tpu.memory_space<vmem_shared>>)
      tpu.yield
    }) : () -> ()
    %add3A_13 = arith.constant 256 : i32
    %add3A_14 = arith.addi %mul3A_8, %add3A_13 : i32
    "tpu.region"() ({
      %run_scoped3A = tpu.sem_alloc : memref<!tpu.dma_semaphore, #tpu.memory_space<semaphore_mem>>
      %dma_start3A_142 = arith.constant 0 : i32
      %dma_start3A_143 = tpu.memref_slice %arg10[%add3A_14, %dma_start3A_142] : memref<10112x128xf32, #tpu.memory_space<vmem_shared>> -> memref<128x128xf32, #tpu.memory_space<vmem_shared>>
      %dma_start3A_144 = arith.constant 0 : i32
      %dma_start3A_145 = tpu.memref_slice %arg10[%add3A_14, %dma_start3A_144] : memref<10112x128xf32, #tpu.memory_space<vmem_shared>> -> memref<128x128xf32, #tpu.memory_space<vmem_shared>>
      tpu.enqueue_dma source(%arg8 : memref<128x128xf32, #tpu.memory_space<vmem>>) target(%dma_start3A_145 : memref<128x128xf32, #tpu.memory_space<vmem_shared>>) target_semaphore(%run_scoped3A : memref<!tpu.dma_semaphore, #tpu.memory_space<semaphore_mem>>)
      %dma_wait3A = arith.constant 0 : i32
      %dma_wait3A_146 = tpu.memref_slice %arg10[%add3A_14, %dma_wait3A] : memref<10112x128xf32, #tpu.memory_space<vmem_shared>> -> memref<128x128xf32, #tpu.memory_space<vmem_shared>>
      %dma_wait3A_147 = arith.constant 0 : i32
      %dma_wait3A_148 = tpu.memref_slice %arg10[%add3A_14, %dma_wait3A_147] : memref<10112x128xf32, #tpu.memory_space<vmem_shared>> -> memref<128x128xf32, #tpu.memory_space<vmem_shared>>
      tpu.wait_dma2 semaphore(%run_scoped3A : memref<!tpu.dma_semaphore, #tpu.memory_space<semaphore_mem>>) src(%arg8 : memref<128x128xf32, #tpu.memory_space<vmem>>) dst(%dma_wait3A_148 : memref<128x128xf32, #tpu.memory_space<vmem_shared>>)
      tpu.yield
    }) : () -> ()
    %add3A_15 = arith.constant 384 : i32
    %add3A_16 = arith.addi %mul3A_8, %add3A_15 : i32
    "tpu.region"() ({
      %run_scoped3A = tpu.sem_alloc : memref<!tpu.dma_semaphore, #tpu.memory_space<semaphore_mem>>
      %dma_start3A_142 = arith.constant 0 : i32
      %dma_start3A_143 = tpu.memref_slice %arg10[%add3A_16, %dma_start3A_142] : memref<10112x128xf32, #tpu.memory_space<vmem_shared>> -> memref<128x128xf32, #tpu.memory_space<vmem_shared>>
      %dma_start3A_144 = arith.constant 0 : i32
      %dma_start3A_145 = tpu.memref_slice %arg10[%add3A_16, %dma_start3A_144] : memref<10112x128xf32, #tpu.memory_space<vmem_shared>> -> memref<128x128xf32, #tpu.memory_space<vmem_shared>>
      tpu.enqueue_dma source(%arg8 : memref<128x128xf32, #tpu.memory_space<vmem>>) target(%dma_start3A_145 : memref<128x128xf32, #tpu.memory_space<vmem_shared>>) target_semaphore(%run_scoped3A : memref<!tpu.dma_semaphore, #tpu.memory_space<semaphore_mem>>)
      %dma_wait3A = arith.constant 0 : i32
      %dma_wait3A_146 = tpu.memref_slice %arg10[%add3A_16, %dma_wait3A] : memref<10112x128xf32, #tpu.memory_space<vmem_shared>> -> memref<128x128xf32, #tpu.memory_space<vmem_shared>>
      %dma_wait3A_147 = arith.constant 0 : i32
      %dma_wait3A_148 = tpu.memref_slice %arg10[%add3A_16, %dma_wait3A_147] : memref<10112x128xf32, #tpu.memory_space<vmem_shared>> -> memref<128x128xf32, #tpu.memory_space<vmem_shared>>
      tpu.wait_dma2 semaphore(%run_scoped3A : memref<!tpu.dma_semaphore, #tpu.memory_space<semaphore_mem>>) src(%arg8 : memref<128x128xf32, #tpu.memory_space<vmem>>) dst(%dma_wait3A_148 : memref<128x128xf32, #tpu.memory_space<vmem_shared>>)
      tpu.yield
    }) : () -> ()
    %add3A_17 = arith.constant 512 : i32
    %add3A_18 = arith.addi %mul3A_8, %add3A_17 : i32
    "tpu.region"() ({
      %run_scoped3A = tpu.sem_alloc : memref<!tpu.dma_semaphore, #tpu.memory_space<semaphore_mem>>
      %dma_start3A_142 = arith.constant 0 : i32
      %dma_start3A_143 = arith.constant 0 : i32
      %dma_start3A_144 = tpu.memref_slice %arg8[%dma_start3A_142, %dma_start3A_143] : memref<128x128xf32, #tpu.memory_space<vmem>> -> memref<120x128xf32, #tpu.memory_space<vmem>>
      %dma_start3A_145 = arith.constant 0 : i32
      %dma_start3A_146 = tpu.memref_slice %arg10[%add3A_18, %dma_start3A_145] : memref<10112x128xf32, #tpu.memory_space<vmem_shared>> -> memref<120x128xf32, #tpu.memory_space<vmem_shared>>
      %dma_start3A_147 = arith.constant 0 : i32
      %dma_start3A_148 = tpu.memref_slice %arg10[%add3A_18, %dma_start3A_147] : memref<10112x128xf32, #tpu.memory_space<vmem_shared>> -> memref<120x128xf32, #tpu.memory_space<vmem_shared>>
      %dma_start3A_149 = arith.constant 0 : i32
      %dma_start3A_150 = arith.constant 0 : i32
      %dma_start3A_151 = tpu.memref_slice %arg8[%dma_start3A_149, %dma_start3A_150] : memref<128x128xf32, #tpu.memory_space<vmem>> -> memref<120x128xf32, #tpu.memory_space<vmem>>
      tpu.enqueue_dma source(%dma_start3A_151 : memref<120x128xf32, #tpu.memory_space<vmem>>) target(%dma_start3A_148 : memref<120x128xf32, #tpu.memory_space<vmem_shared>>) target_semaphore(%run_scoped3A : memref<!tpu.dma_semaphore, #tpu.memory_space<semaphore_mem>>)
      %dma_wait3A = arith.constant 0 : i32
      %dma_wait3A_152 = arith.constant 0 : i32
      %dma_wait3A_153 = tpu.memref_slice %arg8[%dma_wait3A, %dma_wait3A_152] : memref<128x128xf32, #tpu.memory_space<vmem>> -> memref<120x128xf32, #tpu.memory_space<vmem>>
      %dma_wait3A_154 = arith.constant 0 : i32
      %dma_wait3A_155 = tpu.memref_slice %arg10[%add3A_18, %dma_wait3A_154] : memref<10112x128xf32, #tpu.memory_space<vmem_shared>> -> memref<120x128xf32, #tpu.memory_space<vmem_shared>>
      %dma_wait3A_156 = arith.constant 0 : i32
      %dma_wait3A_157 = tpu.memref_slice %arg10[%add3A_18, %dma_wait3A_156] : memref<10112x128xf32, #tpu.memory_space<vmem_shared>> -> memref<120x128xf32, #tpu.memory_space<vmem_shared>>
      %dma_wait3A_158 = arith.constant 0 : i32
      %dma_wait3A_159 = arith.constant 0 : i32
      %dma_wait3A_160 = tpu.memref_slice %arg8[%dma_wait3A_158, %dma_wait3A_159] : memref<128x128xf32, #tpu.memory_space<vmem>> -> memref<120x128xf32, #tpu.memory_space<vmem>>
      tpu.wait_dma2 semaphore(%run_scoped3A : memref<!tpu.dma_semaphore, #tpu.memory_space<semaphore_mem>>) src(%dma_wait3A_160 : memref<120x128xf32, #tpu.memory_space<vmem>>) dst(%dma_wait3A_157 : memref<120x128xf32, #tpu.memory_space<vmem_shared>>)
      tpu.yield
    }) : () -> ()
    %barrier3A = arith.constant 0 : index
    tpu.barrier barrier_id(%barrier3A)
    %get3A = arith.constant 0 : i32
    %get3A_19 = arith.index_cast %get3A : i32 to index
    %get3A_20 = arith.constant 0 : index
    %get3A_21 = tpu.vector_load %arg5[%get3A_19, %get3A_20] {strides = array<i32>} : memref<80x128xi32, #tpu.memory_space<vmem>>, vector<1x16xi32>,
    %get3A_22 = vector.shape_cast %get3A_21 : vector<1x16xi32> to vector<16xi32>
    %and3A = arith.constant 16383 : i32
    %and3A_23 = vector.broadcast %and3A : i32 to vector<16xi32>
    %and3A_24 = arith.andi %get3A_22, %and3A_23 : vector<16xi32>
    %swap3A = arith.constant 0 : i32
    %swap3A_25 = arith.index_cast %swap3A : i32 to index
    %swap3A_26 = arith.constant 0 : index
    %swap3A_27 = tpu.vector_load %arg6[%swap3A_25, %swap3A_26] {strides = array<i32>} : memref<2x128xi32, #tpu.memory_space<vmem>>, vector<1x16xi32>,
    %swap3A_28 = vector.shape_cast %swap3A_27 : vector<1x16xi32> to vector<16xi32>
    %swap3A_29 = vector.shape_cast %and3A_24 : vector<16xi32> to vector<1x16xi32>
    tpu.vector_store %arg6[%swap3A_25, %swap3A_26], %swap3A_29 {strides = array<i32>} : memref<2x128xi32, #tpu.memory_space<vmem>>, vector<1x16xi32>,
    %get3A_30 = arith.constant 0 : i32
    %get3A_31 = arith.index_cast %get3A_30 : i32 to index
    %get3A_32 = arith.constant 16 : index
    %get3A_33 = tpu.vector_load %arg5[%get3A_31, %get3A_32] {strides = array<i32>} : memref<80x128xi32, #tpu.memory_space<vmem>>, vector<1x16xi32>,
    %get3A_34 = vector.shape_cast %get3A_33 : vector<1x16xi32> to vector<16xi32>
    %and3A_35 = arith.constant 16383 : i32
    %and3A_36 = vector.broadcast %and3A_35 : i32 to vector<16xi32>
    %and3A_37 = arith.andi %get3A_34, %and3A_36 : vector<16xi32>
    %swap3A_38 = arith.constant 0 : i32
    %swap3A_39 = arith.index_cast %swap3A_38 : i32 to index
    %swap3A_40 = arith.constant 16 : index
    %swap3A_41 = tpu.vector_load %arg6[%swap3A_39, %swap3A_40] {strides = array<i32>} : memref<2x128xi32, #tpu.memory_space<vmem>>, vector<1x16xi32>,
    %swap3A_42 = vector.shape_cast %swap3A_41 : vector<1x16xi32> to vector<16xi32>
    %swap3A_43 = vector.shape_cast %and3A_37 : vector<16xi32> to vector<1x16xi32>
    tpu.vector_store %arg6[%swap3A_39, %swap3A_40], %swap3A_43 {strides = array<i32>} : memref<2x128xi32, #tpu.memory_space<vmem>>, vector<1x16xi32>,
    %get3A_44 = arith.constant 0 : i32
    %get3A_45 = arith.index_cast %get3A_44 : i32 to index
    %get3A_46 = arith.constant 32 : index
    %get3A_47 = tpu.vector_load %arg5[%get3A_45, %get3A_46] {strides = array<i32>} : memref<80x128xi32, #tpu.memory_space<vmem>>, vector<1x16xi32>,
    %get3A_48 = vector.shape_cast %get3A_47 : vector<1x16xi32> to vector<16xi32>
    %and3A_49 = arith.constant 16383 : i32
    %and3A_50 = vector.broadcast %and3A_49 : i32 to vector<16xi32>
    %and3A_51 = arith.andi %get3A_48, %and3A_50 : vector<16xi32>
    %swap3A_52 = arith.constant 0 : i32
    %swap3A_53 = arith.index_cast %swap3A_52 : i32 to index
    %swap3A_54 = arith.constant 32 : index
    %swap3A_55 = tpu.vector_load %arg6[%swap3A_53, %swap3A_54] {strides = array<i32>} : memref<2x128xi32, #tpu.memory_space<vmem>>, vector<1x16xi32>,
    %swap3A_56 = vector.shape_cast %swap3A_55 : vector<1x16xi32> to vector<16xi32>
    %swap3A_57 = vector.shape_cast %and3A_51 : vector<16xi32> to vector<1x16xi32>
    tpu.vector_store %arg6[%swap3A_53, %swap3A_54], %swap3A_57 {strides = array<i32>} : memref<2x128xi32, #tpu.memory_space<vmem>>, vector<1x16xi32>,
    %get3A_58 = arith.constant 0 : i32
    %get3A_59 = arith.index_cast %get3A_58 : i32 to index
    %get3A_60 = arith.constant 48 : index
    %get3A_61 = tpu.vector_load %arg5[%get3A_59, %get3A_60] {strides = array<i32>} : memref<80x128xi32, #tpu.memory_space<vmem>>, vector<1x16xi32>,
    %get3A_62 = vector.shape_cast %get3A_61 : vector<1x16xi32> to vector<16xi32>
    %and3A_63 = arith.constant 16383 : i32
    %and3A_64 = vector.broadcast %and3A_63 : i32 to vector<16xi32>
    %and3A_65 = arith.andi %get3A_62, %and3A_64 : vector<16xi32>
    %swap3A_66 = arith.constant 0 : i32
    %swap3A_67 = arith.index_cast %swap3A_66 : i32 to index
    %swap3A_68 = arith.constant 48 : index
    %swap3A_69 = tpu.vector_load %arg6[%swap3A_67, %swap3A_68] {strides = array<i32>} : memref<2x128xi32, #tpu.memory_space<vmem>>, vector<1x16xi32>,
    %swap3A_70 = vector.shape_cast %swap3A_69 : vector<1x16xi32> to vector<16xi32>
    %swap3A_71 = vector.shape_cast %and3A_65 : vector<16xi32> to vector<1x16xi32>
    tpu.vector_store %arg6[%swap3A_67, %swap3A_68], %swap3A_71 {strides = array<i32>} : memref<2x128xi32, #tpu.memory_space<vmem>>, vector<1x16xi32>,
    %get3A_72 = arith.constant 0 : i32
    %get3A_73 = arith.index_cast %get3A_72 : i32 to index
    %get3A_74 = arith.constant 64 : index
    %get3A_75 = tpu.vector_load %arg5[%get3A_73, %get3A_74] {strides = array<i32>} : memref<80x128xi32, #tpu.memory_space<vmem>>, vector<1x16xi32>,
    %get3A_76 = vector.shape_cast %get3A_75 : vector<1x16xi32> to vector<16xi32>
    %and3A_77 = arith.constant 16383 : i32
    %and3A_78 = vector.broadcast %and3A_77 : i32 to vector<16xi32>
    %and3A_79 = arith.andi %get3A_76, %and3A_78 : vector<16xi32>
    %swap3A_80 = arith.constant 0 : i32
    %swap3A_81 = arith.index_cast %swap3A_80 : i32 to index
    %swap3A_82 = arith.constant 64 : index
    %swap3A_83 = tpu.vector_load %arg6[%swap3A_81, %swap3A_82] {strides = array<i32>} : memref<2x128xi32, #tpu.memory_space<vmem>>, vector<1x16xi32>,
    %swap3A_84 = vector.shape_cast %swap3A_83 : vector<1x16xi32> to vector<16xi32>
    %swap3A_85 = vector.shape_cast %and3A_79 : vector<16xi32> to vector<1x16xi32>
    tpu.vector_store %arg6[%swap3A_81, %swap3A_82], %swap3A_85 {strides = array<i32>} : memref<2x128xi32, #tpu.memory_space<vmem>>, vector<1x16xi32>,
    %get3A_86 = arith.constant 0 : i32
    %get3A_87 = arith.index_cast %get3A_86 : i32 to index
    %get3A_88 = arith.constant 80 : index
    %get3A_89 = tpu.vector_load %arg5[%get3A_87, %get3A_88] {strides = array<i32>} : memref<80x128xi32, #tpu.memory_space<vmem>>, vector<1x16xi32>,
    %get3A_90 = vector.shape_cast %get3A_89 : vector<1x16xi32> to vector<16xi32>
    %and3A_91 = arith.constant 16383 : i32
    %and3A_92 = vector.broadcast %and3A_91 : i32 to vector<16xi32>
    %and3A_93 = arith.andi %get3A_90, %and3A_92 : vector<16xi32>
    %swap3A_94 = arith.constant 0 : i32
    %swap3A_95 = arith.index_cast %swap3A_94 : i32 to index
    %swap3A_96 = arith.constant 80 : index
    %swap3A_97 = tpu.vector_load %arg6[%swap3A_95, %swap3A_96] {strides = array<i32>} : memref<2x128xi32, #tpu.memory_space<vmem>>, vector<1x16xi32>,
    %swap3A_98 = vector.shape_cast %swap3A_97 : vector<1x16xi32> to vector<16xi32>
    %swap3A_99 = vector.shape_cast %and3A_93 : vector<16xi32> to vector<1x16xi32>
    tpu.vector_store %arg6[%swap3A_95, %swap3A_96], %swap3A_99 {strides = array<i32>} : memref<2x128xi32, #tpu.memory_space<vmem>>, vector<1x16xi32>,
    %get3A_100 = arith.constant 0 : i32
    %get3A_101 = arith.index_cast %get3A_100 : i32 to index
    %get3A_102 = arith.constant 96 : index
    %get3A_103 = tpu.vector_load %arg5[%get3A_101, %get3A_102] {strides = array<i32>} : memref<80x128xi32, #tpu.memory_space<vmem>>, vector<1x16xi32>,
    %get3A_104 = vector.shape_cast %get3A_103 : vector<1x16xi32> to vector<16xi32>
    %and3A_105 = arith.constant 16383 : i32
    %and3A_106 = vector.broadcast %and3A_105 : i32 to vector<16xi32>
    %and3A_107 = arith.andi %get3A_104, %and3A_106 : vector<16xi32>
    %swap3A_108 = arith.constant 0 : i32
    %swap3A_109 = arith.index_cast %swap3A_108 : i32 to index
    %swap3A_110 = arith.constant 96 : index
    %swap3A_111 = tpu.vector_load %arg6[%swap3A_109, %swap3A_110] {strides = array<i32>} : memref<2x128xi32, #tpu.memory_space<vmem>>, vector<1x16xi32>,
    %swap3A_112 = vector.shape_cast %swap3A_111 : vector<1x16xi32> to vector<16xi32>
    %swap3A_113 = vector.shape_cast %and3A_107 : vector<16xi32> to vector<1x16xi32>
    tpu.vector_store %arg6[%swap3A_109, %swap3A_110], %swap3A_113 {strides = array<i32>} : memref<2x128xi32, #tpu.memory_space<vmem>>, vector<1x16xi32>,
    %get3A_114 = arith.constant 0 : i32
    %get3A_115 = arith.index_cast %get3A_114 : i32 to index
    %get3A_116 = arith.constant 112 : index
    %get3A_117 = tpu.vector_load %arg5[%get3A_115, %get3A_116] {strides = array<i32>} : memref<80x128xi32, #tpu.memory_space<vmem>>, vector<1x16xi32>,
    %get3A_118 = vector.shape_cast %get3A_117 : vector<1x16xi32> to vector<16xi32>
    %and3A_119 = arith.constant 16383 : i32
    %and3A_120 = vector.broadcast %and3A_119 : i32 to vector<16xi32>
    %and3A_121 = arith.andi %get3A_118, %and3A_120 : vector<16xi32>
    %swap3A_122 = arith.constant 0 : i32
    %swap3A_123 = arith.index_cast %swap3A_122 : i32 to index
    %swap3A_124 = arith.constant 112 : index
    %swap3A_125 = tpu.vector_load %arg6[%swap3A_123, %swap3A_124] {strides = array<i32>} : memref<2x128xi32, #tpu.memory_space<vmem>>, vector<1x16xi32>,
    %swap3A_126 = vector.shape_cast %swap3A_125 : vector<1x16xi32> to vector<16xi32>
    %swap3A_127 = vector.shape_cast %and3A_121 : vector<16xi32> to vector<1x16xi32>
    tpu.vector_store %arg6[%swap3A_123, %swap3A_124], %swap3A_127 {strides = array<i32>} : memref<2x128xi32, #tpu.memory_space<vmem>>, vector<1x16xi32>,
    %dma_start3A = arith.constant 0 : i32
    %dma_start3A_128 = arith.constant 0 : i32
    %dma_start3A_129 = tpu.memref_slice %arg6[%dma_start3A, %dma_start3A_128] : memref<2x128xi32, #tpu.memory_space<vmem>> -> memref<1x128xi32, #tpu.memory_space<vmem>>
    %dma_start3A_130 = tpu.memref_squeeze %dma_start3A_129 : memref<1x128xi32, #tpu.memory_space<vmem>> -> memref<128xi32, #tpu.memory_space<vmem>>
    %dma_start3A_131 = arith.constant 0 : i32
    %dma_start3A_132 = arith.constant 0 : i32
    %dma_start3A_133 = tpu.memref_slice %arg2[%dma_start3A_131, %dma_start3A_132] : memref<10000x128xf32, #tpu.memory_space<hbm>> -> memref<10000x128xf32, #tpu.memory_space<hbm>>
    tpu.enqueue_indirect_dma source(%dma_start3A_133 : memref<10000x128xf32, #tpu.memory_space<hbm>>) target(%arg8 : memref<128x128xf32, #tpu.memory_space<vmem>>) offsets(%dma_start3A_130 : memref<128xi32, #tpu.memory_space<vmem>>) semaphore(%arg11 : memref<!tpu.dma_semaphore, #tpu.memory_space<semaphore_mem>>)
    %scan3A_134 = arith.constant 0 : i32
    %scan3A_135 = arith.constant 0 : i32
    %scan3A_136 = arith.constant 80 : i32
    %scan3A_137 = arith.addi %scan3A_135, %scan3A_136 : i32
    %scan3A_138 = arith.constant 1 : i32
    %scan3A_139 = scf.for %scan3A_142 = %scan3A_135 to %scan3A_137 step %scan3A_138 iter_args(%scan3A_143 = %scan3A_134) -> (i32)  : i32 {
      %jit3A = arith.constant 2 : i32
      %eq3A = arith.constant 0 : i32
      %eq3A_144 = arith.cmpi eq, %jit3A, %eq3A : i32
      %jit3A_145 = arith.constant 1 : i32
      %select_n3A = arith.select %eq3A_144, %jit3A_145, %jit3A : i32
      %rem3A = arith.remsi %scan3A_142, %select_n3A : i32
      %ne3A = arith.constant 0 : i32
      %ne3A_146 = arith.cmpi ne, %rem3A, %ne3A : i32
      %lt3A = arith.constant 0 : i32
      %lt3A_147 = arith.cmpi slt, %rem3A, %lt3A : i32
      %lt3A_148 = arith.constant 0 : i32
      %lt3A_149 = arith.cmpi slt, %select_n3A, %lt3A_148 : i32
      %ne3A_150 = arith.xori %lt3A_147, %lt3A_149 : i1
      %and3A_151 = arith.andi %ne3A_150, %ne3A_146 : i1
      %add3A_152 = arith.addi %rem3A, %select_n3A : i32
      %select_n3A_153 = arith.select %and3A_151, %add3A_152, %rem3A : i32
      %eq3A_154 = arith.constant 0 : i32
      %eq3A_155 = arith.cmpi eq, %select_n3A_153, %eq3A_154 : i32
      %convert_element_type3A = arith.extui %eq3A_155 : i1 to i32
      %cond3A = arith.constant 0 : i32
      %cond3A_156 = arith.cmpi ne, %convert_element_type3A, %cond3A : i32
      scf.if %cond3A_156 {
        %dma_wait3A = arith.constant 0 : i32
        %dma_wait3A_179 = arith.constant 0 : i32
        %dma_wait3A_180 = tpu.memref_slice %arg6[%dma_wait3A, %dma_wait3A_179] : memref<2x128xi32, #tpu.memory_space<vmem>> -> memref<1x128xi32, #tpu.memory_space<vmem>>
        %dma_wait3A_181 = tpu.memref_squeeze %dma_wait3A_180 : memref<1x128xi32, #tpu.memory_space<vmem>> -> memref<128xi32, #tpu.memory_space<vmem>>
        %dma_wait3A_182 = arith.constant 0 : i32
        %dma_wait3A_183 = arith.constant 0 : i32
        %dma_wait3A_184 = tpu.memref_slice %arg2[%dma_wait3A_182, %dma_wait3A_183] : memref<10000x128xf32, #tpu.memory_space<hbm>> -> memref<10000x128xf32, #tpu.memory_space<hbm>>
        tpu.wait_indirect_dma semaphore(%arg11 : memref<!tpu.dma_semaphore, #tpu.memory_space<semaphore_mem>>) src(%dma_wait3A_184 : memref<10000x128xf32, #tpu.memory_space<hbm>>) dst(%arg8 : memref<128x128xf32, #tpu.memory_space<vmem>>)
        %add3A_185 = arith.constant 1 : i32
        %add3A_186 = arith.addi %scan3A_142, %add3A_185 : i32
        %lt3A_187 = arith.constant 80 : i32
        %lt3A_188 = arith.cmpi slt, %add3A_186, %lt3A_187 : i32
        %convert_element_type3A_189 = arith.extui %lt3A_188 : i1 to i32
        %cond3A_190 = arith.constant 0 : i32
        %cond3A_191 = arith.cmpi ne, %convert_element_type3A_189, %cond3A_190 : i32
        scf.if %cond3A_191 {
          %add3A_295 = arith.constant 1 : i32
          %add3A_296 = arith.addi %scan3A_142, %add3A_295 : i32
          %get3A_297 = arith.index_cast %add3A_296 : i32 to index
          %get3A_298 = arith.constant 0 : index
          %get3A_299 = tpu.vector_load %arg5[%get3A_297, %get3A_298] {strides = array<i32>} : memref<80x128xi32, #tpu.memory_space<vmem>>, vector<1x16xi32>,
          %get3A_300 = vector.shape_cast %get3A_299 : vector<1x16xi32> to vector<16xi32>
          %and3A_301 = arith.constant 16383 : i32
          %and3A_302 = vector.broadcast %and3A_301 : i32 to vector<16xi32>
          %and3A_303 = arith.andi %get3A_300, %and3A_302 : vector<16xi32>
          %swap3A_304 = arith.constant 1 : i32
          %swap3A_305 = arith.index_cast %swap3A_304 : i32 to index
          %swap3A_306 = arith.constant 0 : index
          %swap3A_307 = tpu.vector_load %arg6[%swap3A_305, %swap3A_306] {strides = array<i32>} : memref<2x128xi32, #tpu.memory_space<vmem>>, vector<1x16xi32>,
          %swap3A_308 = vector.shape_cast %swap3A_307 : vector<1x16xi32> to vector<16xi32>
          %swap3A_309 = vector.shape_cast %and3A_303 : vector<16xi32> to vector<1x16xi32>
          tpu.vector_store %arg6[%swap3A_305, %swap3A_306], %swap3A_309 {strides = array<i32>} : memref<2x128xi32, #tpu.memory_space<vmem>>, vector<1x16xi32>,
          %get3A_310 = arith.index_cast %add3A_296 : i32 to index
          %get3A_311 = arith.constant 16 : index
          %get3A_312 = tpu.vector_load %arg5[%get3A_310, %get3A_311] {strides = array<i32>} : memref<80x128xi32, #tpu.memory_space<vmem>>, vector<1x16xi32>,
          %get3A_313 = vector.shape_cast %get3A_312 : vector<1x16xi32> to vector<16xi32>
          %and3A_314 = arith.constant 16383 : i32
          %and3A_315 = vector.broadcast %and3A_314 : i32 to vector<16xi32>
          %and3A_316 = arith.andi %get3A_313, %and3A_315 : vector<16xi32>
          %swap3A_317 = arith.constant 1 : i32
          %swap3A_318 = arith.index_cast %swap3A_317 : i32 to index
          %swap3A_319 = arith.constant 16 : index
          %swap3A_320 = tpu.vector_load %arg6[%swap3A_318, %swap3A_319] {strides = array<i32>} : memref<2x128xi32, #tpu.memory_space<vmem>>, vector<1x16xi32>,
          %swap3A_321 = vector.shape_cast %swap3A_320 : vector<1x16xi32> to vector<16xi32>
          %swap3A_322 = vector.shape_cast %and3A_316 : vector<16xi32> to vector<1x16xi32>
          tpu.vector_store %arg6[%swap3A_318, %swap3A_319], %swap3A_322 {strides = array<i32>} : memref<2x128xi32, #tpu.memory_space<vmem>>, vector<1x16xi32>,
          %get3A_323 = arith.index_cast %add3A_296 : i32 to index
          %get3A_324 = arith.constant 32 : index
          %get3A_325 = tpu.vector_load %arg5[%get3A_323, %get3A_324] {strides = array<i32>} : memref<80x128xi32, #tpu.memory_space<vmem>>, vector<1x16xi32>,
          %get3A_326 = vector.shape_cast %get3A_325 : vector<1x16xi32> to vector<16xi32>
          %and3A_327 = arith.constant 16383 : i32
          %and3A_328 = vector.broadcast %and3A_327 : i32 to vector<16xi32>
          %and3A_329 = arith.andi %get3A_326, %and3A_328 : vector<16xi32>
          %swap3A_330 = arith.constant 1 : i32
          %swap3A_331 = arith.index_cast %swap3A_330 : i32 to index
          %swap3A_332 = arith.constant 32 : index
          %swap3A_333 = tpu.vector_load %arg6[%swap3A_331, %swap3A_332] {strides = array<i32>} : memref<2x128xi32, #tpu.memory_space<vmem>>, vector<1x16xi32>,
          %swap3A_334 = vector.shape_cast %swap3A_333 : vector<1x16xi32> to vector<16xi32>
          %swap3A_335 = vector.shape_cast %and3A_329 : vector<16xi32> to vector<1x16xi32>
          tpu.vector_store %arg6[%swap3A_331, %swap3A_332], %swap3A_335 {strides = array<i32>} : memref<2x128xi32, #tpu.memory_space<vmem>>, vector<1x16xi32>,
          %get3A_336 = arith.index_cast %add3A_296 : i32 to index
          %get3A_337 = arith.constant 48 : index
          %get3A_338 = tpu.vector_load %arg5[%get3A_336, %get3A_337] {strides = array<i32>} : memref<80x128xi32, #tpu.memory_space<vmem>>, vector<1x16xi32>,
          %get3A_339 = vector.shape_cast %get3A_338 : vector<1x16xi32> to vector<16xi32>
          %and3A_340 = arith.constant 16383 : i32
          %and3A_341 = vector.broadcast %and3A_340 : i32 to vector<16xi32>
          %and3A_342 = arith.andi %get3A_339, %and3A_341 : vector<16xi32>
          %swap3A_343 = arith.constant 1 : i32
          %swap3A_344 = arith.index_cast %swap3A_343 : i32 to index
          %swap3A_345 = arith.constant 48 : index
          %swap3A_346 = tpu.vector_load %arg6[%swap3A_344, %swap3A_345] {strides = array<i32>} : memref<2x128xi32, #tpu.memory_space<vmem>>, vector<1x16xi32>,
          %swap3A_347 = vector.shape_cast %swap3A_346 : vector<1x16xi32> to vector<16xi32>
          %swap3A_348 = vector.shape_cast %and3A_342 : vector<16xi32> to vector<1x16xi32>
          tpu.vector_store %arg6[%swap3A_344, %swap3A_345], %swap3A_348 {strides = array<i32>} : memref<2x128xi32, #tpu.memory_space<vmem>>, vector<1x16xi32>,
          %get3A_349 = arith.index_cast %add3A_296 : i32 to index
          %get3A_350 = arith.constant 64 : index
          %get3A_351 = tpu.vector_load %arg5[%get3A_349, %get3A_350] {strides = array<i32>} : memref<80x128xi32, #tpu.memory_space<vmem>>, vector<1x16xi32>,
          %get3A_352 = vector.shape_cast %get3A_351 : vector<1x16xi32> to vector<16xi32>
          %and3A_353 = arith.constant 16383 : i32
          %and3A_354 = vector.broadcast %and3A_353 : i32 to vector<16xi32>
          %and3A_355 = arith.andi %get3A_352, %and3A_354 : vector<16xi32>
          %swap3A_356 = arith.constant 1 : i32
          %swap3A_357 = arith.index_cast %swap3A_356 : i32 to index
          %swap3A_358 = arith.constant 64 : index
          %swap3A_359 = tpu.vector_load %arg6[%swap3A_357, %swap3A_358] {strides = array<i32>} : memref<2x128xi32, #tpu.memory_space<vmem>>, vector<1x16xi32>,
          %swap3A_360 = vector.shape_cast %swap3A_359 : vector<1x16xi32> to vector<16xi32>
          %swap3A_361 = vector.shape_cast %and3A_355 : vector<16xi32> to vector<1x16xi32>
          tpu.vector_store %arg6[%swap3A_357, %swap3A_358], %swap3A_361 {strides = array<i32>} : memref<2x128xi32, #tpu.memory_space<vmem>>, vector<1x16xi32>,
          %get3A_362 = arith.index_cast %add3A_296 : i32 to index
          %get3A_363 = arith.constant 80 : index
          %get3A_364 = tpu.vector_load %arg5[%get3A_362, %get3A_363] {strides = array<i32>} : memref<80x128xi32, #tpu.memory_space<vmem>>, vector<1x16xi32>,
          %get3A_365 = vector.shape_cast %get3A_364 : vector<1x16xi32> to vector<16xi32>
          %and3A_366 = arith.constant 16383 : i32
          %and3A_367 = vector.broadcast %and3A_366 : i32 to vector<16xi32>
          %and3A_368 = arith.andi %get3A_365, %and3A_367 : vector<16xi32>
          %swap3A_369 = arith.constant 1 : i32
          %swap3A_370 = arith.index_cast %swap3A_369 : i32 to index
          %swap3A_371 = arith.constant 80 : index
          %swap3A_372 = tpu.vector_load %arg6[%swap3A_370, %swap3A_371] {strides = array<i32>} : memref<2x128xi32, #tpu.memory_space<vmem>>, vector<1x16xi32>,
          %swap3A_373 = vector.shape_cast %swap3A_372 : vector<1x16xi32> to vector<16xi32>
          %swap3A_374 = vector.shape_cast %and3A_368 : vector<16xi32> to vector<1x16xi32>
          tpu.vector_store %arg6[%swap3A_370, %swap3A_371], %swap3A_374 {strides = array<i32>} : memref<2x128xi32, #tpu.memory_space<vmem>>, vector<1x16xi32>,
          %get3A_375 = arith.index_cast %add3A_296 : i32 to index
          %get3A_376 = arith.constant 96 : index
          %get3A_377 = tpu.vector_load %arg5[%get3A_375, %get3A_376] {strides = array<i32>} : memref<80x128xi32, #tpu.memory_space<vmem>>, vector<1x16xi32>,
          %get3A_378 = vector.shape_cast %get3A_377 : vector<1x16xi32> to vector<16xi32>
          %and3A_379 = arith.constant 16383 : i32
          %and3A_380 = vector.broadcast %and3A_379 : i32 to vector<16xi32>
          %and3A_381 = arith.andi %get3A_378, %and3A_380 : vector<16xi32>
          %swap3A_382 = arith.constant 1 : i32
          %swap3A_383 = arith.index_cast %swap3A_382 : i32 to index
          %swap3A_384 = arith.constant 96 : index
          %swap3A_385 = tpu.vector_load %arg6[%swap3A_383, %swap3A_384] {strides = array<i32>} : memref<2x128xi32, #tpu.memory_space<vmem>>, vector<1x16xi32>,
          %swap3A_386 = vector.shape_cast %swap3A_385 : vector<1x16xi32> to vector<16xi32>
          %swap3A_387 = vector.shape_cast %and3A_381 : vector<16xi32> to vector<1x16xi32>
          tpu.vector_store %arg6[%swap3A_383, %swap3A_384], %swap3A_387 {strides = array<i32>} : memref<2x128xi32, #tpu.memory_space<vmem>>, vector<1x16xi32>,
          %get3A_388 = arith.index_cast %add3A_296 : i32 to index
          %get3A_389 = arith.constant 112 : index
          %get3A_390 = tpu.vector_load %arg5[%get3A_388, %get3A_389] {strides = array<i32>} : memref<80x128xi32, #tpu.memory_space<vmem>>, vector<1x16xi32>,
          %get3A_391 = vector.shape_cast %get3A_390 : vector<1x16xi32> to vector<16xi32>
          %and3A_392 = arith.constant 16383 : i32
          %and3A_393 = vector.broadcast %and3A_392 : i32 to vector<16xi32>
          %and3A_394 = arith.andi %get3A_391, %and3A_393 : vector<16xi32>
          %swap3A_395 = arith.constant 1 : i32
          %swap3A_396 = arith.index_cast %swap3A_395 : i32 to index
          %swap3A_397 = arith.constant 112 : index
          %swap3A_398 = tpu.vector_load %arg6[%swap3A_396, %swap3A_397] {strides = array<i32>} : memref<2x128xi32, #tpu.memory_space<vmem>>, vector<1x16xi32>,
          %swap3A_399 = vector.shape_cast %swap3A_398 : vector<1x16xi32> to vector<16xi32>
          %swap3A_400 = vector.shape_cast %and3A_394 : vector<16xi32> to vector<1x16xi32>
          tpu.vector_store %arg6[%swap3A_396, %swap3A_397], %swap3A_400 {strides = array<i32>} : memref<2x128xi32, #tpu.memory_space<vmem>>, vector<1x16xi32>,
          %dma_start3A_401 = arith.constant 1 : i32
          %dma_start3A_402 = arith.constant 0 : i32
          %dma_start3A_403 = tpu.memref_slice %arg6[%dma_start3A_401, %dma_start3A_402] : memref<2x128xi32, #tpu.memory_space<vmem>> -> memref<1x128xi32, #tpu.memory_space<vmem>>
          %dma_start3A_404 = tpu.memref_squeeze %dma_start3A_403 : memref<1x128xi32, #tpu.memory_space<vmem>> -> memref<128xi32, #tpu.memory_space<vmem>>
          %dma_start3A_405 = arith.constant 0 : i32
          %dma_start3A_406 = arith.constant 0 : i32
          %dma_start3A_407 = tpu.memref_slice %arg2[%dma_start3A_405, %dma_start3A_406] : memref<10000x128xf32, #tpu.memory_space<hbm>> -> memref<10000x128xf32, #tpu.memory_space<hbm>>
          tpu.enqueue_indirect_dma source(%dma_start3A_407 : memref<10000x128xf32, #tpu.memory_space<hbm>>) target(%arg9 : memref<128x128xf32, #tpu.memory_space<vmem>>) offsets(%dma_start3A_404 : memref<128xi32, #tpu.memory_space<vmem>>) semaphore(%arg12 : memref<!tpu.dma_semaphore, #tpu.memory_space<semaphore_mem>>)
        } else {
        }
        %get3A_192 = arith.index_cast %scan3A_142 : i32 to index
        %get3A_193 = arith.constant 0 : index
        %get3A_194 = tpu.vector_load %arg5[%get3A_192, %get3A_193] {strides = array<i32>} : memref<80x128xi32, #tpu.memory_space<vmem>>, vector<1x16xi32>,
        %get3A_195 = vector.shape_cast %get3A_194 : vector<1x16xi32> to vector<16xi32>
        %shift_right_logical3A = arith.constant 14 : i32
        %shift_right_logical3A_196 = vector.broadcast %shift_right_logical3A : i32 to vector<16xi32>
        %shift_right_logical3A_197 = arith.shrui %get3A_195, %shift_right_logical3A_196 : vector<16xi32>
        %swap3A_198 = arith.constant 0 : i32
        %swap3A_199 = arith.index_cast %swap3A_198 : i32 to index
        %swap3A_200 = arith.constant 0 : index
        %swap3A_201 = tpu.vector_load %arg7[%swap3A_199, %swap3A_200] {strides = array<i32>} : memref<1x128xi32, #tpu.memory_space<vmem>>, vector<1x16xi32>,
        %swap3A_202 = vector.shape_cast %swap3A_201 : vector<1x16xi32> to vector<16xi32>
        %swap3A_203 = vector.shape_cast %shift_right_logical3A_197 : vector<16xi32> to vector<1x16xi32>
        tpu.vector_store %arg7[%swap3A_199, %swap3A_200], %swap3A_203 {strides = array<i32>} : memref<1x128xi32, #tpu.memory_space<vmem>>, vector<1x16xi32>,
        %get3A_204 = arith.index_cast %scan3A_142 : i32 to index
        %get3A_205 = arith.constant 16 : index
        %get3A_206 = tpu.vector_load %arg5[%get3A_204, %get3A_205] {strides = array<i32>} : memref<80x128xi32, #tpu.memory_space<vmem>>, vector<1x16xi32>,
        %get3A_207 = vector.shape_cast %get3A_206 : vector<1x16xi32> to vector<16xi32>
        %shift_right_logical3A_208 = arith.constant 14 : i32
        %shift_right_logical3A_209 = vector.broadcast %shift_right_logical3A_208 : i32 to vector<16xi32>
        %shift_right_logical3A_210 = arith.shrui %get3A_207, %shift_right_logical3A_209 : vector<16xi32>
        %swap3A_211 = arith.constant 0 : i32
        %swap3A_212 = arith.index_cast %swap3A_211 : i32 to index
        %swap3A_213 = arith.constant 16 : index
        %swap3A_214 = tpu.vector_load %arg7[%swap3A_212, %swap3A_213] {strides = array<i32>} : memref<1x128xi32, #tpu.memory_space<vmem>>, vector<1x16xi32>,
        %swap3A_215 = vector.shape_cast %swap3A_214 : vector<1x16xi32> to vector<16xi32>
        %swap3A_216 = vector.shape_cast %shift_right_logical3A_210 : vector<16xi32> to vector<1x16xi32>
        tpu.vector_store %arg7[%swap3A_212, %swap3A_213], %swap3A_216 {strides = array<i32>} : memref<1x128xi32, #tpu.memory_space<vmem>>, vector<1x16xi32>,
        %get3A_217 = arith.index_cast %scan3A_142 : i32 to index
        %get3A_218 = arith.constant 32 : index
        %get3A_219 = tpu.vector_load %arg5[%get3A_217, %get3A_218] {strides = array<i32>} : memref<80x128xi32, #tpu.memory_space<vmem>>, vector<1x16xi32>,
        %get3A_220 = vector.shape_cast %get3A_219 : vector<1x16xi32> to vector<16xi32>
        %shift_right_logical3A_221 = arith.constant 14 : i32
        %shift_right_logical3A_222 = vector.broadcast %shift_right_logical3A_221 : i32 to vector<16xi32>
        %shift_right_logical3A_223 = arith.shrui %get3A_220, %shift_right_logical3A_222 : vector<16xi32>
        %swap3A_224 = arith.constant 0 : i32
        %swap3A_225 = arith.index_cast %swap3A_224 : i32 to index
        %swap3A_226 = arith.constant 32 : index
        %swap3A_227 = tpu.vector_load %arg7[%swap3A_225, %swap3A_226] {strides = array<i32>} : memref<1x128xi32, #tpu.memory_space<vmem>>, vector<1x16xi32>,
        %swap3A_228 = vector.shape_cast %swap3A_227 : vector<1x16xi32> to vector<16xi32>
        %swap3A_229 = vector.shape_cast %shift_right_logical3A_223 : vector<16xi32> to vector<1x16xi32>
        tpu.vector_store %arg7[%swap3A_225, %swap3A_226], %swap3A_229 {strides = array<i32>} : memref<1x128xi32, #tpu.memory_space<vmem>>, vector<1x16xi32>,
        %get3A_230 = arith.index_cast %scan3A_142 : i32 to index
        %get3A_231 = arith.constant 48 : index
        %get3A_232 = tpu.vector_load %arg5[%get3A_230, %get3A_231] {strides = array<i32>} : memref<80x128xi32, #tpu.memory_space<vmem>>, vector<1x16xi32>,
        %get3A_233 = vector.shape_cast %get3A_232 : vector<1x16xi32> to vector<16xi32>
        %shift_right_logical3A_234 = arith.constant 14 : i32
        %shift_right_logical3A_235 = vector.broadcast %shift_right_logical3A_234 : i32 to vector<16xi32>
        %shift_right_logical3A_236 = arith.shrui %get3A_233, %shift_right_logical3A_235 : vector<16xi32>
        %swap3A_237 = arith.constant 0 : i32
        %swap3A_238 = arith.index_cast %swap3A_237 : i32 to index
        %swap3A_239 = arith.constant 48 : index
        %swap3A_240 = tpu.vector_load %arg7[%swap3A_238, %swap3A_239] {strides = array<i32>} : memref<1x128xi32, #tpu.memory_space<vmem>>, vector<1x16xi32>,
        %swap3A_241 = vector.shape_cast %swap3A_240 : vector<1x16xi32> to vector<16xi32>
        %swap3A_242 = vector.shape_cast %shift_right_logical3A_236 : vector<16xi32> to vector<1x16xi32>
        tpu.vector_store %arg7[%swap3A_238, %swap3A_239], %swap3A_242 {strides = array<i32>} : memref<1x128xi32, #tpu.memory_space<vmem>>, vector<1x16xi32>,
        %get3A_243 = arith.index_cast %scan3A_142 : i32 to index
        %get3A_244 = arith.constant 64 : index
        %get3A_245 = tpu.vector_load %arg5[%get3A_243, %get3A_244] {strides = array<i32>} : memref<80x128xi32, #tpu.memory_space<vmem>>, vector<1x16xi32>,
        %get3A_246 = vector.shape_cast %get3A_245 : vector<1x16xi32> to vector<16xi32>
        %shift_right_logical3A_247 = arith.constant 14 : i32
        %shift_right_logical3A_248 = vector.broadcast %shift_right_logical3A_247 : i32 to vector<16xi32>
        %shift_right_logical3A_249 = arith.shrui %get3A_246, %shift_right_logical3A_248 : vector<16xi32>
        %swap3A_250 = arith.constant 0 : i32
        %swap3A_251 = arith.index_cast %swap3A_250 : i32 to index
        %swap3A_252 = arith.constant 64 : index
        %swap3A_253 = tpu.vector_load %arg7[%swap3A_251, %swap3A_252] {strides = array<i32>} : memref<1x128xi32, #tpu.memory_space<vmem>>, vector<1x16xi32>,
        %swap3A_254 = vector.shape_cast %swap3A_253 : vector<1x16xi32> to vector<16xi32>
        %swap3A_255 = vector.shape_cast %shift_right_logical3A_249 : vector<16xi32> to vector<1x16xi32>
        tpu.vector_store %arg7[%swap3A_251, %swap3A_252], %swap3A_255 {strides = array<i32>} : memref<1x128xi32, #tpu.memory_space<vmem>>, vector<1x16xi32>,
        %get3A_256 = arith.index_cast %scan3A_142 : i32 to index
        %get3A_257 = arith.constant 80 : index
        %get3A_258 = tpu.vector_load %arg5[%get3A_256, %get3A_257] {strides = array<i32>} : memref<80x128xi32, #tpu.memory_space<vmem>>, vector<1x16xi32>,
        %get3A_259 = vector.shape_cast %get3A_258 : vector<1x16xi32> to vector<16xi32>
        %shift_right_logical3A_260 = arith.constant 14 : i32
        %shift_right_logical3A_261 = vector.broadcast %shift_right_logical3A_260 : i32 to vector<16xi32>
        %shift_right_logical3A_262 = arith.shrui %get3A_259, %shift_right_logical3A_261 : vector<16xi32>
        %swap3A_263 = arith.constant 0 : i32
        %swap3A_264 = arith.index_cast %swap3A_263 : i32 to index
        %swap3A_265 = arith.constant 80 : index
        %swap3A_266 = tpu.vector_load %arg7[%swap3A_264, %swap3A_265] {strides = array<i32>} : memref<1x128xi32, #tpu.memory_space<vmem>>, vector<1x16xi32>,
        %swap3A_267 = vector.shape_cast %swap3A_266 : vector<1x16xi32> to vector<16xi32>
        %swap3A_268 = vector.shape_cast %shift_right_logical3A_262 : vector<16xi32> to vector<1x16xi32>
        tpu.vector_store %arg7[%swap3A_264, %swap3A_265], %swap3A_268 {strides = array<i32>} : memref<1x128xi32, #tpu.memory_space<vmem>>, vector<1x16xi32>,
        %get3A_269 = arith.index_cast %scan3A_142 : i32 to index
        %get3A_270 = arith.constant 96 : index
        %get3A_271 = tpu.vector_load %arg5[%get3A_269, %get3A_270] {strides = array<i32>} : memref<80x128xi32, #tpu.memory_space<vmem>>, vector<1x16xi32>,
        %get3A_272 = vector.shape_cast %get3A_271 : vector<1x16xi32> to vector<16xi32>
        %shift_right_logical3A_273 = arith.constant 14 : i32
        %shift_right_logical3A_274 = vector.broadcast %shift_right_logical3A_273 : i32 to vector<16xi32>
        %shift_right_logical3A_275 = arith.shrui %get3A_272, %shift_right_logical3A_274 : vector<16xi32>
        %swap3A_276 = arith.constant 0 : i32
        %swap3A_277 = arith.index_cast %swap3A_276 : i32 to index
        %swap3A_278 = arith.constant 96 : index
        %swap3A_279 = tpu.vector_load %arg7[%swap3A_277, %swap3A_278] {strides = array<i32>} : memref<1x128xi32, #tpu.memory_space<vmem>>, vector<1x16xi32>,
        %swap3A_280 = vector.shape_cast %swap3A_279 : vector<1x16xi32> to vector<16xi32>
        %swap3A_281 = vector.shape_cast %shift_right_logical3A_275 : vector<16xi32> to vector<1x16xi32>
        tpu.vector_store %arg7[%swap3A_277, %swap3A_278], %swap3A_281 {strides = array<i32>} : memref<1x128xi32, #tpu.memory_space<vmem>>, vector<1x16xi32>,
        %get3A_282 = arith.index_cast %scan3A_142 : i32 to index
        %get3A_283 = arith.constant 112 : index
        %get3A_284 = tpu.vector_load %arg5[%get3A_282, %get3A_283] {strides = array<i32>} : memref<80x128xi32, #tpu.memory_space<vmem>>, vector<1x16xi32>,
        %get3A_285 = vector.shape_cast %get3A_284 : vector<1x16xi32> to vector<16xi32>
        %shift_right_logical3A_286 = arith.constant 14 : i32
        %shift_right_logical3A_287 = vector.broadcast %shift_right_logical3A_286 : i32 to vector<16xi32>
        %shift_right_logical3A_288 = arith.shrui %get3A_285, %shift_right_logical3A_287 : vector<16xi32>
        %swap3A_289 = arith.constant 0 : i32
        %swap3A_290 = arith.index_cast %swap3A_289 : i32 to index
        %swap3A_291 = arith.constant 112 : index
        %swap3A_292 = tpu.vector_load %arg7[%swap3A_290, %swap3A_291] {strides = array<i32>} : memref<1x128xi32, #tpu.memory_space<vmem>>, vector<1x16xi32>,
        %swap3A_293 = vector.shape_cast %swap3A_292 : vector<1x16xi32> to vector<16xi32>
        %swap3A_294 = vector.shape_cast %shift_right_logical3A_288 : vector<16xi32> to vector<1x16xi32>
        tpu.vector_store %arg7[%swap3A_290, %swap3A_291], %swap3A_294 {strides = array<i32>} : memref<1x128xi32, #tpu.memory_space<vmem>>, vector<1x16xi32>,
        %run_scoped3A = arith.constant 0 : i32
        "tpu.region"() ({
          %run_scoped3A_295 = tpu.sem_alloc : memref<!tpu.dma_semaphore, #tpu.memory_space<semaphore_mem>>
          %dma_start3A_296 = arith.constant 0 : i32
          %dma_start3A_297 = tpu.memref_slice %arg7[%run_scoped3A, %dma_start3A_296] : memref<1x128xi32, #tpu.memory_space<vmem>> -> memref<1x128xi32, #tpu.memory_space<vmem>>
          %dma_start3A_298 = tpu.memref_squeeze %dma_start3A_297 : memref<1x128xi32, #tpu.memory_space<vmem>> -> memref<128xi32, #tpu.memory_space<vmem>>
          %dma_start3A_299 = arith.constant 0 : i32
          %dma_start3A_300 = arith.constant 0 : i32
          %dma_start3A_301 = tpu.memref_slice %arg10[%dma_start3A_299, %dma_start3A_300] : memref<10112x128xf32, #tpu.memory_space<vmem_shared>> -> memref<10112x128xf32, #tpu.memory_space<vmem_shared>>
          tpu.enqueue_indirect_dma source(%arg8 : memref<128x128xf32, #tpu.memory_space<vmem>>) target(%dma_start3A_301 : memref<10112x128xf32, #tpu.memory_space<vmem_shared>>) offsets(%dma_start3A_298 : memref<128xi32, #tpu.memory_space<vmem>>) semaphore(%run_scoped3A_295 : memref<!tpu.dma_semaphore, #tpu.memory_space<semaphore_mem>>) {add = true}
          %dma_wait3A_302 = arith.constant 0 : i32
          %dma_wait3A_303 = tpu.memref_slice %arg7[%run_scoped3A, %dma_wait3A_302] : memref<1x128xi32, #tpu.memory_space<vmem>> -> memref<1x128xi32, #tpu.memory_space<vmem>>
          %dma_wait3A_304 = tpu.memref_squeeze %dma_wait3A_303 : memref<1x128xi32, #tpu.memory_space<vmem>> -> memref<128xi32, #tpu.memory_space<vmem>>
          %dma_wait3A_305 = arith.constant 0 : i32
          %dma_wait3A_306 = arith.constant 0 : i32
          %dma_wait3A_307 = tpu.memref_slice %arg10[%dma_wait3A_305, %dma_wait3A_306] : memref<10112x128xf32, #tpu.memory_space<vmem_shared>> -> memref<10112x128xf32, #tpu.memory_space<vmem_shared>>
          tpu.wait_indirect_dma semaphore(%run_scoped3A_295 : memref<!tpu.dma_semaphore, #tpu.memory_space<semaphore_mem>>) src(%arg8 : memref<128x128xf32, #tpu.memory_space<vmem>>) dst(%dma_wait3A_307 : memref<10112x128xf32, #tpu.memory_space<vmem_shared>>)
          tpu.yield
        }) : () -> ()
      } else {
      }
      %jit3A_157 = arith.constant 2 : i32
      %eq3A_158 = arith.constant 0 : i32
      %eq3A_159 = arith.cmpi eq, %jit3A_157, %eq3A_158 : i32
      %jit3A_160 = arith.constant 1 : i32
      %select_n3A_161 = arith.select %eq3A_159, %jit3A_160, %jit3A_157 : i32
      %rem3A_162 = arith.remsi %scan3A_142, %select_n3A_161 : i32
      %ne3A_163 = arith.constant 0 : i32
      %ne3A_164 = arith.cmpi ne, %rem3A_162, %ne3A_163 : i32
      %lt3A_165 = arith.constant 0 : i32
      %lt3A_166 = arith.cmpi slt, %rem3A_162, %lt3A_165 : i32
      %lt3A_167 = arith.constant 0 : i32
      %lt3A_168 = arith.cmpi slt, %select_n3A_161, %lt3A_167 : i32
      %ne3A_169 = arith.xori %lt3A_166, %lt3A_168 : i1
      %and3A_170 = arith.andi %ne3A_169, %ne3A_164 : i1
      %add3A_171 = arith.addi %rem3A_162, %select_n3A_161 : i32
      %select_n3A_172 = arith.select %and3A_170, %add3A_171, %rem3A_162 : i32
      %eq3A_173 = arith.constant 1 : i32
      %eq3A_174 = arith.cmpi eq, %select_n3A_172, %eq3A_173 : i32
      %convert_element_type3A_175 = arith.extui %eq3A_174 : i1 to i32
      %cond3A_176 = arith.constant 0 : i32
      %cond3A_177 = arith.cmpi ne, %convert_element_type3A_175, %cond3A_176 : i32
      scf.if %cond3A_177 {
        %dma_wait3A = arith.constant 1 : i32
        %dma_wait3A_179 = arith.constant 0 : i32
        %dma_wait3A_180 = tpu.memref_slice %arg6[%dma_wait3A, %dma_wait3A_179] : memref<2x128xi32, #tpu.memory_space<vmem>> -> memref<1x128xi32, #tpu.memory_space<vmem>>
        %dma_wait3A_181 = tpu.memref_squeeze %dma_wait3A_180 : memref<1x128xi32, #tpu.memory_space<vmem>> -> memref<128xi32, #tpu.memory_space<vmem>>
        %dma_wait3A_182 = arith.constant 0 : i32
        %dma_wait3A_183 = arith.constant 0 : i32
        %dma_wait3A_184 = tpu.memref_slice %arg2[%dma_wait3A_182, %dma_wait3A_183] : memref<10000x128xf32, #tpu.memory_space<hbm>> -> memref<10000x128xf32, #tpu.memory_space<hbm>>
        tpu.wait_indirect_dma semaphore(%arg12 : memref<!tpu.dma_semaphore, #tpu.memory_space<semaphore_mem>>) src(%dma_wait3A_184 : memref<10000x128xf32, #tpu.memory_space<hbm>>) dst(%arg9 : memref<128x128xf32, #tpu.memory_space<vmem>>)
        %add3A_185 = arith.constant 1 : i32
        %add3A_186 = arith.addi %scan3A_142, %add3A_185 : i32
        %lt3A_187 = arith.constant 80 : i32
        %lt3A_188 = arith.cmpi slt, %add3A_186, %lt3A_187 : i32
        %convert_element_type3A_189 = arith.extui %lt3A_188 : i1 to i32
        %cond3A_190 = arith.constant 0 : i32
        %cond3A_191 = arith.cmpi ne, %convert_element_type3A_189, %cond3A_190 : i32
        scf.if %cond3A_191 {
          %add3A_295 = arith.constant 1 : i32
          %add3A_296 = arith.addi %scan3A_142, %add3A_295 : i32
          %get3A_297 = arith.index_cast %add3A_296 : i32 to index
          %get3A_298 = arith.constant 0 : index
          %get3A_299 = tpu.vector_load %arg5[%get3A_297, %get3A_298] {strides = array<i32>} : memref<80x128xi32, #tpu.memory_space<vmem>>, vector<1x16xi32>,
          %get3A_300 = vector.shape_cast %get3A_299 : vector<1x16xi32> to vector<16xi32>
          %and3A_301 = arith.constant 16383 : i32
          %and3A_302 = vector.broadcast %and3A_301 : i32 to vector<16xi32>
          %and3A_303 = arith.andi %get3A_300, %and3A_302 : vector<16xi32>
          %swap3A_304 = arith.constant 0 : i32
          %swap3A_305 = arith.index_cast %swap3A_304 : i32 to index
          %swap3A_306 = arith.constant 0 : index
          %swap3A_307 = tpu.vector_load %arg6[%swap3A_305, %swap3A_306] {strides = array<i32>} : memref<2x128xi32, #tpu.memory_space<vmem>>, vector<1x16xi32>,
          %swap3A_308 = vector.shape_cast %swap3A_307 : vector<1x16xi32> to vector<16xi32>
          %swap3A_309 = vector.shape_cast %and3A_303 : vector<16xi32> to vector<1x16xi32>
          tpu.vector_store %arg6[%swap3A_305, %swap3A_306], %swap3A_309 {strides = array<i32>} : memref<2x128xi32, #tpu.memory_space<vmem>>, vector<1x16xi32>,
          %get3A_310 = arith.index_cast %add3A_296 : i32 to index
          %get3A_311 = arith.constant 16 : index
          %get3A_312 = tpu.vector_load %arg5[%get3A_310, %get3A_311] {strides = array<i32>} : memref<80x128xi32, #tpu.memory_space<vmem>>, vector<1x16xi32>,
          %get3A_313 = vector.shape_cast %get3A_312 : vector<1x16xi32> to vector<16xi32>
          %and3A_314 = arith.constant 16383 : i32
          %and3A_315 = vector.broadcast %and3A_314 : i32 to vector<16xi32>
          %and3A_316 = arith.andi %get3A_313, %and3A_315 : vector<16xi32>
          %swap3A_317 = arith.constant 0 : i32
          %swap3A_318 = arith.index_cast %swap3A_317 : i32 to index
          %swap3A_319 = arith.constant 16 : index
          %swap3A_320 = tpu.vector_load %arg6[%swap3A_318, %swap3A_319] {strides = array<i32>} : memref<2x128xi32, #tpu.memory_space<vmem>>, vector<1x16xi32>,
          %swap3A_321 = vector.shape_cast %swap3A_320 : vector<1x16xi32> to vector<16xi32>
          %swap3A_322 = vector.shape_cast %and3A_316 : vector<16xi32> to vector<1x16xi32>
          tpu.vector_store %arg6[%swap3A_318, %swap3A_319], %swap3A_322 {strides = array<i32>} : memref<2x128xi32, #tpu.memory_space<vmem>>, vector<1x16xi32>,
          %get3A_323 = arith.index_cast %add3A_296 : i32 to index
          %get3A_324 = arith.constant 32 : index
          %get3A_325 = tpu.vector_load %arg5[%get3A_323, %get3A_324] {strides = array<i32>} : memref<80x128xi32, #tpu.memory_space<vmem>>, vector<1x16xi32>,
          %get3A_326 = vector.shape_cast %get3A_325 : vector<1x16xi32> to vector<16xi32>
          %and3A_327 = arith.constant 16383 : i32
          %and3A_328 = vector.broadcast %and3A_327 : i32 to vector<16xi32>
          %and3A_329 = arith.andi %get3A_326, %and3A_328 : vector<16xi32>
          %swap3A_330 = arith.constant 0 : i32
          %swap3A_331 = arith.index_cast %swap3A_330 : i32 to index
          %swap3A_332 = arith.constant 32 : index
          %swap3A_333 = tpu.vector_load %arg6[%swap3A_331, %swap3A_332] {strides = array<i32>} : memref<2x128xi32, #tpu.memory_space<vmem>>, vector<1x16xi32>,
          %swap3A_334 = vector.shape_cast %swap3A_333 : vector<1x16xi32> to vector<16xi32>
          %swap3A_335 = vector.shape_cast %and3A_329 : vector<16xi32> to vector<1x16xi32>
          tpu.vector_store %arg6[%swap3A_331, %swap3A_332], %swap3A_335 {strides = array<i32>} : memref<2x128xi32, #tpu.memory_space<vmem>>, vector<1x16xi32>,
          %get3A_336 = arith.index_cast %add3A_296 : i32 to index
          %get3A_337 = arith.constant 48 : index
          %get3A_338 = tpu.vector_load %arg5[%get3A_336, %get3A_337] {strides = array<i32>} : memref<80x128xi32, #tpu.memory_space<vmem>>, vector<1x16xi32>,
          %get3A_339 = vector.shape_cast %get3A_338 : vector<1x16xi32> to vector<16xi32>
          %and3A_340 = arith.constant 16383 : i32
          %and3A_341 = vector.broadcast %and3A_340 : i32 to vector<16xi32>
          %and3A_342 = arith.andi %get3A_339, %and3A_341 : vector<16xi32>
          %swap3A_343 = arith.constant 0 : i32
          %swap3A_344 = arith.index_cast %swap3A_343 : i32 to index
          %swap3A_345 = arith.constant 48 : index
          %swap3A_346 = tpu.vector_load %arg6[%swap3A_344, %swap3A_345] {strides = array<i32>} : memref<2x128xi32, #tpu.memory_space<vmem>>, vector<1x16xi32>,
          %swap3A_347 = vector.shape_cast %swap3A_346 : vector<1x16xi32> to vector<16xi32>
          %swap3A_348 = vector.shape_cast %and3A_342 : vector<16xi32> to vector<1x16xi32>
          tpu.vector_store %arg6[%swap3A_344, %swap3A_345], %swap3A_348 {strides = array<i32>} : memref<2x128xi32, #tpu.memory_space<vmem>>, vector<1x16xi32>,
          %get3A_349 = arith.index_cast %add3A_296 : i32 to index
          %get3A_350 = arith.constant 64 : index
          %get3A_351 = tpu.vector_load %arg5[%get3A_349, %get3A_350] {strides = array<i32>} : memref<80x128xi32, #tpu.memory_space<vmem>>, vector<1x16xi32>,
          %get3A_352 = vector.shape_cast %get3A_351 : vector<1x16xi32> to vector<16xi32>
          %and3A_353 = arith.constant 16383 : i32
          %and3A_354 = vector.broadcast %and3A_353 : i32 to vector<16xi32>
          %and3A_355 = arith.andi %get3A_352, %and3A_354 : vector<16xi32>
          %swap3A_356 = arith.constant 0 : i32
          %swap3A_357 = arith.index_cast %swap3A_356 : i32 to index
          %swap3A_358 = arith.constant 64 : index
          %swap3A_359 = tpu.vector_load %arg6[%swap3A_357, %swap3A_358] {strides = array<i32>} : memref<2x128xi32, #tpu.memory_space<vmem>>, vector<1x16xi32>,
          %swap3A_360 = vector.shape_cast %swap3A_359 : vector<1x16xi32> to vector<16xi32>
          %swap3A_361 = vector.shape_cast %and3A_355 : vector<16xi32> to vector<1x16xi32>
          tpu.vector_store %arg6[%swap3A_357, %swap3A_358], %swap3A_361 {strides = array<i32>} : memref<2x128xi32, #tpu.memory_space<vmem>>, vector<1x16xi32>,
          %get3A_362 = arith.index_cast %add3A_296 : i32 to index
          %get3A_363 = arith.constant 80 : index
          %get3A_364 = tpu.vector_load %arg5[%get3A_362, %get3A_363] {strides = array<i32>} : memref<80x128xi32, #tpu.memory_space<vmem>>, vector<1x16xi32>,
          %get3A_365 = vector.shape_cast %get3A_364 : vector<1x16xi32> to vector<16xi32>
          %and3A_366 = arith.constant 16383 : i32
          %and3A_367 = vector.broadcast %and3A_366 : i32 to vector<16xi32>
          %and3A_368 = arith.andi %get3A_365, %and3A_367 : vector<16xi32>
          %swap3A_369 = arith.constant 0 : i32
          %swap3A_370 = arith.index_cast %swap3A_369 : i32 to index
          %swap3A_371 = arith.constant 80 : index
          %swap3A_372 = tpu.vector_load %arg6[%swap3A_370, %swap3A_371] {strides = array<i32>} : memref<2x128xi32, #tpu.memory_space<vmem>>, vector<1x16xi32>,
          %swap3A_373 = vector.shape_cast %swap3A_372 : vector<1x16xi32> to vector<16xi32>
          %swap3A_374 = vector.shape_cast %and3A_368 : vector<16xi32> to vector<1x16xi32>
          tpu.vector_store %arg6[%swap3A_370, %swap3A_371], %swap3A_374 {strides = array<i32>} : memref<2x128xi32, #tpu.memory_space<vmem>>, vector<1x16xi32>,
          %get3A_375 = arith.index_cast %add3A_296 : i32 to index
          %get3A_376 = arith.constant 96 : index
          %get3A_377 = tpu.vector_load %arg5[%get3A_375, %get3A_376] {strides = array<i32>} : memref<80x128xi32, #tpu.memory_space<vmem>>, vector<1x16xi32>,
          %get3A_378 = vector.shape_cast %get3A_377 : vector<1x16xi32> to vector<16xi32>
          %and3A_379 = arith.constant 16383 : i32
          %and3A_380 = vector.broadcast %and3A_379 : i32 to vector<16xi32>
          %and3A_381 = arith.andi %get3A_378, %and3A_380 : vector<16xi32>
          %swap3A_382 = arith.constant 0 : i32
          %swap3A_383 = arith.index_cast %swap3A_382 : i32 to index
          %swap3A_384 = arith.constant 96 : index
          %swap3A_385 = tpu.vector_load %arg6[%swap3A_383, %swap3A_384] {strides = array<i32>} : memref<2x128xi32, #tpu.memory_space<vmem>>, vector<1x16xi32>,
          %swap3A_386 = vector.shape_cast %swap3A_385 : vector<1x16xi32> to vector<16xi32>
          %swap3A_387 = vector.shape_cast %and3A_381 : vector<16xi32> to vector<1x16xi32>
          tpu.vector_store %arg6[%swap3A_383, %swap3A_384], %swap3A_387 {strides = array<i32>} : memref<2x128xi32, #tpu.memory_space<vmem>>, vector<1x16xi32>,
          %get3A_388 = arith.index_cast %add3A_296 : i32 to index
          %get3A_389 = arith.constant 112 : index
          %get3A_390 = tpu.vector_load %arg5[%get3A_388, %get3A_389] {strides = array<i32>} : memref<80x128xi32, #tpu.memory_space<vmem>>, vector<1x16xi32>,
          %get3A_391 = vector.shape_cast %get3A_390 : vector<1x16xi32> to vector<16xi32>
          %and3A_392 = arith.constant 16383 : i32
          %and3A_393 = vector.broadcast %and3A_392 : i32 to vector<16xi32>
          %and3A_394 = arith.andi %get3A_391, %and3A_393 : vector<16xi32>
          %swap3A_395 = arith.constant 0 : i32
          %swap3A_396 = arith.index_cast %swap3A_395 : i32 to index
          %swap3A_397 = arith.constant 112 : index
          %swap3A_398 = tpu.vector_load %arg6[%swap3A_396, %swap3A_397] {strides = array<i32>} : memref<2x128xi32, #tpu.memory_space<vmem>>, vector<1x16xi32>,
          %swap3A_399 = vector.shape_cast %swap3A_398 : vector<1x16xi32> to vector<16xi32>
          %swap3A_400 = vector.shape_cast %and3A_394 : vector<16xi32> to vector<1x16xi32>
          tpu.vector_store %arg6[%swap3A_396, %swap3A_397], %swap3A_400 {strides = array<i32>} : memref<2x128xi32, #tpu.memory_space<vmem>>, vector<1x16xi32>,
          %dma_start3A_401 = arith.constant 0 : i32
          %dma_start3A_402 = arith.constant 0 : i32
          %dma_start3A_403 = tpu.memref_slice %arg6[%dma_start3A_401, %dma_start3A_402] : memref<2x128xi32, #tpu.memory_space<vmem>> -> memref<1x128xi32, #tpu.memory_space<vmem>>
          %dma_start3A_404 = tpu.memref_squeeze %dma_start3A_403 : memref<1x128xi32, #tpu.memory_space<vmem>> -> memref<128xi32, #tpu.memory_space<vmem>>
          %dma_start3A_405 = arith.constant 0 : i32
          %dma_start3A_406 = arith.constant 0 : i32
          %dma_start3A_407 = tpu.memref_slice %arg2[%dma_start3A_405, %dma_start3A_406] : memref<10000x128xf32, #tpu.memory_space<hbm>> -> memref<10000x128xf32, #tpu.memory_space<hbm>>
          tpu.enqueue_indirect_dma source(%dma_start3A_407 : memref<10000x128xf32, #tpu.memory_space<hbm>>) target(%arg8 : memref<128x128xf32, #tpu.memory_space<vmem>>) offsets(%dma_start3A_404 : memref<128xi32, #tpu.memory_space<vmem>>) semaphore(%arg11 : memref<!tpu.dma_semaphore, #tpu.memory_space<semaphore_mem>>)
        } else {
        }
        %get3A_192 = arith.index_cast %scan3A_142 : i32 to index
        %get3A_193 = arith.constant 0 : index
        %get3A_194 = tpu.vector_load %arg5[%get3A_192, %get3A_193] {strides = array<i32>} : memref<80x128xi32, #tpu.memory_space<vmem>>, vector<1x16xi32>,
        %get3A_195 = vector.shape_cast %get3A_194 : vector<1x16xi32> to vector<16xi32>
        %shift_right_logical3A = arith.constant 14 : i32
        %shift_right_logical3A_196 = vector.broadcast %shift_right_logical3A : i32 to vector<16xi32>
        %shift_right_logical3A_197 = arith.shrui %get3A_195, %shift_right_logical3A_196 : vector<16xi32>
        %swap3A_198 = arith.constant 0 : i32
        %swap3A_199 = arith.index_cast %swap3A_198 : i32 to index
        %swap3A_200 = arith.constant 0 : index
        %swap3A_201 = tpu.vector_load %arg7[%swap3A_199, %swap3A_200] {strides = array<i32>} : memref<1x128xi32, #tpu.memory_space<vmem>>, vector<1x16xi32>,
        %swap3A_202 = vector.shape_cast %swap3A_201 : vector<1x16xi32> to vector<16xi32>
        %swap3A_203 = vector.shape_cast %shift_right_logical3A_197 : vector<16xi32> to vector<1x16xi32>
        tpu.vector_store %arg7[%swap3A_199, %swap3A_200], %swap3A_203 {strides = array<i32>} : memref<1x128xi32, #tpu.memory_space<vmem>>, vector<1x16xi32>,
        %get3A_204 = arith.index_cast %scan3A_142 : i32 to index
        %get3A_205 = arith.constant 16 : index
        %get3A_206 = tpu.vector_load %arg5[%get3A_204, %get3A_205] {strides = array<i32>} : memref<80x128xi32, #tpu.memory_space<vmem>>, vector<1x16xi32>,
        %get3A_207 = vector.shape_cast %get3A_206 : vector<1x16xi32> to vector<16xi32>
        %shift_right_logical3A_208 = arith.constant 14 : i32
        %shift_right_logical3A_209 = vector.broadcast %shift_right_logical3A_208 : i32 to vector<16xi32>
        %shift_right_logical3A_210 = arith.shrui %get3A_207, %shift_right_logical3A_209 : vector<16xi32>
        %swap3A_211 = arith.constant 0 : i32
        %swap3A_212 = arith.index_cast %swap3A_211 : i32 to index
        %swap3A_213 = arith.constant 16 : index
        %swap3A_214 = tpu.vector_load %arg7[%swap3A_212, %swap3A_213] {strides = array<i32>} : memref<1x128xi32, #tpu.memory_space<vmem>>, vector<1x16xi32>,
        %swap3A_215 = vector.shape_cast %swap3A_214 : vector<1x16xi32> to vector<16xi32>
        %swap3A_216 = vector.shape_cast %shift_right_logical3A_210 : vector<16xi32> to vector<1x16xi32>
        tpu.vector_store %arg7[%swap3A_212, %swap3A_213], %swap3A_216 {strides = array<i32>} : memref<1x128xi32, #tpu.memory_space<vmem>>, vector<1x16xi32>,
        %get3A_217 = arith.index_cast %scan3A_142 : i32 to index
        %get3A_218 = arith.constant 32 : index
        %get3A_219 = tpu.vector_load %arg5[%get3A_217, %get3A_218] {strides = array<i32>} : memref<80x128xi32, #tpu.memory_space<vmem>>, vector<1x16xi32>,
        %get3A_220 = vector.shape_cast %get3A_219 : vector<1x16xi32> to vector<16xi32>
        %shift_right_logical3A_221 = arith.constant 14 : i32
        %shift_right_logical3A_222 = vector.broadcast %shift_right_logical3A_221 : i32 to vector<16xi32>
        %shift_right_logical3A_223 = arith.shrui %get3A_220, %shift_right_logical3A_222 : vector<16xi32>
        %swap3A_224 = arith.constant 0 : i32
        %swap3A_225 = arith.index_cast %swap3A_224 : i32 to index
        %swap3A_226 = arith.constant 32 : index
        %swap3A_227 = tpu.vector_load %arg7[%swap3A_225, %swap3A_226] {strides = array<i32>} : memref<1x128xi32, #tpu.memory_space<vmem>>, vector<1x16xi32>,
        %swap3A_228 = vector.shape_cast %swap3A_227 : vector<1x16xi32> to vector<16xi32>
        %swap3A_229 = vector.shape_cast %shift_right_logical3A_223 : vector<16xi32> to vector<1x16xi32>
        tpu.vector_store %arg7[%swap3A_225, %swap3A_226], %swap3A_229 {strides = array<i32>} : memref<1x128xi32, #tpu.memory_space<vmem>>, vector<1x16xi32>,
        %get3A_230 = arith.index_cast %scan3A_142 : i32 to index
        %get3A_231 = arith.constant 48 : index
        %get3A_232 = tpu.vector_load %arg5[%get3A_230, %get3A_231] {strides = array<i32>} : memref<80x128xi32, #tpu.memory_space<vmem>>, vector<1x16xi32>,
        %get3A_233 = vector.shape_cast %get3A_232 : vector<1x16xi32> to vector<16xi32>
        %shift_right_logical3A_234 = arith.constant 14 : i32
        %shift_right_logical3A_235 = vector.broadcast %shift_right_logical3A_234 : i32 to vector<16xi32>
        %shift_right_logical3A_236 = arith.shrui %get3A_233, %shift_right_logical3A_235 : vector<16xi32>
        %swap3A_237 = arith.constant 0 : i32
        %swap3A_238 = arith.index_cast %swap3A_237 : i32 to index
        %swap3A_239 = arith.constant 48 : index
        %swap3A_240 = tpu.vector_load %arg7[%swap3A_238, %swap3A_239] {strides = array<i32>} : memref<1x128xi32, #tpu.memory_space<vmem>>, vector<1x16xi32>,
        %swap3A_241 = vector.shape_cast %swap3A_240 : vector<1x16xi32> to vector<16xi32>
        %swap3A_242 = vector.shape_cast %shift_right_logical3A_236 : vector<16xi32> to vector<1x16xi32>
        tpu.vector_store %arg7[%swap3A_238, %swap3A_239], %swap3A_242 {strides = array<i32>} : memref<1x128xi32, #tpu.memory_space<vmem>>, vector<1x16xi32>,
        %get3A_243 = arith.index_cast %scan3A_142 : i32 to index
        %get3A_244 = arith.constant 64 : index
        %get3A_245 = tpu.vector_load %arg5[%get3A_243, %get3A_244] {strides = array<i32>} : memref<80x128xi32, #tpu.memory_space<vmem>>, vector<1x16xi32>,
        %get3A_246 = vector.shape_cast %get3A_245 : vector<1x16xi32> to vector<16xi32>
        %shift_right_logical3A_247 = arith.constant 14 : i32
        %shift_right_logical3A_248 = vector.broadcast %shift_right_logical3A_247 : i32 to vector<16xi32>
        %shift_right_logical3A_249 = arith.shrui %get3A_246, %shift_right_logical3A_248 : vector<16xi32>
        %swap3A_250 = arith.constant 0 : i32
        %swap3A_251 = arith.index_cast %swap3A_250 : i32 to index
        %swap3A_252 = arith.constant 64 : index
        %swap3A_253 = tpu.vector_load %arg7[%swap3A_251, %swap3A_252] {strides = array<i32>} : memref<1x128xi32, #tpu.memory_space<vmem>>, vector<1x16xi32>,
        %swap3A_254 = vector.shape_cast %swap3A_253 : vector<1x16xi32> to vector<16xi32>
        %swap3A_255 = vector.shape_cast %shift_right_logical3A_249 : vector<16xi32> to vector<1x16xi32>
        tpu.vector_store %arg7[%swap3A_251, %swap3A_252], %swap3A_255 {strides = array<i32>} : memref<1x128xi32, #tpu.memory_space<vmem>>, vector<1x16xi32>,
        %get3A_256 = arith.index_cast %scan3A_142 : i32 to index
        %get3A_257 = arith.constant 80 : index
        %get3A_258 = tpu.vector_load %arg5[%get3A_256, %get3A_257] {strides = array<i32>} : memref<80x128xi32, #tpu.memory_space<vmem>>, vector<1x16xi32>,
        %get3A_259 = vector.shape_cast %get3A_258 : vector<1x16xi32> to vector<16xi32>
        %shift_right_logical3A_260 = arith.constant 14 : i32
        %shift_right_logical3A_261 = vector.broadcast %shift_right_logical3A_260 : i32 to vector<16xi32>
        %shift_right_logical3A_262 = arith.shrui %get3A_259, %shift_right_logical3A_261 : vector<16xi32>
        %swap3A_263 = arith.constant 0 : i32
        %swap3A_264 = arith.index_cast %swap3A_263 : i32 to index
        %swap3A_265 = arith.constant 80 : index
        %swap3A_266 = tpu.vector_load %arg7[%swap3A_264, %swap3A_265] {strides = array<i32>} : memref<1x128xi32, #tpu.memory_space<vmem>>, vector<1x16xi32>,
        %swap3A_267 = vector.shape_cast %swap3A_266 : vector<1x16xi32> to vector<16xi32>
        %swap3A_268 = vector.shape_cast %shift_right_logical3A_262 : vector<16xi32> to vector<1x16xi32>
        tpu.vector_store %arg7[%swap3A_264, %swap3A_265], %swap3A_268 {strides = array<i32>} : memref<1x128xi32, #tpu.memory_space<vmem>>, vector<1x16xi32>,
        %get3A_269 = arith.index_cast %scan3A_142 : i32 to index
        %get3A_270 = arith.constant 96 : index
        %get3A_271 = tpu.vector_load %arg5[%get3A_269, %get3A_270] {strides = array<i32>} : memref<80x128xi32, #tpu.memory_space<vmem>>, vector<1x16xi32>,
        %get3A_272 = vector.shape_cast %get3A_271 : vector<1x16xi32> to vector<16xi32>
        %shift_right_logical3A_273 = arith.constant 14 : i32
        %shift_right_logical3A_274 = vector.broadcast %shift_right_logical3A_273 : i32 to vector<16xi32>
        %shift_right_logical3A_275 = arith.shrui %get3A_272, %shift_right_logical3A_274 : vector<16xi32>
        %swap3A_276 = arith.constant 0 : i32
        %swap3A_277 = arith.index_cast %swap3A_276 : i32 to index
        %swap3A_278 = arith.constant 96 : index
        %swap3A_279 = tpu.vector_load %arg7[%swap3A_277, %swap3A_278] {strides = array<i32>} : memref<1x128xi32, #tpu.memory_space<vmem>>, vector<1x16xi32>,
        %swap3A_280 = vector.shape_cast %swap3A_279 : vector<1x16xi32> to vector<16xi32>
        %swap3A_281 = vector.shape_cast %shift_right_logical3A_275 : vector<16xi32> to vector<1x16xi32>
        tpu.vector_store %arg7[%swap3A_277, %swap3A_278], %swap3A_281 {strides = array<i32>} : memref<1x128xi32, #tpu.memory_space<vmem>>, vector<1x16xi32>,
        %get3A_282 = arith.index_cast %scan3A_142 : i32 to index
        %get3A_283 = arith.constant 112 : index
        %get3A_284 = tpu.vector_load %arg5[%get3A_282, %get3A_283] {strides = array<i32>} : memref<80x128xi32, #tpu.memory_space<vmem>>, vector<1x16xi32>,
        %get3A_285 = vector.shape_cast %get3A_284 : vector<1x16xi32> to vector<16xi32>
        %shift_right_logical3A_286 = arith.constant 14 : i32
        %shift_right_logical3A_287 = vector.broadcast %shift_right_logical3A_286 : i32 to vector<16xi32>
        %shift_right_logical3A_288 = arith.shrui %get3A_285, %shift_right_logical3A_287 : vector<16xi32>
        %swap3A_289 = arith.constant 0 : i32
        %swap3A_290 = arith.index_cast %swap3A_289 : i32 to index
        %swap3A_291 = arith.constant 112 : index
        %swap3A_292 = tpu.vector_load %arg7[%swap3A_290, %swap3A_291] {strides = array<i32>} : memref<1x128xi32, #tpu.memory_space<vmem>>, vector<1x16xi32>,
        %swap3A_293 = vector.shape_cast %swap3A_292 : vector<1x16xi32> to vector<16xi32>
        %swap3A_294 = vector.shape_cast %shift_right_logical3A_288 : vector<16xi32> to vector<1x16xi32>
        tpu.vector_store %arg7[%swap3A_290, %swap3A_291], %swap3A_294 {strides = array<i32>} : memref<1x128xi32, #tpu.memory_space<vmem>>, vector<1x16xi32>,
        %run_scoped3A = arith.constant 0 : i32
        "tpu.region"() ({
          %run_scoped3A_295 = tpu.sem_alloc : memref<!tpu.dma_semaphore, #tpu.memory_space<semaphore_mem>>
          %dma_start3A_296 = arith.constant 0 : i32
          %dma_start3A_297 = tpu.memref_slice %arg7[%run_scoped3A, %dma_start3A_296] : memref<1x128xi32, #tpu.memory_space<vmem>> -> memref<1x128xi32, #tpu.memory_space<vmem>>
          %dma_start3A_298 = tpu.memref_squeeze %dma_start3A_297 : memref<1x128xi32, #tpu.memory_space<vmem>> -> memref<128xi32, #tpu.memory_space<vmem>>
          %dma_start3A_299 = arith.constant 0 : i32
          %dma_start3A_300 = arith.constant 0 : i32
          %dma_start3A_301 = tpu.memref_slice %arg10[%dma_start3A_299, %dma_start3A_300] : memref<10112x128xf32, #tpu.memory_space<vmem_shared>> -> memref<10112x128xf32, #tpu.memory_space<vmem_shared>>
          tpu.enqueue_indirect_dma source(%arg9 : memref<128x128xf32, #tpu.memory_space<vmem>>) target(%dma_start3A_301 : memref<10112x128xf32, #tpu.memory_space<vmem_shared>>) offsets(%dma_start3A_298 : memref<128xi32, #tpu.memory_space<vmem>>) semaphore(%run_scoped3A_295 : memref<!tpu.dma_semaphore, #tpu.memory_space<semaphore_mem>>) {add = true}
          %dma_wait3A_302 = arith.constant 0 : i32
          %dma_wait3A_303 = tpu.memref_slice %arg7[%run_scoped3A, %dma_wait3A_302] : memref<1x128xi32, #tpu.memory_space<vmem>> -> memref<1x128xi32, #tpu.memory_space<vmem>>
          %dma_wait3A_304 = tpu.memref_squeeze %dma_wait3A_303 : memref<1x128xi32, #tpu.memory_space<vmem>> -> memref<128xi32, #tpu.memory_space<vmem>>
          %dma_wait3A_305 = arith.constant 0 : i32
          %dma_wait3A_306 = arith.constant 0 : i32
          %dma_wait3A_307 = tpu.memref_slice %arg10[%dma_wait3A_305, %dma_wait3A_306] : memref<10112x128xf32, #tpu.memory_space<vmem_shared>> -> memref<10112x128xf32, #tpu.memory_space<vmem_shared>>
          tpu.wait_indirect_dma semaphore(%run_scoped3A_295 : memref<!tpu.dma_semaphore, #tpu.memory_space<semaphore_mem>>) src(%arg9 : memref<128x128xf32, #tpu.memory_space<vmem>>) dst(%dma_wait3A_307 : memref<10112x128xf32, #tpu.memory_space<vmem_shared>>)
          tpu.yield
        }) : () -> ()
      } else {
      }
      %scan3A_178 = arith.constant 0 : i32
      scf.yield %scan3A_178 : i32
    }
    %scan3A_140 = arith.constant 80 : i32
    %barrier3A_141 = arith.constant 0 : index
    tpu.barrier barrier_id(%barrier3A_141)
    "tpu.region"() ({
      %run_scoped3A = tpu.sem_alloc : memref<!tpu.dma_semaphore, #tpu.memory_space<semaphore_mem>>
      %dma_start3A_142 = arith.constant 0 : i32
      %dma_start3A_143 = tpu.memref_slice %arg4[%arg0, %mul3A_8, %dma_start3A_142] : memref<2x10112x128xf32, #tpu.memory_space<hbm>> -> memref<1x632x128xf32, #tpu.memory_space<hbm>>
      %dma_start3A_144 = tpu.memref_squeeze %dma_start3A_143 : memref<1x632x128xf32, #tpu.memory_space<hbm>> -> memref<632x128xf32, #tpu.memory_space<hbm>>
      %dma_start3A_145 = arith.constant 0 : i32
      %dma_start3A_146 = tpu.memref_slice %arg10[%mul3A_8, %dma_start3A_145] : memref<10112x128xf32, #tpu.memory_space<vmem_shared>> -> memref<632x128xf32, #tpu.memory_space<vmem_shared>>
      tpu.enqueue_dma source(%dma_start3A_146 : memref<632x128xf32, #tpu.memory_space<vmem_shared>>) target(%dma_start3A_144 : memref<632x128xf32, #tpu.memory_space<hbm>>) target_semaphore(%run_scoped3A : memref<!tpu.dma_semaphore, #tpu.memory_space<semaphore_mem>>)
      %dma_wait3A = arith.constant 0 : i32
      %dma_wait3A_147 = tpu.memref_slice %arg4[%arg0, %mul3A_8, %dma_wait3A] : memref<2x10112x128xf32, #tpu.memory_space<hbm>> -> memref<1x632x128xf32, #tpu.memory_space<hbm>>
      %dma_wait3A_148 = tpu.memref_squeeze %dma_wait3A_147 : memref<1x632x128xf32, #tpu.memory_space<hbm>> -> memref<632x128xf32, #tpu.memory_space<hbm>>
      %dma_wait3A_149 = arith.constant 0 : i32
      %dma_wait3A_150 = tpu.memref_slice %arg10[%mul3A_8, %dma_wait3A_149] : memref<10112x128xf32, #tpu.memory_space<vmem_shared>> -> memref<632x128xf32, #tpu.memory_space<vmem_shared>>
      tpu.wait_dma2 semaphore(%run_scoped3A : memref<!tpu.dma_semaphore, #tpu.memory_space<semaphore_mem>>) src(%dma_wait3A_150 : memref<632x128xf32, #tpu.memory_space<vmem_shared>>) dst(%dma_wait3A_148 : memref<632x128xf32, #tpu.memory_space<hbm>>)
      tpu.yield
    }) : () -> ()
    return
  }
}

#map = affine_map<(d0, d1) -> (0, 0)>
#map1 = affine_map<(d0, d1) -> (0, 0, 0)>
module attributes {stable_mosaic.version = 14 : i64} {
  func.func @_sc_agg_body(%arg0: i32, %arg1: i32, %arg2: memref<10000x128xf32, #tpu.memory_space<hbm>>, %arg3: memref<32x80x128xi32, #tpu.memory_space<hbm>>, %arg4: memref<2x10112x128xf32, #tpu.memory_space<hbm>>, %arg5: memref<80x128xi32, #tpu.memory_space<vmem>>, %arg6: memref<2x128xi32, #tpu.memory_space<vmem>>, %arg7: memref<1x128xi32, #tpu.memory_space<vmem>>, %arg8: memref<128x128xf32, #tpu.memory_space<vmem>>, %arg9: memref<128x128xf32, #tpu.memory_space<vmem>>, %arg10: memref<10112x128xf32, #tpu.memory_space<vmem_shared>>, %arg11: memref<!tpu.dma_semaphore, #tpu.memory_space<semaphore_mem>>, %arg12: memref<!tpu.dma_semaphore, #tpu.memory_space<semaphore_mem>>) attributes {dimension_semantics = [#tpu.dimension_semantics<core_parallel>, #tpu.dimension_semantics<subcore_parallel>], iteration_bounds = array<i64: 2, 16>, scalar_prefetch = 0 : i64, scratch_operands = 8 : i64, tpu.core_type = #tpu.core_type<sc_vector_subcore>, window_params = [{transform_indices = #map}, {transform_indices = #map1}, {transform_indices = #map1}]} {
    %mul3A = arith.constant 16 : i32
    %mul3A_0 = arith.muli %arg0, %mul3A : i32
    %add3A = arith.addi %mul3A_0, %arg1 : i32
    "tpu.region"() ({
      %run_scoped3A = tpu.sem_alloc : memref<!tpu.dma_semaphore, #tpu.memory_space<semaphore_mem>>
      %dma_start3A_142 = arith.constant 0 : i32
      %dma_start3A_143 = arith.constant 0 : i32
      %dma_start3A_144 = tpu.memref_slice %arg3[%add3A, %dma_start3A_142, %dma_start3A_143] : memref<32x80x128xi32, #tpu.memory_space<hbm>> -> memref<1x80x128xi32, #tpu.memory_space<hbm>>
      %dma_start3A_145 = tpu.memref_squeeze %dma_start3A_144 : memref<1x80x128xi32, #tpu.memory_space<hbm>> -> memref<80x128xi32, #tpu.memory_space<hbm>>
      %dma_start3A_146 = arith.constant 0 : i32
      %dma_start3A_147 = arith.constant 0 : i32
      %dma_start3A_148 = tpu.memref_slice %arg3[%add3A, %dma_start3A_146, %dma_start3A_147] : memref<32x80x128xi32, #tpu.memory_space<hbm>> -> memref<1x80x128xi32, #tpu.memory_space<hbm>>
      %dma_start3A_149 = tpu.memref_squeeze %dma_start3A_148 : memref<1x80x128xi32, #tpu.memory_space<hbm>> -> memref<80x128xi32, #tpu.memory_space<hbm>>
      tpu.enqueue_dma source(%dma_start3A_149 : memref<80x128xi32, #tpu.memory_space<hbm>>) target(%arg5 : memref<80x128xi32, #tpu.memory_space<vmem>>) target_semaphore(%run_scoped3A : memref<!tpu.dma_semaphore, #tpu.memory_space<semaphore_mem>>)
      %dma_wait3A = arith.constant 0 : i32
      %dma_wait3A_150 = arith.constant 0 : i32
      %dma_wait3A_151 = tpu.memref_slice %arg3[%add3A, %dma_wait3A, %dma_wait3A_150] : memref<32x80x128xi32, #tpu.memory_space<hbm>> -> memref<1x80x128xi32, #tpu.memory_space<hbm>>
      %dma_wait3A_152 = tpu.memref_squeeze %dma_wait3A_151 : memref<1x80x128xi32, #tpu.memory_space<hbm>> -> memref<80x128xi32, #tpu.memory_space<hbm>>
      %dma_wait3A_153 = arith.constant 0 : i32
      %dma_wait3A_154 = arith.constant 0 : i32
      %dma_wait3A_155 = tpu.memref_slice %arg3[%add3A, %dma_wait3A_153, %dma_wait3A_154] : memref<32x80x128xi32, #tpu.memory_space<hbm>> -> memref<1x80x128xi32, #tpu.memory_space<hbm>>
      %dma_wait3A_156 = tpu.memref_squeeze %dma_wait3A_155 : memref<1x80x128xi32, #tpu.memory_space<hbm>> -> memref<80x128xi32, #tpu.memory_space<hbm>>
      tpu.wait_dma2 semaphore(%run_scoped3A : memref<!tpu.dma_semaphore, #tpu.memory_space<semaphore_mem>>) src(%dma_wait3A_156 : memref<80x128xi32, #tpu.memory_space<hbm>>) dst(%arg5 : memref<80x128xi32, #tpu.memory_space<vmem>>)
      tpu.yield
    }) : () -> ()
    %scan3A = arith.constant 0 : i32
    %scan3A_1 = arith.constant 0 : i32
    %scan3A_2 = arith.constant 128 : i32
    %scan3A_3 = arith.addi %scan3A_1, %scan3A_2 : i32
    %scan3A_4 = arith.constant 1 : i32
    %scan3A_5 = scf.for %scan3A_142 = %scan3A_1 to %scan3A_3 step %scan3A_4 iter_args(%scan3A_143 = %scan3A) -> (i32)  : i32 {
      %broadcast_in_dim3A = arith.constant 0.000000e+00 : f32
      %broadcast_in_dim3A_144 = vector.broadcast %broadcast_in_dim3A : f32 to vector<16xf32>
      %swap3A_145 = arith.index_cast %scan3A_142 : i32 to index
      %swap3A_146 = arith.constant 0 : index
      %swap3A_147 = tpu.vector_load %arg8[%swap3A_145, %swap3A_146] {strides = array<i32>} : memref<128x128xf32, #tpu.memory_space<vmem>>, vector<1x16xf32>,
      %swap3A_148 = vector.shape_cast %swap3A_147 : vector<1x16xf32> to vector<16xf32>
      %swap3A_149 = vector.shape_cast %broadcast_in_dim3A_144 : vector<16xf32> to vector<1x16xf32>
      tpu.vector_store %arg8[%swap3A_145, %swap3A_146], %swap3A_149 {strides = array<i32>} : memref<128x128xf32, #tpu.memory_space<vmem>>, vector<1x16xf32>,
      %broadcast_in_dim3A_150 = arith.constant 0.000000e+00 : f32
      %broadcast_in_dim3A_151 = vector.broadcast %broadcast_in_dim3A_150 : f32 to vector<16xf32>
      %swap3A_152 = arith.index_cast %scan3A_142 : i32 to index
      %swap3A_153 = arith.constant 16 : index
      %swap3A_154 = tpu.vector_load %arg8[%swap3A_152, %swap3A_153] {strides = array<i32>} : memref<128x128xf32, #tpu.memory_space<vmem>>, vector<1x16xf32>,
      %swap3A_155 = vector.shape_cast %swap3A_154 : vector<1x16xf32> to vector<16xf32>
      %swap3A_156 = vector.shape_cast %broadcast_in_dim3A_151 : vector<16xf32> to vector<1x16xf32>
      tpu.vector_store %arg8[%swap3A_152, %swap3A_153], %swap3A_156 {strides = array<i32>} : memref<128x128xf32, #tpu.memory_space<vmem>>, vector<1x16xf32>,
      %broadcast_in_dim3A_157 = arith.constant 0.000000e+00 : f32
      %broadcast_in_dim3A_158 = vector.broadcast %broadcast_in_dim3A_157 : f32 to vector<16xf32>
      %swap3A_159 = arith.index_cast %scan3A_142 : i32 to index
      %swap3A_160 = arith.constant 32 : index
      %swap3A_161 = tpu.vector_load %arg8[%swap3A_159, %swap3A_160] {strides = array<i32>} : memref<128x128xf32, #tpu.memory_space<vmem>>, vector<1x16xf32>,
      %swap3A_162 = vector.shape_cast %swap3A_161 : vector<1x16xf32> to vector<16xf32>
      %swap3A_163 = vector.shape_cast %broadcast_in_dim3A_158 : vector<16xf32> to vector<1x16xf32>
      tpu.vector_store %arg8[%swap3A_159, %swap3A_160], %swap3A_163 {strides = array<i32>} : memref<128x128xf32, #tpu.memory_space<vmem>>, vector<1x16xf32>,
      %broadcast_in_dim3A_164 = arith.constant 0.000000e+00 : f32
      %broadcast_in_dim3A_165 = vector.broadcast %broadcast_in_dim3A_164 : f32 to vector<16xf32>
      %swap3A_166 = arith.index_cast %scan3A_142 : i32 to index
      %swap3A_167 = arith.constant 48 : index
      %swap3A_168 = tpu.vector_load %arg8[%swap3A_166, %swap3A_167] {strides = array<i32>} : memref<128x128xf32, #tpu.memory_space<vmem>>, vector<1x16xf32>,
      %swap3A_169 = vector.shape_cast %swap3A_168 : vector<1x16xf32> to vector<16xf32>
      %swap3A_170 = vector.shape_cast %broadcast_in_dim3A_165 : vector<16xf32> to vector<1x16xf32>
      tpu.vector_store %arg8[%swap3A_166, %swap3A_167], %swap3A_170 {strides = array<i32>} : memref<128x128xf32, #tpu.memory_space<vmem>>, vector<1x16xf32>,
      %broadcast_in_dim3A_171 = arith.constant 0.000000e+00 : f32
      %broadcast_in_dim3A_172 = vector.broadcast %broadcast_in_dim3A_171 : f32 to vector<16xf32>
      %swap3A_173 = arith.index_cast %scan3A_142 : i32 to index
      %swap3A_174 = arith.constant 64 : index
      %swap3A_175 = tpu.vector_load %arg8[%swap3A_173, %swap3A_174] {strides = array<i32>} : memref<128x128xf32, #tpu.memory_space<vmem>>, vector<1x16xf32>,
      %swap3A_176 = vector.shape_cast %swap3A_175 : vector<1x16xf32> to vector<16xf32>
      %swap3A_177 = vector.shape_cast %broadcast_in_dim3A_172 : vector<16xf32> to vector<1x16xf32>
      tpu.vector_store %arg8[%swap3A_173, %swap3A_174], %swap3A_177 {strides = array<i32>} : memref<128x128xf32, #tpu.memory_space<vmem>>, vector<1x16xf32>,
      %broadcast_in_dim3A_178 = arith.constant 0.000000e+00 : f32
      %broadcast_in_dim3A_179 = vector.broadcast %broadcast_in_dim3A_178 : f32 to vector<16xf32>
      %swap3A_180 = arith.index_cast %scan3A_142 : i32 to index
      %swap3A_181 = arith.constant 80 : index
      %swap3A_182 = tpu.vector_load %arg8[%swap3A_180, %swap3A_181] {strides = array<i32>} : memref<128x128xf32, #tpu.memory_space<vmem>>, vector<1x16xf32>,
      %swap3A_183 = vector.shape_cast %swap3A_182 : vector<1x16xf32> to vector<16xf32>
      %swap3A_184 = vector.shape_cast %broadcast_in_dim3A_179 : vector<16xf32> to vector<1x16xf32>
      tpu.vector_store %arg8[%swap3A_180, %swap3A_181], %swap3A_184 {strides = array<i32>} : memref<128x128xf32, #tpu.memory_space<vmem>>, vector<1x16xf32>,
      %broadcast_in_dim3A_185 = arith.constant 0.000000e+00 : f32
      %broadcast_in_dim3A_186 = vector.broadcast %broadcast_in_dim3A_185 : f32 to vector<16xf32>
      %swap3A_187 = arith.index_cast %scan3A_142 : i32 to index
      %swap3A_188 = arith.constant 96 : index
      %swap3A_189 = tpu.vector_load %arg8[%swap3A_187, %swap3A_188] {strides = array<i32>} : memref<128x128xf32, #tpu.memory_space<vmem>>, vector<1x16xf32>,
      %swap3A_190 = vector.shape_cast %swap3A_189 : vector<1x16xf32> to vector<16xf32>
      %swap3A_191 = vector.shape_cast %broadcast_in_dim3A_186 : vector<16xf32> to vector<1x16xf32>
      tpu.vector_store %arg8[%swap3A_187, %swap3A_188], %swap3A_191 {strides = array<i32>} : memref<128x128xf32, #tpu.memory_space<vmem>>, vector<1x16xf32>,
      %broadcast_in_dim3A_192 = arith.constant 0.000000e+00 : f32
      %broadcast_in_dim3A_193 = vector.broadcast %broadcast_in_dim3A_192 : f32 to vector<16xf32>
      %swap3A_194 = arith.index_cast %scan3A_142 : i32 to index
      %swap3A_195 = arith.constant 112 : index
      %swap3A_196 = tpu.vector_load %arg8[%swap3A_194, %swap3A_195] {strides = array<i32>} : memref<128x128xf32, #tpu.memory_space<vmem>>, vector<1x16xf32>,
      %swap3A_197 = vector.shape_cast %swap3A_196 : vector<1x16xf32> to vector<16xf32>
      %swap3A_198 = vector.shape_cast %broadcast_in_dim3A_193 : vector<16xf32> to vector<1x16xf32>
      tpu.vector_store %arg8[%swap3A_194, %swap3A_195], %swap3A_198 {strides = array<i32>} : memref<128x128xf32, #tpu.memory_space<vmem>>, vector<1x16xf32>,
      %scan3A_199 = arith.constant 0 : i32
      scf.yield %scan3A_199 : i32
    }
    %scan3A_6 = arith.constant 128 : i32
    %mul3A_7 = arith.constant 632 : i32
    %mul3A_8 = arith.muli %arg1, %mul3A_7 : i32
    %add3A_9 = arith.constant 0 : i32
    %add3A_10 = arith.addi %mul3A_8, %add3A_9 : i32
    "tpu.region"() ({
      %run_scoped3A = tpu.sem_alloc : memref<!tpu.dma_semaphore, #tpu.memory_space<semaphore_mem>>
      %dma_start3A_142 = arith.constant 0 : i32
      %dma_start3A_143 = tpu.memref_slice %arg10[%add3A_10, %dma_start3A_142] : memref<10112x128xf32, #tpu.memory_space<vmem_shared>> -> memref<128x128xf32, #tpu.memory_space<vmem_shared>>
      %dma_start3A_144 = arith.constant 0 : i32
      %dma_start3A_145 = tpu.memref_slice %arg10[%add3A_10, %dma_start3A_144] : memref<10112x128xf32, #tpu.memory_space<vmem_shared>> -> memref<128x128xf32, #tpu.memory_space<vmem_shared>>
      tpu.enqueue_dma source(%arg8 : memref<128x128xf32, #tpu.memory_space<vmem>>) target(%dma_start3A_145 : memref<128x128xf32, #tpu.memory_space<vmem_shared>>) target_semaphore(%run_scoped3A : memref<!tpu.dma_semaphore, #tpu.memory_space<semaphore_mem>>)
      %dma_wait3A = arith.constant 0 : i32
      %dma_wait3A_146 = tpu.memref_slice %arg10[%add3A_10, %dma_wait3A] : memref<10112x128xf32, #tpu.memory_space<vmem_shared>> -> memref<128x128xf32, #tpu.memory_space<vmem_shared>>
      %dma_wait3A_147 = arith.constant 0 : i32
      %dma_wait3A_148 = tpu.memref_slice %arg10[%add3A_10, %dma_wait3A_147] : memref<10112x128xf32, #tpu.memory_space<vmem_shared>> -> memref<128x128xf32, #tpu.memory_space<vmem_shared>>
      tpu.wait_dma2 semaphore(%run_scoped3A : memref<!tpu.dma_semaphore, #tpu.memory_space<semaphore_mem>>) src(%arg8 : memref<128x128xf32, #tpu.memory_space<vmem>>) dst(%dma_wait3A_148 : memref<128x128xf32, #tpu.memory_space<vmem_shared>>)
      tpu.yield
    }) : () -> ()
    %add3A_11 = arith.constant 128 : i32
    %add3A_12 = arith.addi %mul3A_8, %add3A_11 : i32
    "tpu.region"() ({
      %run_scoped3A = tpu.sem_alloc : memref<!tpu.dma_semaphore, #tpu.memory_space<semaphore_mem>>
      %dma_start3A_142 = arith.constant 0 : i32
      %dma_start3A_143 = tpu.memref_slice %arg10[%add3A_12, %dma_start3A_142] : memref<10112x128xf32, #tpu.memory_space<vmem_shared>> -> memref<128x128xf32, #tpu.memory_space<vmem_shared>>
      %dma_start3A_144 = arith.constant 0 : i32
      %dma_start3A_145 = tpu.memref_slice %arg10[%add3A_12, %dma_start3A_144] : memref<10112x128xf32, #tpu.memory_space<vmem_shared>> -> memref<128x128xf32, #tpu.memory_space<vmem_shared>>
      tpu.enqueue_dma source(%arg8 : memref<128x128xf32, #tpu.memory_space<vmem>>) target(%dma_start3A_145 : memref<128x128xf32, #tpu.memory_space<vmem_shared>>) target_semaphore(%run_scoped3A : memref<!tpu.dma_semaphore, #tpu.memory_space<semaphore_mem>>)
      %dma_wait3A = arith.constant 0 : i32
      %dma_wait3A_146 = tpu.memref_slice %arg10[%add3A_12, %dma_wait3A] : memref<10112x128xf32, #tpu.memory_space<vmem_shared>> -> memref<128x128xf32, #tpu.memory_space<vmem_shared>>
      %dma_wait3A_147 = arith.constant 0 : i32
      %dma_wait3A_148 = tpu.memref_slice %arg10[%add3A_12, %dma_wait3A_147] : memref<10112x128xf32, #tpu.memory_space<vmem_shared>> -> memref<128x128xf32, #tpu.memory_space<vmem_shared>>
      tpu.wait_dma2 semaphore(%run_scoped3A : memref<!tpu.dma_semaphore, #tpu.memory_space<semaphore_mem>>) src(%arg8 : memref<128x128xf32, #tpu.memory_space<vmem>>) dst(%dma_wait3A_148 : memref<128x128xf32, #tpu.memory_space<vmem_shared>>)
      tpu.yield
    }) : () -> ()
    %add3A_13 = arith.constant 256 : i32
    %add3A_14 = arith.addi %mul3A_8, %add3A_13 : i32
    "tpu.region"() ({
      %run_scoped3A = tpu.sem_alloc : memref<!tpu.dma_semaphore, #tpu.memory_space<semaphore_mem>>
      %dma_start3A_142 = arith.constant 0 : i32
      %dma_start3A_143 = tpu.memref_slice %arg10[%add3A_14, %dma_start3A_142] : memref<10112x128xf32, #tpu.memory_space<vmem_shared>> -> memref<128x128xf32, #tpu.memory_space<vmem_shared>>
      %dma_start3A_144 = arith.constant 0 : i32
      %dma_start3A_145 = tpu.memref_slice %arg10[%add3A_14, %dma_start3A_144] : memref<10112x128xf32, #tpu.memory_space<vmem_shared>> -> memref<128x128xf32, #tpu.memory_space<vmem_shared>>
      tpu.enqueue_dma source(%arg8 : memref<128x128xf32, #tpu.memory_space<vmem>>) target(%dma_start3A_145 : memref<128x128xf32, #tpu.memory_space<vmem_shared>>) target_semaphore(%run_scoped3A : memref<!tpu.dma_semaphore, #tpu.memory_space<semaphore_mem>>)
      %dma_wait3A = arith.constant 0 : i32
      %dma_wait3A_146 = tpu.memref_slice %arg10[%add3A_14, %dma_wait3A] : memref<10112x128xf32, #tpu.memory_space<vmem_shared>> -> memref<128x128xf32, #tpu.memory_space<vmem_shared>>
      %dma_wait3A_147 = arith.constant 0 : i32
      %dma_wait3A_148 = tpu.memref_slice %arg10[%add3A_14, %dma_wait3A_147] : memref<10112x128xf32, #tpu.memory_space<vmem_shared>> -> memref<128x128xf32, #tpu.memory_space<vmem_shared>>
      tpu.wait_dma2 semaphore(%run_scoped3A : memref<!tpu.dma_semaphore, #tpu.memory_space<semaphore_mem>>) src(%arg8 : memref<128x128xf32, #tpu.memory_space<vmem>>) dst(%dma_wait3A_148 : memref<128x128xf32, #tpu.memory_space<vmem_shared>>)
      tpu.yield
    }) : () -> ()
    %add3A_15 = arith.constant 384 : i32
    %add3A_16 = arith.addi %mul3A_8, %add3A_15 : i32
    "tpu.region"() ({
      %run_scoped3A = tpu.sem_alloc : memref<!tpu.dma_semaphore, #tpu.memory_space<semaphore_mem>>
      %dma_start3A_142 = arith.constant 0 : i32
      %dma_start3A_143 = tpu.memref_slice %arg10[%add3A_16, %dma_start3A_142] : memref<10112x128xf32, #tpu.memory_space<vmem_shared>> -> memref<128x128xf32, #tpu.memory_space<vmem_shared>>
      %dma_start3A_144 = arith.constant 0 : i32
      %dma_start3A_145 = tpu.memref_slice %arg10[%add3A_16, %dma_start3A_144] : memref<10112x128xf32, #tpu.memory_space<vmem_shared>> -> memref<128x128xf32, #tpu.memory_space<vmem_shared>>
      tpu.enqueue_dma source(%arg8 : memref<128x128xf32, #tpu.memory_space<vmem>>) target(%dma_start3A_145 : memref<128x128xf32, #tpu.memory_space<vmem_shared>>) target_semaphore(%run_scoped3A : memref<!tpu.dma_semaphore, #tpu.memory_space<semaphore_mem>>)
      %dma_wait3A = arith.constant 0 : i32
      %dma_wait3A_146 = tpu.memref_slice %arg10[%add3A_16, %dma_wait3A] : memref<10112x128xf32, #tpu.memory_space<vmem_shared>> -> memref<128x128xf32, #tpu.memory_space<vmem_shared>>
      %dma_wait3A_147 = arith.constant 0 : i32
      %dma_wait3A_148 = tpu.memref_slice %arg10[%add3A_16, %dma_wait3A_147] : memref<10112x128xf32, #tpu.memory_space<vmem_shared>> -> memref<128x128xf32, #tpu.memory_space<vmem_shared>>
      tpu.wait_dma2 semaphore(%run_scoped3A : memref<!tpu.dma_semaphore, #tpu.memory_space<semaphore_mem>>) src(%arg8 : memref<128x128xf32, #tpu.memory_space<vmem>>) dst(%dma_wait3A_148 : memref<128x128xf32, #tpu.memory_space<vmem_shared>>)
      tpu.yield
    }) : () -> ()
    %add3A_17 = arith.constant 512 : i32
    %add3A_18 = arith.addi %mul3A_8, %add3A_17 : i32
    "tpu.region"() ({
      %run_scoped3A = tpu.sem_alloc : memref<!tpu.dma_semaphore, #tpu.memory_space<semaphore_mem>>
      %dma_start3A_142 = arith.constant 0 : i32
      %dma_start3A_143 = arith.constant 0 : i32
      %dma_start3A_144 = tpu.memref_slice %arg8[%dma_start3A_142, %dma_start3A_143] : memref<128x128xf32, #tpu.memory_space<vmem>> -> memref<120x128xf32, #tpu.memory_space<vmem>>
      %dma_start3A_145 = arith.constant 0 : i32
      %dma_start3A_146 = tpu.memref_slice %arg10[%add3A_18, %dma_start3A_145] : memref<10112x128xf32, #tpu.memory_space<vmem_shared>> -> memref<120x128xf32, #tpu.memory_space<vmem_shared>>
      %dma_start3A_147 = arith.constant 0 : i32
      %dma_start3A_148 = tpu.memref_slice %arg10[%add3A_18, %dma_start3A_147] : memref<10112x128xf32, #tpu.memory_space<vmem_shared>> -> memref<120x128xf32, #tpu.memory_space<vmem_shared>>
      %dma_start3A_149 = arith.constant 0 : i32
      %dma_start3A_150 = arith.constant 0 : i32
      %dma_start3A_151 = tpu.memref_slice %arg8[%dma_start3A_149, %dma_start3A_150] : memref<128x128xf32, #tpu.memory_space<vmem>> -> memref<120x128xf32, #tpu.memory_space<vmem>>
      tpu.enqueue_dma source(%dma_start3A_151 : memref<120x128xf32, #tpu.memory_space<vmem>>) target(%dma_start3A_148 : memref<120x128xf32, #tpu.memory_space<vmem_shared>>) target_semaphore(%run_scoped3A : memref<!tpu.dma_semaphore, #tpu.memory_space<semaphore_mem>>)
      %dma_wait3A = arith.constant 0 : i32
      %dma_wait3A_152 = arith.constant 0 : i32
      %dma_wait3A_153 = tpu.memref_slice %arg8[%dma_wait3A, %dma_wait3A_152] : memref<128x128xf32, #tpu.memory_space<vmem>> -> memref<120x128xf32, #tpu.memory_space<vmem>>
      %dma_wait3A_154 = arith.constant 0 : i32
      %dma_wait3A_155 = tpu.memref_slice %arg10[%add3A_18, %dma_wait3A_154] : memref<10112x128xf32, #tpu.memory_space<vmem_shared>> -> memref<120x128xf32, #tpu.memory_space<vmem_shared>>
      %dma_wait3A_156 = arith.constant 0 : i32
      %dma_wait3A_157 = tpu.memref_slice %arg10[%add3A_18, %dma_wait3A_156] : memref<10112x128xf32, #tpu.memory_space<vmem_shared>> -> memref<120x128xf32, #tpu.memory_space<vmem_shared>>
      %dma_wait3A_158 = arith.constant 0 : i32
      %dma_wait3A_159 = arith.constant 0 : i32
      %dma_wait3A_160 = tpu.memref_slice %arg8[%dma_wait3A_158, %dma_wait3A_159] : memref<128x128xf32, #tpu.memory_space<vmem>> -> memref<120x128xf32, #tpu.memory_space<vmem>>
      tpu.wait_dma2 semaphore(%run_scoped3A : memref<!tpu.dma_semaphore, #tpu.memory_space<semaphore_mem>>) src(%dma_wait3A_160 : memref<120x128xf32, #tpu.memory_space<vmem>>) dst(%dma_wait3A_157 : memref<120x128xf32, #tpu.memory_space<vmem_shared>>)
      tpu.yield
    }) : () -> ()
    %barrier3A = arith.constant 0 : index
    tpu.barrier barrier_id(%barrier3A)
    %get3A = arith.constant 0 : i32
    %get3A_19 = arith.index_cast %get3A : i32 to index
    %get3A_20 = arith.constant 0 : index
    %get3A_21 = tpu.vector_load %arg5[%get3A_19, %get3A_20] {strides = array<i32>} : memref<80x128xi32, #tpu.memory_space<vmem>>, vector<1x16xi32>,
    %get3A_22 = vector.shape_cast %get3A_21 : vector<1x16xi32> to vector<16xi32>
    %and3A = arith.constant 16383 : i32
    %and3A_23 = vector.broadcast %and3A : i32 to vector<16xi32>
    %and3A_24 = arith.andi %get3A_22, %and3A_23 : vector<16xi32>
    %swap3A = arith.constant 0 : i32
    %swap3A_25 = arith.index_cast %swap3A : i32 to index
    %swap3A_26 = arith.constant 0 : index
    %swap3A_27 = tpu.vector_load %arg6[%swap3A_25, %swap3A_26] {strides = array<i32>} : memref<2x128xi32, #tpu.memory_space<vmem>>, vector<1x16xi32>,
    %swap3A_28 = vector.shape_cast %swap3A_27 : vector<1x16xi32> to vector<16xi32>
    %swap3A_29 = vector.shape_cast %and3A_24 : vector<16xi32> to vector<1x16xi32>
    tpu.vector_store %arg6[%swap3A_25, %swap3A_26], %swap3A_29 {strides = array<i32>} : memref<2x128xi32, #tpu.memory_space<vmem>>, vector<1x16xi32>,
    %get3A_30 = arith.constant 0 : i32
    %get3A_31 = arith.index_cast %get3A_30 : i32 to index
    %get3A_32 = arith.constant 16 : index
    %get3A_33 = tpu.vector_load %arg5[%get3A_31, %get3A_32] {strides = array<i32>} : memref<80x128xi32, #tpu.memory_space<vmem>>, vector<1x16xi32>,
    %get3A_34 = vector.shape_cast %get3A_33 : vector<1x16xi32> to vector<16xi32>
    %and3A_35 = arith.constant 16383 : i32
    %and3A_36 = vector.broadcast %and3A_35 : i32 to vector<16xi32>
    %and3A_37 = arith.andi %get3A_34, %and3A_36 : vector<16xi32>
    %swap3A_38 = arith.constant 0 : i32
    %swap3A_39 = arith.index_cast %swap3A_38 : i32 to index
    %swap3A_40 = arith.constant 16 : index
    %swap3A_41 = tpu.vector_load %arg6[%swap3A_39, %swap3A_40] {strides = array<i32>} : memref<2x128xi32, #tpu.memory_space<vmem>>, vector<1x16xi32>,
    %swap3A_42 = vector.shape_cast %swap3A_41 : vector<1x16xi32> to vector<16xi32>
    %swap3A_43 = vector.shape_cast %and3A_37 : vector<16xi32> to vector<1x16xi32>
    tpu.vector_store %arg6[%swap3A_39, %swap3A_40], %swap3A_43 {strides = array<i32>} : memref<2x128xi32, #tpu.memory_space<vmem>>, vector<1x16xi32>,
    %get3A_44 = arith.constant 0 : i32
    %get3A_45 = arith.index_cast %get3A_44 : i32 to index
    %get3A_46 = arith.constant 32 : index
    %get3A_47 = tpu.vector_load %arg5[%get3A_45, %get3A_46] {strides = array<i32>} : memref<80x128xi32, #tpu.memory_space<vmem>>, vector<1x16xi32>,
    %get3A_48 = vector.shape_cast %get3A_47 : vector<1x16xi32> to vector<16xi32>
    %and3A_49 = arith.constant 16383 : i32
    %and3A_50 = vector.broadcast %and3A_49 : i32 to vector<16xi32>
    %and3A_51 = arith.andi %get3A_48, %and3A_50 : vector<16xi32>
    %swap3A_52 = arith.constant 0 : i32
    %swap3A_53 = arith.index_cast %swap3A_52 : i32 to index
    %swap3A_54 = arith.constant 32 : index
    %swap3A_55 = tpu.vector_load %arg6[%swap3A_53, %swap3A_54] {strides = array<i32>} : memref<2x128xi32, #tpu.memory_space<vmem>>, vector<1x16xi32>,
    %swap3A_56 = vector.shape_cast %swap3A_55 : vector<1x16xi32> to vector<16xi32>
    %swap3A_57 = vector.shape_cast %and3A_51 : vector<16xi32> to vector<1x16xi32>
    tpu.vector_store %arg6[%swap3A_53, %swap3A_54], %swap3A_57 {strides = array<i32>} : memref<2x128xi32, #tpu.memory_space<vmem>>, vector<1x16xi32>,
    %get3A_58 = arith.constant 0 : i32
    %get3A_59 = arith.index_cast %get3A_58 : i32 to index
    %get3A_60 = arith.constant 48 : index
    %get3A_61 = tpu.vector_load %arg5[%get3A_59, %get3A_60] {strides = array<i32>} : memref<80x128xi32, #tpu.memory_space<vmem>>, vector<1x16xi32>,
    %get3A_62 = vector.shape_cast %get3A_61 : vector<1x16xi32> to vector<16xi32>
    %and3A_63 = arith.constant 16383 : i32
    %and3A_64 = vector.broadcast %and3A_63 : i32 to vector<16xi32>
    %and3A_65 = arith.andi %get3A_62, %and3A_64 : vector<16xi32>
    %swap3A_66 = arith.constant 0 : i32
    %swap3A_67 = arith.index_cast %swap3A_66 : i32 to index
    %swap3A_68 = arith.constant 48 : index
    %swap3A_69 = tpu.vector_load %arg6[%swap3A_67, %swap3A_68] {strides = array<i32>} : memref<2x128xi32, #tpu.memory_space<vmem>>, vector<1x16xi32>,
    %swap3A_70 = vector.shape_cast %swap3A_69 : vector<1x16xi32> to vector<16xi32>
    %swap3A_71 = vector.shape_cast %and3A_65 : vector<16xi32> to vector<1x16xi32>
    tpu.vector_store %arg6[%swap3A_67, %swap3A_68], %swap3A_71 {strides = array<i32>} : memref<2x128xi32, #tpu.memory_space<vmem>>, vector<1x16xi32>,
    %get3A_72 = arith.constant 0 : i32
    %get3A_73 = arith.index_cast %get3A_72 : i32 to index
    %get3A_74 = arith.constant 64 : index
    %get3A_75 = tpu.vector_load %arg5[%get3A_73, %get3A_74] {strides = array<i32>} : memref<80x128xi32, #tpu.memory_space<vmem>>, vector<1x16xi32>,
    %get3A_76 = vector.shape_cast %get3A_75 : vector<1x16xi32> to vector<16xi32>
    %and3A_77 = arith.constant 16383 : i32
    %and3A_78 = vector.broadcast %and3A_77 : i32 to vector<16xi32>
    %and3A_79 = arith.andi %get3A_76, %and3A_78 : vector<16xi32>
    %swap3A_80 = arith.constant 0 : i32
    %swap3A_81 = arith.index_cast %swap3A_80 : i32 to index
    %swap3A_82 = arith.constant 64 : index
    %swap3A_83 = tpu.vector_load %arg6[%swap3A_81, %swap3A_82] {strides = array<i32>} : memref<2x128xi32, #tpu.memory_space<vmem>>, vector<1x16xi32>,
    %swap3A_84 = vector.shape_cast %swap3A_83 : vector<1x16xi32> to vector<16xi32>
    %swap3A_85 = vector.shape_cast %and3A_79 : vector<16xi32> to vector<1x16xi32>
    tpu.vector_store %arg6[%swap3A_81, %swap3A_82], %swap3A_85 {strides = array<i32>} : memref<2x128xi32, #tpu.memory_space<vmem>>, vector<1x16xi32>,
    %get3A_86 = arith.constant 0 : i32
    %get3A_87 = arith.index_cast %get3A_86 : i32 to index
    %get3A_88 = arith.constant 80 : index
    %get3A_89 = tpu.vector_load %arg5[%get3A_87, %get3A_88] {strides = array<i32>} : memref<80x128xi32, #tpu.memory_space<vmem>>, vector<1x16xi32>,
    %get3A_90 = vector.shape_cast %get3A_89 : vector<1x16xi32> to vector<16xi32>
    %and3A_91 = arith.constant 16383 : i32
    %and3A_92 = vector.broadcast %and3A_91 : i32 to vector<16xi32>
    %and3A_93 = arith.andi %get3A_90, %and3A_92 : vector<16xi32>
    %swap3A_94 = arith.constant 0 : i32
    %swap3A_95 = arith.index_cast %swap3A_94 : i32 to index
    %swap3A_96 = arith.constant 80 : index
    %swap3A_97 = tpu.vector_load %arg6[%swap3A_95, %swap3A_96] {strides = array<i32>} : memref<2x128xi32, #tpu.memory_space<vmem>>, vector<1x16xi32>,
    %swap3A_98 = vector.shape_cast %swap3A_97 : vector<1x16xi32> to vector<16xi32>
    %swap3A_99 = vector.shape_cast %and3A_93 : vector<16xi32> to vector<1x16xi32>
    tpu.vector_store %arg6[%swap3A_95, %swap3A_96], %swap3A_99 {strides = array<i32>} : memref<2x128xi32, #tpu.memory_space<vmem>>, vector<1x16xi32>,
    %get3A_100 = arith.constant 0 : i32
    %get3A_101 = arith.index_cast %get3A_100 : i32 to index
    %get3A_102 = arith.constant 96 : index
    %get3A_103 = tpu.vector_load %arg5[%get3A_101, %get3A_102] {strides = array<i32>} : memref<80x128xi32, #tpu.memory_space<vmem>>, vector<1x16xi32>,
    %get3A_104 = vector.shape_cast %get3A_103 : vector<1x16xi32> to vector<16xi32>
    %and3A_105 = arith.constant 16383 : i32
    %and3A_106 = vector.broadcast %and3A_105 : i32 to vector<16xi32>
    %and3A_107 = arith.andi %get3A_104, %and3A_106 : vector<16xi32>
    %swap3A_108 = arith.constant 0 : i32
    %swap3A_109 = arith.index_cast %swap3A_108 : i32 to index
    %swap3A_110 = arith.constant 96 : index
    %swap3A_111 = tpu.vector_load %arg6[%swap3A_109, %swap3A_110] {strides = array<i32>} : memref<2x128xi32, #tpu.memory_space<vmem>>, vector<1x16xi32>,
    %swap3A_112 = vector.shape_cast %swap3A_111 : vector<1x16xi32> to vector<16xi32>
    %swap3A_113 = vector.shape_cast %and3A_107 : vector<16xi32> to vector<1x16xi32>
    tpu.vector_store %arg6[%swap3A_109, %swap3A_110], %swap3A_113 {strides = array<i32>} : memref<2x128xi32, #tpu.memory_space<vmem>>, vector<1x16xi32>,
    %get3A_114 = arith.constant 0 : i32
    %get3A_115 = arith.index_cast %get3A_114 : i32 to index
    %get3A_116 = arith.constant 112 : index
    %get3A_117 = tpu.vector_load %arg5[%get3A_115, %get3A_116] {strides = array<i32>} : memref<80x128xi32, #tpu.memory_space<vmem>>, vector<1x16xi32>,
    %get3A_118 = vector.shape_cast %get3A_117 : vector<1x16xi32> to vector<16xi32>
    %and3A_119 = arith.constant 16383 : i32
    %and3A_120 = vector.broadcast %and3A_119 : i32 to vector<16xi32>
    %and3A_121 = arith.andi %get3A_118, %and3A_120 : vector<16xi32>
    %swap3A_122 = arith.constant 0 : i32
    %swap3A_123 = arith.index_cast %swap3A_122 : i32 to index
    %swap3A_124 = arith.constant 112 : index
    %swap3A_125 = tpu.vector_load %arg6[%swap3A_123, %swap3A_124] {strides = array<i32>} : memref<2x128xi32, #tpu.memory_space<vmem>>, vector<1x16xi32>,
    %swap3A_126 = vector.shape_cast %swap3A_125 : vector<1x16xi32> to vector<16xi32>
    %swap3A_127 = vector.shape_cast %and3A_121 : vector<16xi32> to vector<1x16xi32>
    tpu.vector_store %arg6[%swap3A_123, %swap3A_124], %swap3A_127 {strides = array<i32>} : memref<2x128xi32, #tpu.memory_space<vmem>>, vector<1x16xi32>,
    %dma_start3A = arith.constant 0 : i32
    %dma_start3A_128 = arith.constant 0 : i32
    %dma_start3A_129 = tpu.memref_slice %arg6[%dma_start3A, %dma_start3A_128] : memref<2x128xi32, #tpu.memory_space<vmem>> -> memref<1x128xi32, #tpu.memory_space<vmem>>
    %dma_start3A_130 = tpu.memref_squeeze %dma_start3A_129 : memref<1x128xi32, #tpu.memory_space<vmem>> -> memref<128xi32, #tpu.memory_space<vmem>>
    %dma_start3A_131 = arith.constant 0 : i32
    %dma_start3A_132 = arith.constant 0 : i32
    %dma_start3A_133 = tpu.memref_slice %arg2[%dma_start3A_131, %dma_start3A_132] : memref<10000x128xf32, #tpu.memory_space<hbm>> -> memref<10000x128xf32, #tpu.memory_space<hbm>>
    tpu.enqueue_indirect_dma source(%dma_start3A_133 : memref<10000x128xf32, #tpu.memory_space<hbm>>) target(%arg8 : memref<128x128xf32, #tpu.memory_space<vmem>>) offsets(%dma_start3A_130 : memref<128xi32, #tpu.memory_space<vmem>>) semaphore(%arg11 : memref<!tpu.dma_semaphore, #tpu.memory_space<semaphore_mem>>)
    %scan3A_134 = arith.constant 0 : i32
    %scan3A_135 = arith.constant 0 : i32
    %scan3A_136 = arith.constant 80 : i32
    %scan3A_137 = arith.addi %scan3A_135, %scan3A_136 : i32
    %scan3A_138 = arith.constant 1 : i32
    %scan3A_139 = scf.for %scan3A_142 = %scan3A_135 to %scan3A_137 step %scan3A_138 iter_args(%scan3A_143 = %scan3A_134) -> (i32)  : i32 {
      %jit3A = arith.constant 2 : i32
      %eq3A = arith.constant 0 : i32
      %eq3A_144 = arith.cmpi eq, %jit3A, %eq3A : i32
      %jit3A_145 = arith.constant 1 : i32
      %select_n3A = arith.select %eq3A_144, %jit3A_145, %jit3A : i32
      %rem3A = arith.remsi %scan3A_142, %select_n3A : i32
      %ne3A = arith.constant 0 : i32
      %ne3A_146 = arith.cmpi ne, %rem3A, %ne3A : i32
      %lt3A = arith.constant 0 : i32
      %lt3A_147 = arith.cmpi slt, %rem3A, %lt3A : i32
      %lt3A_148 = arith.constant 0 : i32
      %lt3A_149 = arith.cmpi slt, %select_n3A, %lt3A_148 : i32
      %ne3A_150 = arith.xori %lt3A_147, %lt3A_149 : i1
      %and3A_151 = arith.andi %ne3A_150, %ne3A_146 : i1
      %add3A_152 = arith.addi %rem3A, %select_n3A : i32
      %select_n3A_153 = arith.select %and3A_151, %add3A_152, %rem3A : i32
      %eq3A_154 = arith.constant 0 : i32
      %eq3A_155 = arith.cmpi eq, %select_n3A_153, %eq3A_154 : i32
      %convert_element_type3A = arith.extui %eq3A_155 : i1 to i32
      %cond3A = arith.constant 0 : i32
      %cond3A_156 = arith.cmpi ne, %convert_element_type3A, %cond3A : i32
      scf.if %cond3A_156 {
        %dma_wait3A = arith.constant 0 : i32
        %dma_wait3A_179 = arith.constant 0 : i32
        %dma_wait3A_180 = tpu.memref_slice %arg6[%dma_wait3A, %dma_wait3A_179] : memref<2x128xi32, #tpu.memory_space<vmem>> -> memref<1x128xi32, #tpu.memory_space<vmem>>
        %dma_wait3A_181 = tpu.memref_squeeze %dma_wait3A_180 : memref<1x128xi32, #tpu.memory_space<vmem>> -> memref<128xi32, #tpu.memory_space<vmem>>
        %dma_wait3A_182 = arith.constant 0 : i32
        %dma_wait3A_183 = arith.constant 0 : i32
        %dma_wait3A_184 = tpu.memref_slice %arg2[%dma_wait3A_182, %dma_wait3A_183] : memref<10000x128xf32, #tpu.memory_space<hbm>> -> memref<10000x128xf32, #tpu.memory_space<hbm>>
        tpu.wait_indirect_dma semaphore(%arg11 : memref<!tpu.dma_semaphore, #tpu.memory_space<semaphore_mem>>) src(%dma_wait3A_184 : memref<10000x128xf32, #tpu.memory_space<hbm>>) dst(%arg8 : memref<128x128xf32, #tpu.memory_space<vmem>>)
        %add3A_185 = arith.constant 1 : i32
        %add3A_186 = arith.addi %scan3A_142, %add3A_185 : i32
        %lt3A_187 = arith.constant 80 : i32
        %lt3A_188 = arith.cmpi slt, %add3A_186, %lt3A_187 : i32
        %convert_element_type3A_189 = arith.extui %lt3A_188 : i1 to i32
        %cond3A_190 = arith.constant 0 : i32
        %cond3A_191 = arith.cmpi ne, %convert_element_type3A_189, %cond3A_190 : i32
        scf.if %cond3A_191 {
          %add3A_295 = arith.constant 1 : i32
          %add3A_296 = arith.addi %scan3A_142, %add3A_295 : i32
          %get3A_297 = arith.index_cast %add3A_296 : i32 to index
          %get3A_298 = arith.constant 0 : index
          %get3A_299 = tpu.vector_load %arg5[%get3A_297, %get3A_298] {strides = array<i32>} : memref<80x128xi32, #tpu.memory_space<vmem>>, vector<1x16xi32>,
          %get3A_300 = vector.shape_cast %get3A_299 : vector<1x16xi32> to vector<16xi32>
          %and3A_301 = arith.constant 16383 : i32
          %and3A_302 = vector.broadcast %and3A_301 : i32 to vector<16xi32>
          %and3A_303 = arith.andi %get3A_300, %and3A_302 : vector<16xi32>
          %swap3A_304 = arith.constant 1 : i32
          %swap3A_305 = arith.index_cast %swap3A_304 : i32 to index
          %swap3A_306 = arith.constant 0 : index
          %swap3A_307 = tpu.vector_load %arg6[%swap3A_305, %swap3A_306] {strides = array<i32>} : memref<2x128xi32, #tpu.memory_space<vmem>>, vector<1x16xi32>,
          %swap3A_308 = vector.shape_cast %swap3A_307 : vector<1x16xi32> to vector<16xi32>
          %swap3A_309 = vector.shape_cast %and3A_303 : vector<16xi32> to vector<1x16xi32>
          tpu.vector_store %arg6[%swap3A_305, %swap3A_306], %swap3A_309 {strides = array<i32>} : memref<2x128xi32, #tpu.memory_space<vmem>>, vector<1x16xi32>,
          %get3A_310 = arith.index_cast %add3A_296 : i32 to index
          %get3A_311 = arith.constant 16 : index
          %get3A_312 = tpu.vector_load %arg5[%get3A_310, %get3A_311] {strides = array<i32>} : memref<80x128xi32, #tpu.memory_space<vmem>>, vector<1x16xi32>,
          %get3A_313 = vector.shape_cast %get3A_312 : vector<1x16xi32> to vector<16xi32>
          %and3A_314 = arith.constant 16383 : i32
          %and3A_315 = vector.broadcast %and3A_314 : i32 to vector<16xi32>
          %and3A_316 = arith.andi %get3A_313, %and3A_315 : vector<16xi32>
          %swap3A_317 = arith.constant 1 : i32
          %swap3A_318 = arith.index_cast %swap3A_317 : i32 to index
          %swap3A_319 = arith.constant 16 : index
          %swap3A_320 = tpu.vector_load %arg6[%swap3A_318, %swap3A_319] {strides = array<i32>} : memref<2x128xi32, #tpu.memory_space<vmem>>, vector<1x16xi32>,
          %swap3A_321 = vector.shape_cast %swap3A_320 : vector<1x16xi32> to vector<16xi32>
          %swap3A_322 = vector.shape_cast %and3A_316 : vector<16xi32> to vector<1x16xi32>
          tpu.vector_store %arg6[%swap3A_318, %swap3A_319], %swap3A_322 {strides = array<i32>} : memref<2x128xi32, #tpu.memory_space<vmem>>, vector<1x16xi32>,
          %get3A_323 = arith.index_cast %add3A_296 : i32 to index
          %get3A_324 = arith.constant 32 : index
          %get3A_325 = tpu.vector_load %arg5[%get3A_323, %get3A_324] {strides = array<i32>} : memref<80x128xi32, #tpu.memory_space<vmem>>, vector<1x16xi32>,
          %get3A_326 = vector.shape_cast %get3A_325 : vector<1x16xi32> to vector<16xi32>
          %and3A_327 = arith.constant 16383 : i32
          %and3A_328 = vector.broadcast %and3A_327 : i32 to vector<16xi32>
          %and3A_329 = arith.andi %get3A_326, %and3A_328 : vector<16xi32>
          %swap3A_330 = arith.constant 1 : i32
          %swap3A_331 = arith.index_cast %swap3A_330 : i32 to index
          %swap3A_332 = arith.constant 32 : index
          %swap3A_333 = tpu.vector_load %arg6[%swap3A_331, %swap3A_332] {strides = array<i32>} : memref<2x128xi32, #tpu.memory_space<vmem>>, vector<1x16xi32>,
          %swap3A_334 = vector.shape_cast %swap3A_333 : vector<1x16xi32> to vector<16xi32>
          %swap3A_335 = vector.shape_cast %and3A_329 : vector<16xi32> to vector<1x16xi32>
          tpu.vector_store %arg6[%swap3A_331, %swap3A_332], %swap3A_335 {strides = array<i32>} : memref<2x128xi32, #tpu.memory_space<vmem>>, vector<1x16xi32>,
          %get3A_336 = arith.index_cast %add3A_296 : i32 to index
          %get3A_337 = arith.constant 48 : index
          %get3A_338 = tpu.vector_load %arg5[%get3A_336, %get3A_337] {strides = array<i32>} : memref<80x128xi32, #tpu.memory_space<vmem>>, vector<1x16xi32>,
          %get3A_339 = vector.shape_cast %get3A_338 : vector<1x16xi32> to vector<16xi32>
          %and3A_340 = arith.constant 16383 : i32
          %and3A_341 = vector.broadcast %and3A_340 : i32 to vector<16xi32>
          %and3A_342 = arith.andi %get3A_339, %and3A_341 : vector<16xi32>
          %swap3A_343 = arith.constant 1 : i32
          %swap3A_344 = arith.index_cast %swap3A_343 : i32 to index
          %swap3A_345 = arith.constant 48 : index
          %swap3A_346 = tpu.vector_load %arg6[%swap3A_344, %swap3A_345] {strides = array<i32>} : memref<2x128xi32, #tpu.memory_space<vmem>>, vector<1x16xi32>,
          %swap3A_347 = vector.shape_cast %swap3A_346 : vector<1x16xi32> to vector<16xi32>
          %swap3A_348 = vector.shape_cast %and3A_342 : vector<16xi32> to vector<1x16xi32>
          tpu.vector_store %arg6[%swap3A_344, %swap3A_345], %swap3A_348 {strides = array<i32>} : memref<2x128xi32, #tpu.memory_space<vmem>>, vector<1x16xi32>,
          %get3A_349 = arith.index_cast %add3A_296 : i32 to index
          %get3A_350 = arith.constant 64 : index
          %get3A_351 = tpu.vector_load %arg5[%get3A_349, %get3A_350] {strides = array<i32>} : memref<80x128xi32, #tpu.memory_space<vmem>>, vector<1x16xi32>,
          %get3A_352 = vector.shape_cast %get3A_351 : vector<1x16xi32> to vector<16xi32>
          %and3A_353 = arith.constant 16383 : i32
          %and3A_354 = vector.broadcast %and3A_353 : i32 to vector<16xi32>
          %and3A_355 = arith.andi %get3A_352, %and3A_354 : vector<16xi32>
          %swap3A_356 = arith.constant 1 : i32
          %swap3A_357 = arith.index_cast %swap3A_356 : i32 to index
          %swap3A_358 = arith.constant 64 : index
          %swap3A_359 = tpu.vector_load %arg6[%swap3A_357, %swap3A_358] {strides = array<i32>} : memref<2x128xi32, #tpu.memory_space<vmem>>, vector<1x16xi32>,
          %swap3A_360 = vector.shape_cast %swap3A_359 : vector<1x16xi32> to vector<16xi32>
          %swap3A_361 = vector.shape_cast %and3A_355 : vector<16xi32> to vector<1x16xi32>
          tpu.vector_store %arg6[%swap3A_357, %swap3A_358], %swap3A_361 {strides = array<i32>} : memref<2x128xi32, #tpu.memory_space<vmem>>, vector<1x16xi32>,
          %get3A_362 = arith.index_cast %add3A_296 : i32 to index
          %get3A_363 = arith.constant 80 : index
          %get3A_364 = tpu.vector_load %arg5[%get3A_362, %get3A_363] {strides = array<i32>} : memref<80x128xi32, #tpu.memory_space<vmem>>, vector<1x16xi32>,
          %get3A_365 = vector.shape_cast %get3A_364 : vector<1x16xi32> to vector<16xi32>
          %and3A_366 = arith.constant 16383 : i32
          %and3A_367 = vector.broadcast %and3A_366 : i32 to vector<16xi32>
          %and3A_368 = arith.andi %get3A_365, %and3A_367 : vector<16xi32>
          %swap3A_369 = arith.constant 1 : i32
          %swap3A_370 = arith.index_cast %swap3A_369 : i32 to index
          %swap3A_371 = arith.constant 80 : index
          %swap3A_372 = tpu.vector_load %arg6[%swap3A_370, %swap3A_371] {strides = array<i32>} : memref<2x128xi32, #tpu.memory_space<vmem>>, vector<1x16xi32>,
          %swap3A_373 = vector.shape_cast %swap3A_372 : vector<1x16xi32> to vector<16xi32>
          %swap3A_374 = vector.shape_cast %and3A_368 : vector<16xi32> to vector<1x16xi32>
          tpu.vector_store %arg6[%swap3A_370, %swap3A_371], %swap3A_374 {strides = array<i32>} : memref<2x128xi32, #tpu.memory_space<vmem>>, vector<1x16xi32>,
          %get3A_375 = arith.index_cast %add3A_296 : i32 to index
          %get3A_376 = arith.constant 96 : index
          %get3A_377 = tpu.vector_load %arg5[%get3A_375, %get3A_376] {strides = array<i32>} : memref<80x128xi32, #tpu.memory_space<vmem>>, vector<1x16xi32>,
          %get3A_378 = vector.shape_cast %get3A_377 : vector<1x16xi32> to vector<16xi32>
          %and3A_379 = arith.constant 16383 : i32
          %and3A_380 = vector.broadcast %and3A_379 : i32 to vector<16xi32>
          %and3A_381 = arith.andi %get3A_378, %and3A_380 : vector<16xi32>
          %swap3A_382 = arith.constant 1 : i32
          %swap3A_383 = arith.index_cast %swap3A_382 : i32 to index
          %swap3A_384 = arith.constant 96 : index
          %swap3A_385 = tpu.vector_load %arg6[%swap3A_383, %swap3A_384] {strides = array<i32>} : memref<2x128xi32, #tpu.memory_space<vmem>>, vector<1x16xi32>,
          %swap3A_386 = vector.shape_cast %swap3A_385 : vector<1x16xi32> to vector<16xi32>
          %swap3A_387 = vector.shape_cast %and3A_381 : vector<16xi32> to vector<1x16xi32>
          tpu.vector_store %arg6[%swap3A_383, %swap3A_384], %swap3A_387 {strides = array<i32>} : memref<2x128xi32, #tpu.memory_space<vmem>>, vector<1x16xi32>,
          %get3A_388 = arith.index_cast %add3A_296 : i32 to index
          %get3A_389 = arith.constant 112 : index
          %get3A_390 = tpu.vector_load %arg5[%get3A_388, %get3A_389] {strides = array<i32>} : memref<80x128xi32, #tpu.memory_space<vmem>>, vector<1x16xi32>,
          %get3A_391 = vector.shape_cast %get3A_390 : vector<1x16xi32> to vector<16xi32>
          %and3A_392 = arith.constant 16383 : i32
          %and3A_393 = vector.broadcast %and3A_392 : i32 to vector<16xi32>
          %and3A_394 = arith.andi %get3A_391, %and3A_393 : vector<16xi32>
          %swap3A_395 = arith.constant 1 : i32
          %swap3A_396 = arith.index_cast %swap3A_395 : i32 to index
          %swap3A_397 = arith.constant 112 : index
          %swap3A_398 = tpu.vector_load %arg6[%swap3A_396, %swap3A_397] {strides = array<i32>} : memref<2x128xi32, #tpu.memory_space<vmem>>, vector<1x16xi32>,
          %swap3A_399 = vector.shape_cast %swap3A_398 : vector<1x16xi32> to vector<16xi32>
          %swap3A_400 = vector.shape_cast %and3A_394 : vector<16xi32> to vector<1x16xi32>
          tpu.vector_store %arg6[%swap3A_396, %swap3A_397], %swap3A_400 {strides = array<i32>} : memref<2x128xi32, #tpu.memory_space<vmem>>, vector<1x16xi32>,
          %dma_start3A_401 = arith.constant 1 : i32
          %dma_start3A_402 = arith.constant 0 : i32
          %dma_start3A_403 = tpu.memref_slice %arg6[%dma_start3A_401, %dma_start3A_402] : memref<2x128xi32, #tpu.memory_space<vmem>> -> memref<1x128xi32, #tpu.memory_space<vmem>>
          %dma_start3A_404 = tpu.memref_squeeze %dma_start3A_403 : memref<1x128xi32, #tpu.memory_space<vmem>> -> memref<128xi32, #tpu.memory_space<vmem>>
          %dma_start3A_405 = arith.constant 0 : i32
          %dma_start3A_406 = arith.constant 0 : i32
          %dma_start3A_407 = tpu.memref_slice %arg2[%dma_start3A_405, %dma_start3A_406] : memref<10000x128xf32, #tpu.memory_space<hbm>> -> memref<10000x128xf32, #tpu.memory_space<hbm>>
          tpu.enqueue_indirect_dma source(%dma_start3A_407 : memref<10000x128xf32, #tpu.memory_space<hbm>>) target(%arg9 : memref<128x128xf32, #tpu.memory_space<vmem>>) offsets(%dma_start3A_404 : memref<128xi32, #tpu.memory_space<vmem>>) semaphore(%arg12 : memref<!tpu.dma_semaphore, #tpu.memory_space<semaphore_mem>>)
        } else {
        }
        %get3A_192 = arith.index_cast %scan3A_142 : i32 to index
        %get3A_193 = arith.constant 0 : index
        %get3A_194 = tpu.vector_load %arg5[%get3A_192, %get3A_193] {strides = array<i32>} : memref<80x128xi32, #tpu.memory_space<vmem>>, vector<1x16xi32>,
        %get3A_195 = vector.shape_cast %get3A_194 : vector<1x16xi32> to vector<16xi32>
        %shift_right_logical3A = arith.constant 14 : i32
        %shift_right_logical3A_196 = vector.broadcast %shift_right_logical3A : i32 to vector<16xi32>
        %shift_right_logical3A_197 = arith.shrui %get3A_195, %shift_right_logical3A_196 : vector<16xi32>
        %swap3A_198 = arith.constant 0 : i32
        %swap3A_199 = arith.index_cast %swap3A_198 : i32 to index
        %swap3A_200 = arith.constant 0 : index
        %swap3A_201 = tpu.vector_load %arg7[%swap3A_199, %swap3A_200] {strides = array<i32>} : memref<1x128xi32, #tpu.memory_space<vmem>>, vector<1x16xi32>,
        %swap3A_202 = vector.shape_cast %swap3A_201 : vector<1x16xi32> to vector<16xi32>
        %swap3A_203 = vector.shape_cast %shift_right_logical3A_197 : vector<16xi32> to vector<1x16xi32>
        tpu.vector_store %arg7[%swap3A_199, %swap3A_200], %swap3A_203 {strides = array<i32>} : memref<1x128xi32, #tpu.memory_space<vmem>>, vector<1x16xi32>,
        %get3A_204 = arith.index_cast %scan3A_142 : i32 to index
        %get3A_205 = arith.constant 16 : index
        %get3A_206 = tpu.vector_load %arg5[%get3A_204, %get3A_205] {strides = array<i32>} : memref<80x128xi32, #tpu.memory_space<vmem>>, vector<1x16xi32>,
        %get3A_207 = vector.shape_cast %get3A_206 : vector<1x16xi32> to vector<16xi32>
        %shift_right_logical3A_208 = arith.constant 14 : i32
        %shift_right_logical3A_209 = vector.broadcast %shift_right_logical3A_208 : i32 to vector<16xi32>
        %shift_right_logical3A_210 = arith.shrui %get3A_207, %shift_right_logical3A_209 : vector<16xi32>
        %swap3A_211 = arith.constant 0 : i32
        %swap3A_212 = arith.index_cast %swap3A_211 : i32 to index
        %swap3A_213 = arith.constant 16 : index
        %swap3A_214 = tpu.vector_load %arg7[%swap3A_212, %swap3A_213] {strides = array<i32>} : memref<1x128xi32, #tpu.memory_space<vmem>>, vector<1x16xi32>,
        %swap3A_215 = vector.shape_cast %swap3A_214 : vector<1x16xi32> to vector<16xi32>
        %swap3A_216 = vector.shape_cast %shift_right_logical3A_210 : vector<16xi32> to vector<1x16xi32>
        tpu.vector_store %arg7[%swap3A_212, %swap3A_213], %swap3A_216 {strides = array<i32>} : memref<1x128xi32, #tpu.memory_space<vmem>>, vector<1x16xi32>,
        %get3A_217 = arith.index_cast %scan3A_142 : i32 to index
        %get3A_218 = arith.constant 32 : index
        %get3A_219 = tpu.vector_load %arg5[%get3A_217, %get3A_218] {strides = array<i32>} : memref<80x128xi32, #tpu.memory_space<vmem>>, vector<1x16xi32>,
        %get3A_220 = vector.shape_cast %get3A_219 : vector<1x16xi32> to vector<16xi32>
        %shift_right_logical3A_221 = arith.constant 14 : i32
        %shift_right_logical3A_222 = vector.broadcast %shift_right_logical3A_221 : i32 to vector<16xi32>
        %shift_right_logical3A_223 = arith.shrui %get3A_220, %shift_right_logical3A_222 : vector<16xi32>
        %swap3A_224 = arith.constant 0 : i32
        %swap3A_225 = arith.index_cast %swap3A_224 : i32 to index
        %swap3A_226 = arith.constant 32 : index
        %swap3A_227 = tpu.vector_load %arg7[%swap3A_225, %swap3A_226] {strides = array<i32>} : memref<1x128xi32, #tpu.memory_space<vmem>>, vector<1x16xi32>,
        %swap3A_228 = vector.shape_cast %swap3A_227 : vector<1x16xi32> to vector<16xi32>
        %swap3A_229 = vector.shape_cast %shift_right_logical3A_223 : vector<16xi32> to vector<1x16xi32>
        tpu.vector_store %arg7[%swap3A_225, %swap3A_226], %swap3A_229 {strides = array<i32>} : memref<1x128xi32, #tpu.memory_space<vmem>>, vector<1x16xi32>,
        %get3A_230 = arith.index_cast %scan3A_142 : i32 to index
        %get3A_231 = arith.constant 48 : index
        %get3A_232 = tpu.vector_load %arg5[%get3A_230, %get3A_231] {strides = array<i32>} : memref<80x128xi32, #tpu.memory_space<vmem>>, vector<1x16xi32>,
        %get3A_233 = vector.shape_cast %get3A_232 : vector<1x16xi32> to vector<16xi32>
        %shift_right_logical3A_234 = arith.constant 14 : i32
        %shift_right_logical3A_235 = vector.broadcast %shift_right_logical3A_234 : i32 to vector<16xi32>
        %shift_right_logical3A_236 = arith.shrui %get3A_233, %shift_right_logical3A_235 : vector<16xi32>
        %swap3A_237 = arith.constant 0 : i32
        %swap3A_238 = arith.index_cast %swap3A_237 : i32 to index
        %swap3A_239 = arith.constant 48 : index
        %swap3A_240 = tpu.vector_load %arg7[%swap3A_238, %swap3A_239] {strides = array<i32>} : memref<1x128xi32, #tpu.memory_space<vmem>>, vector<1x16xi32>,
        %swap3A_241 = vector.shape_cast %swap3A_240 : vector<1x16xi32> to vector<16xi32>
        %swap3A_242 = vector.shape_cast %shift_right_logical3A_236 : vector<16xi32> to vector<1x16xi32>
        tpu.vector_store %arg7[%swap3A_238, %swap3A_239], %swap3A_242 {strides = array<i32>} : memref<1x128xi32, #tpu.memory_space<vmem>>, vector<1x16xi32>,
        %get3A_243 = arith.index_cast %scan3A_142 : i32 to index
        %get3A_244 = arith.constant 64 : index
        %get3A_245 = tpu.vector_load %arg5[%get3A_243, %get3A_244] {strides = array<i32>} : memref<80x128xi32, #tpu.memory_space<vmem>>, vector<1x16xi32>,
        %get3A_246 = vector.shape_cast %get3A_245 : vector<1x16xi32> to vector<16xi32>
        %shift_right_logical3A_247 = arith.constant 14 : i32
        %shift_right_logical3A_248 = vector.broadcast %shift_right_logical3A_247 : i32 to vector<16xi32>
        %shift_right_logical3A_249 = arith.shrui %get3A_246, %shift_right_logical3A_248 : vector<16xi32>
        %swap3A_250 = arith.constant 0 : i32
        %swap3A_251 = arith.index_cast %swap3A_250 : i32 to index
        %swap3A_252 = arith.constant 64 : index
        %swap3A_253 = tpu.vector_load %arg7[%swap3A_251, %swap3A_252] {strides = array<i32>} : memref<1x128xi32, #tpu.memory_space<vmem>>, vector<1x16xi32>,
        %swap3A_254 = vector.shape_cast %swap3A_253 : vector<1x16xi32> to vector<16xi32>
        %swap3A_255 = vector.shape_cast %shift_right_logical3A_249 : vector<16xi32> to vector<1x16xi32>
        tpu.vector_store %arg7[%swap3A_251, %swap3A_252], %swap3A_255 {strides = array<i32>} : memref<1x128xi32, #tpu.memory_space<vmem>>, vector<1x16xi32>,
        %get3A_256 = arith.index_cast %scan3A_142 : i32 to index
        %get3A_257 = arith.constant 80 : index
        %get3A_258 = tpu.vector_load %arg5[%get3A_256, %get3A_257] {strides = array<i32>} : memref<80x128xi32, #tpu.memory_space<vmem>>, vector<1x16xi32>,
        %get3A_259 = vector.shape_cast %get3A_258 : vector<1x16xi32> to vector<16xi32>
        %shift_right_logical3A_260 = arith.constant 14 : i32
        %shift_right_logical3A_261 = vector.broadcast %shift_right_logical3A_260 : i32 to vector<16xi32>
        %shift_right_logical3A_262 = arith.shrui %get3A_259, %shift_right_logical3A_261 : vector<16xi32>
        %swap3A_263 = arith.constant 0 : i32
        %swap3A_264 = arith.index_cast %swap3A_263 : i32 to index
        %swap3A_265 = arith.constant 80 : index
        %swap3A_266 = tpu.vector_load %arg7[%swap3A_264, %swap3A_265] {strides = array<i32>} : memref<1x128xi32, #tpu.memory_space<vmem>>, vector<1x16xi32>,
        %swap3A_267 = vector.shape_cast %swap3A_266 : vector<1x16xi32> to vector<16xi32>
        %swap3A_268 = vector.shape_cast %shift_right_logical3A_262 : vector<16xi32> to vector<1x16xi32>
        tpu.vector_store %arg7[%swap3A_264, %swap3A_265], %swap3A_268 {strides = array<i32>} : memref<1x128xi32, #tpu.memory_space<vmem>>, vector<1x16xi32>,
        %get3A_269 = arith.index_cast %scan3A_142 : i32 to index
        %get3A_270 = arith.constant 96 : index
        %get3A_271 = tpu.vector_load %arg5[%get3A_269, %get3A_270] {strides = array<i32>} : memref<80x128xi32, #tpu.memory_space<vmem>>, vector<1x16xi32>,
        %get3A_272 = vector.shape_cast %get3A_271 : vector<1x16xi32> to vector<16xi32>
        %shift_right_logical3A_273 = arith.constant 14 : i32
        %shift_right_logical3A_274 = vector.broadcast %shift_right_logical3A_273 : i32 to vector<16xi32>
        %shift_right_logical3A_275 = arith.shrui %get3A_272, %shift_right_logical3A_274 : vector<16xi32>
        %swap3A_276 = arith.constant 0 : i32
        %swap3A_277 = arith.index_cast %swap3A_276 : i32 to index
        %swap3A_278 = arith.constant 96 : index
        %swap3A_279 = tpu.vector_load %arg7[%swap3A_277, %swap3A_278] {strides = array<i32>} : memref<1x128xi32, #tpu.memory_space<vmem>>, vector<1x16xi32>,
        %swap3A_280 = vector.shape_cast %swap3A_279 : vector<1x16xi32> to vector<16xi32>
        %swap3A_281 = vector.shape_cast %shift_right_logical3A_275 : vector<16xi32> to vector<1x16xi32>
        tpu.vector_store %arg7[%swap3A_277, %swap3A_278], %swap3A_281 {strides = array<i32>} : memref<1x128xi32, #tpu.memory_space<vmem>>, vector<1x16xi32>,
        %get3A_282 = arith.index_cast %scan3A_142 : i32 to index
        %get3A_283 = arith.constant 112 : index
        %get3A_284 = tpu.vector_load %arg5[%get3A_282, %get3A_283] {strides = array<i32>} : memref<80x128xi32, #tpu.memory_space<vmem>>, vector<1x16xi32>,
        %get3A_285 = vector.shape_cast %get3A_284 : vector<1x16xi32> to vector<16xi32>
        %shift_right_logical3A_286 = arith.constant 14 : i32
        %shift_right_logical3A_287 = vector.broadcast %shift_right_logical3A_286 : i32 to vector<16xi32>
        %shift_right_logical3A_288 = arith.shrui %get3A_285, %shift_right_logical3A_287 : vector<16xi32>
        %swap3A_289 = arith.constant 0 : i32
        %swap3A_290 = arith.index_cast %swap3A_289 : i32 to index
        %swap3A_291 = arith.constant 112 : index
        %swap3A_292 = tpu.vector_load %arg7[%swap3A_290, %swap3A_291] {strides = array<i32>} : memref<1x128xi32, #tpu.memory_space<vmem>>, vector<1x16xi32>,
        %swap3A_293 = vector.shape_cast %swap3A_292 : vector<1x16xi32> to vector<16xi32>
        %swap3A_294 = vector.shape_cast %shift_right_logical3A_288 : vector<16xi32> to vector<1x16xi32>
        tpu.vector_store %arg7[%swap3A_290, %swap3A_291], %swap3A_294 {strides = array<i32>} : memref<1x128xi32, #tpu.memory_space<vmem>>, vector<1x16xi32>,
        %run_scoped3A = arith.constant 0 : i32
        "tpu.region"() ({
          %run_scoped3A_295 = tpu.sem_alloc : memref<!tpu.dma_semaphore, #tpu.memory_space<semaphore_mem>>
          %dma_start3A_296 = arith.constant 0 : i32
          %dma_start3A_297 = tpu.memref_slice %arg7[%run_scoped3A, %dma_start3A_296] : memref<1x128xi32, #tpu.memory_space<vmem>> -> memref<1x128xi32, #tpu.memory_space<vmem>>
          %dma_start3A_298 = tpu.memref_squeeze %dma_start3A_297 : memref<1x128xi32, #tpu.memory_space<vmem>> -> memref<128xi32, #tpu.memory_space<vmem>>
          %dma_start3A_299 = arith.constant 0 : i32
          %dma_start3A_300 = arith.constant 0 : i32
          %dma_start3A_301 = tpu.memref_slice %arg10[%dma_start3A_299, %dma_start3A_300] : memref<10112x128xf32, #tpu.memory_space<vmem_shared>> -> memref<10112x128xf32, #tpu.memory_space<vmem_shared>>
          tpu.enqueue_indirect_dma source(%arg8 : memref<128x128xf32, #tpu.memory_space<vmem>>) target(%dma_start3A_301 : memref<10112x128xf32, #tpu.memory_space<vmem_shared>>) offsets(%dma_start3A_298 : memref<128xi32, #tpu.memory_space<vmem>>) semaphore(%run_scoped3A_295 : memref<!tpu.dma_semaphore, #tpu.memory_space<semaphore_mem>>) {add = true}
          %dma_wait3A_302 = arith.constant 0 : i32
          %dma_wait3A_303 = tpu.memref_slice %arg7[%run_scoped3A, %dma_wait3A_302] : memref<1x128xi32, #tpu.memory_space<vmem>> -> memref<1x128xi32, #tpu.memory_space<vmem>>
          %dma_wait3A_304 = tpu.memref_squeeze %dma_wait3A_303 : memref<1x128xi32, #tpu.memory_space<vmem>> -> memref<128xi32, #tpu.memory_space<vmem>>
          %dma_wait3A_305 = arith.constant 0 : i32
          %dma_wait3A_306 = arith.constant 0 : i32
          %dma_wait3A_307 = tpu.memref_slice %arg10[%dma_wait3A_305, %dma_wait3A_306] : memref<10112x128xf32, #tpu.memory_space<vmem_shared>> -> memref<10112x128xf32, #tpu.memory_space<vmem_shared>>
          tpu.wait_indirect_dma semaphore(%run_scoped3A_295 : memref<!tpu.dma_semaphore, #tpu.memory_space<semaphore_mem>>) src(%arg8 : memref<128x128xf32, #tpu.memory_space<vmem>>) dst(%dma_wait3A_307 : memref<10112x128xf32, #tpu.memory_space<vmem_shared>>)
          tpu.yield
        }) : () -> ()
      } else {
      }
      %jit3A_157 = arith.constant 2 : i32
      %eq3A_158 = arith.constant 0 : i32
      %eq3A_159 = arith.cmpi eq, %jit3A_157, %eq3A_158 : i32
      %jit3A_160 = arith.constant 1 : i32
      %select_n3A_161 = arith.select %eq3A_159, %jit3A_160, %jit3A_157 : i32
      %rem3A_162 = arith.remsi %scan3A_142, %select_n3A_161 : i32
      %ne3A_163 = arith.constant 0 : i32
      %ne3A_164 = arith.cmpi ne, %rem3A_162, %ne3A_163 : i32
      %lt3A_165 = arith.constant 0 : i32
      %lt3A_166 = arith.cmpi slt, %rem3A_162, %lt3A_165 : i32
      %lt3A_167 = arith.constant 0 : i32
      %lt3A_168 = arith.cmpi slt, %select_n3A_161, %lt3A_167 : i32
      %ne3A_169 = arith.xori %lt3A_166, %lt3A_168 : i1
      %and3A_170 = arith.andi %ne3A_169, %ne3A_164 : i1
      %add3A_171 = arith.addi %rem3A_162, %select_n3A_161 : i32
      %select_n3A_172 = arith.select %and3A_170, %add3A_171, %rem3A_162 : i32
      %eq3A_173 = arith.constant 1 : i32
      %eq3A_174 = arith.cmpi eq, %select_n3A_172, %eq3A_173 : i32
      %convert_element_type3A_175 = arith.extui %eq3A_174 : i1 to i32
      %cond3A_176 = arith.constant 0 : i32
      %cond3A_177 = arith.cmpi ne, %convert_element_type3A_175, %cond3A_176 : i32
      scf.if %cond3A_177 {
        %dma_wait3A = arith.constant 1 : i32
        %dma_wait3A_179 = arith.constant 0 : i32
        %dma_wait3A_180 = tpu.memref_slice %arg6[%dma_wait3A, %dma_wait3A_179] : memref<2x128xi32, #tpu.memory_space<vmem>> -> memref<1x128xi32, #tpu.memory_space<vmem>>
        %dma_wait3A_181 = tpu.memref_squeeze %dma_wait3A_180 : memref<1x128xi32, #tpu.memory_space<vmem>> -> memref<128xi32, #tpu.memory_space<vmem>>
        %dma_wait3A_182 = arith.constant 0 : i32
        %dma_wait3A_183 = arith.constant 0 : i32
        %dma_wait3A_184 = tpu.memref_slice %arg2[%dma_wait3A_182, %dma_wait3A_183] : memref<10000x128xf32, #tpu.memory_space<hbm>> -> memref<10000x128xf32, #tpu.memory_space<hbm>>
        tpu.wait_indirect_dma semaphore(%arg12 : memref<!tpu.dma_semaphore, #tpu.memory_space<semaphore_mem>>) src(%dma_wait3A_184 : memref<10000x128xf32, #tpu.memory_space<hbm>>) dst(%arg9 : memref<128x128xf32, #tpu.memory_space<vmem>>)
        %add3A_185 = arith.constant 1 : i32
        %add3A_186 = arith.addi %scan3A_142, %add3A_185 : i32
        %lt3A_187 = arith.constant 80 : i32
        %lt3A_188 = arith.cmpi slt, %add3A_186, %lt3A_187 : i32
        %convert_element_type3A_189 = arith.extui %lt3A_188 : i1 to i32
        %cond3A_190 = arith.constant 0 : i32
        %cond3A_191 = arith.cmpi ne, %convert_element_type3A_189, %cond3A_190 : i32
        scf.if %cond3A_191 {
          %add3A_295 = arith.constant 1 : i32
          %add3A_296 = arith.addi %scan3A_142, %add3A_295 : i32
          %get3A_297 = arith.index_cast %add3A_296 : i32 to index
          %get3A_298 = arith.constant 0 : index
          %get3A_299 = tpu.vector_load %arg5[%get3A_297, %get3A_298] {strides = array<i32>} : memref<80x128xi32, #tpu.memory_space<vmem>>, vector<1x16xi32>,
          %get3A_300 = vector.shape_cast %get3A_299 : vector<1x16xi32> to vector<16xi32>
          %and3A_301 = arith.constant 16383 : i32
          %and3A_302 = vector.broadcast %and3A_301 : i32 to vector<16xi32>
          %and3A_303 = arith.andi %get3A_300, %and3A_302 : vector<16xi32>
          %swap3A_304 = arith.constant 0 : i32
          %swap3A_305 = arith.index_cast %swap3A_304 : i32 to index
          %swap3A_306 = arith.constant 0 : index
          %swap3A_307 = tpu.vector_load %arg6[%swap3A_305, %swap3A_306] {strides = array<i32>} : memref<2x128xi32, #tpu.memory_space<vmem>>, vector<1x16xi32>,
          %swap3A_308 = vector.shape_cast %swap3A_307 : vector<1x16xi32> to vector<16xi32>
          %swap3A_309 = vector.shape_cast %and3A_303 : vector<16xi32> to vector<1x16xi32>
          tpu.vector_store %arg6[%swap3A_305, %swap3A_306], %swap3A_309 {strides = array<i32>} : memref<2x128xi32, #tpu.memory_space<vmem>>, vector<1x16xi32>,
          %get3A_310 = arith.index_cast %add3A_296 : i32 to index
          %get3A_311 = arith.constant 16 : index
          %get3A_312 = tpu.vector_load %arg5[%get3A_310, %get3A_311] {strides = array<i32>} : memref<80x128xi32, #tpu.memory_space<vmem>>, vector<1x16xi32>,
          %get3A_313 = vector.shape_cast %get3A_312 : vector<1x16xi32> to vector<16xi32>
          %and3A_314 = arith.constant 16383 : i32
          %and3A_315 = vector.broadcast %and3A_314 : i32 to vector<16xi32>
          %and3A_316 = arith.andi %get3A_313, %and3A_315 : vector<16xi32>
          %swap3A_317 = arith.constant 0 : i32
          %swap3A_318 = arith.index_cast %swap3A_317 : i32 to index
          %swap3A_319 = arith.constant 16 : index
          %swap3A_320 = tpu.vector_load %arg6[%swap3A_318, %swap3A_319] {strides = array<i32>} : memref<2x128xi32, #tpu.memory_space<vmem>>, vector<1x16xi32>,
          %swap3A_321 = vector.shape_cast %swap3A_320 : vector<1x16xi32> to vector<16xi32>
          %swap3A_322 = vector.shape_cast %and3A_316 : vector<16xi32> to vector<1x16xi32>
          tpu.vector_store %arg6[%swap3A_318, %swap3A_319], %swap3A_322 {strides = array<i32>} : memref<2x128xi32, #tpu.memory_space<vmem>>, vector<1x16xi32>,
          %get3A_323 = arith.index_cast %add3A_296 : i32 to index
          %get3A_324 = arith.constant 32 : index
          %get3A_325 = tpu.vector_load %arg5[%get3A_323, %get3A_324] {strides = array<i32>} : memref<80x128xi32, #tpu.memory_space<vmem>>, vector<1x16xi32>,
          %get3A_326 = vector.shape_cast %get3A_325 : vector<1x16xi32> to vector<16xi32>
          %and3A_327 = arith.constant 16383 : i32
          %and3A_328 = vector.broadcast %and3A_327 : i32 to vector<16xi32>
          %and3A_329 = arith.andi %get3A_326, %and3A_328 : vector<16xi32>
          %swap3A_330 = arith.constant 0 : i32
          %swap3A_331 = arith.index_cast %swap3A_330 : i32 to index
          %swap3A_332 = arith.constant 32 : index
          %swap3A_333 = tpu.vector_load %arg6[%swap3A_331, %swap3A_332] {strides = array<i32>} : memref<2x128xi32, #tpu.memory_space<vmem>>, vector<1x16xi32>,
          %swap3A_334 = vector.shape_cast %swap3A_333 : vector<1x16xi32> to vector<16xi32>
          %swap3A_335 = vector.shape_cast %and3A_329 : vector<16xi32> to vector<1x16xi32>
          tpu.vector_store %arg6[%swap3A_331, %swap3A_332], %swap3A_335 {strides = array<i32>} : memref<2x128xi32, #tpu.memory_space<vmem>>, vector<1x16xi32>,
          %get3A_336 = arith.index_cast %add3A_296 : i32 to index
          %get3A_337 = arith.constant 48 : index
          %get3A_338 = tpu.vector_load %arg5[%get3A_336, %get3A_337] {strides = array<i32>} : memref<80x128xi32, #tpu.memory_space<vmem>>, vector<1x16xi32>,
          %get3A_339 = vector.shape_cast %get3A_338 : vector<1x16xi32> to vector<16xi32>
          %and3A_340 = arith.constant 16383 : i32
          %and3A_341 = vector.broadcast %and3A_340 : i32 to vector<16xi32>
          %and3A_342 = arith.andi %get3A_339, %and3A_341 : vector<16xi32>
          %swap3A_343 = arith.constant 0 : i32
          %swap3A_344 = arith.index_cast %swap3A_343 : i32 to index
          %swap3A_345 = arith.constant 48 : index
          %swap3A_346 = tpu.vector_load %arg6[%swap3A_344, %swap3A_345] {strides = array<i32>} : memref<2x128xi32, #tpu.memory_space<vmem>>, vector<1x16xi32>,
          %swap3A_347 = vector.shape_cast %swap3A_346 : vector<1x16xi32> to vector<16xi32>
          %swap3A_348 = vector.shape_cast %and3A_342 : vector<16xi32> to vector<1x16xi32>
          tpu.vector_store %arg6[%swap3A_344, %swap3A_345], %swap3A_348 {strides = array<i32>} : memref<2x128xi32, #tpu.memory_space<vmem>>, vector<1x16xi32>,
          %get3A_349 = arith.index_cast %add3A_296 : i32 to index
          %get3A_350 = arith.constant 64 : index
          %get3A_351 = tpu.vector_load %arg5[%get3A_349, %get3A_350] {strides = array<i32>} : memref<80x128xi32, #tpu.memory_space<vmem>>, vector<1x16xi32>,
          %get3A_352 = vector.shape_cast %get3A_351 : vector<1x16xi32> to vector<16xi32>
          %and3A_353 = arith.constant 16383 : i32
          %and3A_354 = vector.broadcast %and3A_353 : i32 to vector<16xi32>
          %and3A_355 = arith.andi %get3A_352, %and3A_354 : vector<16xi32>
          %swap3A_356 = arith.constant 0 : i32
          %swap3A_357 = arith.index_cast %swap3A_356 : i32 to index
          %swap3A_358 = arith.constant 64 : index
          %swap3A_359 = tpu.vector_load %arg6[%swap3A_357, %swap3A_358] {strides = array<i32>} : memref<2x128xi32, #tpu.memory_space<vmem>>, vector<1x16xi32>,
          %swap3A_360 = vector.shape_cast %swap3A_359 : vector<1x16xi32> to vector<16xi32>
          %swap3A_361 = vector.shape_cast %and3A_355 : vector<16xi32> to vector<1x16xi32>
          tpu.vector_store %arg6[%swap3A_357, %swap3A_358], %swap3A_361 {strides = array<i32>} : memref<2x128xi32, #tpu.memory_space<vmem>>, vector<1x16xi32>,
          %get3A_362 = arith.index_cast %add3A_296 : i32 to index
          %get3A_363 = arith.constant 80 : index
          %get3A_364 = tpu.vector_load %arg5[%get3A_362, %get3A_363] {strides = array<i32>} : memref<80x128xi32, #tpu.memory_space<vmem>>, vector<1x16xi32>,
          %get3A_365 = vector.shape_cast %get3A_364 : vector<1x16xi32> to vector<16xi32>
          %and3A_366 = arith.constant 16383 : i32
          %and3A_367 = vector.broadcast %and3A_366 : i32 to vector<16xi32>
          %and3A_368 = arith.andi %get3A_365, %and3A_367 : vector<16xi32>
          %swap3A_369 = arith.constant 0 : i32
          %swap3A_370 = arith.index_cast %swap3A_369 : i32 to index
          %swap3A_371 = arith.constant 80 : index
          %swap3A_372 = tpu.vector_load %arg6[%swap3A_370, %swap3A_371] {strides = array<i32>} : memref<2x128xi32, #tpu.memory_space<vmem>>, vector<1x16xi32>,
          %swap3A_373 = vector.shape_cast %swap3A_372 : vector<1x16xi32> to vector<16xi32>
          %swap3A_374 = vector.shape_cast %and3A_368 : vector<16xi32> to vector<1x16xi32>
          tpu.vector_store %arg6[%swap3A_370, %swap3A_371], %swap3A_374 {strides = array<i32>} : memref<2x128xi32, #tpu.memory_space<vmem>>, vector<1x16xi32>,
          %get3A_375 = arith.index_cast %add3A_296 : i32 to index
          %get3A_376 = arith.constant 96 : index
          %get3A_377 = tpu.vector_load %arg5[%get3A_375, %get3A_376] {strides = array<i32>} : memref<80x128xi32, #tpu.memory_space<vmem>>, vector<1x16xi32>,
          %get3A_378 = vector.shape_cast %get3A_377 : vector<1x16xi32> to vector<16xi32>
          %and3A_379 = arith.constant 16383 : i32
          %and3A_380 = vector.broadcast %and3A_379 : i32 to vector<16xi32>
          %and3A_381 = arith.andi %get3A_378, %and3A_380 : vector<16xi32>
          %swap3A_382 = arith.constant 0 : i32
          %swap3A_383 = arith.index_cast %swap3A_382 : i32 to index
          %swap3A_384 = arith.constant 96 : index
          %swap3A_385 = tpu.vector_load %arg6[%swap3A_383, %swap3A_384] {strides = array<i32>} : memref<2x128xi32, #tpu.memory_space<vmem>>, vector<1x16xi32>,
          %swap3A_386 = vector.shape_cast %swap3A_385 : vector<1x16xi32> to vector<16xi32>
          %swap3A_387 = vector.shape_cast %and3A_381 : vector<16xi32> to vector<1x16xi32>
          tpu.vector_store %arg6[%swap3A_383, %swap3A_384], %swap3A_387 {strides = array<i32>} : memref<2x128xi32, #tpu.memory_space<vmem>>, vector<1x16xi32>,
          %get3A_388 = arith.index_cast %add3A_296 : i32 to index
          %get3A_389 = arith.constant 112 : index
          %get3A_390 = tpu.vector_load %arg5[%get3A_388, %get3A_389] {strides = array<i32>} : memref<80x128xi32, #tpu.memory_space<vmem>>, vector<1x16xi32>,
          %get3A_391 = vector.shape_cast %get3A_390 : vector<1x16xi32> to vector<16xi32>
          %and3A_392 = arith.constant 16383 : i32
          %and3A_393 = vector.broadcast %and3A_392 : i32 to vector<16xi32>
          %and3A_394 = arith.andi %get3A_391, %and3A_393 : vector<16xi32>
          %swap3A_395 = arith.constant 0 : i32
          %swap3A_396 = arith.index_cast %swap3A_395 : i32 to index
          %swap3A_397 = arith.constant 112 : index
          %swap3A_398 = tpu.vector_load %arg6[%swap3A_396, %swap3A_397] {strides = array<i32>} : memref<2x128xi32, #tpu.memory_space<vmem>>, vector<1x16xi32>,
          %swap3A_399 = vector.shape_cast %swap3A_398 : vector<1x16xi32> to vector<16xi32>
          %swap3A_400 = vector.shape_cast %and3A_394 : vector<16xi32> to vector<1x16xi32>
          tpu.vector_store %arg6[%swap3A_396, %swap3A_397], %swap3A_400 {strides = array<i32>} : memref<2x128xi32, #tpu.memory_space<vmem>>, vector<1x16xi32>,
          %dma_start3A_401 = arith.constant 0 : i32
          %dma_start3A_402 = arith.constant 0 : i32
          %dma_start3A_403 = tpu.memref_slice %arg6[%dma_start3A_401, %dma_start3A_402] : memref<2x128xi32, #tpu.memory_space<vmem>> -> memref<1x128xi32, #tpu.memory_space<vmem>>
          %dma_start3A_404 = tpu.memref_squeeze %dma_start3A_403 : memref<1x128xi32, #tpu.memory_space<vmem>> -> memref<128xi32, #tpu.memory_space<vmem>>
          %dma_start3A_405 = arith.constant 0 : i32
          %dma_start3A_406 = arith.constant 0 : i32
          %dma_start3A_407 = tpu.memref_slice %arg2[%dma_start3A_405, %dma_start3A_406] : memref<10000x128xf32, #tpu.memory_space<hbm>> -> memref<10000x128xf32, #tpu.memory_space<hbm>>
          tpu.enqueue_indirect_dma source(%dma_start3A_407 : memref<10000x128xf32, #tpu.memory_space<hbm>>) target(%arg8 : memref<128x128xf32, #tpu.memory_space<vmem>>) offsets(%dma_start3A_404 : memref<128xi32, #tpu.memory_space<vmem>>) semaphore(%arg11 : memref<!tpu.dma_semaphore, #tpu.memory_space<semaphore_mem>>)
        } else {
        }
        %get3A_192 = arith.index_cast %scan3A_142 : i32 to index
        %get3A_193 = arith.constant 0 : index
        %get3A_194 = tpu.vector_load %arg5[%get3A_192, %get3A_193] {strides = array<i32>} : memref<80x128xi32, #tpu.memory_space<vmem>>, vector<1x16xi32>,
        %get3A_195 = vector.shape_cast %get3A_194 : vector<1x16xi32> to vector<16xi32>
        %shift_right_logical3A = arith.constant 14 : i32
        %shift_right_logical3A_196 = vector.broadcast %shift_right_logical3A : i32 to vector<16xi32>
        %shift_right_logical3A_197 = arith.shrui %get3A_195, %shift_right_logical3A_196 : vector<16xi32>
        %swap3A_198 = arith.constant 0 : i32
        %swap3A_199 = arith.index_cast %swap3A_198 : i32 to index
        %swap3A_200 = arith.constant 0 : index
        %swap3A_201 = tpu.vector_load %arg7[%swap3A_199, %swap3A_200] {strides = array<i32>} : memref<1x128xi32, #tpu.memory_space<vmem>>, vector<1x16xi32>,
        %swap3A_202 = vector.shape_cast %swap3A_201 : vector<1x16xi32> to vector<16xi32>
        %swap3A_203 = vector.shape_cast %shift_right_logical3A_197 : vector<16xi32> to vector<1x16xi32>
        tpu.vector_store %arg7[%swap3A_199, %swap3A_200], %swap3A_203 {strides = array<i32>} : memref<1x128xi32, #tpu.memory_space<vmem>>, vector<1x16xi32>,
        %get3A_204 = arith.index_cast %scan3A_142 : i32 to index
        %get3A_205 = arith.constant 16 : index
        %get3A_206 = tpu.vector_load %arg5[%get3A_204, %get3A_205] {strides = array<i32>} : memref<80x128xi32, #tpu.memory_space<vmem>>, vector<1x16xi32>,
        %get3A_207 = vector.shape_cast %get3A_206 : vector<1x16xi32> to vector<16xi32>
        %shift_right_logical3A_208 = arith.constant 14 : i32
        %shift_right_logical3A_209 = vector.broadcast %shift_right_logical3A_208 : i32 to vector<16xi32>
        %shift_right_logical3A_210 = arith.shrui %get3A_207, %shift_right_logical3A_209 : vector<16xi32>
        %swap3A_211 = arith.constant 0 : i32
        %swap3A_212 = arith.index_cast %swap3A_211 : i32 to index
        %swap3A_213 = arith.constant 16 : index
        %swap3A_214 = tpu.vector_load %arg7[%swap3A_212, %swap3A_213] {strides = array<i32>} : memref<1x128xi32, #tpu.memory_space<vmem>>, vector<1x16xi32>,
        %swap3A_215 = vector.shape_cast %swap3A_214 : vector<1x16xi32> to vector<16xi32>
        %swap3A_216 = vector.shape_cast %shift_right_logical3A_210 : vector<16xi32> to vector<1x16xi32>
        tpu.vector_store %arg7[%swap3A_212, %swap3A_213], %swap3A_216 {strides = array<i32>} : memref<1x128xi32, #tpu.memory_space<vmem>>, vector<1x16xi32>,
        %get3A_217 = arith.index_cast %scan3A_142 : i32 to index
        %get3A_218 = arith.constant 32 : index
        %get3A_219 = tpu.vector_load %arg5[%get3A_217, %get3A_218] {strides = array<i32>} : memref<80x128xi32, #tpu.memory_space<vmem>>, vector<1x16xi32>,
        %get3A_220 = vector.shape_cast %get3A_219 : vector<1x16xi32> to vector<16xi32>
        %shift_right_logical3A_221 = arith.constant 14 : i32
        %shift_right_logical3A_222 = vector.broadcast %shift_right_logical3A_221 : i32 to vector<16xi32>
        %shift_right_logical3A_223 = arith.shrui %get3A_220, %shift_right_logical3A_222 : vector<16xi32>
        %swap3A_224 = arith.constant 0 : i32
        %swap3A_225 = arith.index_cast %swap3A_224 : i32 to index
        %swap3A_226 = arith.constant 32 : index
        %swap3A_227 = tpu.vector_load %arg7[%swap3A_225, %swap3A_226] {strides = array<i32>} : memref<1x128xi32, #tpu.memory_space<vmem>>, vector<1x16xi32>,
        %swap3A_228 = vector.shape_cast %swap3A_227 : vector<1x16xi32> to vector<16xi32>
        %swap3A_229 = vector.shape_cast %shift_right_logical3A_223 : vector<16xi32> to vector<1x16xi32>
        tpu.vector_store %arg7[%swap3A_225, %swap3A_226], %swap3A_229 {strides = array<i32>} : memref<1x128xi32, #tpu.memory_space<vmem>>, vector<1x16xi32>,
        %get3A_230 = arith.index_cast %scan3A_142 : i32 to index
        %get3A_231 = arith.constant 48 : index
        %get3A_232 = tpu.vector_load %arg5[%get3A_230, %get3A_231] {strides = array<i32>} : memref<80x128xi32, #tpu.memory_space<vmem>>, vector<1x16xi32>,
        %get3A_233 = vector.shape_cast %get3A_232 : vector<1x16xi32> to vector<16xi32>
        %shift_right_logical3A_234 = arith.constant 14 : i32
        %shift_right_logical3A_235 = vector.broadcast %shift_right_logical3A_234 : i32 to vector<16xi32>
        %shift_right_logical3A_236 = arith.shrui %get3A_233, %shift_right_logical3A_235 : vector<16xi32>
        %swap3A_237 = arith.constant 0 : i32
        %swap3A_238 = arith.index_cast %swap3A_237 : i32 to index
        %swap3A_239 = arith.constant 48 : index
        %swap3A_240 = tpu.vector_load %arg7[%swap3A_238, %swap3A_239] {strides = array<i32>} : memref<1x128xi32, #tpu.memory_space<vmem>>, vector<1x16xi32>,
        %swap3A_241 = vector.shape_cast %swap3A_240 : vector<1x16xi32> to vector<16xi32>
        %swap3A_242 = vector.shape_cast %shift_right_logical3A_236 : vector<16xi32> to vector<1x16xi32>
        tpu.vector_store %arg7[%swap3A_238, %swap3A_239], %swap3A_242 {strides = array<i32>} : memref<1x128xi32, #tpu.memory_space<vmem>>, vector<1x16xi32>,
        %get3A_243 = arith.index_cast %scan3A_142 : i32 to index
        %get3A_244 = arith.constant 64 : index
        %get3A_245 = tpu.vector_load %arg5[%get3A_243, %get3A_244] {strides = array<i32>} : memref<80x128xi32, #tpu.memory_space<vmem>>, vector<1x16xi32>,
        %get3A_246 = vector.shape_cast %get3A_245 : vector<1x16xi32> to vector<16xi32>
        %shift_right_logical3A_247 = arith.constant 14 : i32
        %shift_right_logical3A_248 = vector.broadcast %shift_right_logical3A_247 : i32 to vector<16xi32>
        %shift_right_logical3A_249 = arith.shrui %get3A_246, %shift_right_logical3A_248 : vector<16xi32>
        %swap3A_250 = arith.constant 0 : i32
        %swap3A_251 = arith.index_cast %swap3A_250 : i32 to index
        %swap3A_252 = arith.constant 64 : index
        %swap3A_253 = tpu.vector_load %arg7[%swap3A_251, %swap3A_252] {strides = array<i32>} : memref<1x128xi32, #tpu.memory_space<vmem>>, vector<1x16xi32>,
        %swap3A_254 = vector.shape_cast %swap3A_253 : vector<1x16xi32> to vector<16xi32>
        %swap3A_255 = vector.shape_cast %shift_right_logical3A_249 : vector<16xi32> to vector<1x16xi32>
        tpu.vector_store %arg7[%swap3A_251, %swap3A_252], %swap3A_255 {strides = array<i32>} : memref<1x128xi32, #tpu.memory_space<vmem>>, vector<1x16xi32>,
        %get3A_256 = arith.index_cast %scan3A_142 : i32 to index
        %get3A_257 = arith.constant 80 : index
        %get3A_258 = tpu.vector_load %arg5[%get3A_256, %get3A_257] {strides = array<i32>} : memref<80x128xi32, #tpu.memory_space<vmem>>, vector<1x16xi32>,
        %get3A_259 = vector.shape_cast %get3A_258 : vector<1x16xi32> to vector<16xi32>
        %shift_right_logical3A_260 = arith.constant 14 : i32
        %shift_right_logical3A_261 = vector.broadcast %shift_right_logical3A_260 : i32 to vector<16xi32>
        %shift_right_logical3A_262 = arith.shrui %get3A_259, %shift_right_logical3A_261 : vector<16xi32>
        %swap3A_263 = arith.constant 0 : i32
        %swap3A_264 = arith.index_cast %swap3A_263 : i32 to index
        %swap3A_265 = arith.constant 80 : index
        %swap3A_266 = tpu.vector_load %arg7[%swap3A_264, %swap3A_265] {strides = array<i32>} : memref<1x128xi32, #tpu.memory_space<vmem>>, vector<1x16xi32>,
        %swap3A_267 = vector.shape_cast %swap3A_266 : vector<1x16xi32> to vector<16xi32>
        %swap3A_268 = vector.shape_cast %shift_right_logical3A_262 : vector<16xi32> to vector<1x16xi32>
        tpu.vector_store %arg7[%swap3A_264, %swap3A_265], %swap3A_268 {strides = array<i32>} : memref<1x128xi32, #tpu.memory_space<vmem>>, vector<1x16xi32>,
        %get3A_269 = arith.index_cast %scan3A_142 : i32 to index
        %get3A_270 = arith.constant 96 : index
        %get3A_271 = tpu.vector_load %arg5[%get3A_269, %get3A_270] {strides = array<i32>} : memref<80x128xi32, #tpu.memory_space<vmem>>, vector<1x16xi32>,
        %get3A_272 = vector.shape_cast %get3A_271 : vector<1x16xi32> to vector<16xi32>
        %shift_right_logical3A_273 = arith.constant 14 : i32
        %shift_right_logical3A_274 = vector.broadcast %shift_right_logical3A_273 : i32 to vector<16xi32>
        %shift_right_logical3A_275 = arith.shrui %get3A_272, %shift_right_logical3A_274 : vector<16xi32>
        %swap3A_276 = arith.constant 0 : i32
        %swap3A_277 = arith.index_cast %swap3A_276 : i32 to index
        %swap3A_278 = arith.constant 96 : index
        %swap3A_279 = tpu.vector_load %arg7[%swap3A_277, %swap3A_278] {strides = array<i32>} : memref<1x128xi32, #tpu.memory_space<vmem>>, vector<1x16xi32>,
        %swap3A_280 = vector.shape_cast %swap3A_279 : vector<1x16xi32> to vector<16xi32>
        %swap3A_281 = vector.shape_cast %shift_right_logical3A_275 : vector<16xi32> to vector<1x16xi32>
        tpu.vector_store %arg7[%swap3A_277, %swap3A_278], %swap3A_281 {strides = array<i32>} : memref<1x128xi32, #tpu.memory_space<vmem>>, vector<1x16xi32>,
        %get3A_282 = arith.index_cast %scan3A_142 : i32 to index
        %get3A_283 = arith.constant 112 : index
        %get3A_284 = tpu.vector_load %arg5[%get3A_282, %get3A_283] {strides = array<i32>} : memref<80x128xi32, #tpu.memory_space<vmem>>, vector<1x16xi32>,
        %get3A_285 = vector.shape_cast %get3A_284 : vector<1x16xi32> to vector<16xi32>
        %shift_right_logical3A_286 = arith.constant 14 : i32
        %shift_right_logical3A_287 = vector.broadcast %shift_right_logical3A_286 : i32 to vector<16xi32>
        %shift_right_logical3A_288 = arith.shrui %get3A_285, %shift_right_logical3A_287 : vector<16xi32>
        %swap3A_289 = arith.constant 0 : i32
        %swap3A_290 = arith.index_cast %swap3A_289 : i32 to index
        %swap3A_291 = arith.constant 112 : index
        %swap3A_292 = tpu.vector_load %arg7[%swap3A_290, %swap3A_291] {strides = array<i32>} : memref<1x128xi32, #tpu.memory_space<vmem>>, vector<1x16xi32>,
        %swap3A_293 = vector.shape_cast %swap3A_292 : vector<1x16xi32> to vector<16xi32>
        %swap3A_294 = vector.shape_cast %shift_right_logical3A_288 : vector<16xi32> to vector<1x16xi32>
        tpu.vector_store %arg7[%swap3A_290, %swap3A_291], %swap3A_294 {strides = array<i32>} : memref<1x128xi32, #tpu.memory_space<vmem>>, vector<1x16xi32>,
        %run_scoped3A = arith.constant 0 : i32
        "tpu.region"() ({
          %run_scoped3A_295 = tpu.sem_alloc : memref<!tpu.dma_semaphore, #tpu.memory_space<semaphore_mem>>
          %dma_start3A_296 = arith.constant 0 : i32
          %dma_start3A_297 = tpu.memref_slice %arg7[%run_scoped3A, %dma_start3A_296] : memref<1x128xi32, #tpu.memory_space<vmem>> -> memref<1x128xi32, #tpu.memory_space<vmem>>
          %dma_start3A_298 = tpu.memref_squeeze %dma_start3A_297 : memref<1x128xi32, #tpu.memory_space<vmem>> -> memref<128xi32, #tpu.memory_space<vmem>>
          %dma_start3A_299 = arith.constant 0 : i32
          %dma_start3A_300 = arith.constant 0 : i32
          %dma_start3A_301 = tpu.memref_slice %arg10[%dma_start3A_299, %dma_start3A_300] : memref<10112x128xf32, #tpu.memory_space<vmem_shared>> -> memref<10112x128xf32, #tpu.memory_space<vmem_shared>>
          tpu.enqueue_indirect_dma source(%arg9 : memref<128x128xf32, #tpu.memory_space<vmem>>) target(%dma_start3A_301 : memref<10112x128xf32, #tpu.memory_space<vmem_shared>>) offsets(%dma_start3A_298 : memref<128xi32, #tpu.memory_space<vmem>>) semaphore(%run_scoped3A_295 : memref<!tpu.dma_semaphore, #tpu.memory_space<semaphore_mem>>) {add = true}
          %dma_wait3A_302 = arith.constant 0 : i32
          %dma_wait3A_303 = tpu.memref_slice %arg7[%run_scoped3A, %dma_wait3A_302] : memref<1x128xi32, #tpu.memory_space<vmem>> -> memref<1x128xi32, #tpu.memory_space<vmem>>
          %dma_wait3A_304 = tpu.memref_squeeze %dma_wait3A_303 : memref<1x128xi32, #tpu.memory_space<vmem>> -> memref<128xi32, #tpu.memory_space<vmem>>
          %dma_wait3A_305 = arith.constant 0 : i32
          %dma_wait3A_306 = arith.constant 0 : i32
          %dma_wait3A_307 = tpu.memref_slice %arg10[%dma_wait3A_305, %dma_wait3A_306] : memref<10112x128xf32, #tpu.memory_space<vmem_shared>> -> memref<10112x128xf32, #tpu.memory_space<vmem_shared>>
          tpu.wait_indirect_dma semaphore(%run_scoped3A_295 : memref<!tpu.dma_semaphore, #tpu.memory_space<semaphore_mem>>) src(%arg9 : memref<128x128xf32, #tpu.memory_space<vmem>>) dst(%dma_wait3A_307 : memref<10112x128xf32, #tpu.memory_space<vmem_shared>>)
          tpu.yield
        }) : () -> ()
      } else {
      }
      %scan3A_178 = arith.constant 0 : i32
      scf.yield %scan3A_178 : i32
    }
    %scan3A_140 = arith.constant 80 : i32
    %barrier3A_141 = arith.constant 0 : index
    tpu.barrier barrier_id(%barrier3A_141)
    "tpu.region"() ({
      %run_scoped3A = tpu.sem_alloc : memref<!tpu.dma_semaphore, #tpu.memory_space<semaphore_mem>>
      %dma_start3A_142 = arith.constant 0 : i32
      %dma_start3A_143 = tpu.memref_slice %arg4[%arg0, %mul3A_8, %dma_start3A_142] : memref<2x10112x128xf32, #tpu.memory_space<hbm>> -> memref<1x632x128xf32, #tpu.memory_space<hbm>>
      %dma_start3A_144 = tpu.memref_squeeze %dma_start3A_143 : memref<1x632x128xf32, #tpu.memory_space<hbm>> -> memref<632x128xf32, #tpu.memory_space<hbm>>
      %dma_start3A_145 = arith.constant 0 : i32
      %dma_start3A_146 = tpu.memref_slice %arg10[%mul3A_8, %dma_start3A_145] : memref<10112x128xf32, #tpu.memory_space<vmem_shared>> -> memref<632x128xf32, #tpu.memory_space<vmem_shared>>
      tpu.enqueue_dma source(%dma_start3A_146 : memref<632x128xf32, #tpu.memory_space<vmem_shared>>) target(%dma_start3A_144 : memref<632x128xf32, #tpu.memory_space<hbm>>) target_semaphore(%run_scoped3A : memref<!tpu.dma_semaphore, #tpu.memory_space<semaphore_mem>>)
      %dma_wait3A = arith.constant 0 : i32
      %dma_wait3A_147 = tpu.memref_slice %arg4[%arg0, %mul3A_8, %dma_wait3A] : memref<2x10112x128xf32, #tpu.memory_space<hbm>> -> memref<1x632x128xf32, #tpu.memory_space<hbm>>
      %dma_wait3A_148 = tpu.memref_squeeze %dma_wait3A_147 : memref<1x632x128xf32, #tpu.memory_space<hbm>> -> memref<632x128xf32, #tpu.memory_space<hbm>>
      %dma_wait3A_149 = arith.constant 0 : i32
      %dma_wait3A_150 = tpu.memref_slice %arg10[%mul3A_8, %dma_wait3A_149] : memref<10112x128xf32, #tpu.memory_space<vmem_shared>> -> memref<632x128xf32, #tpu.memory_space<vmem_shared>>
      tpu.wait_dma2 semaphore(%run_scoped3A : memref<!tpu.dma_semaphore, #tpu.memory_space<semaphore_mem>>) src(%dma_wait3A_150 : memref<632x128xf32, #tpu.memory_space<vmem_shared>>) dst(%dma_wait3A_148 : memref<632x128xf32, #tpu.memory_space<hbm>>)
      tpu.yield
    }) : () -> ()
    return
  }
}

module attributes {stable_mosaic.version = 14 : i64} {
  func.func @_t1_body(%arg0: i32, %arg1: memref<1x2000x128xf32, #tpu.memory_space<vmem>>, %arg2: memref<1x2000x128xf32, #tpu.memory_space<vmem>>, %arg3: memref<2000x128xf32, #tpu.memory_space<vmem>>, %arg4: memref<2000x128xf32, #tpu.memory_space<vmem>>, %arg5: memref<2000x128xf32, #tpu.memory_space<vmem>>) attributes {dimension_semantics = [#tpu.dimension_semantics<arbitrary>], iteration_bounds = array<i64: 5>, scalar_prefetch = 0 : i64, scratch_operands = 0 : i64, tpu.core_type = #tpu.core_type<tc>, window_params = [{transform_indices = @transform_0, window_bounds = array<i64: 1, 2000, 128>}, {transform_indices = @transform_1, window_bounds = array<i64: 1, 2000, 128>}, {transform_indices = @transform_2, window_bounds = array<i64: 2000, 128>}, {transform_indices = @transform_3, window_bounds = array<i64: 2000, 128>}, {transform_indices = @transform_4, window_bounds = array<i64: 2000, 128>}]} {
    %get3A = arith.constant 0 : index
    %get3A_0 = arith.constant 0 : index
    %get3A_1 = arith.constant 0 : index
    %get3A_2 = vector.load %arg1[%get3A, %get3A_0, %get3A_1] : memref<1x2000x128xf32, #tpu.memory_space<vmem>>, vector<1x2000x128xf32>
    %get3A_3 = vector.shape_cast %get3A_2 : vector<1x2000x128xf32> to vector<2000x128xf32>
    %slice3A = vector.extract_strided_slice %get3A_3 {offsets = [0, 0], sizes = [2000, 1], strides = [1, 1]} : vector<2000x128xf32> to vector<2000x1xf32>
    %add3A = arith.constant 1.000000e+00 : f32
    %add3A_4 = vector.broadcast %add3A : f32 to vector<2000x1xf32>
    %add3A_5 = arith.addf %add3A_4, %slice3A : vector<2000x1xf32>
    %get3A_6 = arith.constant 0 : index
    %get3A_7 = arith.constant 0 : index
    %get3A_8 = arith.constant 0 : index
    %get3A_9 = vector.load %arg2[%get3A_6, %get3A_7, %get3A_8] : memref<1x2000x128xf32, #tpu.memory_space<vmem>>, vector<1x2000x128xf32>
    %get3A_10 = vector.shape_cast %get3A_9 : vector<1x2000x128xf32> to vector<2000x128xf32>
    %slice3A_11 = vector.extract_strided_slice %get3A_10 {offsets = [0, 0], sizes = [2000, 1], strides = [1, 1]} : vector<2000x128xf32> to vector<2000x1xf32>
    %add3A_12 = arith.addf %add3A_5, %slice3A_11 : vector<2000x1xf32>
    %rsqrt3A = math.rsqrt %add3A_12 : vector<2000x1xf32>
    %broadcast_in_dim3A = vector.shape_cast %rsqrt3A : vector<2000x1xf32> to vector<2000x1xf32>
    %broadcast_in_dim3A_13 = vector.broadcast %broadcast_in_dim3A : vector<2000x1xf32> to vector<2000x128xf32>
    %swap3A = arith.constant 0 : index
    %swap3A_14 = arith.constant 0 : index
    %swap3A_15 = vector.load %arg5[%swap3A, %swap3A_14] : memref<2000x128xf32, #tpu.memory_space<vmem>>, vector<2000x128xf32>
    tpu.vector_store %arg5[%swap3A, %swap3A_14], %broadcast_in_dim3A_13 {strides = array<i32>} : memref<2000x128xf32, #tpu.memory_space<vmem>>, vector<2000x128xf32>,
    %get3A_16 = arith.constant 0 : index
    %get3A_17 = arith.constant 0 : index
    %get3A_18 = vector.load %arg3[%get3A_16, %get3A_17] : memref<2000x128xf32, #tpu.memory_space<vmem>>, vector<2000x128xf32>
    %mul3A = vector.broadcast %rsqrt3A : vector<2000x1xf32> to vector<2000x128xf32>
    %mul3A_19 = arith.mulf %get3A_18, %mul3A : vector<2000x128xf32>
    %swap3A_20 = arith.constant 0 : index
    %swap3A_21 = arith.constant 0 : index
    %swap3A_22 = vector.load %arg4[%swap3A_20, %swap3A_21] : memref<2000x128xf32, #tpu.memory_space<vmem>>, vector<2000x128xf32>
    tpu.vector_store %arg4[%swap3A_20, %swap3A_21], %mul3A_19 {strides = array<i32>} : memref<2000x128xf32, #tpu.memory_space<vmem>>, vector<2000x128xf32>,
    return
  }
  func.func @transform_0(%arg0: i32) -> (i32, i32, i32) {
    %c0_i32 = arith.constant 0 : i32
    %c0_i32_0 = arith.constant 0 : i32
    %c0_i32_1 = arith.constant 0 : i32
    return %c0_i32, %arg0, %c0_i32_0 : i32, i32, i32
  }
  func.func @transform_1(%arg0: i32) -> (i32, i32, i32) {
    %c1_i32 = arith.constant 1 : i32
    %c0_i32 = arith.constant 0 : i32
    %c0_i32_0 = arith.constant 0 : i32
    return %c1_i32, %arg0, %c0_i32 : i32, i32, i32
  }
  func.func @transform_2(%arg0: i32) -> (i32, i32) {
    %c0_i32 = arith.constant 0 : i32
    %c0_i32_0 = arith.constant 0 : i32
    return %arg0, %c0_i32 : i32, i32
  }
  func.func @transform_3(%arg0: i32) -> (i32, i32) {
    %c0_i32 = arith.constant 0 : i32
    %c0_i32_0 = arith.constant 0 : i32
    return %arg0, %c0_i32 : i32, i32
  }
  func.func @transform_4(%arg0: i32) -> (i32, i32) {
    %c0_i32 = arith.constant 0 : i32
    %c0_i32_0 = arith.constant 0 : i32
    return %arg0, %c0_i32 : i32, i32
  }
}

module attributes {stable_mosaic.version = 14 : i64} {
  func.func @_pack_body(%arg0: i32, %arg1: memref<1x320x128xi32, #tpu.memory_space<vmem>>, %arg2: memref<1x320x128xi32, #tpu.memory_space<vmem>>, %arg3: memref<4x80x128xi32, #tpu.memory_space<vmem>>) attributes {dimension_semantics = [#tpu.dimension_semantics<arbitrary>], iteration_bounds = array<i64: 8>, scalar_prefetch = 0 : i64, scratch_operands = 0 : i64, tpu.core_type = #tpu.core_type<tc>, window_params = [{transform_indices = @transform_0, window_bounds = array<i64: 1, 320, 128>}, {transform_indices = @transform_1, window_bounds = array<i64: 1, 320, 128>}, {transform_indices = @transform_2, window_bounds = array<i64: 4, 80, 128>}]} {
    %iota3A = tpu.iota {dimensions = array<i32: 0>} : vector<4x80x128xi32>
    %iota3A_0 = tpu.iota {dimensions = array<i32: 1>} : vector<4x80x128xi32>
    %iota3A_1 = tpu.iota {dimensions = array<i32: 2>} : vector<4x80x128xi32>
    %mul3A = arith.constant 4 : i32
    %mul3A_2 = arith.muli %arg0, %mul3A : i32
    %add3A = vector.broadcast %mul3A_2 : i32 to vector<4x80x128xi32>
    %add3A_3 = arith.addi %add3A, %iota3A : vector<4x80x128xi32>
    %mul3A_4 = arith.constant 10240 : i32
    %mul3A_5 = vector.broadcast %mul3A_4 : i32 to vector<4x80x128xi32>
    %mul3A_6 = arith.muli %add3A_3, %mul3A_5 : vector<4x80x128xi32>
    %mul3A_7 = arith.constant 128 : i32
    %mul3A_8 = vector.broadcast %mul3A_7 : i32 to vector<4x80x128xi32>
    %mul3A_9 = arith.muli %iota3A_0, %mul3A_8 : vector<4x80x128xi32>
    %add3A_10 = arith.addi %mul3A_6, %mul3A_9 : vector<4x80x128xi32>
    %add3A_11 = arith.addi %add3A_10, %iota3A_1 : vector<4x80x128xi32>
    %ge3A = arith.constant 320000 : i32
    %ge3A_12 = vector.broadcast %ge3A : i32 to vector<4x80x128xi32>
    %ge3A_13 = arith.cmpi sge, %add3A_11, %ge3A_12 : vector<4x80x128xi32>
    %sub3A = arith.constant 320000 : i32
    %sub3A_14 = vector.broadcast %sub3A : i32 to vector<4x80x128xi32>
    %sub3A_15 = arith.subi %add3A_11, %sub3A_14 : vector<4x80x128xi32>
    %mul3A_16 = arith.constant 37 : i32
    %mul3A_17 = vector.broadcast %mul3A_16 : i32 to vector<4x80x128xi32>
    %mul3A_18 = arith.muli %sub3A_15, %mul3A_17 : vector<4x80x128xi32>
    %jit3A = arith.constant 10000 : i32
    %eq3A = arith.constant 0 : i32
    %eq3A_19 = arith.cmpi eq, %jit3A, %eq3A : i32
    %jit3A_20 = arith.constant 1 : i32
    %select_n3A = arith.select %eq3A_19, %jit3A_20, %jit3A : i32
    %rem3A = vector.broadcast %select_n3A : i32 to vector<4x80x128xi32>
    %rem3A_21 = arith.remsi %mul3A_18, %rem3A : vector<4x80x128xi32>
    %ne3A = arith.constant 0 : i32
    %ne3A_22 = vector.broadcast %ne3A : i32 to vector<4x80x128xi32>
    %ne3A_23 = arith.cmpi ne, %rem3A_21, %ne3A_22 : vector<4x80x128xi32>
    %lt3A = arith.constant 0 : i32
    %lt3A_24 = vector.broadcast %lt3A : i32 to vector<4x80x128xi32>
    %lt3A_25 = arith.cmpi slt, %rem3A_21, %lt3A_24 : vector<4x80x128xi32>
    %lt3A_26 = arith.constant 0 : i32
    %lt3A_27 = arith.cmpi slt, %select_n3A, %lt3A_26 : i32
    %ne3A_28 = vector.broadcast %lt3A_27 : i1 to vector<4x80x128xi1>
    %ne3A_29 = vector.broadcast %ne3A_28 : vector<4x80x128xi1> to vector<4x80x128xi1>
    %ne3A_30 = arith.xori %lt3A_25, %ne3A_29 : vector<4x80x128xi1>
    %and3A = arith.andi %ne3A_30, %ne3A_23 : vector<4x80x128xi1>
    %add3A_31 = vector.broadcast %select_n3A : i32 to vector<4x80x128xi32>
    %add3A_32 = arith.addi %rem3A_21, %add3A_31 : vector<4x80x128xi32>
    %select_n3A_33 = arith.select %and3A, %add3A_32, %rem3A_21 : vector<4x80x128xi1>, vector<4x80x128xi32>
    %get3A = arith.constant 0 : index
    %get3A_34 = arith.constant 0 : index
    %get3A_35 = arith.constant 0 : index
    %get3A_36 = vector.load %arg1[%get3A, %get3A_34, %get3A_35] : memref<1x320x128xi32, #tpu.memory_space<vmem>>, vector<1x320x128xi32>
    %get3A_37 = vector.shape_cast %get3A_36 : vector<1x320x128xi32> to vector<320x128xi32>
    %reshape3A = vector.shape_cast %get3A_37 : vector<320x128xi32> to vector<4x80x128xi32>
    %select_n3A_38 = arith.select %ge3A_13, %select_n3A_33, %reshape3A : vector<4x80x128xi1>, vector<4x80x128xi32>
    %jit3A_39 = arith.constant 112 : i32
    %eq3A_40 = arith.constant 0 : i32
    %eq3A_41 = arith.cmpi eq, %jit3A_39, %eq3A_40 : i32
    %jit3A_42 = arith.constant 1 : i32
    %select_n3A_43 = arith.select %eq3A_41, %jit3A_42, %jit3A_39 : i32
    %rem3A_44 = vector.broadcast %select_n3A_43 : i32 to vector<4x80x128xi32>
    %rem3A_45 = arith.remsi %sub3A_15, %rem3A_44 : vector<4x80x128xi32>
    %ne3A_46 = arith.constant 0 : i32
    %ne3A_47 = vector.broadcast %ne3A_46 : i32 to vector<4x80x128xi32>
    %ne3A_48 = arith.cmpi ne, %rem3A_45, %ne3A_47 : vector<4x80x128xi32>
    %lt3A_49 = arith.constant 0 : i32
    %lt3A_50 = vector.broadcast %lt3A_49 : i32 to vector<4x80x128xi32>
    %lt3A_51 = arith.cmpi slt, %rem3A_45, %lt3A_50 : vector<4x80x128xi32>
    %lt3A_52 = arith.constant 0 : i32
    %lt3A_53 = arith.cmpi slt, %select_n3A_43, %lt3A_52 : i32
    %ne3A_54 = vector.broadcast %lt3A_53 : i1 to vector<4x80x128xi1>
    %ne3A_55 = vector.broadcast %ne3A_54 : vector<4x80x128xi1> to vector<4x80x128xi1>
    %ne3A_56 = arith.xori %lt3A_51, %ne3A_55 : vector<4x80x128xi1>
    %and3A_57 = arith.andi %ne3A_56, %ne3A_48 : vector<4x80x128xi1>
    %add3A_58 = vector.broadcast %select_n3A_43 : i32 to vector<4x80x128xi32>
    %add3A_59 = arith.addi %rem3A_45, %add3A_58 : vector<4x80x128xi32>
    %select_n3A_60 = arith.select %and3A_57, %add3A_59, %rem3A_45 : vector<4x80x128xi1>, vector<4x80x128xi32>
    %add3A_61 = arith.constant 10000 : i32
    %add3A_62 = vector.broadcast %add3A_61 : i32 to vector<4x80x128xi32>
    %add3A_63 = arith.addi %add3A_62, %select_n3A_60 : vector<4x80x128xi32>
    %get3A_64 = arith.constant 0 : index
    %get3A_65 = arith.constant 0 : index
    %get3A_66 = arith.constant 0 : index
    %get3A_67 = vector.load %arg2[%get3A_64, %get3A_65, %get3A_66] : memref<1x320x128xi32, #tpu.memory_space<vmem>>, vector<1x320x128xi32>
    %get3A_68 = vector.shape_cast %get3A_67 : vector<1x320x128xi32> to vector<320x128xi32>
    %reshape3A_69 = vector.shape_cast %get3A_68 : vector<320x128xi32> to vector<4x80x128xi32>
    %select_n3A_70 = arith.select %ge3A_13, %add3A_63, %reshape3A_69 : vector<4x80x128xi1>, vector<4x80x128xi32>
    %mul3A_71 = arith.constant 16384 : i32
    %mul3A_72 = vector.broadcast %mul3A_71 : i32 to vector<4x80x128xi32>
    %mul3A_73 = arith.muli %select_n3A_70, %mul3A_72 : vector<4x80x128xi32>
    %add3A_74 = arith.addi %select_n3A_38, %mul3A_73 : vector<4x80x128xi32>
    %swap3A = arith.constant 0 : index
    %swap3A_75 = arith.constant 0 : index
    %swap3A_76 = arith.constant 0 : index
    %swap3A_77 = vector.load %arg3[%swap3A, %swap3A_75, %swap3A_76] : memref<4x80x128xi32, #tpu.memory_space<vmem>>, vector<4x80x128xi32>
    tpu.vector_store %arg3[%swap3A, %swap3A_75, %swap3A_76], %add3A_74 {strides = array<i32>} : memref<4x80x128xi32, #tpu.memory_space<vmem>>, vector<4x80x128xi32>,
    return
  }
  func.func @transform_0(%arg0: i32) -> (i32, i32, i32) {
    %c0_i32 = arith.constant 0 : i32
    %c0_i32_0 = arith.constant 0 : i32
    %c0_i32_1 = arith.constant 0 : i32
    return %c0_i32, %arg0, %c0_i32_0 : i32, i32, i32
  }
  func.func @transform_1(%arg0: i32) -> (i32, i32, i32) {
    %c1_i32 = arith.constant 1 : i32
    %c0_i32 = arith.constant 0 : i32
    %c0_i32_0 = arith.constant 0 : i32
    return %c1_i32, %arg0, %c0_i32 : i32, i32, i32
  }
  func.func @transform_2(%arg0: i32) -> (i32, i32, i32) {
    %c0_i32 = arith.constant 0 : i32
    %c0_i32_0 = arith.constant 0 : i32
    %c0_i32_1 = arith.constant 0 : i32
    return %arg0, %c0_i32, %c0_i32_0 : i32, i32, i32
  }
}

module attributes {stable_mosaic.version = 14 : i64} {
  func.func @_t0_body(%arg0: i32, %arg1: memref<2000x128xf32, #tpu.memory_space<vmem>>, %arg2: memref<128x128xf32, #tpu.memory_space<vmem>>, %arg3: memref<2000x128xf32, #tpu.memory_space<vmem>>) attributes {dimension_semantics = [#tpu.dimension_semantics<arbitrary>], iteration_bounds = array<i64: 5>, scalar_prefetch = 0 : i64, scratch_operands = 0 : i64, tpu.core_type = #tpu.core_type<tc>, window_params = [{transform_indices = @transform_0, window_bounds = array<i64: 2000, 128>}, {pipeline_mode = #tpu.pipeline_mode<synchronous>, transform_indices = @transform_1, window_bounds = array<i64: 128, 128>}, {transform_indices = @transform_2, window_bounds = array<i64: 2000, 128>}]} {
    %get3A = arith.constant 0 : index
    %get3A_0 = arith.constant 0 : index
    %get3A_1 = vector.load %arg1[%get3A, %get3A_0] : memref<2000x128xf32, #tpu.memory_space<vmem>>, vector<2000x128xf32>
    %get3A_2 = arith.constant 0 : index
    %get3A_3 = arith.constant 0 : index
    %get3A_4 = vector.load %arg2[%get3A_2, %get3A_3] : memref<128x128xf32, #tpu.memory_space<vmem>>, vector<128x128xf32>
    %dot_general3A = arith.constant dense<0.000000e+00> : vector<2000x128xf32>
    %dot_general3A_5 = tpu.matmul %get3A_1, %get3A_4, %dot_general3A {dimension_numbers = #tpu.dot_dimension_numbers<[1], [0], [0], [1], [0, 0, 1, 1], [], []>, transpose_lhs_hint = false} : vector<2000x128xf32>, vector<128x128xf32>, vector<2000x128xf32> -> vector<2000x128xf32>
    %swap3A = arith.constant 0 : index
    %swap3A_6 = arith.constant 0 : index
    %swap3A_7 = vector.load %arg3[%swap3A, %swap3A_6] : memref<2000x128xf32, #tpu.memory_space<vmem>>, vector<2000x128xf32>
    tpu.vector_store %arg3[%swap3A, %swap3A_6], %dot_general3A_5 {strides = array<i32>} : memref<2000x128xf32, #tpu.memory_space<vmem>>, vector<2000x128xf32>,
    return
  }
  func.func @transform_0(%arg0: i32) -> (i32, i32) {
    %c0_i32 = arith.constant 0 : i32
    %c0_i32_0 = arith.constant 0 : i32
    return %arg0, %c0_i32 : i32, i32
  }
  func.func @transform_1(%arg0: i32) -> (i32, i32) {
    %c0_i32 = arith.constant 0 : i32
    %c0_i32_0 = arith.constant 0 : i32
    %c0_i32_1 = arith.constant 0 : i32
    return %c0_i32, %c0_i32_0 : i32, i32
  }
  func.func @transform_2(%arg0: i32) -> (i32, i32) {
    %c0_i32 = arith.constant 0 : i32
    %c0_i32_0 = arith.constant 0 : i32
    return %arg0, %c0_i32 : i32, i32
  }
}

module attributes {stable_mosaic.version = 14 : i64} {
  func.func @_t2_body(%arg0: i32, %arg1: memref<2000x128xf32, #tpu.memory_space<vmem>>, %arg2: memref<1x2000x128xf32, #tpu.memory_space<vmem>>, %arg3: memref<1x2000x128xf32, #tpu.memory_space<vmem>>, %arg4: memref<2000x128xf32, #tpu.memory_space<vmem>>, %arg5: memref<1x128xf32, #tpu.memory_space<vmem>>, %arg6: memref<128x128xf32, #tpu.memory_space<vmem>>, %arg7: memref<2000x128xf32, #tpu.memory_space<vmem>>) attributes {dimension_semantics = [#tpu.dimension_semantics<arbitrary>], iteration_bounds = array<i64: 5>, scalar_prefetch = 0 : i64, scratch_operands = 0 : i64, tpu.core_type = #tpu.core_type<tc>, window_params = [{transform_indices = @transform_0, window_bounds = array<i64: 2000, 128>}, {transform_indices = @transform_1, window_bounds = array<i64: 1, 2000, 128>}, {transform_indices = @transform_2, window_bounds = array<i64: 1, 2000, 128>}, {transform_indices = @transform_3, window_bounds = array<i64: 2000, 128>}, {pipeline_mode = #tpu.pipeline_mode<synchronous>, transform_indices = @transform_4, window_bounds = array<i64: 1, 128>}, {pipeline_mode = #tpu.pipeline_mode<synchronous>, transform_indices = @transform_5, window_bounds = array<i64: 128, 128>}, {transform_indices = @transform_6, window_bounds = array<i64: 2000, 128>}]} {
    %get3A = arith.constant 0 : index
    %get3A_0 = arith.constant 0 : index
    %get3A_1 = vector.load %arg1[%get3A, %get3A_0] : memref<2000x128xf32, #tpu.memory_space<vmem>>, vector<2000x128xf32>
    %get3A_2 = arith.constant 0 : index
    %get3A_3 = arith.constant 0 : index
    %get3A_4 = arith.constant 0 : index
    %get3A_5 = vector.load %arg2[%get3A_2, %get3A_3, %get3A_4] : memref<1x2000x128xf32, #tpu.memory_space<vmem>>, vector<1x2000x128xf32>
    %get3A_6 = vector.shape_cast %get3A_5 : vector<1x2000x128xf32> to vector<2000x128xf32>
    %get3A_7 = arith.constant 0 : index
    %get3A_8 = arith.constant 0 : index
    %get3A_9 = arith.constant 0 : index
    %get3A_10 = vector.load %arg3[%get3A_7, %get3A_8, %get3A_9] : memref<1x2000x128xf32, #tpu.memory_space<vmem>>, vector<1x2000x128xf32>
    %get3A_11 = vector.shape_cast %get3A_10 : vector<1x2000x128xf32> to vector<2000x128xf32>
    %add3A = arith.addf %get3A_6, %get3A_11 : vector<2000x128xf32>
    %get3A_12 = arith.constant 0 : index
    %get3A_13 = arith.constant 0 : index
    %get3A_14 = vector.load %arg4[%get3A_12, %get3A_13] : memref<2000x128xf32, #tpu.memory_space<vmem>>, vector<2000x128xf32>
    %add3A_15 = arith.addf %add3A, %get3A_14 : vector<2000x128xf32>
    %mul3A = arith.mulf %add3A_15, %get3A_1 : vector<2000x128xf32>
    %get3A_16 = arith.constant 0 : index
    %get3A_17 = arith.constant 0 : index
    %get3A_18 = vector.load %arg5[%get3A_16, %get3A_17] : memref<1x128xf32, #tpu.memory_space<vmem>>, vector<1x128xf32>
    %add3A_19 = vector.broadcast %get3A_18 : vector<1x128xf32> to vector<2000x128xf32>
    %add3A_20 = arith.addf %mul3A, %add3A_19 : vector<2000x128xf32>
    %max3A = arith.constant 0.000000e+00 : f32
    %max3A_21 = vector.broadcast %max3A : f32 to vector<2000x128xf32>
    %max3A_22 = arith.maximumf %add3A_20, %max3A_21 : vector<2000x128xf32>
    %mul3A_23 = arith.mulf %max3A_22, %get3A_1 : vector<2000x128xf32>
    %get3A_24 = arith.constant 0 : index
    %get3A_25 = arith.constant 0 : index
    %get3A_26 = vector.load %arg6[%get3A_24, %get3A_25] : memref<128x128xf32, #tpu.memory_space<vmem>>, vector<128x128xf32>
    %dot_general3A = arith.constant dense<0.000000e+00> : vector<2000x128xf32>
    %dot_general3A_27 = tpu.matmul %mul3A_23, %get3A_26, %dot_general3A {dimension_numbers = #tpu.dot_dimension_numbers<[1], [0], [0], [1], [0, 0, 1, 1], [], []>, transpose_lhs_hint = false} : vector<2000x128xf32>, vector<128x128xf32>, vector<2000x128xf32> -> vector<2000x128xf32>
    %swap3A = arith.constant 0 : index
    %swap3A_28 = arith.constant 0 : index
    %swap3A_29 = vector.load %arg7[%swap3A, %swap3A_28] : memref<2000x128xf32, #tpu.memory_space<vmem>>, vector<2000x128xf32>
    tpu.vector_store %arg7[%swap3A, %swap3A_28], %dot_general3A_27 {strides = array<i32>} : memref<2000x128xf32, #tpu.memory_space<vmem>>, vector<2000x128xf32>,
    return
  }
  func.func @transform_0(%arg0: i32) -> (i32, i32) {
    %c0_i32 = arith.constant 0 : i32
    %c0_i32_0 = arith.constant 0 : i32
    return %arg0, %c0_i32 : i32, i32
  }
  func.func @transform_1(%arg0: i32) -> (i32, i32, i32) {
    %c0_i32 = arith.constant 0 : i32
    %c0_i32_0 = arith.constant 0 : i32
    %c0_i32_1 = arith.constant 0 : i32
    return %c0_i32, %arg0, %c0_i32_0 : i32, i32, i32
  }
  func.func @transform_2(%arg0: i32) -> (i32, i32, i32) {
    %c1_i32 = arith.constant 1 : i32
    %c0_i32 = arith.constant 0 : i32
    %c0_i32_0 = arith.constant 0 : i32
    return %c1_i32, %arg0, %c0_i32 : i32, i32, i32
  }
  func.func @transform_3(%arg0: i32) -> (i32, i32) {
    %c0_i32 = arith.constant 0 : i32
    %c0_i32_0 = arith.constant 0 : i32
    return %arg0, %c0_i32 : i32, i32
  }
  func.func @transform_4(%arg0: i32) -> (i32, i32) {
    %c0_i32 = arith.constant 0 : i32
    %c0_i32_0 = arith.constant 0 : i32
    %c0_i32_1 = arith.constant 0 : i32
    return %c0_i32, %c0_i32_0 : i32, i32
  }
  func.func @transform_5(%arg0: i32) -> (i32, i32) {
    %c0_i32 = arith.constant 0 : i32
    %c0_i32_0 = arith.constant 0 : i32
    %c0_i32_1 = arith.constant 0 : i32
    return %c0_i32, %c0_i32_0 : i32, i32
  }
  func.func @transform_6(%arg0: i32) -> (i32, i32) {
    %c0_i32 = arith.constant 0 : i32
    %c0_i32_0 = arith.constant 0 : i32
    return %arg0, %c0_i32 : i32, i32
  }
}

module attributes {stable_mosaic.version = 14 : i64} {
  func.func @_t3_body(%arg0: i32, %arg1: memref<2000x128xf32, #tpu.memory_space<vmem>>, %arg2: memref<1x2000x128xf32, #tpu.memory_space<vmem>>, %arg3: memref<1x2000x128xf32, #tpu.memory_space<vmem>>, %arg4: memref<2000x128xf32, #tpu.memory_space<vmem>>, %arg5: memref<1x128xf32, #tpu.memory_space<vmem>>, %arg6: memref<2000x128xf32, #tpu.memory_space<vmem>>) attributes {dimension_semantics = [#tpu.dimension_semantics<arbitrary>], iteration_bounds = array<i64: 5>, scalar_prefetch = 0 : i64, scratch_operands = 0 : i64, tpu.core_type = #tpu.core_type<tc>, window_params = [{transform_indices = @transform_0, window_bounds = array<i64: 2000, 128>}, {transform_indices = @transform_1, window_bounds = array<i64: 1, 2000, 128>}, {transform_indices = @transform_2, window_bounds = array<i64: 1, 2000, 128>}, {transform_indices = @transform_3, window_bounds = array<i64: 2000, 128>}, {pipeline_mode = #tpu.pipeline_mode<synchronous>, transform_indices = @transform_4, window_bounds = array<i64: 1, 128>}, {transform_indices = @transform_5, window_bounds = array<i64: 2000, 128>}]} {
    %get3A = arith.constant 0 : index
    %get3A_0 = arith.constant 0 : index
    %get3A_1 = arith.constant 0 : index
    %get3A_2 = vector.load %arg2[%get3A, %get3A_0, %get3A_1] : memref<1x2000x128xf32, #tpu.memory_space<vmem>>, vector<1x2000x128xf32>
    %get3A_3 = vector.shape_cast %get3A_2 : vector<1x2000x128xf32> to vector<2000x128xf32>
    %get3A_4 = arith.constant 0 : index
    %get3A_5 = arith.constant 0 : index
    %get3A_6 = arith.constant 0 : index
    %get3A_7 = vector.load %arg3[%get3A_4, %get3A_5, %get3A_6] : memref<1x2000x128xf32, #tpu.memory_space<vmem>>, vector<1x2000x128xf32>
    %get3A_8 = vector.shape_cast %get3A_7 : vector<1x2000x128xf32> to vector<2000x128xf32>
    %add3A = arith.addf %get3A_3, %get3A_8 : vector<2000x128xf32>
    %get3A_9 = arith.constant 0 : index
    %get3A_10 = arith.constant 0 : index
    %get3A_11 = vector.load %arg4[%get3A_9, %get3A_10] : memref<2000x128xf32, #tpu.memory_space<vmem>>, vector<2000x128xf32>
    %add3A_12 = arith.addf %add3A, %get3A_11 : vector<2000x128xf32>
    %get3A_13 = arith.constant 0 : index
    %get3A_14 = arith.constant 0 : index
    %get3A_15 = vector.load %arg1[%get3A_13, %get3A_14] : memref<2000x128xf32, #tpu.memory_space<vmem>>, vector<2000x128xf32>
    %mul3A = arith.mulf %add3A_12, %get3A_15 : vector<2000x128xf32>
    %get3A_16 = arith.constant 0 : index
    %get3A_17 = arith.constant 0 : index
    %get3A_18 = vector.load %arg5[%get3A_16, %get3A_17] : memref<1x128xf32, #tpu.memory_space<vmem>>, vector<1x128xf32>
    %add3A_19 = vector.broadcast %get3A_18 : vector<1x128xf32> to vector<2000x128xf32>
    %add3A_20 = arith.addf %mul3A, %add3A_19 : vector<2000x128xf32>
    %swap3A = arith.constant 0 : index
    %swap3A_21 = arith.constant 0 : index
    %swap3A_22 = vector.load %arg6[%swap3A, %swap3A_21] : memref<2000x128xf32, #tpu.memory_space<vmem>>, vector<2000x128xf32>
    tpu.vector_store %arg6[%swap3A, %swap3A_21], %add3A_20 {strides = array<i32>} : memref<2000x128xf32, #tpu.memory_space<vmem>>, vector<2000x128xf32>,
    return
  }
  func.func @transform_0(%arg0: i32) -> (i32, i32) {
    %c0_i32 = arith.constant 0 : i32
    %c0_i32_0 = arith.constant 0 : i32
    return %arg0, %c0_i32 : i32, i32
  }
  func.func @transform_1(%arg0: i32) -> (i32, i32, i32) {
    %c0_i32 = arith.constant 0 : i32
    %c0_i32_0 = arith.constant 0 : i32
    %c0_i32_1 = arith.constant 0 : i32
    return %c0_i32, %arg0, %c0_i32_0 : i32, i32, i32
  }
  func.func @transform_2(%arg0: i32) -> (i32, i32, i32) {
    %c1_i32 = arith.constant 1 : i32
    %c0_i32 = arith.constant 0 : i32
    %c0_i32_0 = arith.constant 0 : i32
    return %c1_i32, %arg0, %c0_i32 : i32, i32, i32
  }
  func.func @transform_3(%arg0: i32) -> (i32, i32) {
    %c0_i32 = arith.constant 0 : i32
    %c0_i32_0 = arith.constant 0 : i32
    return %arg0, %c0_i32 : i32, i32
  }
  func.func @transform_4(%arg0: i32) -> (i32, i32) {
    %c0_i32 = arith.constant 0 : i32
    %c0_i32_0 = arith.constant 0 : i32
    %c0_i32_1 = arith.constant 0 : i32
    return %c0_i32, %c0_i32_0 : i32, i32
  }
  func.func @transform_5(%arg0: i32) -> (i32, i32) {
    %c0_i32 = arith.constant 0 : i32
    %c0_i32_0 = arith.constant 0 : i32
    return %arg0, %c0_i32 : i32, i32
  }
}

</mosaic_0001>

<sc_bundles>
// kernel: kernel.12.cloned.1.call-start
scs
__scs_entry_jumppad:
0x0: {  	(pc) =	sbr.rel $0x88, $3  }
0x1: {  	(tag) =	ssettag $0x0;
	lr =	simm.s32 $0x1  }
0x2: {  	[smem:$0x3F99] =	sst lr;
	_ =	strace $0xD0000000  }
0x3: {  	_ = 	snop  }
0x4: {  	_ = 	snop  }
0x5: {  	_ = 	snop  }
0x6: {  	_ = 	snop  }
0x7: {  	_ = 	snop  }
__scs_overlays_trampoline_lowered:
0x8: {  	[smem:$0x3FA8] =	sst s0  }
0x9: {  	[smem:$0x3FA9] =	sst s1  }
0xa: {  	[smem:$0x3FAA] =	sst s2  }
0xb: {  	[smem:$0x3FAB] =	sst s3  }
0xc: {  	[smem:$0x3FAC] =	sst s4  }
0xd: {  	[smem:$0x3FAD] =	sst s5  }
0xe: {  	[smem:$0x3FAE] =	sst s6  }
0xf: {  	[smem:$0x3FAF] =	sst s7  }
0x10: {  	[smem:$0x3FB0] =	sst s8  }
0x11: {  	[smem:$0x3FB1] =	sst s9;
	s0 =	simm.s32 @!p0 $0x0  }
0x12: {  	s1 =	sld [smem:$0x3F97];
	s0 =	simm.s32 @p0 $0x1  }
0x13: {  	[smem:$0x3FB2] =	sst s0;
	s0 =	simm.s32 @!p1 $0x0  }
0x14: {  	s2 =	sld [smem:$0x3F96];
	s0 =	simm.s32 @p1 $0x1  }
0x15: {  	[smem:$0x3FB3] =	sst s0;
	s0 =	simm.s32 @!p2 $0x0  }
0x16: {  	s3 =	sld [smem:$0x3FDB];
	s0 =	simm.s32 @p2 $0x1  }
0x17: {  	s4 =	simm.s32 $0x1BF5;
	[smem:$0x3FB5] =	sst s0  }
0x18: {  	s0 =	sld [smem:$0x3F98];
	_ =	swait.ge [sflag:s4], $0x0  }
0x19: {  	s7 =	sld [smem:$0x3F99]  }
0x1a: {  	s8 =	sadd.s32 $0xFFFFE003, lr  }
0x1b: {  	s9 =	sadd.s32 $0xFFFFFEF7, lr;
	s5 =	simm.s32 $0xFFFFFFFF;
	p2 =	slt.u32 s8, $0xFFFFF086  }
0x1c: {  	p1 =	slt.u32 s9, $0xF7A;
	s5 =	simm.s32 @!p2 $0x0  }
0x1d: {  	s5 =	simm.s32 @p1 $0x1;
	p0 =	seq.s32 s7, s2  }
0x1e: {  	s7 =	smul.u32 @!p0 $0xF7A, s2;
	p2 =	seq.s32 @!p0 s5, $0x0  }
0x1f: {  	s9 =	smul.u32 $0xF7A, s1;
	s8 =	simm.s32 @!p0 $0x1BF5;
	p2 =	por !p2, p0  }
0x20: {  	[sflag:s8] =	ssyncset.s32 @!p0 $0xFFFFF086;
	s6 =	sadd.s32 @!p0 s3, s7;
	s7 =	simm.s32 @!p0 $0x108  }
0x21: {  	s3 =	sadd.s32 s3, s9;
	s6 =	sadd.s32 @!p0 $0x88, s6;
	s7 =	simm.s32 @p2 $0x1082  }
0x22: {  	[simem:s7], [sflag:s8] =	dma.local @!p0 [hbm:s6], $0xF7A  }
0x23: {  	s9 =	sor.u32 $0xD0000000, s2;
	s6 =	simm.s32 $0x108;
	_ =	swait.ge @!p0 [sflag:s8], $0x0  }
0x24: {  	s3 =	sadd.s32 $0x88, s3;
	s6 =	simm.s32 @!p1 $0x1082;
	[sflag:s4] =	ssyncset.s32 $0xFFFFF086  }
0x25: {  	[simem:s6], [sflag:s4] =	dma.local [hbm:s3], $0xF7A  }
0x26: {  	[smem:$0x3F99] =	sst s1;
	(tag) =	ssettag s2;
	_ =	strace s9  }
0x27: {  	s1 =	sld [smem:$0x3FA9]  }
0x28: {  	s2 =	sld [smem:$0x3FAA]  }
0x29: {  	s4 =	sld [smem:$0x3FAC]  }
0x2a: {  	p0 =	seq.s32 s5, $0x0;
	s5 =	sld [smem:$0x3FAD]  }
0x2b: {  	s6 =	sld [smem:$0x3FAE]  }
0x2c: {  	s7 =	sld [smem:$0x3FAF]  }
0x2d: {  	s3 =	simm.s32 $0x108;
	s8 =	sld [smem:$0x3FB0]  }
0x2e: {  	s3 =	simm.s32 @!p0 $0x1082;
	s9 =	sld [smem:$0x3FB1]  }
0x2f: {  	lr =	sadd.s32 s0, s3;
	s0 =	sld [smem:$0x3FA8]  }
0x30: {  	s3 =	sld [smem:$0x3FAB]  }
0x31: {  	[smem:$0x3FB4] =	sst s10  }
0x32: {  	s10 =	sld [smem:$0x3FB2];
	_ =	sdelay $0x3  }
0x33: {  	p0 =	seq.s32 s10, $0x1;
	s10 =	sld [smem:$0x3FB4];
	_ =	sdelay $0x3  }
0x34: {  	[smem:$0x3FB4] =	sst s10  }
0x35: {  	s10 =	sld [smem:$0x3FB3];
	_ =	sdelay $0x3  }
0x36: {  	p1 =	seq.s32 s10, $0x1;
	s10 =	sld [smem:$0x3FB4];
	_ =	sdelay $0x3  }
0x37: {  	[smem:$0x3FB4] =	sst s10  }
0x38: {  	s10 =	sld [smem:$0x3FB5]  }
0x39: {  	_ = 	snop;
	(pc) =	sbr.ind lr, $3  }
0x3a: {  	_ = 	snop  }
0x3b: {  	_ = 	snop  }
0x3c: {  	p2 =	seq.s32 s10, $0x1;
	s10 =	sld [smem:$0x3FB4]  }
0x3d: {  	_ =	shalt  }
0x3e: {  	_ =	shalt  }
0x3f: {  	_ =	shalt  }
0x40: {  	_ =	shalt  }
0x41: {  	_ =	shalt  }
0x42: {  	_ =	shalt  }
0x43: {  	_ =	shalt  }
0x44: {  	_ =	shalt  }
0x45: {  	_ =	shalt  }
0x46: {  	_ =	shalt  }
0x47: {  	_ =	shalt  }
0x48: {  	_ =	shalt  }
0x49: {  	_ =	shalt  }
0x4a: {  	_ =	shalt  }
0x4b: {  	_ =	shalt  }
0x4c: {  	_ =	shalt  }
0x4d: {  	_ =	shalt  }
0x4e: {  	_ =	shalt  }
0x4f: {  	_ =	shalt  }
0x50: {  	_ =	shalt  }
0x51: {  	_ =	shalt  }
0x52: {  	_ =	shalt  }
0x53: {  	_ =	shalt  }
0x54: {  	_ =	shalt  }
0x55: {  	_ =	shalt  }
0x56: {  	_ =	shalt  }
0x57: {  	_ =	shalt  }
0x58: {  	_ =	shalt  }
0x59: {  	_ =	shalt  }
0x5a: {  	_ =	shalt  }
0x5b: {  	_ =	shalt  }
0x5c: {  	_ =	shalt  }
0x5d: {  	_ =	shalt  }
0x5e: {  	_ =	shalt  }
0x5f: {  	_ =	shalt  }
0x60: {  	_ =	shalt  }
0x61: {  	_ =	shalt  }
0x62: {  	_ =	shalt  }
0x63: {  	_ =	shalt  }
0x64: {  	_ =	shalt  }
0x65: {  	_ =	shalt  }
0x66: {  	_ =	shalt  }
0x67: {  	_ =	shalt  }
0x68: {  	_ =	shalt  }
0x69: {  	_ =	shalt  }
0x6a: {  	_ =	shalt  }
0x6b: {  	_ =	shalt  }
0x6c: {  	_ =	shalt  }
0x6d: {  	_ =	shalt  }
0x6e: {  	_ =	shalt  }
0x6f: {  	_ =	shalt  }
0x70: {  	_ =	shalt  }
0x71: {  	_ =	shalt  }
0x72: {  	_ =	shalt  }
0x73: {  	_ =	shalt  }
0x74: {  	_ =	shalt  }
0x75: {  	_ =	shalt  }
0x76: {  	_ =	shalt  }
0x77: {  	_ =	shalt  }
0x78: {  	_ =	shalt  }
0x79: {  	_ =	shalt  }
0x7a: {  	_ =	shalt  }
0x7b: {  	_ =	shalt  }
0x7c: {  	_ =	shalt  }
0x7d: {  	_ =	shalt  }
0x7e: {  	_ =	shalt  }
0x7f: {  	_ =	shalt  }
0x80: {  	_ =	shalt  }
0x81: {  	_ =	shalt  }
0x82: {  	_ =	shalt  }
0x83: {  	_ =	shalt  }
0x84: {  	_ =	shalt  }
0x85: {  	_ =	shalt  }
0x86: {  	_ =	shalt  }
0x87: {  	_ =	shalt  }
.Lfunc_end0:
.L_simem_size_0:
called_computation_lowered:
.L_overlay_start_0:
0x88: {  	s2 =	sld [smem:$0x3FD9]  }
0x89: {  	s3 =	sld [smem:$0x3FFE];
	_ =	sdelay $0x1  }
0x8a: {  	s1 =	srdreg.scid  }
0x8b: {  	s0 =	sand.u32 $0x1, s1  }
0x8c: {  	s16 =	sshll.u32 s0, $0xA;
	s2 =	sadd.s32 s3, s2  }
0x8d: {  	s2 =	sadd.s32 s2, s16  }
0x8e: {  	[smem:$0x3FC0] =	sst s2  }
0x8f: {  	_ = 	snop  }
0x90: {  	(tm) =	ssettm $0x1  }
0x91: {  	s17 =	sld [smem:$0x3FFB];
	_ =	sdelay $0x3  }
0x92: {  	_ =	strace s17  }
0x93: {  	s2 =	sld [smem:$0x3FFC];
	_ =	sdelay $0x3  }
0x94: {  	_ =	strace s2  }
0x95: {  	s2 =	sld [smem:$0x3FFD];
	_ =	sdelay $0x3  }
0x96: {  	_ =	strace s2  }
0x97: {  	_ =	strace $0x8FFFFFFF  }
0x98: {  	s18 =	sld [smem:$0x3FDB];
	_ =	sdelay $0x1  }
0x99: {  	s19 =	simm.s32 $_scs_section_size  }
0x9a: {  	s4 =	simm.s32 $_size__tile_overlayer_lowered;
	s5 =	simm.s32 $_tile_overlayer_lowered  }
0x9b: {  	s22 =	simm.s32 $0x1BFF;
	s21 =	sshll.u32 s5, $0x1;
	s2 =	sadd.s32 s19, s18  }
0x9c: {  	s6 =	simm.s32 $0x0;
	s20 =	sshll.u32 s4, $0x1;
	s4 =	sadd.s32 s21, s2  }
0x9d: {  	[timem:s6], [sflag:s22] =	dma.local [hbm:s4], s20  }
0x9e: {  	_ =	swait.ge [sflag:s22], s20  }
0x9f: {  	s3 =	ssub.s32 $0x0, s20;
	[sflag:s22] =	ssyncset.done $0x0  }
0xa0: {  	[sflag:s22] =	ssyncadd.s32 s3;
	_ =	sdelay $0x1  }
0xa1: {  	s23 =	simm.s32 $0x1B8B  }
0xa2: {  	_ =	swait.ge [sflag:s23], $0x1  }
0xa3: {  	[sflag:s23] =	ssyncset.done $0x0  }
0xa4: {  	s25 =	simm.s32 $0x1B8E;
	s24 =	sld [smem:$0x3FFE];
	[sflag:s23] =	ssyncadd.s32 $0xFFFFFFFF  }
0xa5: {  	s26 =	simm.s32 $execute0_lowered;
	[smem:$0x3FD2] =	sst s25  }
0xa6: {  	s4 =	sshll.u32 s26, $0x1;
	_ =	strace $0x80000046;
	[dreg:$0x1] =	wrdreg $0xFFFFFFFF  }
0xa7: {  	s28 =	simm.s32 $_size_execute0_lowered;
	s2 =	sadd.s32 s2, s4;
	[dreg:$0x0] =	wrdreg $0x0  }
0xa8: {  	s4 =	sshll.u32 s28, $0x1;
	[dreg:$0x2] =	wrdreg s2  }
0xa9: {  	[dreg:$0x3] =	wrdreg s4  }
0xaa: {  	[dreg:$0x4] =	wrdreg $0xC0  }
0xab: {  	_ =	task [dreg:s6], $0x5FFFF  }
0xac: {  	[dreg:$0x1] =	wrdreg $0xFFFFFFFF  }
0xad: {  	[dreg:$0x0] =	wrdreg $0x60  }
0xae: {  	[dreg:$0x2] =	wrdreg s24  }
0xaf: {  	[dreg:$0x3] =	wrdreg $0x68800  }
0xb0: {  	[dreg:$0x4] =	wrdreg $0x9  }
0xb1: {  	_ =	task.clear_ibuf [dreg:s6], $0x5FFFF;
	_ =	strace $0x90000046  }
0xb2: {  	s29 =	simm.s32 $0x9;
	_ =	strace $0x80000048  }
0xb3: {  	_ =	swait.ge [sflag:s29], $0x1  }
0xb4: {  	[sflag:s29] =	ssyncadd.s32 $0xFFFFFFFF  }
0xb5: {  	_ =	strace $0x90000048  }
0xb6: {  	_ =	sfence  }
0xb7: {  	s30 =	sld [smem:$0x0];
	_ =	sdelay $0x2  }
0xb8: {  	s31 =	sshll.u32 s1, $0xD;
	s1 =	sshrl.u32 s1, $0x2  }
0xb9: {  	s3 =	sand.u32 $0x4000, s31;
	s1 =	sadd.s32 s1, s30  }
0xba: {  	s0 =	sor.u32 s3, s0;
	s1 =	sshll.u32 s1, $0x11  }
0xbb: {  	s0 =	sor.u32 s1, s0  }
0xbc: {  	s0 =	sadd.s32 $0x8F2B, s0  }
0xbd: {  	[sflag:s0] =	ssyncadd.remote.s32 $0x1  }
0xbe: {  	_ =	sfence.sel $0xFFFF  }
0xbf: {  	[dreg:$0x0] =	wrdreg $0xFFFFFFFF;
	(pc) =	sbr.abs _section_cstart, $3  }
0xc0: {  	[dreg:$0x1] =	wrdreg $0xFFFFFFFF  }
0xc1: {  	_ =	task.clear_ibuf [dreg:s6], $0x2FFFF;
	_ =	strace $0x9FFFFFFF  }
0xc2: {  	(tm) =	ssettm $0x7FFFFFFF  }
0xc3: {  	_ =	shalt  }
tec
execute0_lowered:
.L_overlay_start_1:
0x0: {  	(tag) =	ssettag $0x1  }
0x1: {  	s5 =	rddreg [dreg:$0x0]  }
0x2: {  	s0 =	srdreg.scid;
	s2 =	rddreg [dreg:$0x1]  }
0x3: {  	s3 =	simm.s32 $0x0;
	s12 =	simm.s32 $0x1;
	s13 =	simm.s32 $0x2880  }
0x4: {  	s14 =	simm.s32 $0x80;
	s15 =	simm.s32 $0x2800;
	s4 =	sand.u32 $0x1, s0  }
0x5: {  	s18 =	simm.s32 $0x0;
	s0 =	stileid.u32;
	s7 =	smul.u32 $0x13C000, s4  }
0x6: {  	[smem:$0x7FF] =	sst s3;
	s1 =	sshll.u32 s4, $0x4;
	s8 =	smul.u32 $0x13C00, s0  }
0x7: {  	s9 =	smul.u32 $0x4F000, s0;
	s4 =	ssub.s32 $0x2, s4;
	s16 =	sshll.u32 s0, $0x6  }
0x8: {  	s1 =	sor.u32 s0, s1;
	s31 =	sshrl.u32 s4, $0x1;
	s16 =	sor.u32 $0x1C01, s16  }
0x9: {  	s6 =	smul.u32 $0x500, s1;
	s1 =	rddreg [dreg:$0x2];
	_ =	strace $0x80000047  }
0xa: {  	s7 =	sadd.s32 s8, s7;
	s9 =	sshrl.u32 s9, $0x2;
	s11 =	ssub.s32 s4, s31  }
0xb: {  	s7 =	sshrl.u32 s7, $0x3;
	s4 =	sadd.s32 s9, s2;
	s11 =	smax.u32 s11, $0x1  }
0xc: {  	s6 =	sadd.s32 s6, s5;
	s10 =	sadd.s32 s7, s5;
	s7 =	sadd.s32 $0x8000, s4  }
0xd: {  	s8 =	sadd.s32 $0xC000, s4;
	s9 =	sadd.s32 $0x10000, s4;
	s17 =	sshrl.u32 s4, $0x3  }
0xe: {  	v0 =	vimm.f32 $0.0e+00;
	v1 =	vimm.f32 $1.000000000e+00;
	s5 =	sadd.s32 $0x3600, s6;
	s6 =	sadd.s32 $0x4000, s4;
	s10 =	sadd.s32 $0xD600, s10  }
.LBB2_1:
0xf: {  	[tilespmem:s3], [sflag:$0x1] =	stream.linear.gather [hbm4b:s5+s3], $0x2800, $0x38;
	[tilespmem:$0x1A480] =	vst v63  }
0x10: {  	_ =	swait.ge [sflag:s12], $0x2800  }
0x11: {  	[sflag:s12] =	ssyncset.done $0x0  }
0x12: {  	s19 =	simm.s32 $0x0;
	s20 =	simm.s32 $0x200;
	[sflag:s12] =	ssyncadd.s32 $0xFFFFD800  }
.LBB2_2:
0x13: {  	p0 =	sne.s32 s20, $0xFE00;
	[tilespmem:s19+$0x28F0] =	vst v0  }
0x14: {  	[tilespmem:s19+$0x2880] =	vst v0  }
0x15: {  	[tilespmem:s19+$0x2890] =	vst v0  }
.Ltmp0:
0x16: {  	[tilespmem:s19+$0x28A0] =	vst v0;
	(pc) =	sbr.rel @p0 .LBB2_2-.Ltmp0, $4  }
0x17: {  	[tilespmem:s19+$0x28B0] =	vst v0  }
0x18: {  	[tilespmem:s19+$0x28C0] =	vst v0  }
0x19: {  	[tilespmem:s19+$0x28D0] =	vst v0  }
0x1a: {  	[tilespmem:s19+$0x28E0] =	vst v0;
	s19 =	sshra.s32 s20, $0x2;
	s20 =	sadd.s32 $0x200, s20  }
0x1b: {  	[tilespmem:s19+$0x28F0] =	vst v0  }
0x1c: {  	[tilespmem:s19+$0x2880] =	vst v0  }
0x1d: {  	[tilespmem:s19+$0x2890] =	vst v0  }
0x1e: {  	[tilespmem:s19+$0x28A0] =	vst v0  }
0x1f: {  	[tilespmem:s19+$0x28B0] =	vst v0  }
0x20: {  	[tilespmem:s19+$0x28C0] =	vst v0  }
0x21: {  	[tilespmem:s19+$0x28D0] =	vst v0  }
0x22: {  	[tilespmem:s19+$0x28E0] =	vst v0  }
0x23: {  	[spmem:s4] =	stream.linear.scatter [tilespmem:s13], [sflag:$0x1], $0x4000, $0x38;
	[tilespmem:$0x1A480] =	vst v63  }
0x24: {  	_ =	swait.ge [sflag:s12], $0x4000  }
0x25: {  	[sflag:s12] =	ssyncset.done $0x0  }
0x26: {  	[sflag:s12] =	ssyncadd.s32 $0xFFFFC000  }
0x27: {  	[spmem:s6] =	stream.linear.scatter [tilespmem:s13], [sflag:$0x1], $0x4000, $0x38;
	[tilespmem:$0x1A480] =	vst v63  }
0x28: {  	_ =	swait.ge [sflag:s12], $0x4000  }
0x29: {  	[sflag:s12] =	ssyncset.done $0x0  }
0x2a: {  	[sflag:s12] =	ssyncadd.s32 $0xFFFFC000  }
0x2b: {  	[spmem:s7] =	stream.linear.scatter [tilespmem:s13], [sflag:$0x1], $0x4000, $0x38;
	[tilespmem:$0x1A480] =	vst v63  }
0x2c: {  	_ =	swait.ge [sflag:s12], $0x4000  }
0x2d: {  	[sflag:s12] =	ssyncset.done $0x0  }
0x2e: {  	[sflag:s12] =	ssyncadd.s32 $0xFFFFC000  }
0x2f: {  	[spmem:s8] =	stream.linear.scatter [tilespmem:s13], [sflag:$0x1], $0x4000, $0x38;
	[tilespmem:$0x1A480] =	vst v63  }
0x30: {  	_ =	swait.ge [sflag:s12], $0x4000  }
0x31: {  	[sflag:s12] =	ssyncset.done $0x0  }
0x32: {  	[sflag:s12] =	ssyncadd.s32 $0xFFFFC000  }
0x33: {  	[spmem:s9] =	stream.linear.scatter [tilespmem:s13], [sflag:$0x1], $0x3C00, $0x38;
	[tilespmem:$0x1A480] =	vst v63  }
0x34: {  	_ =	swait.ge [sflag:s12], $0x3C00  }
0x35: {  	[sflag:s12] =	ssyncset.done $0x0  }
0x36: {  	s19 =	simm.s32 $0x0;
	s20 =	simm.s32 $0x200;
	[sflag:s12] =	ssyncadd.s32 $0xFFFFC400  }
.LBB2_4:
0x37: {  	p0 =	sne.s32 s20, $0xFE00;
	[tilespmem:s19+$0x28F0] =	vst v1  }
0x38: {  	[tilespmem:s19+$0x2880] =	vst v1  }
0x39: {  	[tilespmem:s19+$0x2890] =	vst v1  }
.Ltmp1:
0x3a: {  	[tilespmem:s19+$0x28A0] =	vst v1;
	(pc) =	sbr.rel @p0 .LBB2_4-.Ltmp1, $4  }
0x3b: {  	[tilespmem:s19+$0x28B0] =	vst v1  }
0x3c: {  	[tilespmem:s19+$0x28C0] =	vst v1  }
0x3d: {  	[tilespmem:s19+$0x28D0] =	vst v1  }
0x3e: {  	[tilespmem:s19+$0x28E0] =	vst v1;
	s19 =	sshra.s32 s20, $0x2;
	s20 =	sadd.s32 $0x200, s20  }
0x3f: {  	[tilespmem:s19+$0x28F0] =	vst v1  }
0x40: {  	[tilespmem:s19+$0x2880] =	vst v1  }
0x41: {  	[tilespmem:s19+$0x2890] =	vst v1  }
0x42: {  	[tilespmem:s19+$0x28A0] =	vst v1  }
0x43: {  	[tilespmem:s19+$0x28B0] =	vst v1  }
0x44: {  	[tilespmem:s19+$0x28C0] =	vst v1  }
0x45: {  	[tilespmem:s19+$0x28D0] =	vst v1  }
0x46: {  	[tilespmem:s19+$0x28E0] =	vst v1  }
0x47: {  	s31 =	simm.s32 $0x0;
	[bflag:$0x0] =	sbarrier.arrive $0xFFFF  }
0x48: {  	v2 =	vld [tilespmem:s31+$0x0];
	_ =	sdelay $0x4  }
0x49: {  	v2 =	vshrl.u32 v2, $0xE  }
0x4a: {  	[tilespmem:$0x2800] =	vst v2  }
0x4b: {  	v2 =	vld [tilespmem:s31+$0x10];
	_ =	sdelay $0x4  }
0x4c: {  	v2 =	vshrl.u32 v2, $0xE  }
0x4d: {  	[tilespmem:$0x2810] =	vst v2  }
0x4e: {  	v2 =	vld [tilespmem:s31+$0x20];
	_ =	sdelay $0x4  }
0x4f: {  	v2 =	vshrl.u32 v2, $0xE  }
0x50: {  	[tilespmem:$0x2820] =	vst v2  }
0x51: {  	v2 =	vld [tilespmem:s31+$0x30];
	_ =	sdelay $0x4  }
0x52: {  	v2 =	vshrl.u32 v2, $0xE  }
0x53: {  	[tilespmem:$0x2830] =	vst v2  }
0x54: {  	v2 =	vld [tilespmem:s31+$0x40];
	_ =	sdelay $0x4  }
0x55: {  	v2 =	vshrl.u32 v2, $0xE  }
0x56: {  	[tilespmem:$0x2840] =	vst v2  }
0x57: {  	v2 =	vld [tilespmem:s31+$0x50];
	_ =	sdelay $0x4  }
0x58: {  	v2 =	vshrl.u32 v2, $0xE  }
0x59: {  	[tilespmem:$0x2850] =	vst v2  }
0x5a: {  	v2 =	vld [tilespmem:s31+$0x60];
	_ =	sdelay $0x4  }
0x5b: {  	v2 =	vshrl.u32 v2, $0xE  }
0x5c: {  	[tilespmem:$0x2860] =	vst v2  }
0x5d: {  	v2 =	vld [tilespmem:s31+$0x70];
	_ =	sdelay $0x4  }
0x5e: {  	v2 =	vshrl.u32 v2, $0xE  }
0x5f: {  	[tilespmem:$0x2870] =	vst v2  }
0x60: {  	[spmem:s2] =	stream.indirect.scatter.add.f32 [tilespmem:s13], [sflag:$0x1], $0x80, s15, s14, $0xb8;
	[tilespmem:$0x1A480] =	vst v63  }
0x61: {  	_ =	swait.ge [sflag:s12], $0x4000  }
0x62: {  	s19 =	simm.s32 $0x200;
	s22 =	simm.s32 $0x400;
	[sflag:s12] =	ssyncset.done $0x0  }
.LBB2_6:
0x63: {  	s21 =	sshra.s32 s19, $0x2  }
0x64: {  	[sflag:s12] =	ssyncadd.s32 $0xFFFFC000;
	s19 =	smov.u32 s22;
	s20 =	sadd.s32 $0x200, s22  }
0x65: {  	p0 =	sne.s32 s22, $0x9E00;
	v2 =	vld [tilespmem:s21+$0x0];
	_ =	sdelay $0x4  }
0x66: {  	v2 =	vshrl.u32 v2, $0xE  }
0x67: {  	[tilespmem:$0x2800] =	vst v2  }
0x68: {  	v2 =	vld [tilespmem:s21+$0x10];
	_ =	sdelay $0x4  }
0x69: {  	v2 =	vshrl.u32 v2, $0xE  }
0x6a: {  	[tilespmem:$0x2810] =	vst v2  }
0x6b: {  	v2 =	vld [tilespmem:s21+$0x20];
	_ =	sdelay $0x4  }
0x6c: {  	v2 =	vshrl.u32 v2, $0xE  }
0x6d: {  	[tilespmem:$0x2820] =	vst v2  }
0x6e: {  	v2 =	vld [tilespmem:s21+$0x30];
	_ =	sdelay $0x4  }
0x6f: {  	v2 =	vshrl.u32 v2, $0xE  }
0x70: {  	[tilespmem:$0x2830] =	vst v2  }
0x71: {  	v2 =	vld [tilespmem:s21+$0x40];
	_ =	sdelay $0x4  }
0x72: {  	v2 =	vshrl.u32 v2, $0xE  }
0x73: {  	[tilespmem:$0x2840] =	vst v2  }
0x74: {  	v2 =	vld [tilespmem:s21+$0x50];
	_ =	sdelay $0x4  }
0x75: {  	v2 =	vshrl.u32 v2, $0xE  }
0x76: {  	[tilespmem:$0x2850] =	vst v2  }
0x77: {  	v2 =	vld [tilespmem:s21+$0x60];
	_ =	sdelay $0x4  }
0x78: {  	v2 =	vshrl.u32 v2, $0xE  }
0x79: {  	[tilespmem:$0x2860] =	vst v2  }
0x7a: {  	v2 =	vld [tilespmem:s21+$0x70];
	_ =	sdelay $0x4  }
.Ltmp2:
0x7b: {  	v2 =	vshrl.u32 v2, $0xE;
	(pc) =	sbr.rel @p0 .LBB2_6-.Ltmp2, $4  }
0x7c: {  	[tilespmem:$0x2870] =	vst v2  }
0x7d: {  	[spmem:s2] =	stream.indirect.scatter.add.f32 [tilespmem:s13], [sflag:$0x1], $0x80, s15, s14, $0xb8;
	[tilespmem:$0x1A480] =	vst v63  }
0x7e: {  	_ =	swait.ge [sflag:s12], $0x4000  }
0x7f: {  	s22 =	smov.u32 s20;
	[sflag:s12] =	ssyncset.done $0x0  }
0x80: {  	s19 =	sshra.s32 s19, $0x2;
	[sflag:s12] =	ssyncadd.s32 $0xFFFFC000  }
0x81: {  	v2 =	vld [tilespmem:s19+$0x0];
	_ =	sdelay $0x4  }
0x82: {  	v2 =	vshrl.u32 v2, $0xE  }
0x83: {  	[tilespmem:$0x2800] =	vst v2  }
0x84: {  	v2 =	vld [tilespmem:s19+$0x10];
	_ =	sdelay $0x4  }
0x85: {  	v2 =	vshrl.u32 v2, $0xE  }
0x86: {  	[tilespmem:$0x2810] =	vst v2  }
0x87: {  	v2 =	vld [tilespmem:s19+$0x20];
	_ =	sdelay $0x4  }
0x88: {  	v2 =	vshrl.u32 v2, $0xE  }
0x89: {  	[tilespmem:$0x2820] =	vst v2  }
0x8a: {  	v2 =	vld [tilespmem:s19+$0x30];
	_ =	sdelay $0x4  }
0x8b: {  	v2 =	vshrl.u32 v2, $0xE  }
0x8c: {  	[tilespmem:$0x2830] =	vst v2  }
0x8d: {  	v2 =	vld [tilespmem:s19+$0x40];
	_ =	sdelay $0x4  }
0x8e: {  	v2 =	vshrl.u32 v2, $0xE  }
0x8f: {  	[tilespmem:$0x2840] =	vst v2  }
0x90: {  	v2 =	vld [tilespmem:s19+$0x50];
	_ =	sdelay $0x4  }
0x91: {  	v2 =	vshrl.u32 v2, $0xE  }
0x92: {  	[tilespmem:$0x2850] =	vst v2  }
0x93: {  	v2 =	vld [tilespmem:s19+$0x60];
	_ =	sdelay $0x4  }
0x94: {  	v2 =	vshrl.u32 v2, $0xE  }
0x95: {  	[tilespmem:$0x2860] =	vst v2  }
0x96: {  	v2 =	vld [tilespmem:s19+$0x70];
	_ =	sdelay $0x4  }
0x97: {  	v2 =	vshrl.u32 v2, $0xE  }
0x98: {  	[tilespmem:$0x2870] =	vst v2  }
0x99: {  	[spmem:s2] =	stream.indirect.scatter.add.f32 [tilespmem:s13], [sflag:$0x1], $0x80, s15, s14, $0xb8;
	[tilespmem:$0x1A480] =	vst v63  }
0x9a: {  	_ =	swait.ge [sflag:s12], $0x4000  }
0x9b: {  	s18 =	sadd.s32 $0x1, s18;
	[sflag:s12] =	ssyncset.done $0x0  }
0x9c: {  	p0 =	sne.s32 s18, s11;
	[sflag:s12] =	ssyncadd.s32 $0xFFFFC000  }
.Ltmp3:
0x9d: {  	[bflag:$0x0] =	sbarrier.arrive $0xFFFF;
	(pc) =	sbr.rel @p0 .LBB2_1-.Ltmp3, $4  }
0x9e: {  	[hbm:s10], [sflag:s16] =	dma.local [spmem:s17], $0x2780  }
0x9f: {  	_ =	swait.ge [sflag:s12], $0x2780  }
0xa0: {  	[sflag:s12] =	ssyncset.done $0x0  }
0xa1: {  	[sflag:s12] =	ssyncadd.s32 $0xFFFFD880  }
0xa2: {  	_ =	sfence.sel $0x180000  }
0xa3: {  	[bflag:$0x0] =	sbarrier.arrive $0xFFFF  }
0xa4: {  	p0 =	sne.s32 s0, $0x0;
	_ =	strace $0x90000047  }
0xa5: {  	s0 =	sadd.s32 @!p0 $0x100000, s1;
	[bflag:$0x2] =	sbarrier.arrive $0xFFFF  }
0xa6: {  	[sflag:s0] =	ssyncadd.tile.s32 @!p0 $0x1;
	_ =	shalt  }
.Lfunc_end2:
_tile_overlayer_lowered:
.L_overlay_start_2:
0xa7: {  	(tag) =	ssettag $0x2  }
0xa8: {  	s0 =	rddreg [dreg:$0x0];
	s2 =	stileid.u32  }
0xa9: {  	s1 =	rddreg [dreg:$0x1];
	p0 =	sne.s32 s2, $0x0  }
0xaa: {  	s3 =	rddreg [dreg:$0x2];
	[bflag:$0x3] =	sbarrier.arrive $0xFFFF;
	s2 =	simm.s32 @!p0 $0x1C01  }
0xab: {  	[timem:s3], [sflag:s2] =	dma.local @!p0 [hbm:s0], s1  }
0xac: {  	s0 =	simm.s32 @!p0 $0x1  }
0xad: {  	_ =	swait.ge @!p0 [sflag:s0], s1  }
0xae: {  	s1 =	ssub.s32 @!p0 $0x0, s1;
	[sflag:s0] =	ssyncset.done @!p0 $0x0  }
0xaf: {  	[sflag:s0] =	ssyncadd.s32 @!p0 s1  }
0xb0: {  	[bflag:$0x3] =	sbarrier.arrive $0xFFFF  }
0xb1: {  	_ =	shalt  }

// kernel: kernel.15.cloned.1.call-start
scs
__scs_entry_jumppad:
0x0: {  	(pc) =	sbr.rel $0x88, $3  }
0x1: {  	(tag) =	ssettag $0x0;
	lr =	simm.s32 $0x1  }
0x2: {  	[smem:$0x3F99] =	sst lr;
	_ =	strace $0xD0000000  }
0x3: {  	_ = 	snop  }
0x4: {  	_ = 	snop  }
0x5: {  	_ = 	snop  }
0x6: {  	_ = 	snop  }
0x7: {  	_ = 	snop  }
__scs_overlays_trampoline_lowered:
0x8: {  	[smem:$0x3FA8] =	sst s0  }
0x9: {  	[smem:$0x3FA9] =	sst s1  }
0xa: {  	[smem:$0x3FAA] =	sst s2  }
0xb: {  	[smem:$0x3FAB] =	sst s3  }
0xc: {  	[smem:$0x3FAC] =	sst s4  }
0xd: {  	[smem:$0x3FAD] =	sst s5  }
0xe: {  	[smem:$0x3FAE] =	sst s6  }
0xf: {  	[smem:$0x3FAF] =	sst s7  }
0x10: {  	[smem:$0x3FB0] =	sst s8  }
0x11: {  	[smem:$0x3FB1] =	sst s9;
	s0 =	simm.s32 @!p0 $0x0  }
0x12: {  	s1 =	sld [smem:$0x3F97];
	s0 =	simm.s32 @p0 $0x1  }
0x13: {  	[smem:$0x3FB2] =	sst s0;
	s0 =	simm.s32 @!p1 $0x0  }
0x14: {  	s2 =	sld [smem:$0x3F96];
	s0 =	simm.s32 @p1 $0x1  }
0x15: {  	[smem:$0x3FB3] =	sst s0;
	s0 =	simm.s32 @!p2 $0x0  }
0x16: {  	s3 =	sld [smem:$0x3FDB];
	s0 =	simm.s32 @p2 $0x1  }
0x17: {  	s4 =	simm.s32 $0x1BF5;
	[smem:$0x3FB5] =	sst s0  }
0x18: {  	s0 =	sld [smem:$0x3F98];
	_ =	swait.ge [sflag:s4], $0x0  }
0x19: {  	s7 =	sld [smem:$0x3F99]  }
0x1a: {  	s8 =	sadd.s32 $0xFFFFE003, lr  }
0x1b: {  	s9 =	sadd.s32 $0xFFFFFEF7, lr;
	s5 =	simm.s32 $0xFFFFFFFF;
	p2 =	slt.u32 s8, $0xFFFFF086  }
0x1c: {  	p1 =	slt.u32 s9, $0xF7A;
	s5 =	simm.s32 @!p2 $0x0  }
0x1d: {  	s5 =	simm.s32 @p1 $0x1;
	p0 =	seq.s32 s7, s2  }
0x1e: {  	s7 =	smul.u32 @!p0 $0xF7A, s2;
	p2 =	seq.s32 @!p0 s5, $0x0  }
0x1f: {  	s9 =	smul.u32 $0xF7A, s1;
	s8 =	simm.s32 @!p0 $0x1BF5;
	p2 =	por !p2, p0  }
0x20: {  	[sflag:s8] =	ssyncset.s32 @!p0 $0xFFFFF086;
	s6 =	sadd.s32 @!p0 s3, s7;
	s7 =	simm.s32 @!p0 $0x108  }
0x21: {  	s3 =	sadd.s32 s3, s9;
	s6 =	sadd.s32 @!p0 $0x88, s6;
	s7 =	simm.s32 @p2 $0x1082  }
0x22: {  	[simem:s7], [sflag:s8] =	dma.local @!p0 [hbm:s6], $0xF7A  }
0x23: {  	s9 =	sor.u32 $0xD0000000, s2;
	s6 =	simm.s32 $0x108;
	_ =	swait.ge @!p0 [sflag:s8], $0x0  }
0x24: {  	s3 =	sadd.s32 $0x88, s3;
	s6 =	simm.s32 @!p1 $0x1082;
	[sflag:s4] =	ssyncset.s32 $0xFFFFF086  }
0x25: {  	[simem:s6], [sflag:s4] =	dma.local [hbm:s3], $0xF7A  }
0x26: {  	[smem:$0x3F99] =	sst s1;
	(tag) =	ssettag s2;
	_ =	strace s9  }
0x27: {  	s1 =	sld [smem:$0x3FA9]  }
0x28: {  	s2 =	sld [smem:$0x3FAA]  }
0x29: {  	s4 =	sld [smem:$0x3FAC]  }
0x2a: {  	p0 =	seq.s32 s5, $0x0;
	s5 =	sld [smem:$0x3FAD]  }
0x2b: {  	s6 =	sld [smem:$0x3FAE]  }
0x2c: {  	s7 =	sld [smem:$0x3FAF]  }
0x2d: {  	s3 =	simm.s32 $0x108;
	s8 =	sld [smem:$0x3FB0]  }
0x2e: {  	s3 =	simm.s32 @!p0 $0x1082;
	s9 =	sld [smem:$0x3FB1]  }
0x2f: {  	lr =	sadd.s32 s0, s3;
	s0 =	sld [smem:$0x3FA8]  }
0x30: {  	s3 =	sld [smem:$0x3FAB]  }
0x31: {  	[smem:$0x3FB4] =	sst s10  }
0x32: {  	s10 =	sld [smem:$0x3FB2];
	_ =	sdelay $0x3  }
0x33: {  	p0 =	seq.s32 s10, $0x1;
	s10 =	sld [smem:$0x3FB4];
	_ =	sdelay $0x3  }
0x34: {  	[smem:$0x3FB4] =	sst s10  }
0x35: {  	s10 =	sld [smem:$0x3FB3];
	_ =	sdelay $0x3  }
0x36: {  	p1 =	seq.s32 s10, $0x1;
	s10 =	sld [smem:$0x3FB4];
	_ =	sdelay $0x3  }
0x37: {  	[smem:$0x3FB4] =	sst s10  }
0x38: {  	s10 =	sld [smem:$0x3FB5]  }
0x39: {  	_ = 	snop;
	(pc) =	sbr.ind lr, $3  }
0x3a: {  	_ = 	snop  }
0x3b: {  	_ = 	snop  }
0x3c: {  	p2 =	seq.s32 s10, $0x1;
	s10 =	sld [smem:$0x3FB4]  }
0x3d: {  	_ =	shalt  }
0x3e: {  	_ =	shalt  }
0x3f: {  	_ =	shalt  }
0x40: {  	_ =	shalt  }
0x41: {  	_ =	shalt  }
0x42: {  	_ =	shalt  }
0x43: {  	_ =	shalt  }
0x44: {  	_ =	shalt  }
0x45: {  	_ =	shalt  }
0x46: {  	_ =	shalt  }
0x47: {  	_ =	shalt  }
0x48: {  	_ =	shalt  }
0x49: {  	_ =	shalt  }
0x4a: {  	_ =	shalt  }
0x4b: {  	_ =	shalt  }
0x4c: {  	_ =	shalt  }
0x4d: {  	_ =	shalt  }
0x4e: {  	_ =	shalt  }
0x4f: {  	_ =	shalt  }
0x50: {  	_ =	shalt  }
0x51: {  	_ =	shalt  }
0x52: {  	_ =	shalt  }
0x53: {  	_ =	shalt  }
0x54: {  	_ =	shalt  }
0x55: {  	_ =	shalt  }
0x56: {  	_ =	shalt  }
0x57: {  	_ =	shalt  }
0x58: {  	_ =	shalt  }
0x59: {  	_ =	shalt  }
0x5a: {  	_ =	shalt  }
0x5b: {  	_ =	shalt  }
0x5c: {  	_ =	shalt  }
0x5d: {  	_ =	shalt  }
0x5e: {  	_ =	shalt  }
0x5f: {  	_ =	shalt  }
0x60: {  	_ =	shalt  }
0x61: {  	_ =	shalt  }
0x62: {  	_ =	shalt  }
0x63: {  	_ =	shalt  }
0x64: {  	_ =	shalt  }
0x65: {  	_ =	shalt  }
0x66: {  	_ =	shalt  }
0x67: {  	_ =	shalt  }
0x68: {  	_ =	shalt  }
0x69: {  	_ =	shalt  }
0x6a: {  	_ =	shalt  }
0x6b: {  	_ =	shalt  }
0x6c: {  	_ =	shalt  }
0x6d: {  	_ =	shalt  }
0x6e: {  	_ =	shalt  }
0x6f: {  	_ =	shalt  }
0x70: {  	_ =	shalt  }
0x71: {  	_ =	shalt  }
0x72: {  	_ =	shalt  }
0x73: {  	_ =	shalt  }
0x74: {  	_ =	shalt  }
0x75: {  	_ =	shalt  }
0x76: {  	_ =	shalt  }
0x77: {  	_ =	shalt  }
0x78: {  	_ =	shalt  }
0x79: {  	_ =	shalt  }
0x7a: {  	_ =	shalt  }
0x7b: {  	_ =	shalt  }
0x7c: {  	_ =	shalt  }
0x7d: {  	_ =	shalt  }
0x7e: {  	_ =	shalt  }
0x7f: {  	_ =	shalt  }
0x80: {  	_ =	shalt  }
0x81: {  	_ =	shalt  }
0x82: {  	_ =	shalt  }
0x83: {  	_ =	shalt  }
0x84: {  	_ =	shalt  }
0x85: {  	_ =	shalt  }
0x86: {  	_ =	shalt  }
0x87: {  	_ =	shalt  }
.Lfunc_end0:
.L_simem_size_0:
called_computation.1_lowered:
.L_overlay_start_0:
0x88: {  	s2 =	sld [smem:$0x3FD9]  }
0x89: {  	s3 =	sld [smem:$0x3FFE];
	_ =	sdelay $0x1  }
0x8a: {  	s1 =	srdreg.scid  }
0x8b: {  	s0 =	sand.u32 $0x1, s1  }
0x8c: {  	s17 =	sshll.u32 s0, $0xA;
	s2 =	sadd.s32 s3, s2  }
0x8d: {  	s2 =	sadd.s32 s2, s17  }
0x8e: {  	[smem:$0x3FC0] =	sst s2  }
0x8f: {  	_ = 	snop  }
0x90: {  	s2 =	sld [smem:$0x3FD0];
	(tm) =	ssettm $0x1  }
0x91: {  	s18 =	sld [smem:$0x3FFB];
	_ =	sdelay $0x3  }
0x92: {  	_ =	strace s18  }
0x93: {  	s3 =	sld [smem:$0x3FFC];
	_ =	sdelay $0x3  }
0x94: {  	_ =	strace s3  }
0x95: {  	s3 =	sld [smem:$0x3FFD];
	_ =	sdelay $0x3  }
0x96: {  	_ =	strace s3  }
0x97: {  	_ =	strace $0x8FFFFFFF  }
0x98: {  	s19 =	sld [smem:$0x3FDB];
	_ =	sdelay $0x1  }
0x99: {  	s4 =	simm.s32 $_scs_section_size  }
0x9a: {  	s5 =	simm.s32 $_size__tile_overlayer_lowered;
	s6 =	simm.s32 $_tile_overlayer_lowered  }
0x9b: {  	s22 =	simm.s32 $0x1BFF;
	s21 =	sshll.u32 s6, $0x1;
	s3 =	sadd.s32 s4, s19  }
0x9c: {  	s7 =	simm.s32 $0x0;
	s20 =	sshll.u32 s5, $0x1;
	s5 =	sadd.s32 s21, s3  }
0x9d: {  	[timem:s7], [sflag:s22] =	dma.local [hbm:s5], s20  }
0x9e: {  	_ =	swait.ge [sflag:s22], s20  }
0x9f: {  	s4 =	ssub.s32 $0x0, s20;
	[sflag:s22] =	ssyncset.done $0x0  }
0xa0: {  	[sflag:s22] =	ssyncadd.s32 s4;
	_ =	sdelay $0x1  }
0xa1: {  	s23 =	simm.s32 $0x1B8B  }
0xa2: {  	_ =	swait.ge [sflag:s23], $0x1  }
0xa3: {  	[sflag:s23] =	ssyncset.done $0x0  }
0xa4: {  	s25 =	simm.s32 $0x1B8E;
	s24 =	sld [smem:$0x3FFE];
	[sflag:s23] =	ssyncadd.s32 $0xFFFFFFFF  }
0xa5: {  	s26 =	simm.s32 $execute0_lowered;
	[smem:$0x3FD2] =	sst s25  }
0xa6: {  	s5 =	sshll.u32 s26, $0x1;
	_ =	strace $0x80000049;
	[dreg:$0x1] =	wrdreg $0xFFFFFFFF  }
0xa7: {  	s28 =	simm.s32 $_size_execute0_lowered;
	s3 =	sadd.s32 s3, s5;
	[dreg:$0x0] =	wrdreg $0x0  }
0xa8: {  	s5 =	sshll.u32 s28, $0x1;
	[dreg:$0x2] =	wrdreg s3  }
0xa9: {  	[dreg:$0x3] =	wrdreg s5  }
0xaa: {  	[dreg:$0x4] =	wrdreg $0xC0  }
0xab: {  	_ =	task [dreg:s7], $0x5FFFF  }
0xac: {  	[dreg:$0x1] =	wrdreg $0xFFFFFFFF  }
0xad: {  	[dreg:$0x0] =	wrdreg $0x60  }
0xae: {  	[dreg:$0x2] =	wrdreg s2  }
0xaf: {  	[dreg:$0x3] =	wrdreg s24  }
0xb0: {  	[dreg:$0x4] =	wrdreg $0xA9800  }
0xb1: {  	[dreg:$0x5] =	wrdreg $0x9  }
0xb2: {  	_ =	task.clear_ibuf [dreg:s7], $0x6FFFF;
	_ =	strace $0x90000049  }
0xb3: {  	s29 =	simm.s32 $0x9;
	_ =	strace $0x8000004B  }
0xb4: {  	_ =	swait.ge [sflag:s29], $0x1  }
0xb5: {  	[sflag:s29] =	ssyncadd.s32 $0xFFFFFFFF  }
0xb6: {  	_ =	strace $0x9000004B  }
0xb7: {  	_ =	sfence  }
0xb8: {  	s30 =	sld [smem:$0x0];
	_ =	sdelay $0x2  }
0xb9: {  	s31 =	sshll.u32 s1, $0xD;
	s1 =	sshrl.u32 s1, $0x2  }
0xba: {  	s3 =	sand.u32 $0x4000, s31;
	s1 =	sadd.s32 s1, s30  }
0xbb: {  	s0 =	sor.u32 s3, s0;
	s1 =	sshll.u32 s1, $0x11  }
0xbc: {  	s0 =	sor.u32 s1, s0  }
0xbd: {  	s0 =	sadd.s32 $0x8F2B, s0  }
0xbe: {  	[sflag:s0] =	ssyncadd.remote.s32 $0x1  }
0xbf: {  	_ =	sfence.sel $0xFFFF  }
0xc0: {  	[dreg:$0x0] =	wrdreg $0xFFFFFFFF;
	(pc) =	sbr.abs _section_cstart, $3  }
0xc1: {  	[dreg:$0x1] =	wrdreg $0xFFFFFFFF  }
0xc2: {  	_ =	task.clear_ibuf [dreg:s7], $0x2FFFF;
	_ =	strace $0x9FFFFFFF  }
0xc3: {  	(tm) =	ssettm $0x7FFFFFFF  }
tec
execute0_lowered:
.L_overlay_start_1:
0x0: {  	(tag) =	ssettag $0x1  }
0x1: {  	s2 =	rddreg [dreg:$0x0]  }
0x2: {  	s6 =	rddreg [dreg:$0x1]  }
0x3: {  	s0 =	srdreg.scid;
	s3 =	rddreg [dreg:$0x2]  }
0x4: {  	s4 =	simm.s32 $0x0;
	s13 =	simm.s32 $0x3;
	s14 =	simm.s32 $0x2980  }
0x5: {  	s15 =	simm.s32 $0x80;
	s16 =	simm.s32 $0x2800;
	s17 =	simm.s32 $0x1  }
0x6: {  	s18 =	simm.s32 $0x2880;
	s19 =	simm.s32 $0x6980;
	s5 =	sand.u32 $0x1, s0  }
0x7: {  	s20 =	simm.s32 $0x2900;
	s0 =	stileid.u32;
	s8 =	smul.u32 $0x13C000, s5  }
0x8: {  	s23 =	simm.s32 $0x2;
	s24 =	simm.s32 $0x0;
	s9 =	smul.u32 $0x13C00, s0  }
0x9: {  	[smem:$0x7FF] =	sst s4;
	s1 =	sshll.u32 s5, $0x4;
	s10 =	smul.u32 $0x4F000, s0  }
0xa: {  	s29 =	ssub.s32 $0x2, s5;
	s21 =	sshll.u32 s0, $0x6;
	s1 =	sor.u32 s0, s1  }
0xb: {  	s31 =	sshrl.u32 s29, $0x1;
	s21 =	sor.u32 $0x1C03, s21;
	s7 =	smul.u32 $0x500, s1  }
0xc: {  	s1 =	rddreg [dreg:$0x3];
	_ =	strace $0x8000004A;
	s8 =	sadd.s32 s9, s8  }
.Ltmp0:
0xd: {  	s30 =	sshrl.u32 s10, $0x2;
	s12 =	ssub.s32 s29, s31;
	(pc) =	sbr.rel .LBB2_1-.Ltmp0, $4  }
0xe: {  	s8 =	sshrl.u32 s8, $0x3;
	s5 =	sadd.s32 s30, s3;
	s12 =	smax.u32 s12, $0x1  }
0xf: {  	s7 =	sadd.s32 s7, s6;
	s11 =	sadd.s32 s8, s6;
	s8 =	sadd.s32 $0x8000, s5  }
0x10: {  	s9 =	sadd.s32 $0xC000, s5;
	s10 =	sadd.s32 $0x10000, s5;
	s22 =	sshrl.u32 s5, $0x3  }
0x11: {  	v0 =	vimm.f32 $0.0e+00;
	s6 =	sadd.s32 $0x3600, s7;
	s7 =	sadd.s32 $0x4000, s5;
	s11 =	sadd.s32 $0xD600, s11  }
.LBB2_8:
0x12: {  	s24 =	sadd.s32 $0x1, s24  }
0x13: {  	p0 =	sne.s32 s24, s12  }
.Ltmp1:
0x14: {  	[bflag:$0x0] =	sbarrier.arrive $0xFFFF;
	(pc) =	sbr.rel @!p0 .LBB2_9-.Ltmp1, $4  }
0x15: {  	[hbm:s11], [sflag:s21] =	dma.local [spmem:s22], $0x2780  }
0x16: {  	_ =	swait.ge [sflag:s13], $0x2780  }
0x17: {  	[sflag:s13] =	ssyncset.done $0x0  }
0x18: {  	[sflag:s13] =	ssyncadd.s32 $0xFFFFD880  }
.LBB2_1:
0x19: {  	[tilespmem:s4], [sflag:$0x3] =	stream.linear.gather [hbm4b:s6+s4], $0x2800, $0x38;
	[tilespmem:$0x1E580] =	vst v63  }
0x1a: {  	_ =	swait.ge [sflag:s13], $0x2800  }
0x1b: {  	[sflag:s13] =	ssyncset.done $0x0  }
0x1c: {  	s25 =	simm.s32 $0x0;
	s26 =	simm.s32 $0x200;
	[sflag:s13] =	ssyncadd.s32 $0xFFFFD800  }
.LBB2_2:
0x1d: {  	p0 =	sne.s32 s26, $0xFE00;
	[tilespmem:s25+$0x29F0] =	vst v0  }
0x1e: {  	[tilespmem:s25+$0x2980] =	vst v0  }
0x1f: {  	[tilespmem:s25+$0x2990] =	vst v0  }
.Ltmp2:
0x20: {  	[tilespmem:s25+$0x29A0] =	vst v0;
	(pc) =	sbr.rel @p0 .LBB2_2-.Ltmp2, $4  }
0x21: {  	[tilespmem:s25+$0x29B0] =	vst v0  }
0x22: {  	[tilespmem:s25+$0x29C0] =	vst v0  }
0x23: {  	[tilespmem:s25+$0x29D0] =	vst v0  }
0x24: {  	[tilespmem:s25+$0x29E0] =	vst v0;
	s25 =	sshra.s32 s26, $0x2;
	s26 =	sadd.s32 $0x200, s26  }
0x25: {  	[tilespmem:s25+$0x29F0] =	vst v0  }
0x26: {  	[tilespmem:s25+$0x2980] =	vst v0  }
0x27: {  	[tilespmem:s25+$0x2990] =	vst v0  }
0x28: {  	[tilespmem:s25+$0x29A0] =	vst v0  }
0x29: {  	[tilespmem:s25+$0x29B0] =	vst v0  }
0x2a: {  	[tilespmem:s25+$0x29C0] =	vst v0  }
0x2b: {  	[tilespmem:s25+$0x29D0] =	vst v0  }
0x2c: {  	[tilespmem:s25+$0x29E0] =	vst v0  }
0x2d: {  	[spmem:s5] =	stream.linear.scatter [tilespmem:s14], [sflag:$0x3], $0x4000, $0x38;
	[tilespmem:$0x1E580] =	vst v63  }
0x2e: {  	_ =	swait.ge [sflag:s13], $0x4000  }
0x2f: {  	[sflag:s13] =	ssyncset.done $0x0  }
0x30: {  	[sflag:s13] =	ssyncadd.s32 $0xFFFFC000  }
0x31: {  	[spmem:s7] =	stream.linear.scatter [tilespmem:s14], [sflag:$0x3], $0x4000, $0x38;
	[tilespmem:$0x1E580] =	vst v63  }
0x32: {  	_ =	swait.ge [sflag:s13], $0x4000  }
0x33: {  	[sflag:s13] =	ssyncset.done $0x0  }
0x34: {  	[sflag:s13] =	ssyncadd.s32 $0xFFFFC000  }
0x35: {  	[spmem:s8] =	stream.linear.scatter [tilespmem:s14], [sflag:$0x3], $0x4000, $0x38;
	[tilespmem:$0x1E580] =	vst v63  }
0x36: {  	_ =	swait.ge [sflag:s13], $0x4000  }
0x37: {  	[sflag:s13] =	ssyncset.done $0x0  }
0x38: {  	[sflag:s13] =	ssyncadd.s32 $0xFFFFC000  }
0x39: {  	[spmem:s9] =	stream.linear.scatter [tilespmem:s14], [sflag:$0x3], $0x4000, $0x38;
	[tilespmem:$0x1E580] =	vst v63  }
0x3a: {  	_ =	swait.ge [sflag:s13], $0x4000  }
0x3b: {  	[sflag:s13] =	ssyncset.done $0x0  }
0x3c: {  	[sflag:s13] =	ssyncadd.s32 $0xFFFFC000  }
0x3d: {  	[spmem:s10] =	stream.linear.scatter [tilespmem:s14], [sflag:$0x3], $0x3C00, $0x38;
	[tilespmem:$0x1E580] =	vst v63  }
0x3e: {  	_ =	swait.ge [sflag:s13], $0x3C00  }
0x3f: {  	[sflag:s13] =	ssyncset.done $0x0  }
0x40: {  	[sflag:s13] =	ssyncadd.s32 $0xFFFFC400  }
0x41: {  	[bflag:$0x0] =	sbarrier.arrive $0xFFFF  }
0x42: {  	v1 =	vld [tilespmem:$0x0]  }
0x43: {  	v2 =	vld [tilespmem:$0x10]  }
0x44: {  	v3 =	vld [tilespmem:$0x20]  }
0x45: {  	v4 =	vld [tilespmem:$0x30]  }
0x46: {  	v5 =	vld [tilespmem:$0x40]  }
0x47: {  	v6 =	vld [tilespmem:$0x50];
	v1 =	vand.u32 $0x3FFF, v1  }
0x48: {  	[tilespmem:$0x2800] =	vst v1;
	v1 =	vand.u32 $0x3FFF, v2;
	v2 =	vld [tilespmem:$0x60]  }
0x49: {  	[tilespmem:$0x2810] =	vst v1;
	v1 =	vand.u32 $0x3FFF, v3;
	v3 =	vld [tilespmem:$0x70]  }
0x4a: {  	[tilespmem:$0x2820] =	vst v1;
	v1 =	vand.u32 $0x3FFF, v4  }
0x4b: {  	[tilespmem:$0x2830] =	vst v1;
	v1 =	vand.u32 $0x3FFF, v5  }
.Ltmp3:
0x4c: {  	[tilespmem:$0x2840] =	vst v1;
	v1 =	vand.u32 $0x3FFF, v6;
	(pc) =	sbr.rel .LBB2_4-.Ltmp3, $4  }
0x4d: {  	[tilespmem:$0x2850] =	vst v1;
	v1 =	vand.u32 $0x3FFF, v2  }
0x4e: {  	[tilespmem:$0x2860] =	vst v1;
	v1 =	vand.u32 $0x3FFF, v3  }
0x4f: {  	s25 =	simm.s32 $0x0;
	s26 =	simm.s32 $0x0;
	[tilespmem:$0x2870] =	vst v1  }
0x50: {  	[tilespmem:s14], [sflag:$0x1] =	stream.indirect.gather [hbm4b:s2+s15], $0x80, s16, s15, $0xb8;
	[tilespmem:$0x1E580] =	vst v63  }
.LBB2_6:
0x51: {  	_ =	swait.ge [sflag:s23], $0x4000  }
0x52: {  	p0 =	seq.s32 s25, $0x9E00;
	[sflag:s23] =	ssyncset.done $0x0  }
0x53: {  	s28 =	sshra.s32 @!p0 s25, $0x2;
	[sflag:s23] =	ssyncadd.s32 $0xFFFFC000  }
0x54: {  	v1 =	vld @!p0 [tilespmem:s28+$0x80];
	_ =	sdelay $0x4  }
0x55: {  	v1 =	vand.u32 @!p0 $0x3FFF, v1  }
0x56: {  	[tilespmem:$0x2800] =	vst @!p0 v1  }
0x57: {  	v1 =	vld @!p0 [tilespmem:s28+$0x90];
	_ =	sdelay $0x4  }
0x58: {  	v1 =	vand.u32 @!p0 $0x3FFF, v1  }
0x59: {  	[tilespmem:$0x2810] =	vst @!p0 v1  }
0x5a: {  	v1 =	vld @!p0 [tilespmem:s28+$0xA0];
	_ =	sdelay $0x4  }
0x5b: {  	v1 =	vand.u32 @!p0 $0x3FFF, v1  }
0x5c: {  	[tilespmem:$0x2820] =	vst @!p0 v1  }
0x5d: {  	v1 =	vld @!p0 [tilespmem:s28+$0xB0];
	_ =	sdelay $0x4  }
0x5e: {  	v1 =	vand.u32 @!p0 $0x3FFF, v1  }
0x5f: {  	[tilespmem:$0x2830] =	vst @!p0 v1  }
0x60: {  	v1 =	vld @!p0 [tilespmem:s28+$0xC0];
	_ =	sdelay $0x4  }
0x61: {  	v1 =	vand.u32 @!p0 $0x3FFF, v1  }
0x62: {  	[tilespmem:$0x2840] =	vst @!p0 v1  }
0x63: {  	v1 =	vld @!p0 [tilespmem:s28+$0xD0];
	_ =	sdelay $0x4  }
0x64: {  	v1 =	vand.u32 @!p0 $0x3FFF, v1  }
0x65: {  	[tilespmem:$0x2850] =	vst @!p0 v1  }
0x66: {  	v1 =	vld @!p0 [tilespmem:s28+$0xE0];
	_ =	sdelay $0x4  }
0x67: {  	v1 =	vand.u32 @!p0 $0x3FFF, v1  }
0x68: {  	[tilespmem:$0x2860] =	vst @!p0 v1  }
0x69: {  	v1 =	vld @!p0 [tilespmem:s28+$0xF0];
	_ =	sdelay $0x4  }
0x6a: {  	v1 =	vand.u32 @!p0 $0x3FFF, v1  }
0x6b: {  	s29 =	simm.s32 @!p0 $0x2800;
	s30 =	simm.s32 @!p0 $0x2980;
	s28 =	simm.s32 @!p0 $0x80;
	[tilespmem:$0x2870] =	vst @!p0 v1  }
0x6c: {  	[tilespmem:s30], [sflag:$0x1] =	stream.indirect.gather @!p0 [hbm4b:s2+s28], $0x80, s29, s28, $0xb8;
	[tilespmem:$0x1E580] =	vst v63  }
0x6d: {  	s28 =	smov.u32 s25  }
0x6e: {  	s28 =	simm.s32 @p0 $0x9E00  }
0x6f: {  	s28 =	sshra.s32 s28, $0x2  }
0x70: {  	v1 =	vld [tilespmem:s28+$0x0];
	_ =	sdelay $0x4  }
0x71: {  	v1 =	vshrl.u32 v1, $0xE  }
0x72: {  	[tilespmem:$0x2900] =	vst v1  }
0x73: {  	v1 =	vld [tilespmem:s28+$0x10];
	_ =	sdelay $0x4  }
0x74: {  	v1 =	vshrl.u32 v1, $0xE  }
0x75: {  	[tilespmem:$0x2910] =	vst v1  }
0x76: {  	v1 =	vld [tilespmem:s28+$0x20];
	_ =	sdelay $0x4  }
0x77: {  	v1 =	vshrl.u32 v1, $0xE  }
0x78: {  	[tilespmem:$0x2920] =	vst v1  }
0x79: {  	v1 =	vld [tilespmem:s28+$0x30];
	_ =	sdelay $0x4  }
0x7a: {  	v1 =	vshrl.u32 v1, $0xE  }
0x7b: {  	[tilespmem:$0x2930] =	vst v1  }
0x7c: {  	v1 =	vld [tilespmem:s28+$0x40];
	_ =	sdelay $0x4  }
0x7d: {  	v1 =	vshrl.u32 v1, $0xE  }
0x7e: {  	[tilespmem:$0x2940] =	vst v1  }
0x7f: {  	v1 =	vld [tilespmem:s28+$0x50];
	_ =	sdelay $0x4  }
0x80: {  	v1 =	vshrl.u32 v1, $0xE  }
0x81: {  	[tilespmem:$0x2950] =	vst v1  }
0x82: {  	v1 =	vld [tilespmem:s28+$0x60];
	_ =	sdelay $0x4  }
0x83: {  	v1 =	vshrl.u32 v1, $0xE  }
0x84: {  	[tilespmem:$0x2960] =	vst v1  }
0x85: {  	v1 =	vld [tilespmem:s28+$0x70];
	_ =	sdelay $0x4  }
0x86: {  	v1 =	vshrl.u32 v1, $0xE  }
0x87: {  	s28 =	simm.s32 $0x3;
	[tilespmem:$0x2970] =	vst v1  }
0x88: {  	[spmem:s3] =	stream.indirect.scatter.add.f32 [tilespmem:s19], [sflag:$0x3], $0x80, s20, s15, $0xb8;
	[tilespmem:$0x1E580] =	vst v63  }
.LBB2_7:
0x89: {  	s26 =	sadd.s32 $0x1, s26  }
0x8a: {  	p0 =	sne.s32 s26, $0x50  }
.Ltmp4:
0x8b: {  	_ = 	snop;
	(pc) =	sbr.rel @!p0 .LBB2_8-.Ltmp4, $4  }
0x8c: {  	_ = 	snop  }
0x8d: {  	_ =	swait.ge [sflag:s28], $0x4000  }
0x8e: {  	[sflag:s28] =	ssyncset.done $0x0  }
0x8f: {  	s25 =	sadd.s32 $0x200, s25;
	[sflag:s28] =	ssyncadd.s32 $0xFFFFC000  }
.LBB2_4:
0x90: {  	s28 =	sand.u32 $0x1, s26  }
0x91: {  	p0 =	seq.s32 s28, $0x1  }
.Ltmp5:
0x92: {  	_ = 	snop;
	(pc) =	sbr.rel @p0 .LBB2_6-.Ltmp5, $1  }
0x93: {  	_ =	sdelay $0x3  }
0x94: {  	_ =	swait.ge [sflag:s17], $0x4000  }
0x95: {  	[sflag:s17] =	ssyncset.done $0x0  }
0x96: {  	s28 =	sshra.s32 s25, $0x2;
	[sflag:s17] =	ssyncadd.s32 $0xFFFFC000  }
0x97: {  	v1 =	vld [tilespmem:s28+$0x80];
	_ =	sdelay $0x4  }
0x98: {  	v1 =	vand.u32 $0x3FFF, v1  }
0x99: {  	[tilespmem:$0x2880] =	vst v1  }
0x9a: {  	v1 =	vld [tilespmem:s28+$0x90];
	_ =	sdelay $0x4  }
0x9b: {  	v1 =	vand.u32 $0x3FFF, v1  }
0x9c: {  	[tilespmem:$0x2890] =	vst v1  }
0x9d: {  	v1 =	vld [tilespmem:s28+$0xA0];
	_ =	sdelay $0x4  }
0x9e: {  	v1 =	vand.u32 $0x3FFF, v1  }
0x9f: {  	[tilespmem:$0x28A0] =	vst v1  }
0xa0: {  	v1 =	vld [tilespmem:s28+$0xB0];
	_ =	sdelay $0x4  }
0xa1: {  	v1 =	vand.u32 $0x3FFF, v1  }
0xa2: {  	[tilespmem:$0x28B0] =	vst v1  }
0xa3: {  	v1 =	vld [tilespmem:s28+$0xC0];
	_ =	sdelay $0x4  }
0xa4: {  	v1 =	vand.u32 $0x3FFF, v1  }
0xa5: {  	[tilespmem:$0x28C0] =	vst v1  }
0xa6: {  	v1 =	vld [tilespmem:s28+$0xD0];
	_ =	sdelay $0x4  }
0xa7: {  	v1 =	vand.u32 $0x3FFF, v1  }
0xa8: {  	[tilespmem:$0x28D0] =	vst v1  }
0xa9: {  	v1 =	vld [tilespmem:s28+$0xE0];
	_ =	sdelay $0x4  }
0xaa: {  	v1 =	vand.u32 $0x3FFF, v1  }
0xab: {  	[tilespmem:$0x28E0] =	vst v1  }
0xac: {  	v1 =	vld [tilespmem:s28+$0xF0];
	_ =	sdelay $0x4  }
0xad: {  	v1 =	vand.u32 $0x3FFF, v1  }
0xae: {  	[tilespmem:$0x28F0] =	vst v1  }
0xaf: {  	[tilespmem:s19], [sflag:$0x2] =	stream.indirect.gather [hbm4b:s2+s15], $0x80, s18, s15, $0xb8;
	[tilespmem:$0x1E580] =	vst v63  }
0xb0: {  	v1 =	vld [tilespmem:s28+$0x0];
	_ =	sdelay $0x4  }
0xb1: {  	v1 =	vshrl.u32 v1, $0xE  }
0xb2: {  	[tilespmem:$0x2900] =	vst v1  }
0xb3: {  	v1 =	vld [tilespmem:s28+$0x10];
	_ =	sdelay $0x4  }
0xb4: {  	v1 =	vshrl.u32 v1, $0xE  }
0xb5: {  	[tilespmem:$0x2910] =	vst v1  }
0xb6: {  	v1 =	vld [tilespmem:s28+$0x20];
	_ =	sdelay $0x4  }
0xb7: {  	v1 =	vshrl.u32 v1, $0xE  }
0xb8: {  	[tilespmem:$0x2920] =	vst v1  }
0xb9: {  	v1 =	vld [tilespmem:s28+$0x30];
	_ =	sdelay $0x4  }
0xba: {  	v1 =	vshrl.u32 v1, $0xE  }
0xbb: {  	[tilespmem:$0x2930] =	vst v1  }
0xbc: {  	v1 =	vld [tilespmem:s28+$0x40];
	_ =	sdelay $0x4  }
0xbd: {  	v1 =	vshrl.u32 v1, $0xE  }
0xbe: {  	[tilespmem:$0x2940] =	vst v1  }
0xbf: {  	v1 =	vld [tilespmem:s28+$0x50];
	_ =	sdelay $0x4  }
0xc0: {  	v1 =	vshrl.u32 v1, $0xE  }
0xc1: {  	[tilespmem:$0x2950] =	vst v1  }
0xc2: {  	v1 =	vld [tilespmem:s28+$0x60];
	_ =	sdelay $0x4  }
0xc3: {  	v1 =	vshrl.u32 v1, $0xE  }
0xc4: {  	[tilespmem:$0x2960] =	vst v1  }
0xc5: {  	v1 =	vld [tilespmem:s28+$0x70];
	_ =	sdelay $0x2  }
.Ltmp6:
0xc6: {  	_ = 	snop;
	(pc) =	sbr.rel .LBB2_7-.Ltmp6, $4  }
0xc7: {  	_ = 	snop  }
0xc8: {  	v1 =	vshrl.u32 v1, $0xE  }
0xc9: {  	s28 =	simm.s32 $0x4;
	[tilespmem:$0x2970] =	vst v1  }
0xca: {  	[spmem:s3] =	stream.indirect.scatter.add.f32 [tilespmem:s14], [sflag:$0x4], $0x80, s20, s15, $0xb8;
	[tilespmem:$0x1E580] =	vst v63  }
.LBB2_9:
0xcb: {  	_ =	sfence.sel $0x180000  }
0xcc: {  	[bflag:$0x0] =	sbarrier.arrive $0xFFFF  }
0xcd: {  	p0 =	sne.s32 s0, $0x0;
	_ =	strace $0x9000004A  }
0xce: {  	s0 =	sadd.s32 @!p0 $0x100000, s1;
	[bflag:$0x2] =	sbarrier.arrive $0xFFFF  }
0xcf: {  	[sflag:s0] =	ssyncadd.tile.s32 @!p0 $0x1;
	_ =	shalt  }
.Lfunc_end2:
_tile_overlayer_lowered:
.L_overlay_start_2:
0xd0: {  	(tag) =	ssettag $0x2  }
0xd1: {  	s0 =	rddreg [dreg:$0x0];
	s2 =	stileid.u32  }
0xd2: {  	s1 =	rddreg [dreg:$0x1];
	p0 =	sne.s32 s2, $0x0  }
0xd3: {  	s3 =	rddreg [dreg:$0x2];
	[bflag:$0x3] =	sbarrier.arrive $0xFFFF;
	s2 =	simm.s32 @!p0 $0x1C03  }
0xd4: {  	[timem:s3], [sflag:s2] =	dma.local @!p0 [hbm:s0], s1  }
0xd5: {  	s0 =	simm.s32 @!p0 $0x3  }
0xd6: {  	_ =	swait.ge @!p0 [sflag:s0], s1  }
0xd7: {  	s1 =	ssub.s32 @!p0 $0x0, s1;
	[sflag:s0] =	ssyncset.done @!p0 $0x0  }
0xd8: {  	[sflag:s0] =	ssyncadd.s32 @!p0 s1  }
0xd9: {  	[bflag:$0x3] =	sbarrier.arrive $0xFFFF  }
0xda: {  	_ =	shalt  }

// kernel: kernel.18.cloned.1.call-start
scs
__scs_entry_jumppad:
0x0: {  	(pc) =	sbr.rel $0x88, $3  }
0x1: {  	(tag) =	ssettag $0x0;
	lr =	simm.s32 $0x1  }
0x2: {  	[smem:$0x3F99] =	sst lr;
	_ =	strace $0xD0000000  }
0x3: {  	_ = 	snop  }
0x4: {  	_ = 	snop  }
0x5: {  	_ = 	snop  }
0x6: {  	_ = 	snop  }
0x7: {  	_ = 	snop  }
__scs_overlays_trampoline_lowered:
0x8: {  	[smem:$0x3FA8] =	sst s0  }
0x9: {  	[smem:$0x3FA9] =	sst s1  }
0xa: {  	[smem:$0x3FAA] =	sst s2  }
0xb: {  	[smem:$0x3FAB] =	sst s3  }
0xc: {  	[smem:$0x3FAC] =	sst s4  }
0xd: {  	[smem:$0x3FAD] =	sst s5  }
0xe: {  	[smem:$0x3FAE] =	sst s6  }
0xf: {  	[smem:$0x3FAF] =	sst s7  }
0x10: {  	[smem:$0x3FB0] =	sst s8  }
0x11: {  	[smem:$0x3FB1] =	sst s9;
	s0 =	simm.s32 @!p0 $0x0  }
0x12: {  	s1 =	sld [smem:$0x3F97];
	s0 =	simm.s32 @p0 $0x1  }
0x13: {  	[smem:$0x3FB2] =	sst s0;
	s0 =	simm.s32 @!p1 $0x0  }
0x14: {  	s2 =	sld [smem:$0x3F96];
	s0 =	simm.s32 @p1 $0x1  }
0x15: {  	[smem:$0x3FB3] =	sst s0;
	s0 =	simm.s32 @!p2 $0x0  }
0x16: {  	s3 =	sld [smem:$0x3FDB];
	s0 =	simm.s32 @p2 $0x1  }
0x17: {  	s4 =	simm.s32 $0x1BF5;
	[smem:$0x3FB5] =	sst s0  }
0x18: {  	s0 =	sld [smem:$0x3F98];
	_ =	swait.ge [sflag:s4], $0x0  }
0x19: {  	s7 =	sld [smem:$0x3F99]  }
0x1a: {  	s8 =	sadd.s32 $0xFFFFE003, lr  }
0x1b: {  	s9 =	sadd.s32 $0xFFFFFEF7, lr;
	s5 =	simm.s32 $0xFFFFFFFF;
	p2 =	slt.u32 s8, $0xFFFFF086  }
0x1c: {  	p1 =	slt.u32 s9, $0xF7A;
	s5 =	simm.s32 @!p2 $0x0  }
0x1d: {  	s5 =	simm.s32 @p1 $0x1;
	p0 =	seq.s32 s7, s2  }
0x1e: {  	s7 =	smul.u32 @!p0 $0xF7A, s2;
	p2 =	seq.s32 @!p0 s5, $0x0  }
0x1f: {  	s9 =	smul.u32 $0xF7A, s1;
	s8 =	simm.s32 @!p0 $0x1BF5;
	p2 =	por !p2, p0  }
0x20: {  	[sflag:s8] =	ssyncset.s32 @!p0 $0xFFFFF086;
	s6 =	sadd.s32 @!p0 s3, s7;
	s7 =	simm.s32 @!p0 $0x108  }
0x21: {  	s3 =	sadd.s32 s3, s9;
	s6 =	sadd.s32 @!p0 $0x88, s6;
	s7 =	simm.s32 @p2 $0x1082  }
0x22: {  	[simem:s7], [sflag:s8] =	dma.local @!p0 [hbm:s6], $0xF7A  }
0x23: {  	s9 =	sor.u32 $0xD0000000, s2;
	s6 =	simm.s32 $0x108;
	_ =	swait.ge @!p0 [sflag:s8], $0x0  }
0x24: {  	s3 =	sadd.s32 $0x88, s3;
	s6 =	simm.s32 @!p1 $0x1082;
	[sflag:s4] =	ssyncset.s32 $0xFFFFF086  }
0x25: {  	[simem:s6], [sflag:s4] =	dma.local [hbm:s3], $0xF7A  }
0x26: {  	[smem:$0x3F99] =	sst s1;
	(tag) =	ssettag s2;
	_ =	strace s9  }
0x27: {  	s1 =	sld [smem:$0x3FA9]  }
0x28: {  	s2 =	sld [smem:$0x3FAA]  }
0x29: {  	s4 =	sld [smem:$0x3FAC]  }
0x2a: {  	p0 =	seq.s32 s5, $0x0;
	s5 =	sld [smem:$0x3FAD]  }
0x2b: {  	s6 =	sld [smem:$0x3FAE]  }
0x2c: {  	s7 =	sld [smem:$0x3FAF]  }
0x2d: {  	s3 =	simm.s32 $0x108;
	s8 =	sld [smem:$0x3FB0]  }
0x2e: {  	s3 =	simm.s32 @!p0 $0x1082;
	s9 =	sld [smem:$0x3FB1]  }
0x2f: {  	lr =	sadd.s32 s0, s3;
	s0 =	sld [smem:$0x3FA8]  }
0x30: {  	s3 =	sld [smem:$0x3FAB]  }
0x31: {  	[smem:$0x3FB4] =	sst s10  }
0x32: {  	s10 =	sld [smem:$0x3FB2];
	_ =	sdelay $0x3  }
0x33: {  	p0 =	seq.s32 s10, $0x1;
	s10 =	sld [smem:$0x3FB4];
	_ =	sdelay $0x3  }
0x34: {  	[smem:$0x3FB4] =	sst s10  }
0x35: {  	s10 =	sld [smem:$0x3FB3];
	_ =	sdelay $0x3  }
0x36: {  	p1 =	seq.s32 s10, $0x1;
	s10 =	sld [smem:$0x3FB4];
	_ =	sdelay $0x3  }
0x37: {  	[smem:$0x3FB4] =	sst s10  }
0x38: {  	s10 =	sld [smem:$0x3FB5]  }
0x39: {  	_ = 	snop;
	(pc) =	sbr.ind lr, $3  }
0x3a: {  	_ = 	snop  }
0x3b: {  	_ = 	snop  }
0x3c: {  	p2 =	seq.s32 s10, $0x1;
	s10 =	sld [smem:$0x3FB4]  }
0x3d: {  	_ =	shalt  }
0x3e: {  	_ =	shalt  }
0x3f: {  	_ =	shalt  }
0x40: {  	_ =	shalt  }
0x41: {  	_ =	shalt  }
0x42: {  	_ =	shalt  }
0x43: {  	_ =	shalt  }
0x44: {  	_ =	shalt  }
0x45: {  	_ =	shalt  }
0x46: {  	_ =	shalt  }
0x47: {  	_ =	shalt  }
0x48: {  	_ =	shalt  }
0x49: {  	_ =	shalt  }
0x4a: {  	_ =	shalt  }
0x4b: {  	_ =	shalt  }
0x4c: {  	_ =	shalt  }
0x4d: {  	_ =	shalt  }
0x4e: {  	_ =	shalt  }
0x4f: {  	_ =	shalt  }
0x50: {  	_ =	shalt  }
0x51: {  	_ =	shalt  }
0x52: {  	_ =	shalt  }
0x53: {  	_ =	shalt  }
0x54: {  	_ =	shalt  }
0x55: {  	_ =	shalt  }
0x56: {  	_ =	shalt  }
0x57: {  	_ =	shalt  }
0x58: {  	_ =	shalt  }
0x59: {  	_ =	shalt  }
0x5a: {  	_ =	shalt  }
0x5b: {  	_ =	shalt  }
0x5c: {  	_ =	shalt  }
0x5d: {  	_ =	shalt  }
0x5e: {  	_ =	shalt  }
0x5f: {  	_ =	shalt  }
0x60: {  	_ =	shalt  }
0x61: {  	_ =	shalt  }
0x62: {  	_ =	shalt  }
0x63: {  	_ =	shalt  }
0x64: {  	_ =	shalt  }
0x65: {  	_ =	shalt  }
0x66: {  	_ =	shalt  }
0x67: {  	_ =	shalt  }
0x68: {  	_ =	shalt  }
0x69: {  	_ =	shalt  }
0x6a: {  	_ =	shalt  }
0x6b: {  	_ =	shalt  }
0x6c: {  	_ =	shalt  }
0x6d: {  	_ =	shalt  }
0x6e: {  	_ =	shalt  }
0x6f: {  	_ =	shalt  }
0x70: {  	_ =	shalt  }
0x71: {  	_ =	shalt  }
0x72: {  	_ =	shalt  }
0x73: {  	_ =	shalt  }
0x74: {  	_ =	shalt  }
0x75: {  	_ =	shalt  }
0x76: {  	_ =	shalt  }
0x77: {  	_ =	shalt  }
0x78: {  	_ =	shalt  }
0x79: {  	_ =	shalt  }
0x7a: {  	_ =	shalt  }
0x7b: {  	_ =	shalt  }
0x7c: {  	_ =	shalt  }
0x7d: {  	_ =	shalt  }
0x7e: {  	_ =	shalt  }
0x7f: {  	_ =	shalt  }
0x80: {  	_ =	shalt  }
0x81: {  	_ =	shalt  }
0x82: {  	_ =	shalt  }
0x83: {  	_ =	shalt  }
0x84: {  	_ =	shalt  }
0x85: {  	_ =	shalt  }
0x86: {  	_ =	shalt  }
0x87: {  	_ =	shalt  }
.Lfunc_end0:
.L_simem_size_0:
called_computation.2_lowered:
.L_overlay_start_0:
0x88: {  	s2 =	sld [smem:$0x3FD9]  }
0x89: {  	s3 =	sld [smem:$0x3FFE];
	_ =	sdelay $0x1  }
0x8a: {  	s1 =	srdreg.scid  }
0x8b: {  	s0 =	sand.u32 $0x1, s1  }
0x8c: {  	s17 =	sshll.u32 s0, $0xA;
	s2 =	sadd.s32 s3, s2  }
0x8d: {  	s2 =	sadd.s32 s2, s17  }
0x8e: {  	[smem:$0x3FC0] =	sst s2  }
0x8f: {  	_ = 	snop  }
0x90: {  	s2 =	sld [smem:$0x3FD0];
	(tm) =	ssettm $0x1  }
0x91: {  	s18 =	sld [smem:$0x3FFB];
	_ =	sdelay $0x3  }
0x92: {  	_ =	strace s18  }
0x93: {  	s3 =	sld [smem:$0x3FFC];
	_ =	sdelay $0x3  }
0x94: {  	_ =	strace s3  }
0x95: {  	s3 =	sld [smem:$0x3FFD];
	_ =	sdelay $0x3  }
0x96: {  	_ =	strace s3  }
0x97: {  	_ =	strace $0x8FFFFFFF  }
0x98: {  	s19 =	sld [smem:$0x3FDB];
	_ =	sdelay $0x1  }
0x99: {  	s4 =	simm.s32 $_scs_section_size  }
0x9a: {  	s5 =	simm.s32 $_size__tile_overlayer_lowered;
	s6 =	simm.s32 $_tile_overlayer_lowered  }
0x9b: {  	s22 =	simm.s32 $0x1BFF;
	s21 =	sshll.u32 s6, $0x1;
	s3 =	sadd.s32 s4, s19  }
0x9c: {  	s7 =	simm.s32 $0x0;
	s20 =	sshll.u32 s5, $0x1;
	s5 =	sadd.s32 s21, s3  }
0x9d: {  	[timem:s7], [sflag:s22] =	dma.local [hbm:s5], s20  }
0x9e: {  	_ =	swait.ge [sflag:s22], s20  }
0x9f: {  	s4 =	ssub.s32 $0x0, s20;
	[sflag:s22] =	ssyncset.done $0x0  }
0xa0: {  	[sflag:s22] =	ssyncadd.s32 s4;
	_ =	sdelay $0x1  }
0xa1: {  	s23 =	simm.s32 $0x1B8B  }
0xa2: {  	_ =	swait.ge [sflag:s23], $0x1  }
0xa3: {  	[sflag:s23] =	ssyncset.done $0x0  }
0xa4: {  	s25 =	simm.s32 $0x1B8E;
	s24 =	sld [smem:$0x3FFE];
	[sflag:s23] =	ssyncadd.s32 $0xFFFFFFFF  }
0xa5: {  	s26 =	simm.s32 $execute0_lowered;
	[smem:$0x3FD2] =	sst s25  }
0xa6: {  	s5 =	sshll.u32 s26, $0x1;
	_ =	strace $0x8000004C;
	[dreg:$0x1] =	wrdreg $0xFFFFFFFF  }
0xa7: {  	s28 =	simm.s32 $_size_execute0_lowered;
	s3 =	sadd.s32 s3, s5;
	[dreg:$0x0] =	wrdreg $0x0  }
0xa8: {  	s5 =	sshll.u32 s28, $0x1;
	[dreg:$0x2] =	wrdreg s3  }
0xa9: {  	[dreg:$0x3] =	wrdreg s5  }
0xaa: {  	[dreg:$0x4] =	wrdreg $0xC0  }
0xab: {  	_ =	task [dreg:s7], $0x5FFFF  }
0xac: {  	[dreg:$0x1] =	wrdreg $0xFFFFFFFF  }
0xad: {  	[dreg:$0x0] =	wrdreg $0x60  }
0xae: {  	[dreg:$0x2] =	wrdreg s2  }
0xaf: {  	[dreg:$0x3] =	wrdreg s24  }
0xb0: {  	[dreg:$0x4] =	wrdreg $0xA9800  }
0xb1: {  	[dreg:$0x5] =	wrdreg $0x9  }
0xb2: {  	_ =	task.clear_ibuf [dreg:s7], $0x6FFFF;
	_ =	strace $0x9000004C  }
0xb3: {  	s29 =	simm.s32 $0x9;
	_ =	strace $0x8000004E  }
0xb4: {  	_ =	swait.ge [sflag:s29], $0x1  }
0xb5: {  	[sflag:s29] =	ssyncadd.s32 $0xFFFFFFFF  }
0xb6: {  	_ =	strace $0x9000004E  }
0xb7: {  	_ =	sfence  }
0xb8: {  	s30 =	sld [smem:$0x0];
	_ =	sdelay $0x2  }
0xb9: {  	s31 =	sshll.u32 s1, $0xD;
	s1 =	sshrl.u32 s1, $0x2  }
0xba: {  	s3 =	sand.u32 $0x4000, s31;
	s1 =	sadd.s32 s1, s30  }
0xbb: {  	s0 =	sor.u32 s3, s0;
	s1 =	sshll.u32 s1, $0x11  }
0xbc: {  	s0 =	sor.u32 s1, s0  }
0xbd: {  	s0 =	sadd.s32 $0x8F2B, s0  }
0xbe: {  	[sflag:s0] =	ssyncadd.remote.s32 $0x1  }
0xbf: {  	_ =	sfence.sel $0xFFFF  }
0xc0: {  	[dreg:$0x0] =	wrdreg $0xFFFFFFFF;
	(pc) =	sbr.abs _section_cstart, $3  }
0xc1: {  	[dreg:$0x1] =	wrdreg $0xFFFFFFFF  }
0xc2: {  	_ =	task.clear_ibuf [dreg:s7], $0x2FFFF;
	_ =	strace $0x9FFFFFFF  }
0xc3: {  	(tm) =	ssettm $0x7FFFFFFF  }
tec
execute0_lowered:
.L_overlay_start_1:
0x0: {  	(tag) =	ssettag $0x1  }
0x1: {  	s2 =	rddreg [dreg:$0x0]  }
0x2: {  	s6 =	rddreg [dreg:$0x1]  }
0x3: {  	s0 =	srdreg.scid;
	s3 =	rddreg [dreg:$0x2]  }
0x4: {  	s4 =	simm.s32 $0x0;
	s13 =	simm.s32 $0x3;
	s14 =	simm.s32 $0x2980  }
0x5: {  	s15 =	simm.s32 $0x80;
	s16 =	simm.s32 $0x2800;
	s17 =	simm.s32 $0x1  }
0x6: {  	s18 =	simm.s32 $0x2880;
	s19 =	simm.s32 $0x6980;
	s5 =	sand.u32 $0x1, s0  }
0x7: {  	s20 =	simm.s32 $0x2900;
	s0 =	stileid.u32;
	s8 =	smul.u32 $0x13C000, s5  }
0x8: {  	s23 =	simm.s32 $0x2;
	s24 =	simm.s32 $0x0;
	s9 =	smul.u32 $0x13C00, s0  }
0x9: {  	[smem:$0x7FF] =	sst s4;
	s1 =	sshll.u32 s5, $0x4;
	s10 =	smul.u32 $0x4F000, s0  }
0xa: {  	s29 =	ssub.s32 $0x2, s5;
	s21 =	sshll.u32 s0, $0x6;
	s1 =	sor.u32 s0, s1  }
0xb: {  	s31 =	sshrl.u32 s29, $0x1;
	s21 =	sor.u32 $0x1C03, s21;
	s7 =	smul.u32 $0x500, s1  }
0xc: {  	s1 =	rddreg [dreg:$0x3];
	_ =	strace $0x8000004D;
	s8 =	sadd.s32 s9, s8  }
.Ltmp0:
0xd: {  	s30 =	sshrl.u32 s10, $0x2;
	s12 =	ssub.s32 s29, s31;
	(pc) =	sbr.rel .LBB2_1-.Ltmp0, $4  }
0xe: {  	s8 =	sshrl.u32 s8, $0x3;
	s5 =	sadd.s32 s30, s3;
	s12 =	smax.u32 s12, $0x1  }
0xf: {  	s7 =	sadd.s32 s7, s6;
	s11 =	sadd.s32 s8, s6;
	s8 =	sadd.s32 $0x8000, s5  }
0x10: {  	s9 =	sadd.s32 $0xC000, s5;
	s10 =	sadd.s32 $0x10000, s5;
	s22 =	sshrl.u32 s5, $0x3  }
0x11: {  	v0 =	vimm.f32 $0.0e+00;
	s6 =	sadd.s32 $0x3600, s7;
	s7 =	sadd.s32 $0x4000, s5;
	s11 =	sadd.s32 $0xD600, s11  }
.LBB2_8:
0x12: {  	s24 =	sadd.s32 $0x1, s24  }
0x13: {  	p0 =	sne.s32 s24, s12  }
.Ltmp1:
0x14: {  	[bflag:$0x0] =	sbarrier.arrive $0xFFFF;
	(pc) =	sbr.rel @!p0 .LBB2_9-.Ltmp1, $4  }
0x15: {  	[hbm:s11], [sflag:s21] =	dma.local [spmem:s22], $0x2780  }
0x16: {  	_ =	swait.ge [sflag:s13], $0x2780  }
0x17: {  	[sflag:s13] =	ssyncset.done $0x0  }
0x18: {  	[sflag:s13] =	ssyncadd.s32 $0xFFFFD880  }
.LBB2_1:
0x19: {  	[tilespmem:s4], [sflag:$0x3] =	stream.linear.gather [hbm4b:s6+s4], $0x2800, $0x38;
	[tilespmem:$0x1E580] =	vst v63  }
0x1a: {  	_ =	swait.ge [sflag:s13], $0x2800  }
0x1b: {  	[sflag:s13] =	ssyncset.done $0x0  }
0x1c: {  	s25 =	simm.s32 $0x0;
	s26 =	simm.s32 $0x200;
	[sflag:s13] =	ssyncadd.s32 $0xFFFFD800  }
.LBB2_2:
0x1d: {  	p0 =	sne.s32 s26, $0xFE00;
	[tilespmem:s25+$0x29F0] =	vst v0  }
0x1e: {  	[tilespmem:s25+$0x2980] =	vst v0  }
0x1f: {  	[tilespmem:s25+$0x2990] =	vst v0  }
.Ltmp2:
0x20: {  	[tilespmem:s25+$0x29A0] =	vst v0;
	(pc) =	sbr.rel @p0 .LBB2_2-.Ltmp2, $4  }
0x21: {  	[tilespmem:s25+$0x29B0] =	vst v0  }
0x22: {  	[tilespmem:s25+$0x29C0] =	vst v0  }
0x23: {  	[tilespmem:s25+$0x29D0] =	vst v0  }
0x24: {  	[tilespmem:s25+$0x29E0] =	vst v0;
	s25 =	sshra.s32 s26, $0x2;
	s26 =	sadd.s32 $0x200, s26  }
0x25: {  	[tilespmem:s25+$0x29F0] =	vst v0  }
0x26: {  	[tilespmem:s25+$0x2980] =	vst v0  }
0x27: {  	[tilespmem:s25+$0x2990] =	vst v0  }
0x28: {  	[tilespmem:s25+$0x29A0] =	vst v0  }
0x29: {  	[tilespmem:s25+$0x29B0] =	vst v0  }
0x2a: {  	[tilespmem:s25+$0x29C0] =	vst v0  }
0x2b: {  	[tilespmem:s25+$0x29D0] =	vst v0  }
0x2c: {  	[tilespmem:s25+$0x29E0] =	vst v0  }
0x2d: {  	[spmem:s5] =	stream.linear.scatter [tilespmem:s14], [sflag:$0x3], $0x4000, $0x38;
	[tilespmem:$0x1E580] =	vst v63  }
0x2e: {  	_ =	swait.ge [sflag:s13], $0x4000  }
0x2f: {  	[sflag:s13] =	ssyncset.done $0x0  }
0x30: {  	[sflag:s13] =	ssyncadd.s32 $0xFFFFC000  }
0x31: {  	[spmem:s7] =	stream.linear.scatter [tilespmem:s14], [sflag:$0x3], $0x4000, $0x38;
	[tilespmem:$0x1E580] =	vst v63  }
0x32: {  	_ =	swait.ge [sflag:s13], $0x4000  }
0x33: {  	[sflag:s13] =	ssyncset.done $0x0  }
0x34: {  	[sflag:s13] =	ssyncadd.s32 $0xFFFFC000  }
0x35: {  	[spmem:s8] =	stream.linear.scatter [tilespmem:s14], [sflag:$0x3], $0x4000, $0x38;
	[tilespmem:$0x1E580] =	vst v63  }
0x36: {  	_ =	swait.ge [sflag:s13], $0x4000  }
0x37: {  	[sflag:s13] =	ssyncset.done $0x0  }
0x38: {  	[sflag:s13] =	ssyncadd.s32 $0xFFFFC000  }
0x39: {  	[spmem:s9] =	stream.linear.scatter [tilespmem:s14], [sflag:$0x3], $0x4000, $0x38;
	[tilespmem:$0x1E580] =	vst v63  }
0x3a: {  	_ =	swait.ge [sflag:s13], $0x4000  }
0x3b: {  	[sflag:s13] =	ssyncset.done $0x0  }
0x3c: {  	[sflag:s13] =	ssyncadd.s32 $0xFFFFC000  }
0x3d: {  	[spmem:s10] =	stream.linear.scatter [tilespmem:s14], [sflag:$0x3], $0x3C00, $0x38;
	[tilespmem:$0x1E580] =	vst v63  }
0x3e: {  	_ =	swait.ge [sflag:s13], $0x3C00  }
0x3f: {  	[sflag:s13] =	ssyncset.done $0x0  }
0x40: {  	[sflag:s13] =	ssyncadd.s32 $0xFFFFC400  }
0x41: {  	[bflag:$0x0] =	sbarrier.arrive $0xFFFF  }
0x42: {  	v1 =	vld [tilespmem:$0x0]  }
0x43: {  	v2 =	vld [tilespmem:$0x10]  }
0x44: {  	v3 =	vld [tilespmem:$0x20]  }
0x45: {  	v4 =	vld [tilespmem:$0x30]  }
0x46: {  	v5 =	vld [tilespmem:$0x40]  }
0x47: {  	v6 =	vld [tilespmem:$0x50];
	v1 =	vand.u32 $0x3FFF, v1  }
0x48: {  	[tilespmem:$0x2800] =	vst v1;
	v1 =	vand.u32 $0x3FFF, v2;
	v2 =	vld [tilespmem:$0x60]  }
0x49: {  	[tilespmem:$0x2810] =	vst v1;
	v1 =	vand.u32 $0x3FFF, v3;
	v3 =	vld [tilespmem:$0x70]  }
0x4a: {  	[tilespmem:$0x2820] =	vst v1;
	v1 =	vand.u32 $0x3FFF, v4  }
0x4b: {  	[tilespmem:$0x2830] =	vst v1;
	v1 =	vand.u32 $0x3FFF, v5  }
.Ltmp3:
0x4c: {  	[tilespmem:$0x2840] =	vst v1;
	v1 =	vand.u32 $0x3FFF, v6;
	(pc) =	sbr.rel .LBB2_4-.Ltmp3, $4  }
0x4d: {  	[tilespmem:$0x2850] =	vst v1;
	v1 =	vand.u32 $0x3FFF, v2  }
0x4e: {  	[tilespmem:$0x2860] =	vst v1;
	v1 =	vand.u32 $0x3FFF, v3  }
0x4f: {  	s25 =	simm.s32 $0x0;
	s26 =	simm.s32 $0x0;
	[tilespmem:$0x2870] =	vst v1  }
0x50: {  	[tilespmem:s14], [sflag:$0x1] =	stream.indirect.gather [hbm4b:s2+s15], $0x80, s16, s15, $0xb8;
	[tilespmem:$0x1E580] =	vst v63  }
.LBB2_6:
0x51: {  	_ =	swait.ge [sflag:s23], $0x4000  }
0x52: {  	p0 =	seq.s32 s25, $0x9E00;
	[sflag:s23] =	ssyncset.done $0x0  }
0x53: {  	s28 =	sshra.s32 @!p0 s25, $0x2;
	[sflag:s23] =	ssyncadd.s32 $0xFFFFC000  }
0x54: {  	v1 =	vld @!p0 [tilespmem:s28+$0x80];
	_ =	sdelay $0x4  }
0x55: {  	v1 =	vand.u32 @!p0 $0x3FFF, v1  }
0x56: {  	[tilespmem:$0x2800] =	vst @!p0 v1  }
0x57: {  	v1 =	vld @!p0 [tilespmem:s28+$0x90];
	_ =	sdelay $0x4  }
0x58: {  	v1 =	vand.u32 @!p0 $0x3FFF, v1  }
0x59: {  	[tilespmem:$0x2810] =	vst @!p0 v1  }
0x5a: {  	v1 =	vld @!p0 [tilespmem:s28+$0xA0];
	_ =	sdelay $0x4  }
0x5b: {  	v1 =	vand.u32 @!p0 $0x3FFF, v1  }
0x5c: {  	[tilespmem:$0x2820] =	vst @!p0 v1  }
0x5d: {  	v1 =	vld @!p0 [tilespmem:s28+$0xB0];
	_ =	sdelay $0x4  }
0x5e: {  	v1 =	vand.u32 @!p0 $0x3FFF, v1  }
0x5f: {  	[tilespmem:$0x2830] =	vst @!p0 v1  }
0x60: {  	v1 =	vld @!p0 [tilespmem:s28+$0xC0];
	_ =	sdelay $0x4  }
0x61: {  	v1 =	vand.u32 @!p0 $0x3FFF, v1  }
0x62: {  	[tilespmem:$0x2840] =	vst @!p0 v1  }
0x63: {  	v1 =	vld @!p0 [tilespmem:s28+$0xD0];
	_ =	sdelay $0x4  }
0x64: {  	v1 =	vand.u32 @!p0 $0x3FFF, v1  }
0x65: {  	[tilespmem:$0x2850] =	vst @!p0 v1  }
0x66: {  	v1 =	vld @!p0 [tilespmem:s28+$0xE0];
	_ =	sdelay $0x4  }
0x67: {  	v1 =	vand.u32 @!p0 $0x3FFF, v1  }
0x68: {  	[tilespmem:$0x2860] =	vst @!p0 v1  }
0x69: {  	v1 =	vld @!p0 [tilespmem:s28+$0xF0];
	_ =	sdelay $0x4  }
0x6a: {  	v1 =	vand.u32 @!p0 $0x3FFF, v1  }
0x6b: {  	s29 =	simm.s32 @!p0 $0x2800;
	s30 =	simm.s32 @!p0 $0x2980;
	s28 =	simm.s32 @!p0 $0x80;
	[tilespmem:$0x2870] =	vst @!p0 v1  }
0x6c: {  	[tilespmem:s30], [sflag:$0x1] =	stream.indirect.gather @!p0 [hbm4b:s2+s28], $0x80, s29, s28, $0xb8;
	[tilespmem:$0x1E580] =	vst v63  }
0x6d: {  	s28 =	smov.u32 s25  }
0x6e: {  	s28 =	simm.s32 @p0 $0x9E00  }
0x6f: {  	s28 =	sshra.s32 s28, $0x2  }
0x70: {  	v1 =	vld [tilespmem:s28+$0x0];
	_ =	sdelay $0x4  }
0x71: {  	v1 =	vshrl.u32 v1, $0xE  }
0x72: {  	[tilespmem:$0x2900] =	vst v1  }
0x73: {  	v1 =	vld [tilespmem:s28+$0x10];
	_ =	sdelay $0x4  }
0x74: {  	v1 =	vshrl.u32 v1, $0xE  }
0x75: {  	[tilespmem:$0x2910] =	vst v1  }
0x76: {  	v1 =	vld [tilespmem:s28+$0x20];
	_ =	sdelay $0x4  }
0x77: {  	v1 =	vshrl.u32 v1, $0xE  }
0x78: {  	[tilespmem:$0x2920] =	vst v1  }
0x79: {  	v1 =	vld [tilespmem:s28+$0x30];
	_ =	sdelay $0x4  }
0x7a: {  	v1 =	vshrl.u32 v1, $0xE  }
0x7b: {  	[tilespmem:$0x2930] =	vst v1  }
0x7c: {  	v1 =	vld [tilespmem:s28+$0x40];
	_ =	sdelay $0x4  }
0x7d: {  	v1 =	vshrl.u32 v1, $0xE  }
0x7e: {  	[tilespmem:$0x2940] =	vst v1  }
0x7f: {  	v1 =	vld [tilespmem:s28+$0x50];
	_ =	sdelay $0x4  }
0x80: {  	v1 =	vshrl.u32 v1, $0xE  }
0x81: {  	[tilespmem:$0x2950] =	vst v1  }
0x82: {  	v1 =	vld [tilespmem:s28+$0x60];
	_ =	sdelay $0x4  }
0x83: {  	v1 =	vshrl.u32 v1, $0xE  }
0x84: {  	[tilespmem:$0x2960] =	vst v1  }
0x85: {  	v1 =	vld [tilespmem:s28+$0x70];
	_ =	sdelay $0x4  }
0x86: {  	v1 =	vshrl.u32 v1, $0xE  }
0x87: {  	s28 =	simm.s32 $0x3;
	[tilespmem:$0x2970] =	vst v1  }
0x88: {  	[spmem:s3] =	stream.indirect.scatter.add.f32 [tilespmem:s19], [sflag:$0x3], $0x80, s20, s15, $0xb8;
	[tilespmem:$0x1E580] =	vst v63  }
.LBB2_7:
0x89: {  	s26 =	sadd.s32 $0x1, s26  }
0x8a: {  	p0 =	sne.s32 s26, $0x50  }
.Ltmp4:
0x8b: {  	_ = 	snop;
	(pc) =	sbr.rel @!p0 .LBB2_8-.Ltmp4, $4  }
0x8c: {  	_ = 	snop  }
0x8d: {  	_ =	swait.ge [sflag:s28], $0x4000  }
0x8e: {  	[sflag:s28] =	ssyncset.done $0x0  }
0x8f: {  	s25 =	sadd.s32 $0x200, s25;
	[sflag:s28] =	ssyncadd.s32 $0xFFFFC000  }
.LBB2_4:
0x90: {  	s28 =	sand.u32 $0x1, s26  }
0x91: {  	p0 =	seq.s32 s28, $0x1  }
.Ltmp5:
0x92: {  	_ = 	snop;
	(pc) =	sbr.rel @p0 .LBB2_6-.Ltmp5, $1  }
0x93: {  	_ =	sdelay $0x3  }
0x94: {  	_ =	swait.ge [sflag:s17], $0x4000  }
0x95: {  	[sflag:s17] =	ssyncset.done $0x0  }
0x96: {  	s28 =	sshra.s32 s25, $0x2;
	[sflag:s17] =	ssyncadd.s32 $0xFFFFC000  }
0x97: {  	v1 =	vld [tilespmem:s28+$0x80];
	_ =	sdelay $0x4  }
0x98: {  	v1 =	vand.u32 $0x3FFF, v1  }
0x99: {  	[tilespmem:$0x2880] =	vst v1  }
0x9a: {  	v1 =	vld [tilespmem:s28+$0x90];
	_ =	sdelay $0x4  }
0x9b: {  	v1 =	vand.u32 $0x3FFF, v1  }
0x9c: {  	[tilespmem:$0x2890] =	vst v1  }
0x9d: {  	v1 =	vld [tilespmem:s28+$0xA0];
	_ =	sdelay $0x4  }
0x9e: {  	v1 =	vand.u32 $0x3FFF, v1  }
0x9f: {  	[tilespmem:$0x28A0] =	vst v1  }
0xa0: {  	v1 =	vld [tilespmem:s28+$0xB0];
	_ =	sdelay $0x4  }
0xa1: {  	v1 =	vand.u32 $0x3FFF, v1  }
0xa2: {  	[tilespmem:$0x28B0] =	vst v1  }
0xa3: {  	v1 =	vld [tilespmem:s28+$0xC0];
	_ =	sdelay $0x4  }
0xa4: {  	v1 =	vand.u32 $0x3FFF, v1  }
0xa5: {  	[tilespmem:$0x28C0] =	vst v1  }
0xa6: {  	v1 =	vld [tilespmem:s28+$0xD0];
	_ =	sdelay $0x4  }
0xa7: {  	v1 =	vand.u32 $0x3FFF, v1  }
0xa8: {  	[tilespmem:$0x28D0] =	vst v1  }
0xa9: {  	v1 =	vld [tilespmem:s28+$0xE0];
	_ =	sdelay $0x4  }
0xaa: {  	v1 =	vand.u32 $0x3FFF, v1  }
0xab: {  	[tilespmem:$0x28E0] =	vst v1  }
0xac: {  	v1 =	vld [tilespmem:s28+$0xF0];
	_ =	sdelay $0x4  }
0xad: {  	v1 =	vand.u32 $0x3FFF, v1  }
0xae: {  	[tilespmem:$0x28F0] =	vst v1  }
0xaf: {  	[tilespmem:s19], [sflag:$0x2] =	stream.indirect.gather [hbm4b:s2+s15], $0x80, s18, s15, $0xb8;
	[tilespmem:$0x1E580] =	vst v63  }
0xb0: {  	v1 =	vld [tilespmem:s28+$0x0];
	_ =	sdelay $0x4  }
0xb1: {  	v1 =	vshrl.u32 v1, $0xE  }
0xb2: {  	[tilespmem:$0x2900] =	vst v1  }
0xb3: {  	v1 =	vld [tilespmem:s28+$0x10];
	_ =	sdelay $0x4  }
0xb4: {  	v1 =	vshrl.u32 v1, $0xE  }
0xb5: {  	[tilespmem:$0x2910] =	vst v1  }
0xb6: {  	v1 =	vld [tilespmem:s28+$0x20];
	_ =	sdelay $0x4  }
0xb7: {  	v1 =	vshrl.u32 v1, $0xE  }
0xb8: {  	[tilespmem:$0x2920] =	vst v1  }
0xb9: {  	v1 =	vld [tilespmem:s28+$0x30];
	_ =	sdelay $0x4  }
0xba: {  	v1 =	vshrl.u32 v1, $0xE  }
0xbb: {  	[tilespmem:$0x2930] =	vst v1  }
0xbc: {  	v1 =	vld [tilespmem:s28+$0x40];
	_ =	sdelay $0x4  }
0xbd: {  	v1 =	vshrl.u32 v1, $0xE  }
0xbe: {  	[tilespmem:$0x2940] =	vst v1  }
0xbf: {  	v1 =	vld [tilespmem:s28+$0x50];
	_ =	sdelay $0x4  }
0xc0: {  	v1 =	vshrl.u32 v1, $0xE  }
0xc1: {  	[tilespmem:$0x2950] =	vst v1  }
0xc2: {  	v1 =	vld [tilespmem:s28+$0x60];
	_ =	sdelay $0x4  }
0xc3: {  	v1 =	vshrl.u32 v1, $0xE  }
0xc4: {  	[tilespmem:$0x2960] =	vst v1  }
0xc5: {  	v1 =	vld [tilespmem:s28+$0x70];
	_ =	sdelay $0x2  }
.Ltmp6:
0xc6: {  	_ = 	snop;
	(pc) =	sbr.rel .LBB2_7-.Ltmp6, $4  }
0xc7: {  	_ = 	snop  }
0xc8: {  	v1 =	vshrl.u32 v1, $0xE  }
0xc9: {  	s28 =	simm.s32 $0x4;
	[tilespmem:$0x2970] =	vst v1  }
0xca: {  	[spmem:s3] =	stream.indirect.scatter.add.f32 [tilespmem:s14], [sflag:$0x4], $0x80, s20, s15, $0xb8;
	[tilespmem:$0x1E580] =	vst v63  }
.LBB2_9:
0xcb: {  	_ =	sfence.sel $0x180000  }
0xcc: {  	[bflag:$0x0] =	sbarrier.arrive $0xFFFF  }
0xcd: {  	p0 =	sne.s32 s0, $0x0;
	_ =	strace $0x9000004D  }
0xce: {  	s0 =	sadd.s32 @!p0 $0x100000, s1;
	[bflag:$0x2] =	sbarrier.arrive $0xFFFF  }
0xcf: {  	[sflag:s0] =	ssyncadd.tile.s32 @!p0 $0x1;
	_ =	shalt  }
.Lfunc_end2:
_tile_overlayer_lowered:
.L_overlay_start_2:
0xd0: {  	(tag) =	ssettag $0x2  }
0xd1: {  	s0 =	rddreg [dreg:$0x0];
	s2 =	stileid.u32  }
0xd2: {  	s1 =	rddreg [dreg:$0x1];
	p0 =	sne.s32 s2, $0x0  }
0xd3: {  	s3 =	rddreg [dreg:$0x2];
	[bflag:$0x3] =	sbarrier.arrive $0xFFFF;
	s2 =	simm.s32 @!p0 $0x1C03  }
0xd4: {  	[timem:s3], [sflag:s2] =	dma.local @!p0 [hbm:s0], s1  }
0xd5: {  	s0 =	simm.s32 @!p0 $0x3  }
0xd6: {  	_ =	swait.ge @!p0 [sflag:s0], s1  }
0xd7: {  	s1 =	ssub.s32 @!p0 $0x0, s1;
	[sflag:s0] =	ssyncset.done @!p0 $0x0  }
0xd8: {  	[sflag:s0] =	ssyncadd.s32 @!p0 s1  }
0xd9: {  	[bflag:$0x3] =	sbarrier.arrive $0xFFFF  }
0xda: {  	_ =	shalt  }

// kernel: kernel.21.cloned.1.call-start
scs
__scs_entry_jumppad:
0x0: {  	(pc) =	sbr.rel $0x88, $3  }
0x1: {  	(tag) =	ssettag $0x0;
	lr =	simm.s32 $0x1  }
0x2: {  	[smem:$0x3F99] =	sst lr;
	_ =	strace $0xD0000000  }
0x3: {  	_ = 	snop  }
0x4: {  	_ = 	snop  }
0x5: {  	_ = 	snop  }
0x6: {  	_ = 	snop  }
0x7: {  	_ = 	snop  }
__scs_overlays_trampoline_lowered:
0x8: {  	[smem:$0x3FA8] =	sst s0  }
0x9: {  	[smem:$0x3FA9] =	sst s1  }
0xa: {  	[smem:$0x3FAA] =	sst s2  }
0xb: {  	[smem:$0x3FAB] =	sst s3  }
0xc: {  	[smem:$0x3FAC] =	sst s4  }
0xd: {  	[smem:$0x3FAD] =	sst s5  }
0xe: {  	[smem:$0x3FAE] =	sst s6  }
0xf: {  	[smem:$0x3FAF] =	sst s7  }
0x10: {  	[smem:$0x3FB0] =	sst s8  }
0x11: {  	[smem:$0x3FB1] =	sst s9;
	s0 =	simm.s32 @!p0 $0x0  }
0x12: {  	s1 =	sld [smem:$0x3F97];
	s0 =	simm.s32 @p0 $0x1  }
0x13: {  	[smem:$0x3FB2] =	sst s0;
	s0 =	simm.s32 @!p1 $0x0  }
0x14: {  	s2 =	sld [smem:$0x3F96];
	s0 =	simm.s32 @p1 $0x1  }
0x15: {  	[smem:$0x3FB3] =	sst s0;
	s0 =	simm.s32 @!p2 $0x0  }
0x16: {  	s3 =	sld [smem:$0x3FDB];
	s0 =	simm.s32 @p2 $0x1  }
0x17: {  	s4 =	simm.s32 $0x1BF5;
	[smem:$0x3FB5] =	sst s0  }
0x18: {  	s0 =	sld [smem:$0x3F98];
	_ =	swait.ge [sflag:s4], $0x0  }
0x19: {  	s7 =	sld [smem:$0x3F99]  }
0x1a: {  	s8 =	sadd.s32 $0xFFFFE003, lr  }
0x1b: {  	s9 =	sadd.s32 $0xFFFFFEF7, lr;
	s5 =	simm.s32 $0xFFFFFFFF;
	p2 =	slt.u32 s8, $0xFFFFF086  }
0x1c: {  	p1 =	slt.u32 s9, $0xF7A;
	s5 =	simm.s32 @!p2 $0x0  }
0x1d: {  	s5 =	simm.s32 @p1 $0x1;
	p0 =	seq.s32 s7, s2  }
0x1e: {  	s7 =	smul.u32 @!p0 $0xF7A, s2;
	p2 =	seq.s32 @!p0 s5, $0x0  }
0x1f: {  	s9 =	smul.u32 $0xF7A, s1;
	s8 =	simm.s32 @!p0 $0x1BF5;
	p2 =	por !p2, p0  }
0x20: {  	[sflag:s8] =	ssyncset.s32 @!p0 $0xFFFFF086;
	s6 =	sadd.s32 @!p0 s3, s7;
	s7 =	simm.s32 @!p0 $0x108  }
0x21: {  	s3 =	sadd.s32 s3, s9;
	s6 =	sadd.s32 @!p0 $0x88, s6;
	s7 =	simm.s32 @p2 $0x1082  }
0x22: {  	[simem:s7], [sflag:s8] =	dma.local @!p0 [hbm:s6], $0xF7A  }
0x23: {  	s9 =	sor.u32 $0xD0000000, s2;
	s6 =	simm.s32 $0x108;
	_ =	swait.ge @!p0 [sflag:s8], $0x0  }
0x24: {  	s3 =	sadd.s32 $0x88, s3;
	s6 =	simm.s32 @!p1 $0x1082;
	[sflag:s4] =	ssyncset.s32 $0xFFFFF086  }
0x25: {  	[simem:s6], [sflag:s4] =	dma.local [hbm:s3], $0xF7A  }
0x26: {  	[smem:$0x3F99] =	sst s1;
	(tag) =	ssettag s2;
	_ =	strace s9  }
0x27: {  	s1 =	sld [smem:$0x3FA9]  }
0x28: {  	s2 =	sld [smem:$0x3FAA]  }
0x29: {  	s4 =	sld [smem:$0x3FAC]  }
0x2a: {  	p0 =	seq.s32 s5, $0x0;
	s5 =	sld [smem:$0x3FAD]  }
0x2b: {  	s6 =	sld [smem:$0x3FAE]  }
0x2c: {  	s7 =	sld [smem:$0x3FAF]  }
0x2d: {  	s3 =	simm.s32 $0x108;
	s8 =	sld [smem:$0x3FB0]  }
0x2e: {  	s3 =	simm.s32 @!p0 $0x1082;
	s9 =	sld [smem:$0x3FB1]  }
0x2f: {  	lr =	sadd.s32 s0, s3;
	s0 =	sld [smem:$0x3FA8]  }
0x30: {  	s3 =	sld [smem:$0x3FAB]  }
0x31: {  	[smem:$0x3FB4] =	sst s10  }
0x32: {  	s10 =	sld [smem:$0x3FB2];
	_ =	sdelay $0x3  }
0x33: {  	p0 =	seq.s32 s10, $0x1;
	s10 =	sld [smem:$0x3FB4];
	_ =	sdelay $0x3  }
0x34: {  	[smem:$0x3FB4] =	sst s10  }
0x35: {  	s10 =	sld [smem:$0x3FB3];
	_ =	sdelay $0x3  }
0x36: {  	p1 =	seq.s32 s10, $0x1;
	s10 =	sld [smem:$0x3FB4];
	_ =	sdelay $0x3  }
0x37: {  	[smem:$0x3FB4] =	sst s10  }
0x38: {  	s10 =	sld [smem:$0x3FB5]  }
0x39: {  	_ = 	snop;
	(pc) =	sbr.ind lr, $3  }
0x3a: {  	_ = 	snop  }
0x3b: {  	_ = 	snop  }
0x3c: {  	p2 =	seq.s32 s10, $0x1;
	s10 =	sld [smem:$0x3FB4]  }
0x3d: {  	_ =	shalt  }
0x3e: {  	_ =	shalt  }
0x3f: {  	_ =	shalt  }
0x40: {  	_ =	shalt  }
0x41: {  	_ =	shalt  }
0x42: {  	_ =	shalt  }
0x43: {  	_ =	shalt  }
0x44: {  	_ =	shalt  }
0x45: {  	_ =	shalt  }
0x46: {  	_ =	shalt  }
0x47: {  	_ =	shalt  }
0x48: {  	_ =	shalt  }
0x49: {  	_ =	shalt  }
0x4a: {  	_ =	shalt  }
0x4b: {  	_ =	shalt  }
0x4c: {  	_ =	shalt  }
0x4d: {  	_ =	shalt  }
0x4e: {  	_ =	shalt  }
0x4f: {  	_ =	shalt  }
0x50: {  	_ =	shalt  }
0x51: {  	_ =	shalt  }
0x52: {  	_ =	shalt  }
0x53: {  	_ =	shalt  }
0x54: {  	_ =	shalt  }
0x55: {  	_ =	shalt  }
0x56: {  	_ =	shalt  }
0x57: {  	_ =	shalt  }
0x58: {  	_ =	shalt  }
0x59: {  	_ =	shalt  }
0x5a: {  	_ =	shalt  }
0x5b: {  	_ =	shalt  }
0x5c: {  	_ =	shalt  }
0x5d: {  	_ =	shalt  }
0x5e: {  	_ =	shalt  }
0x5f: {  	_ =	shalt  }
0x60: {  	_ =	shalt  }
0x61: {  	_ =	shalt  }
0x62: {  	_ =	shalt  }
0x63: {  	_ =	shalt  }
0x64: {  	_ =	shalt  }
0x65: {  	_ =	shalt  }
0x66: {  	_ =	shalt  }
0x67: {  	_ =	shalt  }
0x68: {  	_ =	shalt  }
0x69: {  	_ =	shalt  }
0x6a: {  	_ =	shalt  }
0x6b: {  	_ =	shalt  }
0x6c: {  	_ =	shalt  }
0x6d: {  	_ =	shalt  }
0x6e: {  	_ =	shalt  }
0x6f: {  	_ =	shalt  }
0x70: {  	_ =	shalt  }
0x71: {  	_ =	shalt  }
0x72: {  	_ =	shalt  }
0x73: {  	_ =	shalt  }
0x74: {  	_ =	shalt  }
0x75: {  	_ =	shalt  }
0x76: {  	_ =	shalt  }
0x77: {  	_ =	shalt  }
0x78: {  	_ =	shalt  }
0x79: {  	_ =	shalt  }
0x7a: {  	_ =	shalt  }
0x7b: {  	_ =	shalt  }
0x7c: {  	_ =	shalt  }
0x7d: {  	_ =	shalt  }
0x7e: {  	_ =	shalt  }
0x7f: {  	_ =	shalt  }
0x80: {  	_ =	shalt  }
0x81: {  	_ =	shalt  }
0x82: {  	_ =	shalt  }
0x83: {  	_ =	shalt  }
0x84: {  	_ =	shalt  }
0x85: {  	_ =	shalt  }
0x86: {  	_ =	shalt  }
0x87: {  	_ =	shalt  }
.Lfunc_end0:
.L_simem_size_0:
called_computation.3_lowered:
.L_overlay_start_0:
0x88: {  	s2 =	sld [smem:$0x3FD9]  }
0x89: {  	s3 =	sld [smem:$0x3FFE];
	_ =	sdelay $0x1  }
0x8a: {  	s1 =	srdreg.scid  }
0x8b: {  	s0 =	sand.u32 $0x1, s1  }
0x8c: {  	s17 =	sshll.u32 s0, $0xA;
	s2 =	sadd.s32 s3, s2  }
0x8d: {  	s2 =	sadd.s32 s2, s17  }
0x8e: {  	[smem:$0x3FC0] =	sst s2  }
0x8f: {  	_ = 	snop  }
0x90: {  	s2 =	sld [smem:$0x3FD0];
	(tm) =	ssettm $0x1  }
0x91: {  	s18 =	sld [smem:$0x3FFB];
	_ =	sdelay $0x3  }
0x92: {  	_ =	strace s18  }
0x93: {  	s3 =	sld [smem:$0x3FFC];
	_ =	sdelay $0x3  }
0x94: {  	_ =	strace s3  }
0x95: {  	s3 =	sld [smem:$0x3FFD];
	_ =	sdelay $0x3  }
0x96: {  	_ =	strace s3  }
0x97: {  	_ =	strace $0x8FFFFFFF  }
0x98: {  	s19 =	sld [smem:$0x3FDB];
	_ =	sdelay $0x1  }
0x99: {  	s4 =	simm.s32 $_scs_section_size  }
0x9a: {  	s5 =	simm.s32 $_size__tile_overlayer_lowered;
	s6 =	simm.s32 $_tile_overlayer_lowered  }
0x9b: {  	s22 =	simm.s32 $0x1BFF;
	s21 =	sshll.u32 s6, $0x1;
	s3 =	sadd.s32 s4, s19  }
0x9c: {  	s7 =	simm.s32 $0x0;
	s20 =	sshll.u32 s5, $0x1;
	s5 =	sadd.s32 s21, s3  }
0x9d: {  	[timem:s7], [sflag:s22] =	dma.local [hbm:s5], s20  }
0x9e: {  	_ =	swait.ge [sflag:s22], s20  }
0x9f: {  	s4 =	ssub.s32 $0x0, s20;
	[sflag:s22] =	ssyncset.done $0x0  }
0xa0: {  	[sflag:s22] =	ssyncadd.s32 s4;
	_ =	sdelay $0x1  }
0xa1: {  	s23 =	simm.s32 $0x1B8B  }
0xa2: {  	_ =	swait.ge [sflag:s23], $0x1  }
0xa3: {  	[sflag:s23] =	ssyncset.done $0x0  }
0xa4: {  	s25 =	simm.s32 $0x1B8E;
	s24 =	sld [smem:$0x3FFE];
	[sflag:s23] =	ssyncadd.s32 $0xFFFFFFFF  }
0xa5: {  	s26 =	simm.s32 $execute0_lowered;
	[smem:$0x3FD2] =	sst s25  }
0xa6: {  	s5 =	sshll.u32 s26, $0x1;
	_ =	strace $0x8000004F;
	[dreg:$0x1] =	wrdreg $0xFFFFFFFF  }
0xa7: {  	s28 =	simm.s32 $_size_execute0_lowered;
	s3 =	sadd.s32 s3, s5;
	[dreg:$0x0] =	wrdreg $0x0  }
0xa8: {  	s5 =	sshll.u32 s28, $0x1;
	[dreg:$0x2] =	wrdreg s3  }
0xa9: {  	[dreg:$0x3] =	wrdreg s5  }
0xaa: {  	[dreg:$0x4] =	wrdreg $0xC0  }
0xab: {  	_ =	task [dreg:s7], $0x5FFFF  }
0xac: {  	[dreg:$0x1] =	wrdreg $0xFFFFFFFF  }
0xad: {  	[dreg:$0x0] =	wrdreg $0x60  }
0xae: {  	[dreg:$0x2] =	wrdreg s2  }
0xaf: {  	[dreg:$0x3] =	wrdreg s24  }
0xb0: {  	[dreg:$0x4] =	wrdreg $0xA9800  }
0xb1: {  	[dreg:$0x5] =	wrdreg $0x9  }
0xb2: {  	_ =	task.clear_ibuf [dreg:s7], $0x6FFFF;
	_ =	strace $0x9000004F  }
0xb3: {  	s29 =	simm.s32 $0x9;
	_ =	strace $0x80000051  }
0xb4: {  	_ =	swait.ge [sflag:s29], $0x1  }
0xb5: {  	[sflag:s29] =	ssyncadd.s32 $0xFFFFFFFF  }
0xb6: {  	_ =	strace $0x90000051  }
0xb7: {  	_ =	sfence  }
0xb8: {  	s30 =	sld [smem:$0x0];
	_ =	sdelay $0x2  }
0xb9: {  	s31 =	sshll.u32 s1, $0xD;
	s1 =	sshrl.u32 s1, $0x2  }
0xba: {  	s3 =	sand.u32 $0x4000, s31;
	s1 =	sadd.s32 s1, s30  }
0xbb: {  	s0 =	sor.u32 s3, s0;
	s1 =	sshll.u32 s1, $0x11  }
0xbc: {  	s0 =	sor.u32 s1, s0  }
0xbd: {  	s0 =	sadd.s32 $0x8F2B, s0  }
0xbe: {  	[sflag:s0] =	ssyncadd.remote.s32 $0x1  }
0xbf: {  	_ =	sfence.sel $0xFFFF  }
0xc0: {  	[dreg:$0x0] =	wrdreg $0xFFFFFFFF;
	(pc) =	sbr.abs _section_cstart, $3  }
0xc1: {  	[dreg:$0x1] =	wrdreg $0xFFFFFFFF  }
0xc2: {  	_ =	task.clear_ibuf [dreg:s7], $0x2FFFF;
	_ =	strace $0x9FFFFFFF  }
0xc3: {  	(tm) =	ssettm $0x7FFFFFFF  }
tec
execute0_lowered:
.L_overlay_start_1:
0x0: {  	(tag) =	ssettag $0x1  }
0x1: {  	s2 =	rddreg [dreg:$0x0]  }
0x2: {  	s6 =	rddreg [dreg:$0x1]  }
0x3: {  	s0 =	srdreg.scid;
	s3 =	rddreg [dreg:$0x2]  }
0x4: {  	s4 =	simm.s32 $0x0;
	s13 =	simm.s32 $0x3;
	s14 =	simm.s32 $0x2980  }
0x5: {  	s15 =	simm.s32 $0x80;
	s16 =	simm.s32 $0x2800;
	s17 =	simm.s32 $0x1  }
0x6: {  	s18 =	simm.s32 $0x2880;
	s19 =	simm.s32 $0x6980;
	s5 =	sand.u32 $0x1, s0  }
0x7: {  	s20 =	simm.s32 $0x2900;
	s0 =	stileid.u32;
	s8 =	smul.u32 $0x13C000, s5  }
0x8: {  	s23 =	simm.s32 $0x2;
	s24 =	simm.s32 $0x0;
	s9 =	smul.u32 $0x13C00, s0  }
0x9: {  	[smem:$0x7FF] =	sst s4;
	s1 =	sshll.u32 s5, $0x4;
	s10 =	smul.u32 $0x4F000, s0  }
0xa: {  	s29 =	ssub.s32 $0x2, s5;
	s21 =	sshll.u32 s0, $0x6;
	s1 =	sor.u32 s0, s1  }
0xb: {  	s31 =	sshrl.u32 s29, $0x1;
	s21 =	sor.u32 $0x1C03, s21;
	s7 =	smul.u32 $0x500, s1  }
0xc: {  	s1 =	rddreg [dreg:$0x3];
	_ =	strace $0x80000050;
	s8 =	sadd.s32 s9, s8  }
.Ltmp0:
0xd: {  	s30 =	sshrl.u32 s10, $0x2;
	s12 =	ssub.s32 s29, s31;
	(pc) =	sbr.rel .LBB2_1-.Ltmp0, $4  }
0xe: {  	s8 =	sshrl.u32 s8, $0x3;
	s5 =	sadd.s32 s30, s3;
	s12 =	smax.u32 s12, $0x1  }
0xf: {  	s7 =	sadd.s32 s7, s6;
	s11 =	sadd.s32 s8, s6;
	s8 =	sadd.s32 $0x8000, s5  }
0x10: {  	s9 =	sadd.s32 $0xC000, s5;
	s10 =	sadd.s32 $0x10000, s5;
	s22 =	sshrl.u32 s5, $0x3  }
0x11: {  	v0 =	vimm.f32 $0.0e+00;
	s6 =	sadd.s32 $0x3600, s7;
	s7 =	sadd.s32 $0x4000, s5;
	s11 =	sadd.s32 $0xD600, s11  }
.LBB2_8:
0x12: {  	s24 =	sadd.s32 $0x1, s24  }
0x13: {  	p0 =	sne.s32 s24, s12  }
.Ltmp1:
0x14: {  	[bflag:$0x0] =	sbarrier.arrive $0xFFFF;
	(pc) =	sbr.rel @!p0 .LBB2_9-.Ltmp1, $4  }
0x15: {  	[hbm:s11], [sflag:s21] =	dma.local [spmem:s22], $0x2780  }
0x16: {  	_ =	swait.ge [sflag:s13], $0x2780  }
0x17: {  	[sflag:s13] =	ssyncset.done $0x0  }
0x18: {  	[sflag:s13] =	ssyncadd.s32 $0xFFFFD880  }
.LBB2_1:
0x19: {  	[tilespmem:s4], [sflag:$0x3] =	stream.linear.gather [hbm4b:s6+s4], $0x2800, $0x38;
	[tilespmem:$0x1E580] =	vst v63  }
0x1a: {  	_ =	swait.ge [sflag:s13], $0x2800  }
0x1b: {  	[sflag:s13] =	ssyncset.done $0x0  }
0x1c: {  	s25 =	simm.s32 $0x0;
	s26 =	simm.s32 $0x200;
	[sflag:s13] =	ssyncadd.s32 $0xFFFFD800  }
.LBB2_2:
0x1d: {  	p0 =	sne.s32 s26, $0xFE00;
	[tilespmem:s25+$0x29F0] =	vst v0  }
0x1e: {  	[tilespmem:s25+$0x2980] =	vst v0  }
0x1f: {  	[tilespmem:s25+$0x2990] =	vst v0  }
.Ltmp2:
0x20: {  	[tilespmem:s25+$0x29A0] =	vst v0;
	(pc) =	sbr.rel @p0 .LBB2_2-.Ltmp2, $4  }
0x21: {  	[tilespmem:s25+$0x29B0] =	vst v0  }
0x22: {  	[tilespmem:s25+$0x29C0] =	vst v0  }
0x23: {  	[tilespmem:s25+$0x29D0] =	vst v0  }
0x24: {  	[tilespmem:s25+$0x29E0] =	vst v0;
	s25 =	sshra.s32 s26, $0x2;
	s26 =	sadd.s32 $0x200, s26  }
0x25: {  	[tilespmem:s25+$0x29F0] =	vst v0  }
0x26: {  	[tilespmem:s25+$0x2980] =	vst v0  }
0x27: {  	[tilespmem:s25+$0x2990] =	vst v0  }
0x28: {  	[tilespmem:s25+$0x29A0] =	vst v0  }
0x29: {  	[tilespmem:s25+$0x29B0] =	vst v0  }
0x2a: {  	[tilespmem:s25+$0x29C0] =	vst v0  }
0x2b: {  	[tilespmem:s25+$0x29D0] =	vst v0  }
0x2c: {  	[tilespmem:s25+$0x29E0] =	vst v0  }
0x2d: {  	[spmem:s5] =	stream.linear.scatter [tilespmem:s14], [sflag:$0x3], $0x4000, $0x38;
	[tilespmem:$0x1E580] =	vst v63  }
0x2e: {  	_ =	swait.ge [sflag:s13], $0x4000  }
0x2f: {  	[sflag:s13] =	ssyncset.done $0x0  }
0x30: {  	[sflag:s13] =	ssyncadd.s32 $0xFFFFC000  }
0x31: {  	[spmem:s7] =	stream.linear.scatter [tilespmem:s14], [sflag:$0x3], $0x4000, $0x38;
	[tilespmem:$0x1E580] =	vst v63  }
0x32: {  	_ =	swait.ge [sflag:s13], $0x4000  }
0x33: {  	[sflag:s13] =	ssyncset.done $0x0  }
0x34: {  	[sflag:s13] =	ssyncadd.s32 $0xFFFFC000  }
0x35: {  	[spmem:s8] =	stream.linear.scatter [tilespmem:s14], [sflag:$0x3], $0x4000, $0x38;
	[tilespmem:$0x1E580] =	vst v63  }
0x36: {  	_ =	swait.ge [sflag:s13], $0x4000  }
0x37: {  	[sflag:s13] =	ssyncset.done $0x0  }
0x38: {  	[sflag:s13] =	ssyncadd.s32 $0xFFFFC000  }
0x39: {  	[spmem:s9] =	stream.linear.scatter [tilespmem:s14], [sflag:$0x3], $0x4000, $0x38;
	[tilespmem:$0x1E580] =	vst v63  }
0x3a: {  	_ =	swait.ge [sflag:s13], $0x4000  }
0x3b: {  	[sflag:s13] =	ssyncset.done $0x0  }
0x3c: {  	[sflag:s13] =	ssyncadd.s32 $0xFFFFC000  }
0x3d: {  	[spmem:s10] =	stream.linear.scatter [tilespmem:s14], [sflag:$0x3], $0x3C00, $0x38;
	[tilespmem:$0x1E580] =	vst v63  }
0x3e: {  	_ =	swait.ge [sflag:s13], $0x3C00  }
0x3f: {  	[sflag:s13] =	ssyncset.done $0x0  }
0x40: {  	[sflag:s13] =	ssyncadd.s32 $0xFFFFC400  }
0x41: {  	[bflag:$0x0] =	sbarrier.arrive $0xFFFF  }
0x42: {  	v1 =	vld [tilespmem:$0x0]  }
0x43: {  	v2 =	vld [tilespmem:$0x10]  }
0x44: {  	v3 =	vld [tilespmem:$0x20]  }
0x45: {  	v4 =	vld [tilespmem:$0x30]  }
0x46: {  	v5 =	vld [tilespmem:$0x40]  }
0x47: {  	v6 =	vld [tilespmem:$0x50];
	v1 =	vand.u32 $0x3FFF, v1  }
0x48: {  	[tilespmem:$0x2800] =	vst v1;
	v1 =	vand.u32 $0x3FFF, v2;
	v2 =	vld [tilespmem:$0x60]  }
0x49: {  	[tilespmem:$0x2810] =	vst v1;
	v1 =	vand.u32 $0x3FFF, v3;
	v3 =	vld [tilespmem:$0x70]  }
0x4a: {  	[tilespmem:$0x2820] =	vst v1;
	v1 =	vand.u32 $0x3FFF, v4  }
0x4b: {  	[tilespmem:$0x2830] =	vst v1;
	v1 =	vand.u32 $0x3FFF, v5  }
.Ltmp3:
0x4c: {  	[tilespmem:$0x2840] =	vst v1;
	v1 =	vand.u32 $0x3FFF, v6;
	(pc) =	sbr.rel .LBB2_4-.Ltmp3, $4  }
0x4d: {  	[tilespmem:$0x2850] =	vst v1;
	v1 =	vand.u32 $0x3FFF, v2  }
0x4e: {  	[tilespmem:$0x2860] =	vst v1;
	v1 =	vand.u32 $0x3FFF, v3  }
0x4f: {  	s25 =	simm.s32 $0x0;
	s26 =	simm.s32 $0x0;
	[tilespmem:$0x2870] =	vst v1  }
0x50: {  	[tilespmem:s14], [sflag:$0x1] =	stream.indirect.gather [hbm4b:s2+s15], $0x80, s16, s15, $0xb8;
	[tilespmem:$0x1E580] =	vst v63  }
.LBB2_6:
0x51: {  	_ =	swait.ge [sflag:s23], $0x4000  }
0x52: {  	p0 =	seq.s32 s25, $0x9E00;
	[sflag:s23] =	ssyncset.done $0x0  }
0x53: {  	s28 =	sshra.s32 @!p0 s25, $0x2;
	[sflag:s23] =	ssyncadd.s32 $0xFFFFC000  }
0x54: {  	v1 =	vld @!p0 [tilespmem:s28+$0x80];
	_ =	sdelay $0x4  }
0x55: {  	v1 =	vand.u32 @!p0 $0x3FFF, v1  }
0x56: {  	[tilespmem:$0x2800] =	vst @!p0 v1  }
0x57: {  	v1 =	vld @!p0 [tilespmem:s28+$0x90];
	_ =	sdelay $0x4  }
0x58: {  	v1 =	vand.u32 @!p0 $0x3FFF, v1  }
0x59: {  	[tilespmem:$0x2810] =	vst @!p0 v1  }
0x5a: {  	v1 =	vld @!p0 [tilespmem:s28+$0xA0];
	_ =	sdelay $0x4  }
0x5b: {  	v1 =	vand.u32 @!p0 $0x3FFF, v1  }
0x5c: {  	[tilespmem:$0x2820] =	vst @!p0 v1  }
0x5d: {  	v1 =	vld @!p0 [tilespmem:s28+$0xB0];
	_ =	sdelay $0x4  }
0x5e: {  	v1 =	vand.u32 @!p0 $0x3FFF, v1  }
0x5f: {  	[tilespmem:$0x2830] =	vst @!p0 v1  }
0x60: {  	v1 =	vld @!p0 [tilespmem:s28+$0xC0];
	_ =	sdelay $0x4  }
0x61: {  	v1 =	vand.u32 @!p0 $0x3FFF, v1  }
0x62: {  	[tilespmem:$0x2840] =	vst @!p0 v1  }
0x63: {  	v1 =	vld @!p0 [tilespmem:s28+$0xD0];
	_ =	sdelay $0x4  }
0x64: {  	v1 =	vand.u32 @!p0 $0x3FFF, v1  }
0x65: {  	[tilespmem:$0x2850] =	vst @!p0 v1  }
0x66: {  	v1 =	vld @!p0 [tilespmem:s28+$0xE0];
	_ =	sdelay $0x4  }
0x67: {  	v1 =	vand.u32 @!p0 $0x3FFF, v1  }
0x68: {  	[tilespmem:$0x2860] =	vst @!p0 v1  }
0x69: {  	v1 =	vld @!p0 [tilespmem:s28+$0xF0];
	_ =	sdelay $0x4  }
0x6a: {  	v1 =	vand.u32 @!p0 $0x3FFF, v1  }
0x6b: {  	s29 =	simm.s32 @!p0 $0x2800;
	s30 =	simm.s32 @!p0 $0x2980;
	s28 =	simm.s32 @!p0 $0x80;
	[tilespmem:$0x2870] =	vst @!p0 v1  }
0x6c: {  	[tilespmem:s30], [sflag:$0x1] =	stream.indirect.gather @!p0 [hbm4b:s2+s28], $0x80, s29, s28, $0xb8;
	[tilespmem:$0x1E580] =	vst v63  }
0x6d: {  	s28 =	smov.u32 s25  }
0x6e: {  	s28 =	simm.s32 @p0 $0x9E00  }
0x6f: {  	s28 =	sshra.s32 s28, $0x2  }
0x70: {  	v1 =	vld [tilespmem:s28+$0x0];
	_ =	sdelay $0x4  }
0x71: {  	v1 =	vshrl.u32 v1, $0xE  }
0x72: {  	[tilespmem:$0x2900] =	vst v1  }
0x73: {  	v1 =	vld [tilespmem:s28+$0x10];
	_ =	sdelay $0x4  }
0x74: {  	v1 =	vshrl.u32 v1, $0xE  }
0x75: {  	[tilespmem:$0x2910] =	vst v1  }
0x76: {  	v1 =	vld [tilespmem:s28+$0x20];
	_ =	sdelay $0x4  }
0x77: {  	v1 =	vshrl.u32 v1, $0xE  }
0x78: {  	[tilespmem:$0x2920] =	vst v1  }
0x79: {  	v1 =	vld [tilespmem:s28+$0x30];
	_ =	sdelay $0x4  }
0x7a: {  	v1 =	vshrl.u32 v1, $0xE  }
0x7b: {  	[tilespmem:$0x2930] =	vst v1  }
0x7c: {  	v1 =	vld [tilespmem:s28+$0x40];
	_ =	sdelay $0x4  }
0x7d: {  	v1 =	vshrl.u32 v1, $0xE  }
0x7e: {  	[tilespmem:$0x2940] =	vst v1  }
0x7f: {  	v1 =	vld [tilespmem:s28+$0x50];
	_ =	sdelay $0x4  }
0x80: {  	v1 =	vshrl.u32 v1, $0xE  }
0x81: {  	[tilespmem:$0x2950] =	vst v1  }
0x82: {  	v1 =	vld [tilespmem:s28+$0x60];
	_ =	sdelay $0x4  }
0x83: {  	v1 =	vshrl.u32 v1, $0xE  }
0x84: {  	[tilespmem:$0x2960] =	vst v1  }
0x85: {  	v1 =	vld [tilespmem:s28+$0x70];
	_ =	sdelay $0x4  }
0x86: {  	v1 =	vshrl.u32 v1, $0xE  }
0x87: {  	s28 =	simm.s32 $0x3;
	[tilespmem:$0x2970] =	vst v1  }
0x88: {  	[spmem:s3] =	stream.indirect.scatter.add.f32 [tilespmem:s19], [sflag:$0x3], $0x80, s20, s15, $0xb8;
	[tilespmem:$0x1E580] =	vst v63  }
.LBB2_7:
0x89: {  	s26 =	sadd.s32 $0x1, s26  }
0x8a: {  	p0 =	sne.s32 s26, $0x50  }
.Ltmp4:
0x8b: {  	_ = 	snop;
	(pc) =	sbr.rel @!p0 .LBB2_8-.Ltmp4, $4  }
0x8c: {  	_ = 	snop  }
0x8d: {  	_ =	swait.ge [sflag:s28], $0x4000  }
0x8e: {  	[sflag:s28] =	ssyncset.done $0x0  }
0x8f: {  	s25 =	sadd.s32 $0x200, s25;
	[sflag:s28] =	ssyncadd.s32 $0xFFFFC000  }
.LBB2_4:
0x90: {  	s28 =	sand.u32 $0x1, s26  }
0x91: {  	p0 =	seq.s32 s28, $0x1  }
.Ltmp5:
0x92: {  	_ = 	snop;
	(pc) =	sbr.rel @p0 .LBB2_6-.Ltmp5, $1  }
0x93: {  	_ =	sdelay $0x3  }
0x94: {  	_ =	swait.ge [sflag:s17], $0x4000  }
0x95: {  	[sflag:s17] =	ssyncset.done $0x0  }
0x96: {  	s28 =	sshra.s32 s25, $0x2;
	[sflag:s17] =	ssyncadd.s32 $0xFFFFC000  }
0x97: {  	v1 =	vld [tilespmem:s28+$0x80];
	_ =	sdelay $0x4  }
0x98: {  	v1 =	vand.u32 $0x3FFF, v1  }
0x99: {  	[tilespmem:$0x2880] =	vst v1  }
0x9a: {  	v1 =	vld [tilespmem:s28+$0x90];
	_ =	sdelay $0x4  }
0x9b: {  	v1 =	vand.u32 $0x3FFF, v1  }
0x9c: {  	[tilespmem:$0x2890] =	vst v1  }
0x9d: {  	v1 =	vld [tilespmem:s28+$0xA0];
	_ =	sdelay $0x4  }
0x9e: {  	v1 =	vand.u32 $0x3FFF, v1  }
0x9f: {  	[tilespmem:$0x28A0] =	vst v1  }
0xa0: {  	v1 =	vld [tilespmem:s28+$0xB0];
	_ =	sdelay $0x4  }
0xa1: {  	v1 =	vand.u32 $0x3FFF, v1  }
0xa2: {  	[tilespmem:$0x28B0] =	vst v1  }
0xa3: {  	v1 =	vld [tilespmem:s28+$0xC0];
	_ =	sdelay $0x4  }
0xa4: {  	v1 =	vand.u32 $0x3FFF, v1  }
0xa5: {  	[tilespmem:$0x28C0] =	vst v1  }
0xa6: {  	v1 =	vld [tilespmem:s28+$0xD0];
	_ =	sdelay $0x4  }
0xa7: {  	v1 =	vand.u32 $0x3FFF, v1  }
0xa8: {  	[tilespmem:$0x28D0] =	vst v1  }
0xa9: {  	v1 =	vld [tilespmem:s28+$0xE0];
	_ =	sdelay $0x4  }
0xaa: {  	v1 =	vand.u32 $0x3FFF, v1  }
0xab: {  	[tilespmem:$0x28E0] =	vst v1  }
0xac: {  	v1 =	vld [tilespmem:s28+$0xF0];
	_ =	sdelay $0x4  }
0xad: {  	v1 =	vand.u32 $0x3FFF, v1  }
0xae: {  	[tilespmem:$0x28F0] =	vst v1  }
0xaf: {  	[tilespmem:s19], [sflag:$0x2] =	stream.indirect.gather [hbm4b:s2+s15], $0x80, s18, s15, $0xb8;
	[tilespmem:$0x1E580] =	vst v63  }
0xb0: {  	v1 =	vld [tilespmem:s28+$0x0];
	_ =	sdelay $0x4  }
0xb1: {  	v1 =	vshrl.u32 v1, $0xE  }
0xb2: {  	[tilespmem:$0x2900] =	vst v1  }
0xb3: {  	v1 =	vld [tilespmem:s28+$0x10];
	_ =	sdelay $0x4  }
0xb4: {  	v1 =	vshrl.u32 v1, $0xE  }
0xb5: {  	[tilespmem:$0x2910] =	vst v1  }
0xb6: {  	v1 =	vld [tilespmem:s28+$0x20];
	_ =	sdelay $0x4  }
0xb7: {  	v1 =	vshrl.u32 v1, $0xE  }
0xb8: {  	[tilespmem:$0x2920] =	vst v1  }
0xb9: {  	v1 =	vld [tilespmem:s28+$0x30];
	_ =	sdelay $0x4  }
0xba: {  	v1 =	vshrl.u32 v1, $0xE  }
0xbb: {  	[tilespmem:$0x2930] =	vst v1  }
0xbc: {  	v1 =	vld [tilespmem:s28+$0x40];
	_ =	sdelay $0x4  }
0xbd: {  	v1 =	vshrl.u32 v1, $0xE  }
0xbe: {  	[tilespmem:$0x2940] =	vst v1  }
0xbf: {  	v1 =	vld [tilespmem:s28+$0x50];
	_ =	sdelay $0x4  }
0xc0: {  	v1 =	vshrl.u32 v1, $0xE  }
0xc1: {  	[tilespmem:$0x2950] =	vst v1  }
0xc2: {  	v1 =	vld [tilespmem:s28+$0x60];
	_ =	sdelay $0x4  }
0xc3: {  	v1 =	vshrl.u32 v1, $0xE  }
0xc4: {  	[tilespmem:$0x2960] =	vst v1  }
0xc5: {  	v1 =	vld [tilespmem:s28+$0x70];
	_ =	sdelay $0x2  }
.Ltmp6:
0xc6: {  	_ = 	snop;
	(pc) =	sbr.rel .LBB2_7-.Ltmp6, $4  }
0xc7: {  	_ = 	snop  }
0xc8: {  	v1 =	vshrl.u32 v1, $0xE  }
0xc9: {  	s28 =	simm.s32 $0x4;
	[tilespmem:$0x2970] =	vst v1  }
0xca: {  	[spmem:s3] =	stream.indirect.scatter.add.f32 [tilespmem:s14], [sflag:$0x4], $0x80, s20, s15, $0xb8;
	[tilespmem:$0x1E580] =	vst v63  }
.LBB2_9:
0xcb: {  	_ =	sfence.sel $0x180000  }
0xcc: {  	[bflag:$0x0] =	sbarrier.arrive $0xFFFF  }
0xcd: {  	p0 =	sne.s32 s0, $0x0;
	_ =	strace $0x90000050  }
0xce: {  	s0 =	sadd.s32 @!p0 $0x100000, s1;
	[bflag:$0x2] =	sbarrier.arrive $0xFFFF  }
0xcf: {  	[sflag:s0] =	ssyncadd.tile.s32 @!p0 $0x1;
	_ =	shalt  }
.Lfunc_end2:
_tile_overlayer_lowered:
.L_overlay_start_2:
0xd0: {  	(tag) =	ssettag $0x2  }
0xd1: {  	s0 =	rddreg [dreg:$0x0];
	s2 =	stileid.u32  }
0xd2: {  	s1 =	rddreg [dreg:$0x1];
	p0 =	sne.s32 s2, $0x0  }
0xd3: {  	s3 =	rddreg [dreg:$0x2];
	[bflag:$0x3] =	sbarrier.arrive $0xFFFF;
	s2 =	simm.s32 @!p0 $0x1C03  }
0xd4: {  	[timem:s3], [sflag:s2] =	dma.local @!p0 [hbm:s0], s1  }
0xd5: {  	s0 =	simm.s32 @!p0 $0x3  }
0xd6: {  	_ =	swait.ge @!p0 [sflag:s0], s1  }
0xd7: {  	s1 =	ssub.s32 @!p0 $0x0, s1;
	[sflag:s0] =	ssyncset.done @!p0 $0x0  }
0xd8: {  	[sflag:s0] =	ssyncadd.s32 @!p0 s1  }
0xd9: {  	[bflag:$0x3] =	sbarrier.arrive $0xFFFF  }
0xda: {  	_ =	shalt  }

</sc_bundles>
